<compile_context>
chip_gen: v7x
topology: tpu7x:2x2x1
jax: 0.10.2.dev20260603
libtpu: 0.0.44.dev20260713+nightly
codegen_flags: <defaults>
</compile_context>

<pallas_src>
import functools

import jax
import jax.numpy as jnp
from jax import lax
from jax.experimental import pallas as pl
from jax.experimental.pallas import tpu as pltpu
from jax.experimental.pallas import tpu_sc as plsc

N_NODES = 10000
N_EDGES = 320000
D = 128

NC = 2
NS = 16
L = 16
NW = NC * NS
EPW = N_EDGES // NW
G = 80
NCHUNK = EPW // G
K = 25
NP = 10240
DUMMY = N_NODES
RPT = NP // NS


def _sc_scatter_kernel(edge_hbm, x_hbm, acc_out, cnt_out,
                       acc_sh, rowb, colb, cole2d,
                       rows0, rows1, rows2, hist, zbuf,
                       sem, sem2, sem3, sem4):
    c = lax.axis_index("c")
    s = lax.axis_index("s")
    wid = c * NS + s

    def _fill_h(i, carry):
        for u in range(4):
            hist[pl.ds((i * 4 + u) * L, L)] = jnp.zeros((L,), jnp.float32)
        return carry
    lax.fori_loop(0, NP // (4 * L), _fill_h, 0)

    def _fill_z(i, carry):
        for j in range(D // (2 * L)):
            zbuf[i, pl.ds(j * 2 * L, 2 * L)] = jnp.zeros((2 * L,),
                                                         jnp.bfloat16)
        return carry
    lax.fori_loop(0, 32, _fill_z, 0)

    base_r = s * RPT
    for k in range(RPT // 32):
        pltpu.sync_copy(zbuf, acc_sh.at[pl.ds(base_r + k * 32, 32)])
    plsc.subcore_barrier()

    ebase = wid * EPW
    rows = (rows0, rows1, rows2)
    gsem = (sem, sem2, sem3)
    one_v = jnp.ones((L,), jnp.float32)

    def _cole(j):
        for q in range(G // L):
            rv = rowb[pl.ds(j * G + q * L, L)]
            cv = colb[pl.ds(j * G + q * L, L)]
            ce = jnp.where(rv == cv, jnp.int32(DUMMY), cv)
            cole2d[j, pl.ds(q * L, L)] = ce
            plsc.addupdate_scatter(hist, [ce], one_v)

    def _macro(m, carry):
        off = ebase + m * (K * G)
        ri = pltpu.async_copy(edge_hbm.at[0, pl.ds(off, K * G)], rowb, sem)
        ci = pltpu.async_copy(edge_hbm.at[1, pl.ds(off, K * G)], colb, sem2)
        ri.wait()
        ci.wait()
        gd = [None] * K
        ad = [None] * K
        gd[0] = pltpu.async_copy(x_hbm.at[rowb.at[pl.ds(0, G)]], rows[0],
                                 gsem[0])
        _cole(0)
        for j in range(K):
            if j >= 2:
                ad[j - 2].wait()
            if j + 1 < K:
                gd[j + 1] = pltpu.async_copy(
                    x_hbm.at[rowb.at[pl.ds((j + 1) * G, G)]],
                    rows[(j + 1) % 3], gsem[(j + 1) % 3])
                _cole(j + 1)
            gd[j].wait()
            ad[j] = pltpu.async_copy(rows[j % 3], acc_sh.at[cole2d.at[j]],
                                     sem4, add=True)
        ad[K - 2].wait()
        ad[K - 1].wait()
        return carry
    lax.fori_loop(0, NCHUNK // K, _macro, 0)

    pltpu.sync_copy(hist, cnt_out.at[wid])
    plsc.subcore_barrier()

    out_base = c * NP + base_r
    pltpu.sync_copy(acc_sh.at[pl.ds(base_r, RPT)],
                    acc_out.at[pl.ds(out_base, RPT)])


_sc_scatter = functools.partial(
    pl.kernel,
    out_type=(
        jax.ShapeDtypeStruct((NC * NP, D), jnp.bfloat16),
        jax.ShapeDtypeStruct((NW, NP), jnp.float32),
    ),
    mesh=plsc.VectorSubcoreMesh(core_axis_name="c", subcore_axis_name="s"),
    scratch_types=[
        pltpu.VMEM_SHARED((NP, D), jnp.bfloat16),
        pltpu.VMEM((K * G,), jnp.int32),
        pltpu.VMEM((K * G,), jnp.int32),
        pltpu.VMEM((K, G), jnp.int32),
        pltpu.VMEM((G, D), jnp.bfloat16),
        pltpu.VMEM((G, D), jnp.bfloat16),
        pltpu.VMEM((G, D), jnp.bfloat16),
        pltpu.VMEM((NP,), jnp.float32),
        pltpu.VMEM((32, D), jnp.bfloat16),
        pltpu.SemaphoreType.DMA,
        pltpu.SemaphoreType.DMA,
        pltpu.SemaphoreType.DMA,
        pltpu.SemaphoreType.DMA,
    ],
    compiler_params=pltpu.CompilerParams(use_tc_tiling_on_sc=False,
                                         needs_layout_passes=False),
)(_sc_scatter_kernel)


def _tc_finish_kernel(acc_ref, cnt_ref, x_ref, w_ref, b_ref, g_ref, be_ref,
                      o_ref):
    acc = acc_ref[...]
    cnt = cnt_ref[...]
    x = x_ref[...]
    accf = acc.astype(jnp.float32)
    s_tot = accf[0:N_NODES] + accf[NP:NP + N_NODES] + x
    c_tot = (jnp.sum(cnt[:, 0:N_NODES], axis=0) + 1.0).reshape(N_NODES, 1)
    aggr = s_tot / c_tot
    h = lax.dot_general(aggr, w_ref[...], (((1,), (1,)), ((), ())),
                        preferred_element_type=jnp.float32,
                        precision=lax.Precision.HIGHEST)
    h = h + b_ref[...]
    mean = jnp.mean(h, axis=0, keepdims=True)
    var = jnp.mean(jnp.square(h - mean), axis=0, keepdims=True)
    out = (h - mean) * lax.rsqrt(var + 1e-5) * g_ref[...] + be_ref[...] + x
    o_ref[...] = jnp.maximum(out, 0.0)


def _tc_finish(acc, cnt, x, W_lin, b_lin, gamma2, beta2):
    return pl.pallas_call(
        _tc_finish_kernel,
        out_shape=jax.ShapeDtypeStruct((N_NODES, D), jnp.float32),
    )(acc, cnt, x, W_lin, b_lin, gamma2, beta2)


def kernel(x, edge_index, W_lin, b_lin, gamma2, beta2):
    acc, cnt = _sc_scatter(edge_index, x.astype(jnp.bfloat16))
    return _tc_finish(acc, cnt, x, W_lin,
                      b_lin.reshape(1, D), gamma2.reshape(1, D),
                      beta2.reshape(1, D))

# --- scband reference (transcript-rebuilt; emitter-appended) ---
"""Pipeline reference for scband-my-sageconv-block-18459769438292 (READ-ONLY COPY).

The authoritative reference and input builder live on the scoring server;
editing this copy changes nothing except your own understanding.
"""

import jax, jax.numpy as jnp
import numpy as np

N_NODES = 10000
N_EDGES = 320000
D = 128

def setup_inputs(seed: int = 0) -> dict:
    key = jax.random.key(seed)
    k1, k2, k3, k4 = jax.random.split(key, 4)
    x = jax.random.normal(k1, (N_NODES, D), dtype=jnp.float32)
    edge_index = jax.random.randint(k2, (2, N_EDGES), 0, N_NODES, dtype=jnp.int32)
    # MySAGEConv.linear (in=D, out=D, bias=True)
    W_lin = jax.random.normal(k3, (D, D), dtype=jnp.float32) * (1.0 / np.sqrt(D))
    b_lin = jax.random.normal(k4, (D,), dtype=jnp.float32) * 0.01
    # bn2 affine params
    gamma2 = jnp.ones((D,), dtype=jnp.float32)
    beta2 = jnp.zeros((D,), dtype=jnp.float32)
    return {"x": x, "edge_index": edge_index, "W_lin": W_lin, "b_lin": b_lin, "gamma2": gamma2, "beta2": beta2}

def _batch_norm(h, gamma, beta, eps=1e-5):
    mean = jnp.mean(h, axis=0)
    var = jnp.var(h, axis=0)
    return (h - mean) / jnp.sqrt(var + eps) * gamma + beta

def reference(x, edge_index, W_lin, b_lin, gamma2, beta2):
    N = x.shape[0]
    row, col = edge_index[0], edge_index[1]
    # add_remaining_self_loops: drop existing self loops, add one per node
    mask = row != col
    loop = jnp.arange(N, dtype=row.dtype)
    col_eff = jnp.where(mask, col, jnp.asarray(N, dtype=col.dtype))
    row = jnp.concatenate([row, loop])
    col = jnp.concatenate([col_eff, loop])
    # message: x_j (edge_weight is None since position=False)
    msgs = jnp.take(x, row, axis=0)
    # aggr='mean' at destination nodes
    summed = jax.ops.segment_sum(msgs, col, num_segments=N)
    cnt = jax.ops.segment_sum(jnp.ones(col.shape, dtype=x.dtype), col, num_segments=N)
    aggr = summed / jnp.clip(cnt, 1.0, None)[:, None]
    # update: linear
    out = aggr @ W_lin.T + b_lin
    # bn2 (batch statistics)
    out = _batch_norm(out, gamma2, beta2)
    # residual (same dims)
    out = out + x
    # final relu
    return jax.nn.relu(out)

if __name__ == "__main__":
    import jax
    _d = setup_inputs()
    print(jax.jit(kernel)(*tuple(_d.values())))

</pallas_src>

<mosaic_0001>
#map = affine_map<(d0, d1) -> (0, 0)>
module attributes {stable_mosaic.version = 14 : i64} {
  func.func @_sc_scatter_kernel(%arg0: i32, %arg1: i32, %arg2: memref<2x320000xi32, #tpu.memory_space<hbm>>, %arg3: memref<10000x128xbf16, #tpu.memory_space<hbm>>, %arg4: memref<20480x128xbf16, #tpu.memory_space<hbm>>, %arg5: memref<32x10240xf32, #tpu.memory_space<hbm>>, %arg6: memref<10240x128xbf16, #tpu.memory_space<vmem_shared>>, %arg7: memref<2000xi32, #tpu.memory_space<vmem>>, %arg8: memref<2000xi32, #tpu.memory_space<vmem>>, %arg9: memref<25x80xi32, #tpu.memory_space<vmem>>, %arg10: memref<80x128xbf16, #tpu.memory_space<vmem>>, %arg11: memref<80x128xbf16, #tpu.memory_space<vmem>>, %arg12: memref<80x128xbf16, #tpu.memory_space<vmem>>, %arg13: memref<10240xf32, #tpu.memory_space<vmem>>, %arg14: memref<32x128xbf16, #tpu.memory_space<vmem>>, %arg15: memref<!tpu.dma_semaphore, #tpu.memory_space<semaphore_mem>>, %arg16: memref<!tpu.dma_semaphore, #tpu.memory_space<semaphore_mem>>, %arg17: memref<!tpu.dma_semaphore, #tpu.memory_space<semaphore_mem>>, %arg18: memref<!tpu.dma_semaphore, #tpu.memory_space<semaphore_mem>>) attributes {dimension_semantics = [#tpu.dimension_semantics<core_parallel>, #tpu.dimension_semantics<subcore_parallel>], iteration_bounds = array<i64: 2, 16>, scalar_prefetch = 0 : i64, scratch_operands = 13 : i64, tpu.core_type = #tpu.core_type<sc_vector_subcore>, window_params = [{transform_indices = #map}, {transform_indices = #map}, {transform_indices = #map}, {transform_indices = #map}]} {
    %mul3A = arith.constant 16 : i32
    %mul3A_0 = arith.muli %arg0, %mul3A : i32
    %add3A = arith.addi %mul3A_0, %arg1 : i32
    %scan3A = arith.constant 0 : i32
    %scan3A_1 = arith.constant 0 : i32
    %scan3A_2 = arith.constant 160 : i32
    %scan3A_3 = arith.addi %scan3A_1, %scan3A_2 : i32
    %scan3A_4 = arith.constant 1 : i32
    scf.for %scan3A_67 = %scan3A_1 to %scan3A_3 step %scan3A_4  : i32 {
      %broadcast_in_dim3A_68 = arith.constant 0.000000e+00 : f32
      %broadcast_in_dim3A_69 = vector.broadcast %broadcast_in_dim3A_68 : f32 to vector<16xf32>
      %mul3A_70 = arith.constant 4 : i32
      %mul3A_71 = arith.muli %scan3A_67, %mul3A_70 : i32
      %add3A_72 = arith.constant 0 : i32
      %add3A_73 = arith.addi %mul3A_71, %add3A_72 : i32
      %mul3A_74 = arith.constant 16 : i32
      %mul3A_75 = arith.muli %add3A_73, %mul3A_74 : i32
      %swap3A = arith.index_cast %mul3A_75 : i32 to index
      %swap3A_76 = tpu.vector_load %arg13[%swap3A] {strides = array<i32>} : memref<10240xf32, #tpu.memory_space<vmem>>, vector<16xf32>,
      tpu.vector_store %arg13[%swap3A], %broadcast_in_dim3A_69 {strides = array<i32>} : memref<10240xf32, #tpu.memory_space<vmem>>, vector<16xf32>,
      %broadcast_in_dim3A_77 = arith.constant 0.000000e+00 : f32
      %broadcast_in_dim3A_78 = vector.broadcast %broadcast_in_dim3A_77 : f32 to vector<16xf32>
      %mul3A_79 = arith.constant 4 : i32
      %mul3A_80 = arith.muli %scan3A_67, %mul3A_79 : i32
      %add3A_81 = arith.constant 1 : i32
      %add3A_82 = arith.addi %mul3A_80, %add3A_81 : i32
      %mul3A_83 = arith.constant 16 : i32
      %mul3A_84 = arith.muli %add3A_82, %mul3A_83 : i32
      %swap3A_85 = arith.index_cast %mul3A_84 : i32 to index
      %swap3A_86 = tpu.vector_load %arg13[%swap3A_85] {strides = array<i32>} : memref<10240xf32, #tpu.memory_space<vmem>>, vector<16xf32>,
      tpu.vector_store %arg13[%swap3A_85], %broadcast_in_dim3A_78 {strides = array<i32>} : memref<10240xf32, #tpu.memory_space<vmem>>, vector<16xf32>,
      %broadcast_in_dim3A_87 = arith.constant 0.000000e+00 : f32
      %broadcast_in_dim3A_88 = vector.broadcast %broadcast_in_dim3A_87 : f32 to vector<16xf32>
      %mul3A_89 = arith.constant 4 : i32
      %mul3A_90 = arith.muli %scan3A_67, %mul3A_89 : i32
      %add3A_91 = arith.constant 2 : i32
      %add3A_92 = arith.addi %mul3A_90, %add3A_91 : i32
      %mul3A_93 = arith.constant 16 : i32
      %mul3A_94 = arith.muli %add3A_92, %mul3A_93 : i32
      %swap3A_95 = arith.index_cast %mul3A_94 : i32 to index
      %swap3A_96 = tpu.vector_load %arg13[%swap3A_95] {strides = array<i32>} : memref<10240xf32, #tpu.memory_space<vmem>>, vector<16xf32>,
      tpu.vector_store %arg13[%swap3A_95], %broadcast_in_dim3A_88 {strides = array<i32>} : memref<10240xf32, #tpu.memory_space<vmem>>, vector<16xf32>,
      %broadcast_in_dim3A_97 = arith.constant 0.000000e+00 : f32
      %broadcast_in_dim3A_98 = vector.broadcast %broadcast_in_dim3A_97 : f32 to vector<16xf32>
      %mul3A_99 = arith.constant 4 : i32
      %mul3A_100 = arith.muli %scan3A_67, %mul3A_99 : i32
      %add3A_101 = arith.constant 3 : i32
      %add3A_102 = arith.addi %mul3A_100, %add3A_101 : i32
      %mul3A_103 = arith.constant 16 : i32
      %mul3A_104 = arith.muli %add3A_102, %mul3A_103 : i32
      %swap3A_105 = arith.index_cast %mul3A_104 : i32 to index
      %swap3A_106 = tpu.vector_load %arg13[%swap3A_105] {strides = array<i32>} : memref<10240xf32, #tpu.memory_space<vmem>>, vector<16xf32>,
      tpu.vector_store %arg13[%swap3A_105], %broadcast_in_dim3A_98 {strides = array<i32>} : memref<10240xf32, #tpu.memory_space<vmem>>, vector<16xf32>,
    }
    %scan3A_5 = arith.constant 160 : i32
    %scan3A_6 = arith.constant 0 : i32
    %scan3A_7 = arith.constant 0 : i32
    %scan3A_8 = arith.constant 32 : i32
    %scan3A_9 = arith.addi %scan3A_7, %scan3A_8 : i32
    %scan3A_10 = arith.constant 1 : i32
    scf.for %scan3A_67 = %scan3A_7 to %scan3A_9 step %scan3A_10  : i32 {
      %broadcast_in_dim3A_68 = arith.constant 0.000000e+00 : bf16
      %broadcast_in_dim3A_69 = vector.broadcast %broadcast_in_dim3A_68 : bf16 to vector<32xbf16>
      %swap3A = arith.index_cast %scan3A_67 : i32 to index
      %swap3A_70 = arith.constant 0 : index
      %swap3A_71 = tpu.vector_load %arg14[%swap3A, %swap3A_70] {strides = array<i32>} : memref<32x128xbf16, #tpu.memory_space<vmem>>, vector<32xbf16>,
      tpu.vector_store %arg14[%swap3A, %swap3A_70], %broadcast_in_dim3A_69 {strides = array<i32>} : memref<32x128xbf16, #tpu.memory_space<vmem>>, vector<32xbf16>,
      %broadcast_in_dim3A_72 = arith.constant 0.000000e+00 : bf16
      %broadcast_in_dim3A_73 = vector.broadcast %broadcast_in_dim3A_72 : bf16 to vector<32xbf16>
      %swap3A_74 = arith.index_cast %scan3A_67 : i32 to index
      %swap3A_75 = arith.constant 32 : index
      %swap3A_76 = tpu.vector_load %arg14[%swap3A_74, %swap3A_75] {strides = array<i32>} : memref<32x128xbf16, #tpu.memory_space<vmem>>, vector<32xbf16>,
      tpu.vector_store %arg14[%swap3A_74, %swap3A_75], %broadcast_in_dim3A_73 {strides = array<i32>} : memref<32x128xbf16, #tpu.memory_space<vmem>>, vector<32xbf16>,
      %broadcast_in_dim3A_77 = arith.constant 0.000000e+00 : bf16
      %broadcast_in_dim3A_78 = vector.broadcast %broadcast_in_dim3A_77 : bf16 to vector<32xbf16>
      %swap3A_79 = arith.index_cast %scan3A_67 : i32 to index
      %swap3A_80 = arith.constant 64 : index
      %swap3A_81 = tpu.vector_load %arg14[%swap3A_79, %swap3A_80] {strides = array<i32>} : memref<32x128xbf16, #tpu.memory_space<vmem>>, vector<32xbf16>,
      tpu.vector_store %arg14[%swap3A_79, %swap3A_80], %broadcast_in_dim3A_78 {strides = array<i32>} : memref<32x128xbf16, #tpu.memory_space<vmem>>, vector<32xbf16>,
      %broadcast_in_dim3A_82 = arith.constant 0.000000e+00 : bf16
      %broadcast_in_dim3A_83 = vector.broadcast %broadcast_in_dim3A_82 : bf16 to vector<32xbf16>
      %swap3A_84 = arith.index_cast %scan3A_67 : i32 to index
      %swap3A_85 = arith.constant 96 : index
      %swap3A_86 = tpu.vector_load %arg14[%swap3A_84, %swap3A_85] {strides = array<i32>} : memref<32x128xbf16, #tpu.memory_space<vmem>>, vector<32xbf16>,
      tpu.vector_store %arg14[%swap3A_84, %swap3A_85], %broadcast_in_dim3A_83 {strides = array<i32>} : memref<32x128xbf16, #tpu.memory_space<vmem>>, vector<32xbf16>,
    }
    %scan3A_11 = arith.constant 32 : i32
    %mul3A_12 = arith.constant 640 : i32
    %mul3A_13 = arith.muli %arg1, %mul3A_12 : i32
    %add3A_14 = arith.constant 0 : i32
    %add3A_15 = arith.addi %mul3A_13, %add3A_14 : i32
    "tpu.region"() ({
      %run_scoped3A = tpu.sem_alloc : memref<!tpu.dma_semaphore, #tpu.memory_space<semaphore_mem>>
      %dma_start3A = arith.constant 0 : i32
      %dma_start3A_67 = tpu.memref_slice %arg6[%add3A_15, %dma_start3A] : memref<10240x128xbf16, #tpu.memory_space<vmem_shared>> -> memref<32x128xbf16, #tpu.memory_space<vmem_shared>>
      %dma_start3A_68 = arith.constant 0 : i32
      %dma_start3A_69 = tpu.memref_slice %arg6[%add3A_15, %dma_start3A_68] : memref<10240x128xbf16, #tpu.memory_space<vmem_shared>> -> memref<32x128xbf16, #tpu.memory_space<vmem_shared>>
      tpu.enqueue_dma source(%arg14 : memref<32x128xbf16, #tpu.memory_space<vmem>>) target(%dma_start3A_69 : memref<32x128xbf16, #tpu.memory_space<vmem_shared>>) target_semaphore(%run_scoped3A : memref<!tpu.dma_semaphore, #tpu.memory_space<semaphore_mem>>)
      %dma_wait3A = arith.constant 0 : i32
      %dma_wait3A_70 = tpu.memref_slice %arg6[%add3A_15, %dma_wait3A] : memref<10240x128xbf16, #tpu.memory_space<vmem_shared>> -> memref<32x128xbf16, #tpu.memory_space<vmem_shared>>
      %dma_wait3A_71 = arith.constant 0 : i32
      %dma_wait3A_72 = tpu.memref_slice %arg6[%add3A_15, %dma_wait3A_71] : memref<10240x128xbf16, #tpu.memory_space<vmem_shared>> -> memref<32x128xbf16, #tpu.memory_space<vmem_shared>>
      tpu.wait_dma2 semaphore(%run_scoped3A : memref<!tpu.dma_semaphore, #tpu.memory_space<semaphore_mem>>) src(%arg14 : memref<32x128xbf16, #tpu.memory_space<vmem>>) dst(%dma_wait3A_72 : memref<32x128xbf16, #tpu.memory_space<vmem_shared>>)
      tpu.yield
    }) : () -> ()
    %add3A_16 = arith.constant 32 : i32
    %add3A_17 = arith.addi %mul3A_13, %add3A_16 : i32
    "tpu.region"() ({
      %run_scoped3A = tpu.sem_alloc : memref<!tpu.dma_semaphore, #tpu.memory_space<semaphore_mem>>
      %dma_start3A = arith.constant 0 : i32
      %dma_start3A_67 = tpu.memref_slice %arg6[%add3A_17, %dma_start3A] : memref<10240x128xbf16, #tpu.memory_space<vmem_shared>> -> memref<32x128xbf16, #tpu.memory_space<vmem_shared>>
      %dma_start3A_68 = arith.constant 0 : i32
      %dma_start3A_69 = tpu.memref_slice %arg6[%add3A_17, %dma_start3A_68] : memref<10240x128xbf16, #tpu.memory_space<vmem_shared>> -> memref<32x128xbf16, #tpu.memory_space<vmem_shared>>
      tpu.enqueue_dma source(%arg14 : memref<32x128xbf16, #tpu.memory_space<vmem>>) target(%dma_start3A_69 : memref<32x128xbf16, #tpu.memory_space<vmem_shared>>) target_semaphore(%run_scoped3A : memref<!tpu.dma_semaphore, #tpu.memory_space<semaphore_mem>>)
      %dma_wait3A = arith.constant 0 : i32
      %dma_wait3A_70 = tpu.memref_slice %arg6[%add3A_17, %dma_wait3A] : memref<10240x128xbf16, #tpu.memory_space<vmem_shared>> -> memref<32x128xbf16, #tpu.memory_space<vmem_shared>>
      %dma_wait3A_71 = arith.constant 0 : i32
      %dma_wait3A_72 = tpu.memref_slice %arg6[%add3A_17, %dma_wait3A_71] : memref<10240x128xbf16, #tpu.memory_space<vmem_shared>> -> memref<32x128xbf16, #tpu.memory_space<vmem_shared>>
      tpu.wait_dma2 semaphore(%run_scoped3A : memref<!tpu.dma_semaphore, #tpu.memory_space<semaphore_mem>>) src(%arg14 : memref<32x128xbf16, #tpu.memory_space<vmem>>) dst(%dma_wait3A_72 : memref<32x128xbf16, #tpu.memory_space<vmem_shared>>)
      tpu.yield
    }) : () -> ()
    %add3A_18 = arith.constant 64 : i32
    %add3A_19 = arith.addi %mul3A_13, %add3A_18 : i32
    "tpu.region"() ({
      %run_scoped3A = tpu.sem_alloc : memref<!tpu.dma_semaphore, #tpu.memory_space<semaphore_mem>>
      %dma_start3A = arith.constant 0 : i32
      %dma_start3A_67 = tpu.memref_slice %arg6[%add3A_19, %dma_start3A] : memref<10240x128xbf16, #tpu.memory_space<vmem_shared>> -> memref<32x128xbf16, #tpu.memory_space<vmem_shared>>
      %dma_start3A_68 = arith.constant 0 : i32
      %dma_start3A_69 = tpu.memref_slice %arg6[%add3A_19, %dma_start3A_68] : memref<10240x128xbf16, #tpu.memory_space<vmem_shared>> -> memref<32x128xbf16, #tpu.memory_space<vmem_shared>>
      tpu.enqueue_dma source(%arg14 : memref<32x128xbf16, #tpu.memory_space<vmem>>) target(%dma_start3A_69 : memref<32x128xbf16, #tpu.memory_space<vmem_shared>>) target_semaphore(%run_scoped3A : memref<!tpu.dma_semaphore, #tpu.memory_space<semaphore_mem>>)
      %dma_wait3A = arith.constant 0 : i32
      %dma_wait3A_70 = tpu.memref_slice %arg6[%add3A_19, %dma_wait3A] : memref<10240x128xbf16, #tpu.memory_space<vmem_shared>> -> memref<32x128xbf16, #tpu.memory_space<vmem_shared>>
      %dma_wait3A_71 = arith.constant 0 : i32
      %dma_wait3A_72 = tpu.memref_slice %arg6[%add3A_19, %dma_wait3A_71] : memref<10240x128xbf16, #tpu.memory_space<vmem_shared>> -> memref<32x128xbf16, #tpu.memory_space<vmem_shared>>
      tpu.wait_dma2 semaphore(%run_scoped3A : memref<!tpu.dma_semaphore, #tpu.memory_space<semaphore_mem>>) src(%arg14 : memref<32x128xbf16, #tpu.memory_space<vmem>>) dst(%dma_wait3A_72 : memref<32x128xbf16, #tpu.memory_space<vmem_shared>>)
      tpu.yield
    }) : () -> ()
    %add3A_20 = arith.constant 96 : i32
    %add3A_21 = arith.addi %mul3A_13, %add3A_20 : i32
    "tpu.region"() ({
      %run_scoped3A = tpu.sem_alloc : memref<!tpu.dma_semaphore, #tpu.memory_space<semaphore_mem>>
      %dma_start3A = arith.constant 0 : i32
      %dma_start3A_67 = tpu.memref_slice %arg6[%add3A_21, %dma_start3A] : memref<10240x128xbf16, #tpu.memory_space<vmem_shared>> -> memref<32x128xbf16, #tpu.memory_space<vmem_shared>>
      %dma_start3A_68 = arith.constant 0 : i32
      %dma_start3A_69 = tpu.memref_slice %arg6[%add3A_21, %dma_start3A_68] : memref<10240x128xbf16, #tpu.memory_space<vmem_shared>> -> memref<32x128xbf16, #tpu.memory_space<vmem_shared>>
      tpu.enqueue_dma source(%arg14 : memref<32x128xbf16, #tpu.memory_space<vmem>>) target(%dma_start3A_69 : memref<32x128xbf16, #tpu.memory_space<vmem_shared>>) target_semaphore(%run_scoped3A : memref<!tpu.dma_semaphore, #tpu.memory_space<semaphore_mem>>)
      %dma_wait3A = arith.constant 0 : i32
      %dma_wait3A_70 = tpu.memref_slice %arg6[%add3A_21, %dma_wait3A] : memref<10240x128xbf16, #tpu.memory_space<vmem_shared>> -> memref<32x128xbf16, #tpu.memory_space<vmem_shared>>
      %dma_wait3A_71 = arith.constant 0 : i32
      %dma_wait3A_72 = tpu.memref_slice %arg6[%add3A_21, %dma_wait3A_71] : memref<10240x128xbf16, #tpu.memory_space<vmem_shared>> -> memref<32x128xbf16, #tpu.memory_space<vmem_shared>>
      tpu.wait_dma2 semaphore(%run_scoped3A : memref<!tpu.dma_semaphore, #tpu.memory_space<semaphore_mem>>) src(%arg14 : memref<32x128xbf16, #tpu.memory_space<vmem>>) dst(%dma_wait3A_72 : memref<32x128xbf16, #tpu.memory_space<vmem_shared>>)
      tpu.yield
    }) : () -> ()
    %add3A_22 = arith.constant 128 : i32
    %add3A_23 = arith.addi %mul3A_13, %add3A_22 : i32
    "tpu.region"() ({
      %run_scoped3A = tpu.sem_alloc : memref<!tpu.dma_semaphore, #tpu.memory_space<semaphore_mem>>
      %dma_start3A = arith.constant 0 : i32
      %dma_start3A_67 = tpu.memref_slice %arg6[%add3A_23, %dma_start3A] : memref<10240x128xbf16, #tpu.memory_space<vmem_shared>> -> memref<32x128xbf16, #tpu.memory_space<vmem_shared>>
      %dma_start3A_68 = arith.constant 0 : i32
      %dma_start3A_69 = tpu.memref_slice %arg6[%add3A_23, %dma_start3A_68] : memref<10240x128xbf16, #tpu.memory_space<vmem_shared>> -> memref<32x128xbf16, #tpu.memory_space<vmem_shared>>
      tpu.enqueue_dma source(%arg14 : memref<32x128xbf16, #tpu.memory_space<vmem>>) target(%dma_start3A_69 : memref<32x128xbf16, #tpu.memory_space<vmem_shared>>) target_semaphore(%run_scoped3A : memref<!tpu.dma_semaphore, #tpu.memory_space<semaphore_mem>>)
      %dma_wait3A = arith.constant 0 : i32
      %dma_wait3A_70 = tpu.memref_slice %arg6[%add3A_23, %dma_wait3A] : memref<10240x128xbf16, #tpu.memory_space<vmem_shared>> -> memref<32x128xbf16, #tpu.memory_space<vmem_shared>>
      %dma_wait3A_71 = arith.constant 0 : i32
      %dma_wait3A_72 = tpu.memref_slice %arg6[%add3A_23, %dma_wait3A_71] : memref<10240x128xbf16, #tpu.memory_space<vmem_shared>> -> memref<32x128xbf16, #tpu.memory_space<vmem_shared>>
      tpu.wait_dma2 semaphore(%run_scoped3A : memref<!tpu.dma_semaphore, #tpu.memory_space<semaphore_mem>>) src(%arg14 : memref<32x128xbf16, #tpu.memory_space<vmem>>) dst(%dma_wait3A_72 : memref<32x128xbf16, #tpu.memory_space<vmem_shared>>)
      tpu.yield
    }) : () -> ()
    %add3A_24 = arith.constant 160 : i32
    %add3A_25 = arith.addi %mul3A_13, %add3A_24 : i32
    "tpu.region"() ({
      %run_scoped3A = tpu.sem_alloc : memref<!tpu.dma_semaphore, #tpu.memory_space<semaphore_mem>>
      %dma_start3A = arith.constant 0 : i32
      %dma_start3A_67 = tpu.memref_slice %arg6[%add3A_25, %dma_start3A] : memref<10240x128xbf16, #tpu.memory_space<vmem_shared>> -> memref<32x128xbf16, #tpu.memory_space<vmem_shared>>
      %dma_start3A_68 = arith.constant 0 : i32
      %dma_start3A_69 = tpu.memref_slice %arg6[%add3A_25, %dma_start3A_68] : memref<10240x128xbf16, #tpu.memory_space<vmem_shared>> -> memref<32x128xbf16, #tpu.memory_space<vmem_shared>>
      tpu.enqueue_dma source(%arg14 : memref<32x128xbf16, #tpu.memory_space<vmem>>) target(%dma_start3A_69 : memref<32x128xbf16, #tpu.memory_space<vmem_shared>>) target_semaphore(%run_scoped3A : memref<!tpu.dma_semaphore, #tpu.memory_space<semaphore_mem>>)
      %dma_wait3A = arith.constant 0 : i32
      %dma_wait3A_70 = tpu.memref_slice %arg6[%add3A_25, %dma_wait3A] : memref<10240x128xbf16, #tpu.memory_space<vmem_shared>> -> memref<32x128xbf16, #tpu.memory_space<vmem_shared>>
      %dma_wait3A_71 = arith.constant 0 : i32
      %dma_wait3A_72 = tpu.memref_slice %arg6[%add3A_25, %dma_wait3A_71] : memref<10240x128xbf16, #tpu.memory_space<vmem_shared>> -> memref<32x128xbf16, #tpu.memory_space<vmem_shared>>
      tpu.wait_dma2 semaphore(%run_scoped3A : memref<!tpu.dma_semaphore, #tpu.memory_space<semaphore_mem>>) src(%arg14 : memref<32x128xbf16, #tpu.memory_space<vmem>>) dst(%dma_wait3A_72 : memref<32x128xbf16, #tpu.memory_space<vmem_shared>>)
      tpu.yield
    }) : () -> ()
    %add3A_26 = arith.constant 192 : i32
    %add3A_27 = arith.addi %mul3A_13, %add3A_26 : i32
    "tpu.region"() ({
      %run_scoped3A = tpu.sem_alloc : memref<!tpu.dma_semaphore, #tpu.memory_space<semaphore_mem>>
      %dma_start3A = arith.constant 0 : i32
      %dma_start3A_67 = tpu.memref_slice %arg6[%add3A_27, %dma_start3A] : memref<10240x128xbf16, #tpu.memory_space<vmem_shared>> -> memref<32x128xbf16, #tpu.memory_space<vmem_shared>>
      %dma_start3A_68 = arith.constant 0 : i32
      %dma_start3A_69 = tpu.memref_slice %arg6[%add3A_27, %dma_start3A_68] : memref<10240x128xbf16, #tpu.memory_space<vmem_shared>> -> memref<32x128xbf16, #tpu.memory_space<vmem_shared>>
      tpu.enqueue_dma source(%arg14 : memref<32x128xbf16, #tpu.memory_space<vmem>>) target(%dma_start3A_69 : memref<32x128xbf16, #tpu.memory_space<vmem_shared>>) target_semaphore(%run_scoped3A : memref<!tpu.dma_semaphore, #tpu.memory_space<semaphore_mem>>)
      %dma_wait3A = arith.constant 0 : i32
      %dma_wait3A_70 = tpu.memref_slice %arg6[%add3A_27, %dma_wait3A] : memref<10240x128xbf16, #tpu.memory_space<vmem_shared>> -> memref<32x128xbf16, #tpu.memory_space<vmem_shared>>
      %dma_wait3A_71 = arith.constant 0 : i32
      %dma_wait3A_72 = tpu.memref_slice %arg6[%add3A_27, %dma_wait3A_71] : memref<10240x128xbf16, #tpu.memory_space<vmem_shared>> -> memref<32x128xbf16, #tpu.memory_space<vmem_shared>>
      tpu.wait_dma2 semaphore(%run_scoped3A : memref<!tpu.dma_semaphore, #tpu.memory_space<semaphore_mem>>) src(%arg14 : memref<32x128xbf16, #tpu.memory_space<vmem>>) dst(%dma_wait3A_72 : memref<32x128xbf16, #tpu.memory_space<vmem_shared>>)
      tpu.yield
    }) : () -> ()
    %add3A_28 = arith.constant 224 : i32
    %add3A_29 = arith.addi %mul3A_13, %add3A_28 : i32
    "tpu.region"() ({
      %run_scoped3A = tpu.sem_alloc : memref<!tpu.dma_semaphore, #tpu.memory_space<semaphore_mem>>
      %dma_start3A = arith.constant 0 : i32
      %dma_start3A_67 = tpu.memref_slice %arg6[%add3A_29, %dma_start3A] : memref<10240x128xbf16, #tpu.memory_space<vmem_shared>> -> memref<32x128xbf16, #tpu.memory_space<vmem_shared>>
      %dma_start3A_68 = arith.constant 0 : i32
      %dma_start3A_69 = tpu.memref_slice %arg6[%add3A_29, %dma_start3A_68] : memref<10240x128xbf16, #tpu.memory_space<vmem_shared>> -> memref<32x128xbf16, #tpu.memory_space<vmem_shared>>
      tpu.enqueue_dma source(%arg14 : memref<32x128xbf16, #tpu.memory_space<vmem>>) target(%dma_start3A_69 : memref<32x128xbf16, #tpu.memory_space<vmem_shared>>) target_semaphore(%run_scoped3A : memref<!tpu.dma_semaphore, #tpu.memory_space<semaphore_mem>>)
      %dma_wait3A = arith.constant 0 : i32
      %dma_wait3A_70 = tpu.memref_slice %arg6[%add3A_29, %dma_wait3A] : memref<10240x128xbf16, #tpu.memory_space<vmem_shared>> -> memref<32x128xbf16, #tpu.memory_space<vmem_shared>>
      %dma_wait3A_71 = arith.constant 0 : i32
      %dma_wait3A_72 = tpu.memref_slice %arg6[%add3A_29, %dma_wait3A_71] : memref<10240x128xbf16, #tpu.memory_space<vmem_shared>> -> memref<32x128xbf16, #tpu.memory_space<vmem_shared>>
      tpu.wait_dma2 semaphore(%run_scoped3A : memref<!tpu.dma_semaphore, #tpu.memory_space<semaphore_mem>>) src(%arg14 : memref<32x128xbf16, #tpu.memory_space<vmem>>) dst(%dma_wait3A_72 : memref<32x128xbf16, #tpu.memory_space<vmem_shared>>)
      tpu.yield
    }) : () -> ()
    %add3A_30 = arith.constant 256 : i32
    %add3A_31 = arith.addi %mul3A_13, %add3A_30 : i32
    "tpu.region"() ({
      %run_scoped3A = tpu.sem_alloc : memref<!tpu.dma_semaphore, #tpu.memory_space<semaphore_mem>>
      %dma_start3A = arith.constant 0 : i32
      %dma_start3A_67 = tpu.memref_slice %arg6[%add3A_31, %dma_start3A] : memref<10240x128xbf16, #tpu.memory_space<vmem_shared>> -> memref<32x128xbf16, #tpu.memory_space<vmem_shared>>
      %dma_start3A_68 = arith.constant 0 : i32
      %dma_start3A_69 = tpu.memref_slice %arg6[%add3A_31, %dma_start3A_68] : memref<10240x128xbf16, #tpu.memory_space<vmem_shared>> -> memref<32x128xbf16, #tpu.memory_space<vmem_shared>>
      tpu.enqueue_dma source(%arg14 : memref<32x128xbf16, #tpu.memory_space<vmem>>) target(%dma_start3A_69 : memref<32x128xbf16, #tpu.memory_space<vmem_shared>>) target_semaphore(%run_scoped3A : memref<!tpu.dma_semaphore, #tpu.memory_space<semaphore_mem>>)
      %dma_wait3A = arith.constant 0 : i32
      %dma_wait3A_70 = tpu.memref_slice %arg6[%add3A_31, %dma_wait3A] : memref<10240x128xbf16, #tpu.memory_space<vmem_shared>> -> memref<32x128xbf16, #tpu.memory_space<vmem_shared>>
      %dma_wait3A_71 = arith.constant 0 : i32
      %dma_wait3A_72 = tpu.memref_slice %arg6[%add3A_31, %dma_wait3A_71] : memref<10240x128xbf16, #tpu.memory_space<vmem_shared>> -> memref<32x128xbf16, #tpu.memory_space<vmem_shared>>
      tpu.wait_dma2 semaphore(%run_scoped3A : memref<!tpu.dma_semaphore, #tpu.memory_space<semaphore_mem>>) src(%arg14 : memref<32x128xbf16, #tpu.memory_space<vmem>>) dst(%dma_wait3A_72 : memref<32x128xbf16, #tpu.memory_space<vmem_shared>>)
      tpu.yield
    }) : () -> ()
    %add3A_32 = arith.constant 288 : i32
    %add3A_33 = arith.addi %mul3A_13, %add3A_32 : i32
    "tpu.region"() ({
      %run_scoped3A = tpu.sem_alloc : memref<!tpu.dma_semaphore, #tpu.memory_space<semaphore_mem>>
      %dma_start3A = arith.constant 0 : i32
      %dma_start3A_67 = tpu.memref_slice %arg6[%add3A_33, %dma_start3A] : memref<10240x128xbf16, #tpu.memory_space<vmem_shared>> -> memref<32x128xbf16, #tpu.memory_space<vmem_shared>>
      %dma_start3A_68 = arith.constant 0 : i32
      %dma_start3A_69 = tpu.memref_slice %arg6[%add3A_33, %dma_start3A_68] : memref<10240x128xbf16, #tpu.memory_space<vmem_shared>> -> memref<32x128xbf16, #tpu.memory_space<vmem_shared>>
      tpu.enqueue_dma source(%arg14 : memref<32x128xbf16, #tpu.memory_space<vmem>>) target(%dma_start3A_69 : memref<32x128xbf16, #tpu.memory_space<vmem_shared>>) target_semaphore(%run_scoped3A : memref<!tpu.dma_semaphore, #tpu.memory_space<semaphore_mem>>)
      %dma_wait3A = arith.constant 0 : i32
      %dma_wait3A_70 = tpu.memref_slice %arg6[%add3A_33, %dma_wait3A] : memref<10240x128xbf16, #tpu.memory_space<vmem_shared>> -> memref<32x128xbf16, #tpu.memory_space<vmem_shared>>
      %dma_wait3A_71 = arith.constant 0 : i32
      %dma_wait3A_72 = tpu.memref_slice %arg6[%add3A_33, %dma_wait3A_71] : memref<10240x128xbf16, #tpu.memory_space<vmem_shared>> -> memref<32x128xbf16, #tpu.memory_space<vmem_shared>>
      tpu.wait_dma2 semaphore(%run_scoped3A : memref<!tpu.dma_semaphore, #tpu.memory_space<semaphore_mem>>) src(%arg14 : memref<32x128xbf16, #tpu.memory_space<vmem>>) dst(%dma_wait3A_72 : memref<32x128xbf16, #tpu.memory_space<vmem_shared>>)
      tpu.yield
    }) : () -> ()
    %add3A_34 = arith.constant 320 : i32
    %add3A_35 = arith.addi %mul3A_13, %add3A_34 : i32
    "tpu.region"() ({
      %run_scoped3A = tpu.sem_alloc : memref<!tpu.dma_semaphore, #tpu.memory_space<semaphore_mem>>
      %dma_start3A = arith.constant 0 : i32
      %dma_start3A_67 = tpu.memref_slice %arg6[%add3A_35, %dma_start3A] : memref<10240x128xbf16, #tpu.memory_space<vmem_shared>> -> memref<32x128xbf16, #tpu.memory_space<vmem_shared>>
      %dma_start3A_68 = arith.constant 0 : i32
      %dma_start3A_69 = tpu.memref_slice %arg6[%add3A_35, %dma_start3A_68] : memref<10240x128xbf16, #tpu.memory_space<vmem_shared>> -> memref<32x128xbf16, #tpu.memory_space<vmem_shared>>
      tpu.enqueue_dma source(%arg14 : memref<32x128xbf16, #tpu.memory_space<vmem>>) target(%dma_start3A_69 : memref<32x128xbf16, #tpu.memory_space<vmem_shared>>) target_semaphore(%run_scoped3A : memref<!tpu.dma_semaphore, #tpu.memory_space<semaphore_mem>>)
      %dma_wait3A = arith.constant 0 : i32
      %dma_wait3A_70 = tpu.memref_slice %arg6[%add3A_35, %dma_wait3A] : memref<10240x128xbf16, #tpu.memory_space<vmem_shared>> -> memref<32x128xbf16, #tpu.memory_space<vmem_shared>>
      %dma_wait3A_71 = arith.constant 0 : i32
      %dma_wait3A_72 = tpu.memref_slice %arg6[%add3A_35, %dma_wait3A_71] : memref<10240x128xbf16, #tpu.memory_space<vmem_shared>> -> memref<32x128xbf16, #tpu.memory_space<vmem_shared>>
      tpu.wait_dma2 semaphore(%run_scoped3A : memref<!tpu.dma_semaphore, #tpu.memory_space<semaphore_mem>>) src(%arg14 : memref<32x128xbf16, #tpu.memory_space<vmem>>) dst(%dma_wait3A_72 : memref<32x128xbf16, #tpu.memory_space<vmem_shared>>)
      tpu.yield
    }) : () -> ()
    %add3A_36 = arith.constant 352 : i32
    %add3A_37 = arith.addi %mul3A_13, %add3A_36 : i32
    "tpu.region"() ({
      %run_scoped3A = tpu.sem_alloc : memref<!tpu.dma_semaphore, #tpu.memory_space<semaphore_mem>>
      %dma_start3A = arith.constant 0 : i32
      %dma_start3A_67 = tpu.memref_slice %arg6[%add3A_37, %dma_start3A] : memref<10240x128xbf16, #tpu.memory_space<vmem_shared>> -> memref<32x128xbf16, #tpu.memory_space<vmem_shared>>
      %dma_start3A_68 = arith.constant 0 : i32
      %dma_start3A_69 = tpu.memref_slice %arg6[%add3A_37, %dma_start3A_68] : memref<10240x128xbf16, #tpu.memory_space<vmem_shared>> -> memref<32x128xbf16, #tpu.memory_space<vmem_shared>>
      tpu.enqueue_dma source(%arg14 : memref<32x128xbf16, #tpu.memory_space<vmem>>) target(%dma_start3A_69 : memref<32x128xbf16, #tpu.memory_space<vmem_shared>>) target_semaphore(%run_scoped3A : memref<!tpu.dma_semaphore, #tpu.memory_space<semaphore_mem>>)
      %dma_wait3A = arith.constant 0 : i32
      %dma_wait3A_70 = tpu.memref_slice %arg6[%add3A_37, %dma_wait3A] : memref<10240x128xbf16, #tpu.memory_space<vmem_shared>> -> memref<32x128xbf16, #tpu.memory_space<vmem_shared>>
      %dma_wait3A_71 = arith.constant 0 : i32
      %dma_wait3A_72 = tpu.memref_slice %arg6[%add3A_37, %dma_wait3A_71] : memref<10240x128xbf16, #tpu.memory_space<vmem_shared>> -> memref<32x128xbf16, #tpu.memory_space<vmem_shared>>
      tpu.wait_dma2 semaphore(%run_scoped3A : memref<!tpu.dma_semaphore, #tpu.memory_space<semaphore_mem>>) src(%arg14 : memref<32x128xbf16, #tpu.memory_space<vmem>>) dst(%dma_wait3A_72 : memref<32x128xbf16, #tpu.memory_space<vmem_shared>>)
      tpu.yield
    }) : () -> ()
    %add3A_38 = arith.constant 384 : i32
    %add3A_39 = arith.addi %mul3A_13, %add3A_38 : i32
    "tpu.region"() ({
      %run_scoped3A = tpu.sem_alloc : memref<!tpu.dma_semaphore, #tpu.memory_space<semaphore_mem>>
      %dma_start3A = arith.constant 0 : i32
      %dma_start3A_67 = tpu.memref_slice %arg6[%add3A_39, %dma_start3A] : memref<10240x128xbf16, #tpu.memory_space<vmem_shared>> -> memref<32x128xbf16, #tpu.memory_space<vmem_shared>>
      %dma_start3A_68 = arith.constant 0 : i32
      %dma_start3A_69 = tpu.memref_slice %arg6[%add3A_39, %dma_start3A_68] : memref<10240x128xbf16, #tpu.memory_space<vmem_shared>> -> memref<32x128xbf16, #tpu.memory_space<vmem_shared>>
      tpu.enqueue_dma source(%arg14 : memref<32x128xbf16, #tpu.memory_space<vmem>>) target(%dma_start3A_69 : memref<32x128xbf16, #tpu.memory_space<vmem_shared>>) target_semaphore(%run_scoped3A : memref<!tpu.dma_semaphore, #tpu.memory_space<semaphore_mem>>)
      %dma_wait3A = arith.constant 0 : i32
      %dma_wait3A_70 = tpu.memref_slice %arg6[%add3A_39, %dma_wait3A] : memref<10240x128xbf16, #tpu.memory_space<vmem_shared>> -> memref<32x128xbf16, #tpu.memory_space<vmem_shared>>
      %dma_wait3A_71 = arith.constant 0 : i32
      %dma_wait3A_72 = tpu.memref_slice %arg6[%add3A_39, %dma_wait3A_71] : memref<10240x128xbf16, #tpu.memory_space<vmem_shared>> -> memref<32x128xbf16, #tpu.memory_space<vmem_shared>>
      tpu.wait_dma2 semaphore(%run_scoped3A : memref<!tpu.dma_semaphore, #tpu.memory_space<semaphore_mem>>) src(%arg14 : memref<32x128xbf16, #tpu.memory_space<vmem>>) dst(%dma_wait3A_72 : memref<32x128xbf16, #tpu.memory_space<vmem_shared>>)
      tpu.yield
    }) : () -> ()
    %add3A_40 = arith.constant 416 : i32
    %add3A_41 = arith.addi %mul3A_13, %add3A_40 : i32
    "tpu.region"() ({
      %run_scoped3A = tpu.sem_alloc : memref<!tpu.dma_semaphore, #tpu.memory_space<semaphore_mem>>
      %dma_start3A = arith.constant 0 : i32
      %dma_start3A_67 = tpu.memref_slice %arg6[%add3A_41, %dma_start3A] : memref<10240x128xbf16, #tpu.memory_space<vmem_shared>> -> memref<32x128xbf16, #tpu.memory_space<vmem_shared>>
      %dma_start3A_68 = arith.constant 0 : i32
      %dma_start3A_69 = tpu.memref_slice %arg6[%add3A_41, %dma_start3A_68] : memref<10240x128xbf16, #tpu.memory_space<vmem_shared>> -> memref<32x128xbf16, #tpu.memory_space<vmem_shared>>
      tpu.enqueue_dma source(%arg14 : memref<32x128xbf16, #tpu.memory_space<vmem>>) target(%dma_start3A_69 : memref<32x128xbf16, #tpu.memory_space<vmem_shared>>) target_semaphore(%run_scoped3A : memref<!tpu.dma_semaphore, #tpu.memory_space<semaphore_mem>>)
      %dma_wait3A = arith.constant 0 : i32
      %dma_wait3A_70 = tpu.memref_slice %arg6[%add3A_41, %dma_wait3A] : memref<10240x128xbf16, #tpu.memory_space<vmem_shared>> -> memref<32x128xbf16, #tpu.memory_space<vmem_shared>>
      %dma_wait3A_71 = arith.constant 0 : i32
      %dma_wait3A_72 = tpu.memref_slice %arg6[%add3A_41, %dma_wait3A_71] : memref<10240x128xbf16, #tpu.memory_space<vmem_shared>> -> memref<32x128xbf16, #tpu.memory_space<vmem_shared>>
      tpu.wait_dma2 semaphore(%run_scoped3A : memref<!tpu.dma_semaphore, #tpu.memory_space<semaphore_mem>>) src(%arg14 : memref<32x128xbf16, #tpu.memory_space<vmem>>) dst(%dma_wait3A_72 : memref<32x128xbf16, #tpu.memory_space<vmem_shared>>)
      tpu.yield
    }) : () -> ()
    %add3A_42 = arith.constant 448 : i32
    %add3A_43 = arith.addi %mul3A_13, %add3A_42 : i32
    "tpu.region"() ({
      %run_scoped3A = tpu.sem_alloc : memref<!tpu.dma_semaphore, #tpu.memory_space<semaphore_mem>>
      %dma_start3A = arith.constant 0 : i32
      %dma_start3A_67 = tpu.memref_slice %arg6[%add3A_43, %dma_start3A] : memref<10240x128xbf16, #tpu.memory_space<vmem_shared>> -> memref<32x128xbf16, #tpu.memory_space<vmem_shared>>
      %dma_start3A_68 = arith.constant 0 : i32
      %dma_start3A_69 = tpu.memref_slice %arg6[%add3A_43, %dma_start3A_68] : memref<10240x128xbf16, #tpu.memory_space<vmem_shared>> -> memref<32x128xbf16, #tpu.memory_space<vmem_shared>>
      tpu.enqueue_dma source(%arg14 : memref<32x128xbf16, #tpu.memory_space<vmem>>) target(%dma_start3A_69 : memref<32x128xbf16, #tpu.memory_space<vmem_shared>>) target_semaphore(%run_scoped3A : memref<!tpu.dma_semaphore, #tpu.memory_space<semaphore_mem>>)
      %dma_wait3A = arith.constant 0 : i32
      %dma_wait3A_70 = tpu.memref_slice %arg6[%add3A_43, %dma_wait3A] : memref<10240x128xbf16, #tpu.memory_space<vmem_shared>> -> memref<32x128xbf16, #tpu.memory_space<vmem_shared>>
      %dma_wait3A_71 = arith.constant 0 : i32
      %dma_wait3A_72 = tpu.memref_slice %arg6[%add3A_43, %dma_wait3A_71] : memref<10240x128xbf16, #tpu.memory_space<vmem_shared>> -> memref<32x128xbf16, #tpu.memory_space<vmem_shared>>
      tpu.wait_dma2 semaphore(%run_scoped3A : memref<!tpu.dma_semaphore, #tpu.memory_space<semaphore_mem>>) src(%arg14 : memref<32x128xbf16, #tpu.memory_space<vmem>>) dst(%dma_wait3A_72 : memref<32x128xbf16, #tpu.memory_space<vmem_shared>>)
      tpu.yield
    }) : () -> ()
    %add3A_44 = arith.constant 480 : i32
    %add3A_45 = arith.addi %mul3A_13, %add3A_44 : i32
    "tpu.region"() ({
      %run_scoped3A = tpu.sem_alloc : memref<!tpu.dma_semaphore, #tpu.memory_space<semaphore_mem>>
      %dma_start3A = arith.constant 0 : i32
      %dma_start3A_67 = tpu.memref_slice %arg6[%add3A_45, %dma_start3A] : memref<10240x128xbf16, #tpu.memory_space<vmem_shared>> -> memref<32x128xbf16, #tpu.memory_space<vmem_shared>>
      %dma_start3A_68 = arith.constant 0 : i32
      %dma_start3A_69 = tpu.memref_slice %arg6[%add3A_45, %dma_start3A_68] : memref<10240x128xbf16, #tpu.memory_space<vmem_shared>> -> memref<32x128xbf16, #tpu.memory_space<vmem_shared>>
      tpu.enqueue_dma source(%arg14 : memref<32x128xbf16, #tpu.memory_space<vmem>>) target(%dma_start3A_69 : memref<32x128xbf16, #tpu.memory_space<vmem_shared>>) target_semaphore(%run_scoped3A : memref<!tpu.dma_semaphore, #tpu.memory_space<semaphore_mem>>)
      %dma_wait3A = arith.constant 0 : i32
      %dma_wait3A_70 = tpu.memref_slice %arg6[%add3A_45, %dma_wait3A] : memref<10240x128xbf16, #tpu.memory_space<vmem_shared>> -> memref<32x128xbf16, #tpu.memory_space<vmem_shared>>
      %dma_wait3A_71 = arith.constant 0 : i32
      %dma_wait3A_72 = tpu.memref_slice %arg6[%add3A_45, %dma_wait3A_71] : memref<10240x128xbf16, #tpu.memory_space<vmem_shared>> -> memref<32x128xbf16, #tpu.memory_space<vmem_shared>>
      tpu.wait_dma2 semaphore(%run_scoped3A : memref<!tpu.dma_semaphore, #tpu.memory_space<semaphore_mem>>) src(%arg14 : memref<32x128xbf16, #tpu.memory_space<vmem>>) dst(%dma_wait3A_72 : memref<32x128xbf16, #tpu.memory_space<vmem_shared>>)
      tpu.yield
    }) : () -> ()
    %add3A_46 = arith.constant 512 : i32
    %add3A_47 = arith.addi %mul3A_13, %add3A_46 : i32
    "tpu.region"() ({
      %run_scoped3A = tpu.sem_alloc : memref<!tpu.dma_semaphore, #tpu.memory_space<semaphore_mem>>
      %dma_start3A = arith.constant 0 : i32
      %dma_start3A_67 = tpu.memref_slice %arg6[%add3A_47, %dma_start3A] : memref<10240x128xbf16, #tpu.memory_space<vmem_shared>> -> memref<32x128xbf16, #tpu.memory_space<vmem_shared>>
      %dma_start3A_68 = arith.constant 0 : i32
      %dma_start3A_69 = tpu.memref_slice %arg6[%add3A_47, %dma_start3A_68] : memref<10240x128xbf16, #tpu.memory_space<vmem_shared>> -> memref<32x128xbf16, #tpu.memory_space<vmem_shared>>
      tpu.enqueue_dma source(%arg14 : memref<32x128xbf16, #tpu.memory_space<vmem>>) target(%dma_start3A_69 : memref<32x128xbf16, #tpu.memory_space<vmem_shared>>) target_semaphore(%run_scoped3A : memref<!tpu.dma_semaphore, #tpu.memory_space<semaphore_mem>>)
      %dma_wait3A = arith.constant 0 : i32
      %dma_wait3A_70 = tpu.memref_slice %arg6[%add3A_47, %dma_wait3A] : memref<10240x128xbf16, #tpu.memory_space<vmem_shared>> -> memref<32x128xbf16, #tpu.memory_space<vmem_shared>>
      %dma_wait3A_71 = arith.constant 0 : i32
      %dma_wait3A_72 = tpu.memref_slice %arg6[%add3A_47, %dma_wait3A_71] : memref<10240x128xbf16, #tpu.memory_space<vmem_shared>> -> memref<32x128xbf16, #tpu.memory_space<vmem_shared>>
      tpu.wait_dma2 semaphore(%run_scoped3A : memref<!tpu.dma_semaphore, #tpu.memory_space<semaphore_mem>>) src(%arg14 : memref<32x128xbf16, #tpu.memory_space<vmem>>) dst(%dma_wait3A_72 : memref<32x128xbf16, #tpu.memory_space<vmem_shared>>)
      tpu.yield
    }) : () -> ()
    %add3A_48 = arith.constant 544 : i32
    %add3A_49 = arith.addi %mul3A_13, %add3A_48 : i32
    "tpu.region"() ({
      %run_scoped3A = tpu.sem_alloc : memref<!tpu.dma_semaphore, #tpu.memory_space<semaphore_mem>>
      %dma_start3A = arith.constant 0 : i32
      %dma_start3A_67 = tpu.memref_slice %arg6[%add3A_49, %dma_start3A] : memref<10240x128xbf16, #tpu.memory_space<vmem_shared>> -> memref<32x128xbf16, #tpu.memory_space<vmem_shared>>
      %dma_start3A_68 = arith.constant 0 : i32
      %dma_start3A_69 = tpu.memref_slice %arg6[%add3A_49, %dma_start3A_68] : memref<10240x128xbf16, #tpu.memory_space<vmem_shared>> -> memref<32x128xbf16, #tpu.memory_space<vmem_shared>>
      tpu.enqueue_dma source(%arg14 : memref<32x128xbf16, #tpu.memory_space<vmem>>) target(%dma_start3A_69 : memref<32x128xbf16, #tpu.memory_space<vmem_shared>>) target_semaphore(%run_scoped3A : memref<!tpu.dma_semaphore, #tpu.memory_space<semaphore_mem>>)
      %dma_wait3A = arith.constant 0 : i32
      %dma_wait3A_70 = tpu.memref_slice %arg6[%add3A_49, %dma_wait3A] : memref<10240x128xbf16, #tpu.memory_space<vmem_shared>> -> memref<32x128xbf16, #tpu.memory_space<vmem_shared>>
      %dma_wait3A_71 = arith.constant 0 : i32
      %dma_wait3A_72 = tpu.memref_slice %arg6[%add3A_49, %dma_wait3A_71] : memref<10240x128xbf16, #tpu.memory_space<vmem_shared>> -> memref<32x128xbf16, #tpu.memory_space<vmem_shared>>
      tpu.wait_dma2 semaphore(%run_scoped3A : memref<!tpu.dma_semaphore, #tpu.memory_space<semaphore_mem>>) src(%arg14 : memref<32x128xbf16, #tpu.memory_space<vmem>>) dst(%dma_wait3A_72 : memref<32x128xbf16, #tpu.memory_space<vmem_shared>>)
      tpu.yield
    }) : () -> ()
    %add3A_50 = arith.constant 576 : i32
    %add3A_51 = arith.addi %mul3A_13, %add3A_50 : i32
    "tpu.region"() ({
      %run_scoped3A = tpu.sem_alloc : memref<!tpu.dma_semaphore, #tpu.memory_space<semaphore_mem>>
      %dma_start3A = arith.constant 0 : i32
      %dma_start3A_67 = tpu.memref_slice %arg6[%add3A_51, %dma_start3A] : memref<10240x128xbf16, #tpu.memory_space<vmem_shared>> -> memref<32x128xbf16, #tpu.memory_space<vmem_shared>>
      %dma_start3A_68 = arith.constant 0 : i32
      %dma_start3A_69 = tpu.memref_slice %arg6[%add3A_51, %dma_start3A_68] : memref<10240x128xbf16, #tpu.memory_space<vmem_shared>> -> memref<32x128xbf16, #tpu.memory_space<vmem_shared>>
      tpu.enqueue_dma source(%arg14 : memref<32x128xbf16, #tpu.memory_space<vmem>>) target(%dma_start3A_69 : memref<32x128xbf16, #tpu.memory_space<vmem_shared>>) target_semaphore(%run_scoped3A : memref<!tpu.dma_semaphore, #tpu.memory_space<semaphore_mem>>)
      %dma_wait3A = arith.constant 0 : i32
      %dma_wait3A_70 = tpu.memref_slice %arg6[%add3A_51, %dma_wait3A] : memref<10240x128xbf16, #tpu.memory_space<vmem_shared>> -> memref<32x128xbf16, #tpu.memory_space<vmem_shared>>
      %dma_wait3A_71 = arith.constant 0 : i32
      %dma_wait3A_72 = tpu.memref_slice %arg6[%add3A_51, %dma_wait3A_71] : memref<10240x128xbf16, #tpu.memory_space<vmem_shared>> -> memref<32x128xbf16, #tpu.memory_space<vmem_shared>>
      tpu.wait_dma2 semaphore(%run_scoped3A : memref<!tpu.dma_semaphore, #tpu.memory_space<semaphore_mem>>) src(%arg14 : memref<32x128xbf16, #tpu.memory_space<vmem>>) dst(%dma_wait3A_72 : memref<32x128xbf16, #tpu.memory_space<vmem_shared>>)
      tpu.yield
    }) : () -> ()
    %add3A_52 = arith.constant 608 : i32
    %add3A_53 = arith.addi %mul3A_13, %add3A_52 : i32
    "tpu.region"() ({
      %run_scoped3A = tpu.sem_alloc : memref<!tpu.dma_semaphore, #tpu.memory_space<semaphore_mem>>
      %dma_start3A = arith.constant 0 : i32
      %dma_start3A_67 = tpu.memref_slice %arg6[%add3A_53, %dma_start3A] : memref<10240x128xbf16, #tpu.memory_space<vmem_shared>> -> memref<32x128xbf16, #tpu.memory_space<vmem_shared>>
      %dma_start3A_68 = arith.constant 0 : i32
      %dma_start3A_69 = tpu.memref_slice %arg6[%add3A_53, %dma_start3A_68] : memref<10240x128xbf16, #tpu.memory_space<vmem_shared>> -> memref<32x128xbf16, #tpu.memory_space<vmem_shared>>
      tpu.enqueue_dma source(%arg14 : memref<32x128xbf16, #tpu.memory_space<vmem>>) target(%dma_start3A_69 : memref<32x128xbf16, #tpu.memory_space<vmem_shared>>) target_semaphore(%run_scoped3A : memref<!tpu.dma_semaphore, #tpu.memory_space<semaphore_mem>>)
      %dma_wait3A = arith.constant 0 : i32
      %dma_wait3A_70 = tpu.memref_slice %arg6[%add3A_53, %dma_wait3A] : memref<10240x128xbf16, #tpu.memory_space<vmem_shared>> -> memref<32x128xbf16, #tpu.memory_space<vmem_shared>>
      %dma_wait3A_71 = arith.constant 0 : i32
      %dma_wait3A_72 = tpu.memref_slice %arg6[%add3A_53, %dma_wait3A_71] : memref<10240x128xbf16, #tpu.memory_space<vmem_shared>> -> memref<32x128xbf16, #tpu.memory_space<vmem_shared>>
      tpu.wait_dma2 semaphore(%run_scoped3A : memref<!tpu.dma_semaphore, #tpu.memory_space<semaphore_mem>>) src(%arg14 : memref<32x128xbf16, #tpu.memory_space<vmem>>) dst(%dma_wait3A_72 : memref<32x128xbf16, #tpu.memory_space<vmem_shared>>)
      tpu.yield
    }) : () -> ()
    %barrier3A = arith.constant 0 : index
    tpu.barrier barrier_id(%barrier3A)
    %mul3A_54 = arith.constant 10000 : i32
    %mul3A_55 = arith.muli %add3A, %mul3A_54 : i32
    %broadcast_in_dim3A = arith.constant 1.000000e+00 : f32
    %broadcast_in_dim3A_56 = vector.broadcast %broadcast_in_dim3A : f32 to vector<16xf32>
    %scan3A_57 = arith.constant 0 : i32
    %scan3A_58 = arith.constant 0 : i32
    %scan3A_59 = arith.constant 5 : i32
    %scan3A_60 = arith.addi %scan3A_58, %scan3A_59 : i32
    %scan3A_61 = arith.constant 1 : i32
    scf.for %scan3A_67 = %scan3A_58 to %scan3A_60 step %scan3A_61  : i32 {
      %mul3A_68 = arith.constant 2000 : i32
      %mul3A_69 = arith.muli %scan3A_67, %mul3A_68 : i32
      %add3A_70 = arith.addi %mul3A_55, %mul3A_69 : i32
      %dma_start3A = arith.constant 0 : i32
      %dma_start3A_71 = tpu.memref_slice %arg2[%dma_start3A, %add3A_70] : memref<2x320000xi32, #tpu.memory_space<hbm>> -> memref<1x2000xi32, #tpu.memory_space<hbm>>
      %dma_start3A_72 = tpu.memref_squeeze %dma_start3A_71 : memref<1x2000xi32, #tpu.memory_space<hbm>> -> memref<2000xi32, #tpu.memory_space<hbm>>
      %dma_start3A_73 = tpu.memref_slice %arg2[%dma_start3A, %add3A_70] : memref<2x320000xi32, #tpu.memory_space<hbm>> -> memref<1x2000xi32, #tpu.memory_space<hbm>>
      %dma_start3A_74 = tpu.memref_squeeze %dma_start3A_73 : memref<1x2000xi32, #tpu.memory_space<hbm>> -> memref<2000xi32, #tpu.memory_space<hbm>>
      tpu.enqueue_dma source(%dma_start3A_74 : memref<2000xi32, #tpu.memory_space<hbm>>) target(%arg7 : memref<2000xi32, #tpu.memory_space<vmem>>) target_semaphore(%arg15 : memref<!tpu.dma_semaphore, #tpu.memory_space<semaphore_mem>>)
      %dma_start3A_75 = arith.constant 1 : i32
      %dma_start3A_76 = tpu.memref_slice %arg2[%dma_start3A_75, %add3A_70] : memref<2x320000xi32, #tpu.memory_space<hbm>> -> memref<1x2000xi32, #tpu.memory_space<hbm>>
      %dma_start3A_77 = tpu.memref_squeeze %dma_start3A_76 : memref<1x2000xi32, #tpu.memory_space<hbm>> -> memref<2000xi32, #tpu.memory_space<hbm>>
      %dma_start3A_78 = tpu.memref_slice %arg2[%dma_start3A_75, %add3A_70] : memref<2x320000xi32, #tpu.memory_space<hbm>> -> memref<1x2000xi32, #tpu.memory_space<hbm>>
      %dma_start3A_79 = tpu.memref_squeeze %dma_start3A_78 : memref<1x2000xi32, #tpu.memory_space<hbm>> -> memref<2000xi32, #tpu.memory_space<hbm>>
      tpu.enqueue_dma source(%dma_start3A_79 : memref<2000xi32, #tpu.memory_space<hbm>>) target(%arg8 : memref<2000xi32, #tpu.memory_space<vmem>>) target_semaphore(%arg16 : memref<!tpu.dma_semaphore, #tpu.memory_space<semaphore_mem>>)
      %dma_wait3A = arith.constant 0 : i32
      %dma_wait3A_80 = tpu.memref_slice %arg2[%dma_wait3A, %add3A_70] : memref<2x320000xi32, #tpu.memory_space<hbm>> -> memref<1x2000xi32, #tpu.memory_space<hbm>>
      %dma_wait3A_81 = tpu.memref_squeeze %dma_wait3A_80 : memref<1x2000xi32, #tpu.memory_space<hbm>> -> memref<2000xi32, #tpu.memory_space<hbm>>
      %dma_wait3A_82 = tpu.memref_slice %arg2[%dma_wait3A, %add3A_70] : memref<2x320000xi32, #tpu.memory_space<hbm>> -> memref<1x2000xi32, #tpu.memory_space<hbm>>
      %dma_wait3A_83 = tpu.memref_squeeze %dma_wait3A_82 : memref<1x2000xi32, #tpu.memory_space<hbm>> -> memref<2000xi32, #tpu.memory_space<hbm>>
      tpu.wait_dma2 semaphore(%arg15 : memref<!tpu.dma_semaphore, #tpu.memory_space<semaphore_mem>>) src(%dma_wait3A_83 : memref<2000xi32, #tpu.memory_space<hbm>>) dst(%arg7 : memref<2000xi32, #tpu.memory_space<vmem>>)
      %dma_wait3A_84 = arith.constant 1 : i32
      %dma_wait3A_85 = tpu.memref_slice %arg2[%dma_wait3A_84, %add3A_70] : memref<2x320000xi32, #tpu.memory_space<hbm>> -> memref<1x2000xi32, #tpu.memory_space<hbm>>
      %dma_wait3A_86 = tpu.memref_squeeze %dma_wait3A_85 : memref<1x2000xi32, #tpu.memory_space<hbm>> -> memref<2000xi32, #tpu.memory_space<hbm>>
      %dma_wait3A_87 = tpu.memref_slice %arg2[%dma_wait3A_84, %add3A_70] : memref<2x320000xi32, #tpu.memory_space<hbm>> -> memref<1x2000xi32, #tpu.memory_space<hbm>>
      %dma_wait3A_88 = tpu.memref_squeeze %dma_wait3A_87 : memref<1x2000xi32, #tpu.memory_space<hbm>> -> memref<2000xi32, #tpu.memory_space<hbm>>
      tpu.wait_dma2 semaphore(%arg16 : memref<!tpu.dma_semaphore, #tpu.memory_space<semaphore_mem>>) src(%dma_wait3A_88 : memref<2000xi32, #tpu.memory_space<hbm>>) dst(%arg8 : memref<2000xi32, #tpu.memory_space<vmem>>)
      %dma_start3A_89 = arith.constant 0 : i32
      %dma_start3A_90 = tpu.memref_slice %arg7[%dma_start3A_89] : memref<2000xi32, #tpu.memory_space<vmem>> -> memref<80xi32, #tpu.memory_space<vmem>>
      %dma_start3A_91 = arith.constant 0 : i32
      %dma_start3A_92 = arith.constant 0 : i32
      %dma_start3A_93 = tpu.memref_slice %arg3[%dma_start3A_91, %dma_start3A_92] : memref<10000x128xbf16, #tpu.memory_space<hbm>> -> memref<10000x128xbf16, #tpu.memory_space<hbm>>
      tpu.enqueue_indirect_dma source(%dma_start3A_93 : memref<10000x128xbf16, #tpu.memory_space<hbm>>) target(%arg10 : memref<80x128xbf16, #tpu.memory_space<vmem>>) offsets(%dma_start3A_90 : memref<80xi32, #tpu.memory_space<vmem>>) semaphore(%arg15 : memref<!tpu.dma_semaphore, #tpu.memory_space<semaphore_mem>>)
      %get3A = arith.constant 0 : index
      %get3A_94 = tpu.vector_load %arg7[%get3A] {strides = array<i32>} : memref<2000xi32, #tpu.memory_space<vmem>>, vector<16xi32>,
      %get3A_95 = arith.constant 0 : index
      %get3A_96 = tpu.vector_load %arg8[%get3A_95] {strides = array<i32>} : memref<2000xi32, #tpu.memory_space<vmem>>, vector<16xi32>,
      %eq3A = arith.cmpi eq, %get3A_94, %get3A_96 : vector<16xi32>
      %jit3A = arith.constant 10000 : i32
      %broadcast_in_dim3A_97 = vector.broadcast %jit3A : i32 to vector<16xi32>
      %select_n3A = arith.select %eq3A, %broadcast_in_dim3A_97, %get3A_96 : vector<16xi1>, vector<16xi32>
      %swap3A = arith.constant 0 : i32
      %swap3A_98 = arith.index_cast %swap3A : i32 to index
      %swap3A_99 = arith.constant 0 : index
      %swap3A_100 = tpu.vector_load %arg9[%swap3A_98, %swap3A_99] {strides = array<i32>} : memref<25x80xi32, #tpu.memory_space<vmem>>, vector<16xi32>,
      tpu.vector_store %arg9[%swap3A_98, %swap3A_99], %select_n3A {strides = array<i32>} : memref<25x80xi32, #tpu.memory_space<vmem>>, vector<16xi32>,
      tpu.vector_store_idx %arg13[%select_n3A], %broadcast_in_dim3A_56 {add = true} : memref<10240xf32, #tpu.memory_space<vmem>>[vector<16xi32>], vector<16xf32>,
      %get3A_101 = arith.constant 16 : index
      %get3A_102 = tpu.vector_load %arg7[%get3A_101] {strides = array<i32>} : memref<2000xi32, #tpu.memory_space<vmem>>, vector<16xi32>,
      %get3A_103 = arith.constant 16 : index
      %get3A_104 = tpu.vector_load %arg8[%get3A_103] {strides = array<i32>} : memref<2000xi32, #tpu.memory_space<vmem>>, vector<16xi32>,
      %eq3A_105 = arith.cmpi eq, %get3A_102, %get3A_104 : vector<16xi32>
      %jit3A_106 = arith.constant 10000 : i32
      %broadcast_in_dim3A_107 = vector.broadcast %jit3A_106 : i32 to vector<16xi32>
      %select_n3A_108 = arith.select %eq3A_105, %broadcast_in_dim3A_107, %get3A_104 : vector<16xi1>, vector<16xi32>
      %swap3A_109 = arith.constant 0 : i32
      %swap3A_110 = arith.index_cast %swap3A_109 : i32 to index
      %swap3A_111 = arith.constant 16 : index
      %swap3A_112 = tpu.vector_load %arg9[%swap3A_110, %swap3A_111] {strides = array<i32>} : memref<25x80xi32, #tpu.memory_space<vmem>>, vector<16xi32>,
      tpu.vector_store %arg9[%swap3A_110, %swap3A_111], %select_n3A_108 {strides = array<i32>} : memref<25x80xi32, #tpu.memory_space<vmem>>, vector<16xi32>,
      tpu.vector_store_idx %arg13[%select_n3A_108], %broadcast_in_dim3A_56 {add = true} : memref<10240xf32, #tpu.memory_space<vmem>>[vector<16xi32>], vector<16xf32>,
      %get3A_113 = arith.constant 32 : index
      %get3A_114 = tpu.vector_load %arg7[%get3A_113] {strides = array<i32>} : memref<2000xi32, #tpu.memory_space<vmem>>, vector<16xi32>,
      %get3A_115 = arith.constant 32 : index
      %get3A_116 = tpu.vector_load %arg8[%get3A_115] {strides = array<i32>} : memref<2000xi32, #tpu.memory_space<vmem>>, vector<16xi32>,
      %eq3A_117 = arith.cmpi eq, %get3A_114, %get3A_116 : vector<16xi32>
      %jit3A_118 = arith.constant 10000 : i32
      %broadcast_in_dim3A_119 = vector.broadcast %jit3A_118 : i32 to vector<16xi32>
      %select_n3A_120 = arith.select %eq3A_117, %broadcast_in_dim3A_119, %get3A_116 : vector<16xi1>, vector<16xi32>
      %swap3A_121 = arith.constant 0 : i32
      %swap3A_122 = arith.index_cast %swap3A_121 : i32 to index
      %swap3A_123 = arith.constant 32 : index
      %swap3A_124 = tpu.vector_load %arg9[%swap3A_122, %swap3A_123] {strides = array<i32>} : memref<25x80xi32, #tpu.memory_space<vmem>>, vector<16xi32>,
      tpu.vector_store %arg9[%swap3A_122, %swap3A_123], %select_n3A_120 {strides = array<i32>} : memref<25x80xi32, #tpu.memory_space<vmem>>, vector<16xi32>,
      tpu.vector_store_idx %arg13[%select_n3A_120], %broadcast_in_dim3A_56 {add = true} : memref<10240xf32, #tpu.memory_space<vmem>>[vector<16xi32>], vector<16xf32>,
      %get3A_125 = arith.constant 48 : index
      %get3A_126 = tpu.vector_load %arg7[%get3A_125] {strides = array<i32>} : memref<2000xi32, #tpu.memory_space<vmem>>, vector<16xi32>,
      %get3A_127 = arith.constant 48 : index
      %get3A_128 = tpu.vector_load %arg8[%get3A_127] {strides = array<i32>} : memref<2000xi32, #tpu.memory_space<vmem>>, vector<16xi32>,
      %eq3A_129 = arith.cmpi eq, %get3A_126, %get3A_128 : vector<16xi32>
      %jit3A_130 = arith.constant 10000 : i32
      %broadcast_in_dim3A_131 = vector.broadcast %jit3A_130 : i32 to vector<16xi32>
      %select_n3A_132 = arith.select %eq3A_129, %broadcast_in_dim3A_131, %get3A_128 : vector<16xi1>, vector<16xi32>
      %swap3A_133 = arith.constant 0 : i32
      %swap3A_134 = arith.index_cast %swap3A_133 : i32 to index
      %swap3A_135 = arith.constant 48 : index
      %swap3A_136 = tpu.vector_load %arg9[%swap3A_134, %swap3A_135] {strides = array<i32>} : memref<25x80xi32, #tpu.memory_space<vmem>>, vector<16xi32>,
      tpu.vector_store %arg9[%swap3A_134, %swap3A_135], %select_n3A_132 {strides = array<i32>} : memref<25x80xi32, #tpu.memory_space<vmem>>, vector<16xi32>,
      tpu.vector_store_idx %arg13[%select_n3A_132], %broadcast_in_dim3A_56 {add = true} : memref<10240xf32, #tpu.memory_space<vmem>>[vector<16xi32>], vector<16xf32>,
      %get3A_137 = arith.constant 64 : index
      %get3A_138 = tpu.vector_load %arg7[%get3A_137] {strides = array<i32>} : memref<2000xi32, #tpu.memory_space<vmem>>, vector<16xi32>,
      %get3A_139 = arith.constant 64 : index
      %get3A_140 = tpu.vector_load %arg8[%get3A_139] {strides = array<i32>} : memref<2000xi32, #tpu.memory_space<vmem>>, vector<16xi32>,
      %eq3A_141 = arith.cmpi eq, %get3A_138, %get3A_140 : vector<16xi32>
      %jit3A_142 = arith.constant 10000 : i32
      %broadcast_in_dim3A_143 = vector.broadcast %jit3A_142 : i32 to vector<16xi32>
      %select_n3A_144 = arith.select %eq3A_141, %broadcast_in_dim3A_143, %get3A_140 : vector<16xi1>, vector<16xi32>
      %swap3A_145 = arith.constant 0 : i32
      %swap3A_146 = arith.index_cast %swap3A_145 : i32 to index
      %swap3A_147 = arith.constant 64 : index
      %swap3A_148 = tpu.vector_load %arg9[%swap3A_146, %swap3A_147] {strides = array<i32>} : memref<25x80xi32, #tpu.memory_space<vmem>>, vector<16xi32>,
      tpu.vector_store %arg9[%swap3A_146, %swap3A_147], %select_n3A_144 {strides = array<i32>} : memref<25x80xi32, #tpu.memory_space<vmem>>, vector<16xi32>,
      tpu.vector_store_idx %arg13[%select_n3A_144], %broadcast_in_dim3A_56 {add = true} : memref<10240xf32, #tpu.memory_space<vmem>>[vector<16xi32>], vector<16xf32>,
      %dma_start3A_149 = arith.constant 80 : i32
      %dma_start3A_150 = tpu.memref_slice %arg7[%dma_start3A_149] : memref<2000xi32, #tpu.memory_space<vmem>> -> memref<80xi32, #tpu.memory_space<vmem>>
      %dma_start3A_151 = arith.constant 0 : i32
      %dma_start3A_152 = arith.constant 0 : i32
      %dma_start3A_153 = tpu.memref_slice %arg3[%dma_start3A_151, %dma_start3A_152] : memref<10000x128xbf16, #tpu.memory_space<hbm>> -> memref<10000x128xbf16, #tpu.memory_space<hbm>>
      tpu.enqueue_indirect_dma source(%dma_start3A_153 : memref<10000x128xbf16, #tpu.memory_space<hbm>>) target(%arg11 : memref<80x128xbf16, #tpu.memory_space<vmem>>) offsets(%dma_start3A_150 : memref<80xi32, #tpu.memory_space<vmem>>) semaphore(%arg16 : memref<!tpu.dma_semaphore, #tpu.memory_space<semaphore_mem>>)
      %get3A_154 = arith.constant 80 : index
      %get3A_155 = tpu.vector_load %arg7[%get3A_154] {strides = array<i32>} : memref<2000xi32, #tpu.memory_space<vmem>>, vector<16xi32>,
      %get3A_156 = arith.constant 80 : index
      %get3A_157 = tpu.vector_load %arg8[%get3A_156] {strides = array<i32>} : memref<2000xi32, #tpu.memory_space<vmem>>, vector<16xi32>,
      %eq3A_158 = arith.cmpi eq, %get3A_155, %get3A_157 : vector<16xi32>
      %jit3A_159 = arith.constant 10000 : i32
      %broadcast_in_dim3A_160 = vector.broadcast %jit3A_159 : i32 to vector<16xi32>
      %select_n3A_161 = arith.select %eq3A_158, %broadcast_in_dim3A_160, %get3A_157 : vector<16xi1>, vector<16xi32>
      %swap3A_162 = arith.constant 1 : i32
      %swap3A_163 = arith.index_cast %swap3A_162 : i32 to index
      %swap3A_164 = arith.constant 0 : index
      %swap3A_165 = tpu.vector_load %arg9[%swap3A_163, %swap3A_164] {strides = array<i32>} : memref<25x80xi32, #tpu.memory_space<vmem>>, vector<16xi32>,
      tpu.vector_store %arg9[%swap3A_163, %swap3A_164], %select_n3A_161 {strides = array<i32>} : memref<25x80xi32, #tpu.memory_space<vmem>>, vector<16xi32>,
      tpu.vector_store_idx %arg13[%select_n3A_161], %broadcast_in_dim3A_56 {add = true} : memref<10240xf32, #tpu.memory_space<vmem>>[vector<16xi32>], vector<16xf32>,
      %get3A_166 = arith.constant 96 : index
      %get3A_167 = tpu.vector_load %arg7[%get3A_166] {strides = array<i32>} : memref<2000xi32, #tpu.memory_space<vmem>>, vector<16xi32>,
      %get3A_168 = arith.constant 96 : index
      %get3A_169 = tpu.vector_load %arg8[%get3A_168] {strides = array<i32>} : memref<2000xi32, #tpu.memory_space<vmem>>, vector<16xi32>,
      %eq3A_170 = arith.cmpi eq, %get3A_167, %get3A_169 : vector<16xi32>
      %jit3A_171 = arith.constant 10000 : i32
      %broadcast_in_dim3A_172 = vector.broadcast %jit3A_171 : i32 to vector<16xi32>
      %select_n3A_173 = arith.select %eq3A_170, %broadcast_in_dim3A_172, %get3A_169 : vector<16xi1>, vector<16xi32>
      %swap3A_174 = arith.constant 1 : i32
      %swap3A_175 = arith.index_cast %swap3A_174 : i32 to index
      %swap3A_176 = arith.constant 16 : index
      %swap3A_177 = tpu.vector_load %arg9[%swap3A_175, %swap3A_176] {strides = array<i32>} : memref<25x80xi32, #tpu.memory_space<vmem>>, vector<16xi32>,
      tpu.vector_store %arg9[%swap3A_175, %swap3A_176], %select_n3A_173 {strides = array<i32>} : memref<25x80xi32, #tpu.memory_space<vmem>>, vector<16xi32>,
      tpu.vector_store_idx %arg13[%select_n3A_173], %broadcast_in_dim3A_56 {add = true} : memref<10240xf32, #tpu.memory_space<vmem>>[vector<16xi32>], vector<16xf32>,
      %get3A_178 = arith.constant 112 : index
      %get3A_179 = tpu.vector_load %arg7[%get3A_178] {strides = array<i32>} : memref<2000xi32, #tpu.memory_space<vmem>>, vector<16xi32>,
      %get3A_180 = arith.constant 112 : index
      %get3A_181 = tpu.vector_load %arg8[%get3A_180] {strides = array<i32>} : memref<2000xi32, #tpu.memory_space<vmem>>, vector<16xi32>,
      %eq3A_182 = arith.cmpi eq, %get3A_179, %get3A_181 : vector<16xi32>
      %jit3A_183 = arith.constant 10000 : i32
      %broadcast_in_dim3A_184 = vector.broadcast %jit3A_183 : i32 to vector<16xi32>
      %select_n3A_185 = arith.select %eq3A_182, %broadcast_in_dim3A_184, %get3A_181 : vector<16xi1>, vector<16xi32>
      %swap3A_186 = arith.constant 1 : i32
      %swap3A_187 = arith.index_cast %swap3A_186 : i32 to index
      %swap3A_188 = arith.constant 32 : index
      %swap3A_189 = tpu.vector_load %arg9[%swap3A_187, %swap3A_188] {strides = array<i32>} : memref<25x80xi32, #tpu.memory_space<vmem>>, vector<16xi32>,
      tpu.vector_store %arg9[%swap3A_187, %swap3A_188], %select_n3A_185 {strides = array<i32>} : memref<25x80xi32, #tpu.memory_space<vmem>>, vector<16xi32>,
      tpu.vector_store_idx %arg13[%select_n3A_185], %broadcast_in_dim3A_56 {add = true} : memref<10240xf32, #tpu.memory_space<vmem>>[vector<16xi32>], vector<16xf32>,
      %get3A_190 = arith.constant 128 : index
      %get3A_191 = tpu.vector_load %arg7[%get3A_190] {strides = array<i32>} : memref<2000xi32, #tpu.memory_space<vmem>>, vector<16xi32>,
      %get3A_192 = arith.constant 128 : index
      %get3A_193 = tpu.vector_load %arg8[%get3A_192] {strides = array<i32>} : memref<2000xi32, #tpu.memory_space<vmem>>, vector<16xi32>,
      %eq3A_194 = arith.cmpi eq, %get3A_191, %get3A_193 : vector<16xi32>
      %jit3A_195 = arith.constant 10000 : i32
      %broadcast_in_dim3A_196 = vector.broadcast %jit3A_195 : i32 to vector<16xi32>
      %select_n3A_197 = arith.select %eq3A_194, %broadcast_in_dim3A_196, %get3A_193 : vector<16xi1>, vector<16xi32>
      %swap3A_198 = arith.constant 1 : i32
      %swap3A_199 = arith.index_cast %swap3A_198 : i32 to index
      %swap3A_200 = arith.constant 48 : index
      %swap3A_201 = tpu.vector_load %arg9[%swap3A_199, %swap3A_200] {strides = array<i32>} : memref<25x80xi32, #tpu.memory_space<vmem>>, vector<16xi32>,
      tpu.vector_store %arg9[%swap3A_199, %swap3A_200], %select_n3A_197 {strides = array<i32>} : memref<25x80xi32, #tpu.memory_space<vmem>>, vector<16xi32>,
      tpu.vector_store_idx %arg13[%select_n3A_197], %broadcast_in_dim3A_56 {add = true} : memref<10240xf32, #tpu.memory_space<vmem>>[vector<16xi32>], vector<16xf32>,
      %get3A_202 = arith.constant 144 : index
      %get3A_203 = tpu.vector_load %arg7[%get3A_202] {strides = array<i32>} : memref<2000xi32, #tpu.memory_space<vmem>>, vector<16xi32>,
      %get3A_204 = arith.constant 144 : index
      %get3A_205 = tpu.vector_load %arg8[%get3A_204] {strides = array<i32>} : memref<2000xi32, #tpu.memory_space<vmem>>, vector<16xi32>,
      %eq3A_206 = arith.cmpi eq, %get3A_203, %get3A_205 : vector<16xi32>
      %jit3A_207 = arith.constant 10000 : i32
      %broadcast_in_dim3A_208 = vector.broadcast %jit3A_207 : i32 to vector<16xi32>
      %select_n3A_209 = arith.select %eq3A_206, %broadcast_in_dim3A_208, %get3A_205 : vector<16xi1>, vector<16xi32>
      %swap3A_210 = arith.constant 1 : i32
      %swap3A_211 = arith.index_cast %swap3A_210 : i32 to index
      %swap3A_212 = arith.constant 64 : index
      %swap3A_213 = tpu.vector_load %arg9[%swap3A_211, %swap3A_212] {strides = array<i32>} : memref<25x80xi32, #tpu.memory_space<vmem>>, vector<16xi32>,
      tpu.vector_store %arg9[%swap3A_211, %swap3A_212], %select_n3A_209 {strides = array<i32>} : memref<25x80xi32, #tpu.memory_space<vmem>>, vector<16xi32>,
      tpu.vector_store_idx %arg13[%select_n3A_209], %broadcast_in_dim3A_56 {add = true} : memref<10240xf32, #tpu.memory_space<vmem>>[vector<16xi32>], vector<16xf32>,
      %dma_wait3A_214 = arith.constant 0 : i32
      %dma_wait3A_215 = tpu.memref_slice %arg7[%dma_wait3A_214] : memref<2000xi32, #tpu.memory_space<vmem>> -> memref<80xi32, #tpu.memory_space<vmem>>
      %dma_wait3A_216 = arith.constant 0 : i32
      %dma_wait3A_217 = arith.constant 0 : i32
      %dma_wait3A_218 = tpu.memref_slice %arg3[%dma_wait3A_216, %dma_wait3A_217] : memref<10000x128xbf16, #tpu.memory_space<hbm>> -> memref<10000x128xbf16, #tpu.memory_space<hbm>>
      tpu.wait_indirect_dma semaphore(%arg15 : memref<!tpu.dma_semaphore, #tpu.memory_space<semaphore_mem>>) src(%dma_wait3A_218 : memref<10000x128xbf16, #tpu.memory_space<hbm>>) dst(%arg10 : memref<80x128xbf16, #tpu.memory_space<vmem>>)
      %dma_start3A_219 = arith.constant 0 : i32
      %dma_start3A_220 = arith.constant 0 : i32
      %dma_start3A_221 = tpu.memref_slice %arg9[%dma_start3A_219, %dma_start3A_220] : memref<25x80xi32, #tpu.memory_space<vmem>> -> memref<1x80xi32, #tpu.memory_space<vmem>>
      %dma_start3A_222 = tpu.memref_squeeze %dma_start3A_221 : memref<1x80xi32, #tpu.memory_space<vmem>> -> memref<80xi32, #tpu.memory_space<vmem>>
      %dma_start3A_223 = arith.constant 0 : i32
      %dma_start3A_224 = arith.constant 0 : i32
      %dma_start3A_225 = tpu.memref_slice %arg6[%dma_start3A_223, %dma_start3A_224] : memref<10240x128xbf16, #tpu.memory_space<vmem_shared>> -> memref<10240x128xbf16, #tpu.memory_space<vmem_shared>>
      tpu.enqueue_indirect_dma source(%arg10 : memref<80x128xbf16, #tpu.memory_space<vmem>>) target(%dma_start3A_225 : memref<10240x128xbf16, #tpu.memory_space<vmem_shared>>) offsets(%dma_start3A_222 : memref<80xi32, #tpu.memory_space<vmem>>) semaphore(%arg18 : memref<!tpu.dma_semaphore, #tpu.memory_space<semaphore_mem>>) {add = true}
      %dma_start3A_226 = arith.constant 160 : i32
      %dma_start3A_227 = tpu.memref_slice %arg7[%dma_start3A_226] : memref<2000xi32, #tpu.memory_space<vmem>> -> memref<80xi32, #tpu.memory_space<vmem>>
      %dma_start3A_228 = arith.constant 0 : i32
      %dma_start3A_229 = arith.constant 0 : i32
      %dma_start3A_230 = tpu.memref_slice %arg3[%dma_start3A_228, %dma_start3A_229] : memref<10000x128xbf16, #tpu.memory_space<hbm>> -> memref<10000x128xbf16, #tpu.memory_space<hbm>>
      tpu.enqueue_indirect_dma source(%dma_start3A_230 : memref<10000x128xbf16, #tpu.memory_space<hbm>>) target(%arg12 : memref<80x128xbf16, #tpu.memory_space<vmem>>) offsets(%dma_start3A_227 : memref<80xi32, #tpu.memory_space<vmem>>) semaphore(%arg17 : memref<!tpu.dma_semaphore, #tpu.memory_space<semaphore_mem>>)
      %get3A_231 = arith.constant 160 : index
      %get3A_232 = tpu.vector_load %arg7[%get3A_231] {strides = array<i32>} : memref<2000xi32, #tpu.memory_space<vmem>>, vector<16xi32>,
      %get3A_233 = arith.constant 160 : index
      %get3A_234 = tpu.vector_load %arg8[%get3A_233] {strides = array<i32>} : memref<2000xi32, #tpu.memory_space<vmem>>, vector<16xi32>,
      %eq3A_235 = arith.cmpi eq, %get3A_232, %get3A_234 : vector<16xi32>
      %jit3A_236 = arith.constant 10000 : i32
      %broadcast_in_dim3A_237 = vector.broadcast %jit3A_236 : i32 to vector<16xi32>
      %select_n3A_238 = arith.select %eq3A_235, %broadcast_in_dim3A_237, %get3A_234 : vector<16xi1>, vector<16xi32>
      %swap3A_239 = arith.constant 2 : i32
      %swap3A_240 = arith.index_cast %swap3A_239 : i32 to index
      %swap3A_241 = arith.constant 0 : index
      %swap3A_242 = tpu.vector_load %arg9[%swap3A_240, %swap3A_241] {strides = array<i32>} : memref<25x80xi32, #tpu.memory_space<vmem>>, vector<16xi32>,
      tpu.vector_store %arg9[%swap3A_240, %swap3A_241], %select_n3A_238 {strides = array<i32>} : memref<25x80xi32, #tpu.memory_space<vmem>>, vector<16xi32>,
      tpu.vector_store_idx %arg13[%select_n3A_238], %broadcast_in_dim3A_56 {add = true} : memref<10240xf32, #tpu.memory_space<vmem>>[vector<16xi32>], vector<16xf32>,
      %get3A_243 = arith.constant 176 : index
      %get3A_244 = tpu.vector_load %arg7[%get3A_243] {strides = array<i32>} : memref<2000xi32, #tpu.memory_space<vmem>>, vector<16xi32>,
      %get3A_245 = arith.constant 176 : index
      %get3A_246 = tpu.vector_load %arg8[%get3A_245] {strides = array<i32>} : memref<2000xi32, #tpu.memory_space<vmem>>, vector<16xi32>,
      %eq3A_247 = arith.cmpi eq, %get3A_244, %get3A_246 : vector<16xi32>
      %jit3A_248 = arith.constant 10000 : i32
      %broadcast_in_dim3A_249 = vector.broadcast %jit3A_248 : i32 to vector<16xi32>
      %select_n3A_250 = arith.select %eq3A_247, %broadcast_in_dim3A_249, %get3A_246 : vector<16xi1>, vector<16xi32>
      %swap3A_251 = arith.constant 2 : i32
      %swap3A_252 = arith.index_cast %swap3A_251 : i32 to index
      %swap3A_253 = arith.constant 16 : index
      %swap3A_254 = tpu.vector_load %arg9[%swap3A_252, %swap3A_253] {strides = array<i32>} : memref<25x80xi32, #tpu.memory_space<vmem>>, vector<16xi32>,
      tpu.vector_store %arg9[%swap3A_252, %swap3A_253], %select_n3A_250 {strides = array<i32>} : memref<25x80xi32, #tpu.memory_space<vmem>>, vector<16xi32>,
      tpu.vector_store_idx %arg13[%select_n3A_250], %broadcast_in_dim3A_56 {add = true} : memref<10240xf32, #tpu.memory_space<vmem>>[vector<16xi32>], vector<16xf32>,
      %get3A_255 = arith.constant 192 : index
      %get3A_256 = tpu.vector_load %arg7[%get3A_255] {strides = array<i32>} : memref<2000xi32, #tpu.memory_space<vmem>>, vector<16xi32>,
      %get3A_257 = arith.constant 192 : index
      %get3A_258 = tpu.vector_load %arg8[%get3A_257] {strides = array<i32>} : memref<2000xi32, #tpu.memory_space<vmem>>, vector<16xi32>,
      %eq3A_259 = arith.cmpi eq, %get3A_256, %get3A_258 : vector<16xi32>
      %jit3A_260 = arith.constant 10000 : i32
      %broadcast_in_dim3A_261 = vector.broadcast %jit3A_260 : i32 to vector<16xi32>
      %select_n3A_262 = arith.select %eq3A_259, %broadcast_in_dim3A_261, %get3A_258 : vector<16xi1>, vector<16xi32>
      %swap3A_263 = arith.constant 2 : i32
      %swap3A_264 = arith.index_cast %swap3A_263 : i32 to index
      %swap3A_265 = arith.constant 32 : index
      %swap3A_266 = tpu.vector_load %arg9[%swap3A_264, %swap3A_265] {strides = array<i32>} : memref<25x80xi32, #tpu.memory_space<vmem>>, vector<16xi32>,
      tpu.vector_store %arg9[%swap3A_264, %swap3A_265], %select_n3A_262 {strides = array<i32>} : memref<25x80xi32, #tpu.memory_space<vmem>>, vector<16xi32>,
      tpu.vector_store_idx %arg13[%select_n3A_262], %broadcast_in_dim3A_56 {add = true} : memref<10240xf32, #tpu.memory_space<vmem>>[vector<16xi32>], vector<16xf32>,
      %get3A_267 = arith.constant 208 : index
      %get3A_268 = tpu.vector_load %arg7[%get3A_267] {strides = array<i32>} : memref<2000xi32, #tpu.memory_space<vmem>>, vector<16xi32>,
      %get3A_269 = arith.constant 208 : index
      %get3A_270 = tpu.vector_load %arg8[%get3A_269] {strides = array<i32>} : memref<2000xi32, #tpu.memory_space<vmem>>, vector<16xi32>,
      %eq3A_271 = arith.cmpi eq, %get3A_268, %get3A_270 : vector<16xi32>
      %jit3A_272 = arith.constant 10000 : i32
      %broadcast_in_dim3A_273 = vector.broadcast %jit3A_272 : i32 to vector<16xi32>
      %select_n3A_274 = arith.select %eq3A_271, %broadcast_in_dim3A_273, %get3A_270 : vector<16xi1>, vector<16xi32>
      %swap3A_275 = arith.constant 2 : i32
      %swap3A_276 = arith.index_cast %swap3A_275 : i32 to index
      %swap3A_277 = arith.constant 48 : index
      %swap3A_278 = tpu.vector_load %arg9[%swap3A_276, %swap3A_277] {strides = array<i32>} : memref<25x80xi32, #tpu.memory_space<vmem>>, vector<16xi32>,
      tpu.vector_store %arg9[%swap3A_276, %swap3A_277], %select_n3A_274 {strides = array<i32>} : memref<25x80xi32, #tpu.memory_space<vmem>>, vector<16xi32>,
      tpu.vector_store_idx %arg13[%select_n3A_274], %broadcast_in_dim3A_56 {add = true} : memref<10240xf32, #tpu.memory_space<vmem>>[vector<16xi32>], vector<16xf32>,
      %get3A_279 = arith.constant 224 : index
      %get3A_280 = tpu.vector_load %arg7[%get3A_279] {strides = array<i32>} : memref<2000xi32, #tpu.memory_space<vmem>>, vector<16xi32>,
      %get3A_281 = arith.constant 224 : index
      %get3A_282 = tpu.vector_load %arg8[%get3A_281] {strides = array<i32>} : memref<2000xi32, #tpu.memory_space<vmem>>, vector<16xi32>,
      %eq3A_283 = arith.cmpi eq, %get3A_280, %get3A_282 : vector<16xi32>
      %jit3A_284 = arith.constant 10000 : i32
      %broadcast_in_dim3A_285 = vector.broadcast %jit3A_284 : i32 to vector<16xi32>
      %select_n3A_286 = arith.select %eq3A_283, %broadcast_in_dim3A_285, %get3A_282 : vector<16xi1>, vector<16xi32>
      %swap3A_287 = arith.constant 2 : i32
      %swap3A_288 = arith.index_cast %swap3A_287 : i32 to index
      %swap3A_289 = arith.constant 64 : index
      %swap3A_290 = tpu.vector_load %arg9[%swap3A_288, %swap3A_289] {strides = array<i32>} : memref<25x80xi32, #tpu.memory_space<vmem>>, vector<16xi32>,
      tpu.vector_store %arg9[%swap3A_288, %swap3A_289], %select_n3A_286 {strides = array<i32>} : memref<25x80xi32, #tpu.memory_space<vmem>>, vector<16xi32>,
      tpu.vector_store_idx %arg13[%select_n3A_286], %broadcast_in_dim3A_56 {add = true} : memref<10240xf32, #tpu.memory_space<vmem>>[vector<16xi32>], vector<16xf32>,
      %dma_wait3A_291 = arith.constant 80 : i32
      %dma_wait3A_292 = tpu.memref_slice %arg7[%dma_wait3A_291] : memref<2000xi32, #tpu.memory_space<vmem>> -> memref<80xi32, #tpu.memory_space<vmem>>
      %dma_wait3A_293 = arith.constant 0 : i32
      %dma_wait3A_294 = arith.constant 0 : i32
      %dma_wait3A_295 = tpu.memref_slice %arg3[%dma_wait3A_293, %dma_wait3A_294] : memref<10000x128xbf16, #tpu.memory_space<hbm>> -> memref<10000x128xbf16, #tpu.memory_space<hbm>>
      tpu.wait_indirect_dma semaphore(%arg16 : memref<!tpu.dma_semaphore, #tpu.memory_space<semaphore_mem>>) src(%dma_wait3A_295 : memref<10000x128xbf16, #tpu.memory_space<hbm>>) dst(%arg11 : memref<80x128xbf16, #tpu.memory_space<vmem>>)
      %dma_start3A_296 = arith.constant 1 : i32
      %dma_start3A_297 = arith.constant 0 : i32
      %dma_start3A_298 = tpu.memref_slice %arg9[%dma_start3A_296, %dma_start3A_297] : memref<25x80xi32, #tpu.memory_space<vmem>> -> memref<1x80xi32, #tpu.memory_space<vmem>>
      %dma_start3A_299 = tpu.memref_squeeze %dma_start3A_298 : memref<1x80xi32, #tpu.memory_space<vmem>> -> memref<80xi32, #tpu.memory_space<vmem>>
      %dma_start3A_300 = arith.constant 0 : i32
      %dma_start3A_301 = arith.constant 0 : i32
      %dma_start3A_302 = tpu.memref_slice %arg6[%dma_start3A_300, %dma_start3A_301] : memref<10240x128xbf16, #tpu.memory_space<vmem_shared>> -> memref<10240x128xbf16, #tpu.memory_space<vmem_shared>>
      tpu.enqueue_indirect_dma source(%arg11 : memref<80x128xbf16, #tpu.memory_space<vmem>>) target(%dma_start3A_302 : memref<10240x128xbf16, #tpu.memory_space<vmem_shared>>) offsets(%dma_start3A_299 : memref<80xi32, #tpu.memory_space<vmem>>) semaphore(%arg18 : memref<!tpu.dma_semaphore, #tpu.memory_space<semaphore_mem>>) {add = true}
      %dma_wait3A_303 = arith.constant 0 : i32
      %dma_wait3A_304 = arith.constant 0 : i32
      %dma_wait3A_305 = tpu.memref_slice %arg9[%dma_wait3A_303, %dma_wait3A_304] : memref<25x80xi32, #tpu.memory_space<vmem>> -> memref<1x80xi32, #tpu.memory_space<vmem>>
      %dma_wait3A_306 = tpu.memref_squeeze %dma_wait3A_305 : memref<1x80xi32, #tpu.memory_space<vmem>> -> memref<80xi32, #tpu.memory_space<vmem>>
      %dma_wait3A_307 = arith.constant 0 : i32
      %dma_wait3A_308 = arith.constant 0 : i32
      %dma_wait3A_309 = tpu.memref_slice %arg6[%dma_wait3A_307, %dma_wait3A_308] : memref<10240x128xbf16, #tpu.memory_space<vmem_shared>> -> memref<10240x128xbf16, #tpu.memory_space<vmem_shared>>
      tpu.wait_indirect_dma semaphore(%arg18 : memref<!tpu.dma_semaphore, #tpu.memory_space<semaphore_mem>>) src(%arg10 : memref<80x128xbf16, #tpu.memory_space<vmem>>) dst(%dma_wait3A_309 : memref<10240x128xbf16, #tpu.memory_space<vmem_shared>>)
      %dma_start3A_310 = arith.constant 240 : i32
      %dma_start3A_311 = tpu.memref_slice %arg7[%dma_start3A_310] : memref<2000xi32, #tpu.memory_space<vmem>> -> memref<80xi32, #tpu.memory_space<vmem>>
      %dma_start3A_312 = arith.constant 0 : i32
      %dma_start3A_313 = arith.constant 0 : i32
      %dma_start3A_314 = tpu.memref_slice %arg3[%dma_start3A_312, %dma_start3A_313] : memref<10000x128xbf16, #tpu.memory_space<hbm>> -> memref<10000x128xbf16, #tpu.memory_space<hbm>>
      tpu.enqueue_indirect_dma source(%dma_start3A_314 : memref<10000x128xbf16, #tpu.memory_space<hbm>>) target(%arg10 : memref<80x128xbf16, #tpu.memory_space<vmem>>) offsets(%dma_start3A_311 : memref<80xi32, #tpu.memory_space<vmem>>) semaphore(%arg15 : memref<!tpu.dma_semaphore, #tpu.memory_space<semaphore_mem>>)
      %get3A_315 = arith.constant 240 : index
      %get3A_316 = tpu.vector_load %arg7[%get3A_315] {strides = array<i32>} : memref<2000xi32, #tpu.memory_space<vmem>>, vector<16xi32>,
      %get3A_317 = arith.constant 240 : index
      %get3A_318 = tpu.vector_load %arg8[%get3A_317] {strides = array<i32>} : memref<2000xi32, #tpu.memory_space<vmem>>, vector<16xi32>,
      %eq3A_319 = arith.cmpi eq, %get3A_316, %get3A_318 : vector<16xi32>
      %jit3A_320 = arith.constant 10000 : i32
      %broadcast_in_dim3A_321 = vector.broadcast %jit3A_320 : i32 to vector<16xi32>
      %select_n3A_322 = arith.select %eq3A_319, %broadcast_in_dim3A_321, %get3A_318 : vector<16xi1>, vector<16xi32>
      %swap3A_323 = arith.constant 3 : i32
      %swap3A_324 = arith.index_cast %swap3A_323 : i32 to index
      %swap3A_325 = arith.constant 0 : index
      %swap3A_326 = tpu.vector_load %arg9[%swap3A_324, %swap3A_325] {strides = array<i32>} : memref<25x80xi32, #tpu.memory_space<vmem>>, vector<16xi32>,
      tpu.vector_store %arg9[%swap3A_324, %swap3A_325], %select_n3A_322 {strides = array<i32>} : memref<25x80xi32, #tpu.memory_space<vmem>>, vector<16xi32>,
      tpu.vector_store_idx %arg13[%select_n3A_322], %broadcast_in_dim3A_56 {add = true} : memref<10240xf32, #tpu.memory_space<vmem>>[vector<16xi32>], vector<16xf32>,
      %get3A_327 = arith.constant 256 : index
      %get3A_328 = tpu.vector_load %arg7[%get3A_327] {strides = array<i32>} : memref<2000xi32, #tpu.memory_space<vmem>>, vector<16xi32>,
      %get3A_329 = arith.constant 256 : index
      %get3A_330 = tpu.vector_load %arg8[%get3A_329] {strides = array<i32>} : memref<2000xi32, #tpu.memory_space<vmem>>, vector<16xi32>,
      %eq3A_331 = arith.cmpi eq, %get3A_328, %get3A_330 : vector<16xi32>
      %jit3A_332 = arith.constant 10000 : i32
      %broadcast_in_dim3A_333 = vector.broadcast %jit3A_332 : i32 to vector<16xi32>
      %select_n3A_334 = arith.select %eq3A_331, %broadcast_in_dim3A_333, %get3A_330 : vector<16xi1>, vector<16xi32>
      %swap3A_335 = arith.constant 3 : i32
      %swap3A_336 = arith.index_cast %swap3A_335 : i32 to index
      %swap3A_337 = arith.constant 16 : index
      %swap3A_338 = tpu.vector_load %arg9[%swap3A_336, %swap3A_337] {strides = array<i32>} : memref<25x80xi32, #tpu.memory_space<vmem>>, vector<16xi32>,
      tpu.vector_store %arg9[%swap3A_336, %swap3A_337], %select_n3A_334 {strides = array<i32>} : memref<25x80xi32, #tpu.memory_space<vmem>>, vector<16xi32>,
      tpu.vector_store_idx %arg13[%select_n3A_334], %broadcast_in_dim3A_56 {add = true} : memref<10240xf32, #tpu.memory_space<vmem>>[vector<16xi32>], vector<16xf32>,
      %get3A_339 = arith.constant 272 : index
      %get3A_340 = tpu.vector_load %arg7[%get3A_339] {strides = array<i32>} : memref<2000xi32, #tpu.memory_space<vmem>>, vector<16xi32>,
      %get3A_341 = arith.constant 272 : index
      %get3A_342 = tpu.vector_load %arg8[%get3A_341] {strides = array<i32>} : memref<2000xi32, #tpu.memory_space<vmem>>, vector<16xi32>,
      %eq3A_343 = arith.cmpi eq, %get3A_340, %get3A_342 : vector<16xi32>
      %jit3A_344 = arith.constant 10000 : i32
      %broadcast_in_dim3A_345 = vector.broadcast %jit3A_344 : i32 to vector<16xi32>
      %select_n3A_346 = arith.select %eq3A_343, %broadcast_in_dim3A_345, %get3A_342 : vector<16xi1>, vector<16xi32>
      %swap3A_347 = arith.constant 3 : i32
      %swap3A_348 = arith.index_cast %swap3A_347 : i32 to index
      %swap3A_349 = arith.constant 32 : index
      %swap3A_350 = tpu.vector_load %arg9[%swap3A_348, %swap3A_349] {strides = array<i32>} : memref<25x80xi32, #tpu.memory_space<vmem>>, vector<16xi32>,
      tpu.vector_store %arg9[%swap3A_348, %swap3A_349], %select_n3A_346 {strides = array<i32>} : memref<25x80xi32, #tpu.memory_space<vmem>>, vector<16xi32>,
      tpu.vector_store_idx %arg13[%select_n3A_346], %broadcast_in_dim3A_56 {add = true} : memref<10240xf32, #tpu.memory_space<vmem>>[vector<16xi32>], vector<16xf32>,
      %get3A_351 = arith.constant 288 : index
      %get3A_352 = tpu.vector_load %arg7[%get3A_351] {strides = array<i32>} : memref<2000xi32, #tpu.memory_space<vmem>>, vector<16xi32>,
      %get3A_353 = arith.constant 288 : index
      %get3A_354 = tpu.vector_load %arg8[%get3A_353] {strides = array<i32>} : memref<2000xi32, #tpu.memory_space<vmem>>, vector<16xi32>,
      %eq3A_355 = arith.cmpi eq, %get3A_352, %get3A_354 : vector<16xi32>
      %jit3A_356 = arith.constant 10000 : i32
      %broadcast_in_dim3A_357 = vector.broadcast %jit3A_356 : i32 to vector<16xi32>
      %select_n3A_358 = arith.select %eq3A_355, %broadcast_in_dim3A_357, %get3A_354 : vector<16xi1>, vector<16xi32>
      %swap3A_359 = arith.constant 3 : i32
      %swap3A_360 = arith.index_cast %swap3A_359 : i32 to index
      %swap3A_361 = arith.constant 48 : index
      %swap3A_362 = tpu.vector_load %arg9[%swap3A_360, %swap3A_361] {strides = array<i32>} : memref<25x80xi32, #tpu.memory_space<vmem>>, vector<16xi32>,
      tpu.vector_store %arg9[%swap3A_360, %swap3A_361], %select_n3A_358 {strides = array<i32>} : memref<25x80xi32, #tpu.memory_space<vmem>>, vector<16xi32>,
      tpu.vector_store_idx %arg13[%select_n3A_358], %broadcast_in_dim3A_56 {add = true} : memref<10240xf32, #tpu.memory_space<vmem>>[vector<16xi32>], vector<16xf32>,
      %get3A_363 = arith.constant 304 : index
      %get3A_364 = tpu.vector_load %arg7[%get3A_363] {strides = array<i32>} : memref<2000xi32, #tpu.memory_space<vmem>>, vector<16xi32>,
      %get3A_365 = arith.constant 304 : index
      %get3A_366 = tpu.vector_load %arg8[%get3A_365] {strides = array<i32>} : memref<2000xi32, #tpu.memory_space<vmem>>, vector<16xi32>,
      %eq3A_367 = arith.cmpi eq, %get3A_364, %get3A_366 : vector<16xi32>
      %jit3A_368 = arith.constant 10000 : i32
      %broadcast_in_dim3A_369 = vector.broadcast %jit3A_368 : i32 to vector<16xi32>
      %select_n3A_370 = arith.select %eq3A_367, %broadcast_in_dim3A_369, %get3A_366 : vector<16xi1>, vector<16xi32>
      %swap3A_371 = arith.constant 3 : i32
      %swap3A_372 = arith.index_cast %swap3A_371 : i32 to index
      %swap3A_373 = arith.constant 64 : index
      %swap3A_374 = tpu.vector_load %arg9[%swap3A_372, %swap3A_373] {strides = array<i32>} : memref<25x80xi32, #tpu.memory_space<vmem>>, vector<16xi32>,
      tpu.vector_store %arg9[%swap3A_372, %swap3A_373], %select_n3A_370 {strides = array<i32>} : memref<25x80xi32, #tpu.memory_space<vmem>>, vector<16xi32>,
      tpu.vector_store_idx %arg13[%select_n3A_370], %broadcast_in_dim3A_56 {add = true} : memref<10240xf32, #tpu.memory_space<vmem>>[vector<16xi32>], vector<16xf32>,
      %dma_wait3A_375 = arith.constant 160 : i32
      %dma_wait3A_376 = tpu.memref_slice %arg7[%dma_wait3A_375] : memref<2000xi32, #tpu.memory_space<vmem>> -> memref<80xi32, #tpu.memory_space<vmem>>
      %dma_wait3A_377 = arith.constant 0 : i32
      %dma_wait3A_378 = arith.constant 0 : i32
      %dma_wait3A_379 = tpu.memref_slice %arg3[%dma_wait3A_377, %dma_wait3A_378] : memref<10000x128xbf16, #tpu.memory_space<hbm>> -> memref<10000x128xbf16, #tpu.memory_space<hbm>>
      tpu.wait_indirect_dma semaphore(%arg17 : memref<!tpu.dma_semaphore, #tpu.memory_space<semaphore_mem>>) src(%dma_wait3A_379 : memref<10000x128xbf16, #tpu.memory_space<hbm>>) dst(%arg12 : memref<80x128xbf16, #tpu.memory_space<vmem>>)
      %dma_start3A_380 = arith.constant 2 : i32
      %dma_start3A_381 = arith.constant 0 : i32
      %dma_start3A_382 = tpu.memref_slice %arg9[%dma_start3A_380, %dma_start3A_381] : memref<25x80xi32, #tpu.memory_space<vmem>> -> memref<1x80xi32, #tpu.memory_space<vmem>>
      %dma_start3A_383 = tpu.memref_squeeze %dma_start3A_382 : memref<1x80xi32, #tpu.memory_space<vmem>> -> memref<80xi32, #tpu.memory_space<vmem>>
      %dma_start3A_384 = arith.constant 0 : i32
      %dma_start3A_385 = arith.constant 0 : i32
      %dma_start3A_386 = tpu.memref_slice %arg6[%dma_start3A_384, %dma_start3A_385] : memref<10240x128xbf16, #tpu.memory_space<vmem_shared>> -> memref<10240x128xbf16, #tpu.memory_space<vmem_shared>>
      tpu.enqueue_indirect_dma source(%arg12 : memref<80x128xbf16, #tpu.memory_space<vmem>>) target(%dma_start3A_386 : memref<10240x128xbf16, #tpu.memory_space<vmem_shared>>) offsets(%dma_start3A_383 : memref<80xi32, #tpu.memory_space<vmem>>) semaphore(%arg18 : memref<!tpu.dma_semaphore, #tpu.memory_space<semaphore_mem>>) {add = true}
      %dma_wait3A_387 = arith.constant 1 : i32
      %dma_wait3A_388 = arith.constant 0 : i32
      %dma_wait3A_389 = tpu.memref_slice %arg9[%dma_wait3A_387, %dma_wait3A_388] : memref<25x80xi32, #tpu.memory_space<vmem>> -> memref<1x80xi32, #tpu.memory_space<vmem>>
      %dma_wait3A_390 = tpu.memref_squeeze %dma_wait3A_389 : memref<1x80xi32, #tpu.memory_space<vmem>> -> memref<80xi32, #tpu.memory_space<vmem>>
      %dma_wait3A_391 = arith.constant 0 : i32
      %dma_wait3A_392 = arith.constant 0 : i32
      %dma_wait3A_393 = tpu.memref_slice %arg6[%dma_wait3A_391, %dma_wait3A_392] : memref<10240x128xbf16, #tpu.memory_space<vmem_shared>> -> memref<10240x128xbf16, #tpu.memory_space<vmem_shared>>
      tpu.wait_indirect_dma semaphore(%arg18 : memref<!tpu.dma_semaphore, #tpu.memory_space<semaphore_mem>>) src(%arg11 : memref<80x128xbf16, #tpu.memory_space<vmem>>) dst(%dma_wait3A_393 : memref<10240x128xbf16, #tpu.memory_space<vmem_shared>>)
      %dma_start3A_394 = arith.constant 320 : i32
      %dma_start3A_395 = tpu.memref_slice %arg7[%dma_start3A_394] : memref<2000xi32, #tpu.memory_space<vmem>> -> memref<80xi32, #tpu.memory_space<vmem>>
      %dma_start3A_396 = arith.constant 0 : i32
      %dma_start3A_397 = arith.constant 0 : i32
      %dma_start3A_398 = tpu.memref_slice %arg3[%dma_start3A_396, %dma_start3A_397] : memref<10000x128xbf16, #tpu.memory_space<hbm>> -> memref<10000x128xbf16, #tpu.memory_space<hbm>>
      tpu.enqueue_indirect_dma source(%dma_start3A_398 : memref<10000x128xbf16, #tpu.memory_space<hbm>>) target(%arg11 : memref<80x128xbf16, #tpu.memory_space<vmem>>) offsets(%dma_start3A_395 : memref<80xi32, #tpu.memory_space<vmem>>) semaphore(%arg16 : memref<!tpu.dma_semaphore, #tpu.memory_space<semaphore_mem>>)
      %get3A_399 = arith.constant 320 : index
      %get3A_400 = tpu.vector_load %arg7[%get3A_399] {strides = array<i32>} : memref<2000xi32, #tpu.memory_space<vmem>>, vector<16xi32>,
      %get3A_401 = arith.constant 320 : index
      %get3A_402 = tpu.vector_load %arg8[%get3A_401] {strides = array<i32>} : memref<2000xi32, #tpu.memory_space<vmem>>, vector<16xi32>,
      %eq3A_403 = arith.cmpi eq, %get3A_400, %get3A_402 : vector<16xi32>
      %jit3A_404 = arith.constant 10000 : i32
      %broadcast_in_dim3A_405 = vector.broadcast %jit3A_404 : i32 to vector<16xi32>
      %select_n3A_406 = arith.select %eq3A_403, %broadcast_in_dim3A_405, %get3A_402 : vector<16xi1>, vector<16xi32>
      %swap3A_407 = arith.constant 4 : i32
      %swap3A_408 = arith.index_cast %swap3A_407 : i32 to index
      %swap3A_409 = arith.constant 0 : index
      %swap3A_410 = tpu.vector_load %arg9[%swap3A_408, %swap3A_409] {strides = array<i32>} : memref<25x80xi32, #tpu.memory_space<vmem>>, vector<16xi32>,
      tpu.vector_store %arg9[%swap3A_408, %swap3A_409], %select_n3A_406 {strides = array<i32>} : memref<25x80xi32, #tpu.memory_space<vmem>>, vector<16xi32>,
      tpu.vector_store_idx %arg13[%select_n3A_406], %broadcast_in_dim3A_56 {add = true} : memref<10240xf32, #tpu.memory_space<vmem>>[vector<16xi32>], vector<16xf32>,
      %get3A_411 = arith.constant 336 : index
      %get3A_412 = tpu.vector_load %arg7[%get3A_411] {strides = array<i32>} : memref<2000xi32, #tpu.memory_space<vmem>>, vector<16xi32>,
      %get3A_413 = arith.constant 336 : index
      %get3A_414 = tpu.vector_load %arg8[%get3A_413] {strides = array<i32>} : memref<2000xi32, #tpu.memory_space<vmem>>, vector<16xi32>,
      %eq3A_415 = arith.cmpi eq, %get3A_412, %get3A_414 : vector<16xi32>
      %jit3A_416 = arith.constant 10000 : i32
      %broadcast_in_dim3A_417 = vector.broadcast %jit3A_416 : i32 to vector<16xi32>
      %select_n3A_418 = arith.select %eq3A_415, %broadcast_in_dim3A_417, %get3A_414 : vector<16xi1>, vector<16xi32>
      %swap3A_419 = arith.constant 4 : i32
      %swap3A_420 = arith.index_cast %swap3A_419 : i32 to index
      %swap3A_421 = arith.constant 16 : index
      %swap3A_422 = tpu.vector_load %arg9[%swap3A_420, %swap3A_421] {strides = array<i32>} : memref<25x80xi32, #tpu.memory_space<vmem>>, vector<16xi32>,
      tpu.vector_store %arg9[%swap3A_420, %swap3A_421], %select_n3A_418 {strides = array<i32>} : memref<25x80xi32, #tpu.memory_space<vmem>>, vector<16xi32>,
      tpu.vector_store_idx %arg13[%select_n3A_418], %broadcast_in_dim3A_56 {add = true} : memref<10240xf32, #tpu.memory_space<vmem>>[vector<16xi32>], vector<16xf32>,
      %get3A_423 = arith.constant 352 : index
      %get3A_424 = tpu.vector_load %arg7[%get3A_423] {strides = array<i32>} : memref<2000xi32, #tpu.memory_space<vmem>>, vector<16xi32>,
      %get3A_425 = arith.constant 352 : index
      %get3A_426 = tpu.vector_load %arg8[%get3A_425] {strides = array<i32>} : memref<2000xi32, #tpu.memory_space<vmem>>, vector<16xi32>,
      %eq3A_427 = arith.cmpi eq, %get3A_424, %get3A_426 : vector<16xi32>
      %jit3A_428 = arith.constant 10000 : i32
      %broadcast_in_dim3A_429 = vector.broadcast %jit3A_428 : i32 to vector<16xi32>
      %select_n3A_430 = arith.select %eq3A_427, %broadcast_in_dim3A_429, %get3A_426 : vector<16xi1>, vector<16xi32>
      %swap3A_431 = arith.constant 4 : i32
      %swap3A_432 = arith.index_cast %swap3A_431 : i32 to index
      %swap3A_433 = arith.constant 32 : index
      %swap3A_434 = tpu.vector_load %arg9[%swap3A_432, %swap3A_433] {strides = array<i32>} : memref<25x80xi32, #tpu.memory_space<vmem>>, vector<16xi32>,
      tpu.vector_store %arg9[%swap3A_432, %swap3A_433], %select_n3A_430 {strides = array<i32>} : memref<25x80xi32, #tpu.memory_space<vmem>>, vector<16xi32>,
      tpu.vector_store_idx %arg13[%select_n3A_430], %broadcast_in_dim3A_56 {add = true} : memref<10240xf32, #tpu.memory_space<vmem>>[vector<16xi32>], vector<16xf32>,
      %get3A_435 = arith.constant 368 : index
      %get3A_436 = tpu.vector_load %arg7[%get3A_435] {strides = array<i32>} : memref<2000xi32, #tpu.memory_space<vmem>>, vector<16xi32>,
      %get3A_437 = arith.constant 368 : index
      %get3A_438 = tpu.vector_load %arg8[%get3A_437] {strides = array<i32>} : memref<2000xi32, #tpu.memory_space<vmem>>, vector<16xi32>,
      %eq3A_439 = arith.cmpi eq, %get3A_436, %get3A_438 : vector<16xi32>
      %jit3A_440 = arith.constant 10000 : i32
      %broadcast_in_dim3A_441 = vector.broadcast %jit3A_440 : i32 to vector<16xi32>
      %select_n3A_442 = arith.select %eq3A_439, %broadcast_in_dim3A_441, %get3A_438 : vector<16xi1>, vector<16xi32>
      %swap3A_443 = arith.constant 4 : i32
      %swap3A_444 = arith.index_cast %swap3A_443 : i32 to index
      %swap3A_445 = arith.constant 48 : index
      %swap3A_446 = tpu.vector_load %arg9[%swap3A_444, %swap3A_445] {strides = array<i32>} : memref<25x80xi32, #tpu.memory_space<vmem>>, vector<16xi32>,
      tpu.vector_store %arg9[%swap3A_444, %swap3A_445], %select_n3A_442 {strides = array<i32>} : memref<25x80xi32, #tpu.memory_space<vmem>>, vector<16xi32>,
      tpu.vector_store_idx %arg13[%select_n3A_442], %broadcast_in_dim3A_56 {add = true} : memref<10240xf32, #tpu.memory_space<vmem>>[vector<16xi32>], vector<16xf32>,
      %get3A_447 = arith.constant 384 : index
      %get3A_448 = tpu.vector_load %arg7[%get3A_447] {strides = array<i32>} : memref<2000xi32, #tpu.memory_space<vmem>>, vector<16xi32>,
      %get3A_449 = arith.constant 384 : index
      %get3A_450 = tpu.vector_load %arg8[%get3A_449] {strides = array<i32>} : memref<2000xi32, #tpu.memory_space<vmem>>, vector<16xi32>,
      %eq3A_451 = arith.cmpi eq, %get3A_448, %get3A_450 : vector<16xi32>
      %jit3A_452 = arith.constant 10000 : i32
      %broadcast_in_dim3A_453 = vector.broadcast %jit3A_452 : i32 to vector<16xi32>
      %select_n3A_454 = arith.select %eq3A_451, %broadcast_in_dim3A_453, %get3A_450 : vector<16xi1>, vector<16xi32>
      %swap3A_455 = arith.constant 4 : i32
      %swap3A_456 = arith.index_cast %swap3A_455 : i32 to index
      %swap3A_457 = arith.constant 64 : index
      %swap3A_458 = tpu.vector_load %arg9[%swap3A_456, %swap3A_457] {strides = array<i32>} : memref<25x80xi32, #tpu.memory_space<vmem>>, vector<16xi32>,
      tpu.vector_store %arg9[%swap3A_456, %swap3A_457], %select_n3A_454 {strides = array<i32>} : memref<25x80xi32, #tpu.memory_space<vmem>>, vector<16xi32>,
      tpu.vector_store_idx %arg13[%select_n3A_454], %broadcast_in_dim3A_56 {add = true} : memref<10240xf32, #tpu.memory_space<vmem>>[vector<16xi32>], vector<16xf32>,
      %dma_wait3A_459 = arith.constant 240 : i32
      %dma_wait3A_460 = tpu.memref_slice %arg7[%dma_wait3A_459] : memref<2000xi32, #tpu.memory_space<vmem>> -> memref<80xi32, #tpu.memory_space<vmem>>
      %dma_wait3A_461 = arith.constant 0 : i32
      %dma_wait3A_462 = arith.constant 0 : i32
      %dma_wait3A_463 = tpu.memref_slice %arg3[%dma_wait3A_461, %dma_wait3A_462] : memref<10000x128xbf16, #tpu.memory_space<hbm>> -> memref<10000x128xbf16, #tpu.memory_space<hbm>>
      tpu.wait_indirect_dma semaphore(%arg15 : memref<!tpu.dma_semaphore, #tpu.memory_space<semaphore_mem>>) src(%dma_wait3A_463 : memref<10000x128xbf16, #tpu.memory_space<hbm>>) dst(%arg10 : memref<80x128xbf16, #tpu.memory_space<vmem>>)
      %dma_start3A_464 = arith.constant 3 : i32
      %dma_start3A_465 = arith.constant 0 : i32
      %dma_start3A_466 = tpu.memref_slice %arg9[%dma_start3A_464, %dma_start3A_465] : memref<25x80xi32, #tpu.memory_space<vmem>> -> memref<1x80xi32, #tpu.memory_space<vmem>>
      %dma_start3A_467 = tpu.memref_squeeze %dma_start3A_466 : memref<1x80xi32, #tpu.memory_space<vmem>> -> memref<80xi32, #tpu.memory_space<vmem>>
      %dma_start3A_468 = arith.constant 0 : i32
      %dma_start3A_469 = arith.constant 0 : i32
      %dma_start3A_470 = tpu.memref_slice %arg6[%dma_start3A_468, %dma_start3A_469] : memref<10240x128xbf16, #tpu.memory_space<vmem_shared>> -> memref<10240x128xbf16, #tpu.memory_space<vmem_shared>>
      tpu.enqueue_indirect_dma source(%arg10 : memref<80x128xbf16, #tpu.memory_space<vmem>>) target(%dma_start3A_470 : memref<10240x128xbf16, #tpu.memory_space<vmem_shared>>) offsets(%dma_start3A_467 : memref<80xi32, #tpu.memory_space<vmem>>) semaphore(%arg18 : memref<!tpu.dma_semaphore, #tpu.memory_space<semaphore_mem>>) {add = true}
      %dma_wait3A_471 = arith.constant 2 : i32
      %dma_wait3A_472 = arith.constant 0 : i32
      %dma_wait3A_473 = tpu.memref_slice %arg9[%dma_wait3A_471, %dma_wait3A_472] : memref<25x80xi32, #tpu.memory_space<vmem>> -> memref<1x80xi32, #tpu.memory_space<vmem>>
      %dma_wait3A_474 = tpu.memref_squeeze %dma_wait3A_473 : memref<1x80xi32, #tpu.memory_space<vmem>> -> memref<80xi32, #tpu.memory_space<vmem>>
      %dma_wait3A_475 = arith.constant 0 : i32
      %dma_wait3A_476 = arith.constant 0 : i32
      %dma_wait3A_477 = tpu.memref_slice %arg6[%dma_wait3A_475, %dma_wait3A_476] : memref<10240x128xbf16, #tpu.memory_space<vmem_shared>> -> memref<10240x128xbf16, #tpu.memory_space<vmem_shared>>
      tpu.wait_indirect_dma semaphore(%arg18 : memref<!tpu.dma_semaphore, #tpu.memory_space<semaphore_mem>>) src(%arg12 : memref<80x128xbf16, #tpu.memory_space<vmem>>) dst(%dma_wait3A_477 : memref<10240x128xbf16, #tpu.memory_space<vmem_shared>>)
      %dma_start3A_478 = arith.constant 400 : i32
      %dma_start3A_479 = tpu.memref_slice %arg7[%dma_start3A_478] : memref<2000xi32, #tpu.memory_space<vmem>> -> memref<80xi32, #tpu.memory_space<vmem>>
      %dma_start3A_480 = arith.constant 0 : i32
      %dma_start3A_481 = arith.constant 0 : i32
      %dma_start3A_482 = tpu.memref_slice %arg3[%dma_start3A_480, %dma_start3A_481] : memref<10000x128xbf16, #tpu.memory_space<hbm>> -> memref<10000x128xbf16, #tpu.memory_space<hbm>>
      tpu.enqueue_indirect_dma source(%dma_start3A_482 : memref<10000x128xbf16, #tpu.memory_space<hbm>>) target(%arg12 : memref<80x128xbf16, #tpu.memory_space<vmem>>) offsets(%dma_start3A_479 : memref<80xi32, #tpu.memory_space<vmem>>) semaphore(%arg17 : memref<!tpu.dma_semaphore, #tpu.memory_space<semaphore_mem>>)
      %get3A_483 = arith.constant 400 : index
      %get3A_484 = tpu.vector_load %arg7[%get3A_483] {strides = array<i32>} : memref<2000xi32, #tpu.memory_space<vmem>>, vector<16xi32>,
      %get3A_485 = arith.constant 400 : index
      %get3A_486 = tpu.vector_load %arg8[%get3A_485] {strides = array<i32>} : memref<2000xi32, #tpu.memory_space<vmem>>, vector<16xi32>,
      %eq3A_487 = arith.cmpi eq, %get3A_484, %get3A_486 : vector<16xi32>
      %jit3A_488 = arith.constant 10000 : i32
      %broadcast_in_dim3A_489 = vector.broadcast %jit3A_488 : i32 to vector<16xi32>
      %select_n3A_490 = arith.select %eq3A_487, %broadcast_in_dim3A_489, %get3A_486 : vector<16xi1>, vector<16xi32>
      %swap3A_491 = arith.constant 5 : i32
      %swap3A_492 = arith.index_cast %swap3A_491 : i32 to index
      %swap3A_493 = arith.constant 0 : index
      %swap3A_494 = tpu.vector_load %arg9[%swap3A_492, %swap3A_493] {strides = array<i32>} : memref<25x80xi32, #tpu.memory_space<vmem>>, vector<16xi32>,
      tpu.vector_store %arg9[%swap3A_492, %swap3A_493], %select_n3A_490 {strides = array<i32>} : memref<25x80xi32, #tpu.memory_space<vmem>>, vector<16xi32>,
      tpu.vector_store_idx %arg13[%select_n3A_490], %broadcast_in_dim3A_56 {add = true} : memref<10240xf32, #tpu.memory_space<vmem>>[vector<16xi32>], vector<16xf32>,
      %get3A_495 = arith.constant 416 : index
      %get3A_496 = tpu.vector_load %arg7[%get3A_495] {strides = array<i32>} : memref<2000xi32, #tpu.memory_space<vmem>>, vector<16xi32>,
      %get3A_497 = arith.constant 416 : index
      %get3A_498 = tpu.vector_load %arg8[%get3A_497] {strides = array<i32>} : memref<2000xi32, #tpu.memory_space<vmem>>, vector<16xi32>,
      %eq3A_499 = arith.cmpi eq, %get3A_496, %get3A_498 : vector<16xi32>
      %jit3A_500 = arith.constant 10000 : i32
      %broadcast_in_dim3A_501 = vector.broadcast %jit3A_500 : i32 to vector<16xi32>
      %select_n3A_502 = arith.select %eq3A_499, %broadcast_in_dim3A_501, %get3A_498 : vector<16xi1>, vector<16xi32>
      %swap3A_503 = arith.constant 5 : i32
      %swap3A_504 = arith.index_cast %swap3A_503 : i32 to index
      %swap3A_505 = arith.constant 16 : index
      %swap3A_506 = tpu.vector_load %arg9[%swap3A_504, %swap3A_505] {strides = array<i32>} : memref<25x80xi32, #tpu.memory_space<vmem>>, vector<16xi32>,
      tpu.vector_store %arg9[%swap3A_504, %swap3A_505], %select_n3A_502 {strides = array<i32>} : memref<25x80xi32, #tpu.memory_space<vmem>>, vector<16xi32>,
      tpu.vector_store_idx %arg13[%select_n3A_502], %broadcast_in_dim3A_56 {add = true} : memref<10240xf32, #tpu.memory_space<vmem>>[vector<16xi32>], vector<16xf32>,
      %get3A_507 = arith.constant 432 : index
      %get3A_508 = tpu.vector_load %arg7[%get3A_507] {strides = array<i32>} : memref<2000xi32, #tpu.memory_space<vmem>>, vector<16xi32>,
      %get3A_509 = arith.constant 432 : index
      %get3A_510 = tpu.vector_load %arg8[%get3A_509] {strides = array<i32>} : memref<2000xi32, #tpu.memory_space<vmem>>, vector<16xi32>,
      %eq3A_511 = arith.cmpi eq, %get3A_508, %get3A_510 : vector<16xi32>
      %jit3A_512 = arith.constant 10000 : i32
      %broadcast_in_dim3A_513 = vector.broadcast %jit3A_512 : i32 to vector<16xi32>
      %select_n3A_514 = arith.select %eq3A_511, %broadcast_in_dim3A_513, %get3A_510 : vector<16xi1>, vector<16xi32>
      %swap3A_515 = arith.constant 5 : i32
      %swap3A_516 = arith.index_cast %swap3A_515 : i32 to index
      %swap3A_517 = arith.constant 32 : index
      %swap3A_518 = tpu.vector_load %arg9[%swap3A_516, %swap3A_517] {strides = array<i32>} : memref<25x80xi32, #tpu.memory_space<vmem>>, vector<16xi32>,
      tpu.vector_store %arg9[%swap3A_516, %swap3A_517], %select_n3A_514 {strides = array<i32>} : memref<25x80xi32, #tpu.memory_space<vmem>>, vector<16xi32>,
      tpu.vector_store_idx %arg13[%select_n3A_514], %broadcast_in_dim3A_56 {add = true} : memref<10240xf32, #tpu.memory_space<vmem>>[vector<16xi32>], vector<16xf32>,
      %get3A_519 = arith.constant 448 : index
      %get3A_520 = tpu.vector_load %arg7[%get3A_519] {strides = array<i32>} : memref<2000xi32, #tpu.memory_space<vmem>>, vector<16xi32>,
      %get3A_521 = arith.constant 448 : index
      %get3A_522 = tpu.vector_load %arg8[%get3A_521] {strides = array<i32>} : memref<2000xi32, #tpu.memory_space<vmem>>, vector<16xi32>,
      %eq3A_523 = arith.cmpi eq, %get3A_520, %get3A_522 : vector<16xi32>
      %jit3A_524 = arith.constant 10000 : i32
      %broadcast_in_dim3A_525 = vector.broadcast %jit3A_524 : i32 to vector<16xi32>
      %select_n3A_526 = arith.select %eq3A_523, %broadcast_in_dim3A_525, %get3A_522 : vector<16xi1>, vector<16xi32>
      %swap3A_527 = arith.constant 5 : i32
      %swap3A_528 = arith.index_cast %swap3A_527 : i32 to index
      %swap3A_529 = arith.constant 48 : index
      %swap3A_530 = tpu.vector_load %arg9[%swap3A_528, %swap3A_529] {strides = array<i32>} : memref<25x80xi32, #tpu.memory_space<vmem>>, vector<16xi32>,
      tpu.vector_store %arg9[%swap3A_528, %swap3A_529], %select_n3A_526 {strides = array<i32>} : memref<25x80xi32, #tpu.memory_space<vmem>>, vector<16xi32>,
      tpu.vector_store_idx %arg13[%select_n3A_526], %broadcast_in_dim3A_56 {add = true} : memref<10240xf32, #tpu.memory_space<vmem>>[vector<16xi32>], vector<16xf32>,
      %get3A_531 = arith.constant 464 : index
      %get3A_532 = tpu.vector_load %arg7[%get3A_531] {strides = array<i32>} : memref<2000xi32, #tpu.memory_space<vmem>>, vector<16xi32>,
      %get3A_533 = arith.constant 464 : index
      %get3A_534 = tpu.vector_load %arg8[%get3A_533] {strides = array<i32>} : memref<2000xi32, #tpu.memory_space<vmem>>, vector<16xi32>,
      %eq3A_535 = arith.cmpi eq, %get3A_532, %get3A_534 : vector<16xi32>
      %jit3A_536 = arith.constant 10000 : i32
      %broadcast_in_dim3A_537 = vector.broadcast %jit3A_536 : i32 to vector<16xi32>
      %select_n3A_538 = arith.select %eq3A_535, %broadcast_in_dim3A_537, %get3A_534 : vector<16xi1>, vector<16xi32>
      %swap3A_539 = arith.constant 5 : i32
      %swap3A_540 = arith.index_cast %swap3A_539 : i32 to index
      %swap3A_541 = arith.constant 64 : index
      %swap3A_542 = tpu.vector_load %arg9[%swap3A_540, %swap3A_541] {strides = array<i32>} : memref<25x80xi32, #tpu.memory_space<vmem>>, vector<16xi32>,
      tpu.vector_store %arg9[%swap3A_540, %swap3A_541], %select_n3A_538 {strides = array<i32>} : memref<25x80xi32, #tpu.memory_space<vmem>>, vector<16xi32>,
      tpu.vector_store_idx %arg13[%select_n3A_538], %broadcast_in_dim3A_56 {add = true} : memref<10240xf32, #tpu.memory_space<vmem>>[vector<16xi32>], vector<16xf32>,
      %dma_wait3A_543 = arith.constant 320 : i32
      %dma_wait3A_544 = tpu.memref_slice %arg7[%dma_wait3A_543] : memref<2000xi32, #tpu.memory_space<vmem>> -> memref<80xi32, #tpu.memory_space<vmem>>
      %dma_wait3A_545 = arith.constant 0 : i32
      %dma_wait3A_546 = arith.constant 0 : i32
      %dma_wait3A_547 = tpu.memref_slice %arg3[%dma_wait3A_545, %dma_wait3A_546] : memref<10000x128xbf16, #tpu.memory_space<hbm>> -> memref<10000x128xbf16, #tpu.memory_space<hbm>>
      tpu.wait_indirect_dma semaphore(%arg16 : memref<!tpu.dma_semaphore, #tpu.memory_space<semaphore_mem>>) src(%dma_wait3A_547 : memref<10000x128xbf16, #tpu.memory_space<hbm>>) dst(%arg11 : memref<80x128xbf16, #tpu.memory_space<vmem>>)
      %dma_start3A_548 = arith.constant 4 : i32
      %dma_start3A_549 = arith.constant 0 : i32
      %dma_start3A_550 = tpu.memref_slice %arg9[%dma_start3A_548, %dma_start3A_549] : memref<25x80xi32, #tpu.memory_space<vmem>> -> memref<1x80xi32, #tpu.memory_space<vmem>>
      %dma_start3A_551 = tpu.memref_squeeze %dma_start3A_550 : memref<1x80xi32, #tpu.memory_space<vmem>> -> memref<80xi32, #tpu.memory_space<vmem>>
      %dma_start3A_552 = arith.constant 0 : i32
      %dma_start3A_553 = arith.constant 0 : i32
      %dma_start3A_554 = tpu.memref_slice %arg6[%dma_start3A_552, %dma_start3A_553] : memref<10240x128xbf16, #tpu.memory_space<vmem_shared>> -> memref<10240x128xbf16, #tpu.memory_space<vmem_shared>>
      tpu.enqueue_indirect_dma source(%arg11 : memref<80x128xbf16, #tpu.memory_space<vmem>>) target(%dma_start3A_554 : memref<10240x128xbf16, #tpu.memory_space<vmem_shared>>) offsets(%dma_start3A_551 : memref<80xi32, #tpu.memory_space<vmem>>) semaphore(%arg18 : memref<!tpu.dma_semaphore, #tpu.memory_space<semaphore_mem>>) {add = true}
      %dma_wait3A_555 = arith.constant 3 : i32
      %dma_wait3A_556 = arith.constant 0 : i32
      %dma_wait3A_557 = tpu.memref_slice %arg9[%dma_wait3A_555, %dma_wait3A_556] : memref<25x80xi32, #tpu.memory_space<vmem>> -> memref<1x80xi32, #tpu.memory_space<vmem>>
      %dma_wait3A_558 = tpu.memref_squeeze %dma_wait3A_557 : memref<1x80xi32, #tpu.memory_space<vmem>> -> memref<80xi32, #tpu.memory_space<vmem>>
      %dma_wait3A_559 = arith.constant 0 : i32
      %dma_wait3A_560 = arith.constant 0 : i32
      %dma_wait3A_561 = tpu.memref_slice %arg6[%dma_wait3A_559, %dma_wait3A_560] : memref<10240x128xbf16, #tpu.memory_space<vmem_shared>> -> memref<10240x128xbf16, #tpu.memory_space<vmem_shared>>
      tpu.wait_indirect_dma semaphore(%arg18 : memref<!tpu.dma_semaphore, #tpu.memory_space<semaphore_mem>>) src(%arg10 : memref<80x128xbf16, #tpu.memory_space<vmem>>) dst(%dma_wait3A_561 : memref<10240x128xbf16, #tpu.memory_space<vmem_shared>>)
      %dma_start3A_562 = arith.constant 480 : i32
      %dma_start3A_563 = tpu.memref_slice %arg7[%dma_start3A_562] : memref<2000xi32, #tpu.memory_space<vmem>> -> memref<80xi32, #tpu.memory_space<vmem>>
      %dma_start3A_564 = arith.constant 0 : i32
      %dma_start3A_565 = arith.constant 0 : i32
      %dma_start3A_566 = tpu.memref_slice %arg3[%dma_start3A_564, %dma_start3A_565] : memref<10000x128xbf16, #tpu.memory_space<hbm>> -> memref<10000x128xbf16, #tpu.memory_space<hbm>>
      tpu.enqueue_indirect_dma source(%dma_start3A_566 : memref<10000x128xbf16, #tpu.memory_space<hbm>>) target(%arg10 : memref<80x128xbf16, #tpu.memory_space<vmem>>) offsets(%dma_start3A_563 : memref<80xi32, #tpu.memory_space<vmem>>) semaphore(%arg15 : memref<!tpu.dma_semaphore, #tpu.memory_space<semaphore_mem>>)
      %get3A_567 = arith.constant 480 : index
      %get3A_568 = tpu.vector_load %arg7[%get3A_567] {strides = array<i32>} : memref<2000xi32, #tpu.memory_space<vmem>>, vector<16xi32>,
      %get3A_569 = arith.constant 480 : index
      %get3A_570 = tpu.vector_load %arg8[%get3A_569] {strides = array<i32>} : memref<2000xi32, #tpu.memory_space<vmem>>, vector<16xi32>,
      %eq3A_571 = arith.cmpi eq, %get3A_568, %get3A_570 : vector<16xi32>
      %jit3A_572 = arith.constant 10000 : i32
      %broadcast_in_dim3A_573 = vector.broadcast %jit3A_572 : i32 to vector<16xi32>
      %select_n3A_574 = arith.select %eq3A_571, %broadcast_in_dim3A_573, %get3A_570 : vector<16xi1>, vector<16xi32>
      %swap3A_575 = arith.constant 6 : i32
      %swap3A_576 = arith.index_cast %swap3A_575 : i32 to index
      %swap3A_577 = arith.constant 0 : index
      %swap3A_578 = tpu.vector_load %arg9[%swap3A_576, %swap3A_577] {strides = array<i32>} : memref<25x80xi32, #tpu.memory_space<vmem>>, vector<16xi32>,
      tpu.vector_store %arg9[%swap3A_576, %swap3A_577], %select_n3A_574 {strides = array<i32>} : memref<25x80xi32, #tpu.memory_space<vmem>>, vector<16xi32>,
      tpu.vector_store_idx %arg13[%select_n3A_574], %broadcast_in_dim3A_56 {add = true} : memref<10240xf32, #tpu.memory_space<vmem>>[vector<16xi32>], vector<16xf32>,
      %get3A_579 = arith.constant 496 : index
      %get3A_580 = tpu.vector_load %arg7[%get3A_579] {strides = array<i32>} : memref<2000xi32, #tpu.memory_space<vmem>>, vector<16xi32>,
      %get3A_581 = arith.constant 496 : index
      %get3A_582 = tpu.vector_load %arg8[%get3A_581] {strides = array<i32>} : memref<2000xi32, #tpu.memory_space<vmem>>, vector<16xi32>,
      %eq3A_583 = arith.cmpi eq, %get3A_580, %get3A_582 : vector<16xi32>
      %jit3A_584 = arith.constant 10000 : i32
      %broadcast_in_dim3A_585 = vector.broadcast %jit3A_584 : i32 to vector<16xi32>
      %select_n3A_586 = arith.select %eq3A_583, %broadcast_in_dim3A_585, %get3A_582 : vector<16xi1>, vector<16xi32>
      %swap3A_587 = arith.constant 6 : i32
      %swap3A_588 = arith.index_cast %swap3A_587 : i32 to index
      %swap3A_589 = arith.constant 16 : index
      %swap3A_590 = tpu.vector_load %arg9[%swap3A_588, %swap3A_589] {strides = array<i32>} : memref<25x80xi32, #tpu.memory_space<vmem>>, vector<16xi32>,
      tpu.vector_store %arg9[%swap3A_588, %swap3A_589], %select_n3A_586 {strides = array<i32>} : memref<25x80xi32, #tpu.memory_space<vmem>>, vector<16xi32>,
      tpu.vector_store_idx %arg13[%select_n3A_586], %broadcast_in_dim3A_56 {add = true} : memref<10240xf32, #tpu.memory_space<vmem>>[vector<16xi32>], vector<16xf32>,
      %get3A_591 = arith.constant 512 : index
      %get3A_592 = tpu.vector_load %arg7[%get3A_591] {strides = array<i32>} : memref<2000xi32, #tpu.memory_space<vmem>>, vector<16xi32>,
      %get3A_593 = arith.constant 512 : index
      %get3A_594 = tpu.vector_load %arg8[%get3A_593] {strides = array<i32>} : memref<2000xi32, #tpu.memory_space<vmem>>, vector<16xi32>,
      %eq3A_595 = arith.cmpi eq, %get3A_592, %get3A_594 : vector<16xi32>
      %jit3A_596 = arith.constant 10000 : i32
      %broadcast_in_dim3A_597 = vector.broadcast %jit3A_596 : i32 to vector<16xi32>
      %select_n3A_598 = arith.select %eq3A_595, %broadcast_in_dim3A_597, %get3A_594 : vector<16xi1>, vector<16xi32>
      %swap3A_599 = arith.constant 6 : i32
      %swap3A_600 = arith.index_cast %swap3A_599 : i32 to index
      %swap3A_601 = arith.constant 32 : index
      %swap3A_602 = tpu.vector_load %arg9[%swap3A_600, %swap3A_601] {strides = array<i32>} : memref<25x80xi32, #tpu.memory_space<vmem>>, vector<16xi32>,
      tpu.vector_store %arg9[%swap3A_600, %swap3A_601], %select_n3A_598 {strides = array<i32>} : memref<25x80xi32, #tpu.memory_space<vmem>>, vector<16xi32>,
      tpu.vector_store_idx %arg13[%select_n3A_598], %broadcast_in_dim3A_56 {add = true} : memref<10240xf32, #tpu.memory_space<vmem>>[vector<16xi32>], vector<16xf32>,
      %get3A_603 = arith.constant 528 : index
      %get3A_604 = tpu.vector_load %arg7[%get3A_603] {strides = array<i32>} : memref<2000xi32, #tpu.memory_space<vmem>>, vector<16xi32>,
      %get3A_605 = arith.constant 528 : index
      %get3A_606 = tpu.vector_load %arg8[%get3A_605] {strides = array<i32>} : memref<2000xi32, #tpu.memory_space<vmem>>, vector<16xi32>,
      %eq3A_607 = arith.cmpi eq, %get3A_604, %get3A_606 : vector<16xi32>
      %jit3A_608 = arith.constant 10000 : i32
      %broadcast_in_dim3A_609 = vector.broadcast %jit3A_608 : i32 to vector<16xi32>
      %select_n3A_610 = arith.select %eq3A_607, %broadcast_in_dim3A_609, %get3A_606 : vector<16xi1>, vector<16xi32>
      %swap3A_611 = arith.constant 6 : i32
      %swap3A_612 = arith.index_cast %swap3A_611 : i32 to index
      %swap3A_613 = arith.constant 48 : index
      %swap3A_614 = tpu.vector_load %arg9[%swap3A_612, %swap3A_613] {strides = array<i32>} : memref<25x80xi32, #tpu.memory_space<vmem>>, vector<16xi32>,
      tpu.vector_store %arg9[%swap3A_612, %swap3A_613], %select_n3A_610 {strides = array<i32>} : memref<25x80xi32, #tpu.memory_space<vmem>>, vector<16xi32>,
      tpu.vector_store_idx %arg13[%select_n3A_610], %broadcast_in_dim3A_56 {add = true} : memref<10240xf32, #tpu.memory_space<vmem>>[vector<16xi32>], vector<16xf32>,
      %get3A_615 = arith.constant 544 : index
      %get3A_616 = tpu.vector_load %arg7[%get3A_615] {strides = array<i32>} : memref<2000xi32, #tpu.memory_space<vmem>>, vector<16xi32>,
      %get3A_617 = arith.constant 544 : index
      %get3A_618 = tpu.vector_load %arg8[%get3A_617] {strides = array<i32>} : memref<2000xi32, #tpu.memory_space<vmem>>, vector<16xi32>,
      %eq3A_619 = arith.cmpi eq, %get3A_616, %get3A_618 : vector<16xi32>
      %jit3A_620 = arith.constant 10000 : i32
      %broadcast_in_dim3A_621 = vector.broadcast %jit3A_620 : i32 to vector<16xi32>
      %select_n3A_622 = arith.select %eq3A_619, %broadcast_in_dim3A_621, %get3A_618 : vector<16xi1>, vector<16xi32>
      %swap3A_623 = arith.constant 6 : i32
      %swap3A_624 = arith.index_cast %swap3A_623 : i32 to index
      %swap3A_625 = arith.constant 64 : index
      %swap3A_626 = tpu.vector_load %arg9[%swap3A_624, %swap3A_625] {strides = array<i32>} : memref<25x80xi32, #tpu.memory_space<vmem>>, vector<16xi32>,
      tpu.vector_store %arg9[%swap3A_624, %swap3A_625], %select_n3A_622 {strides = array<i32>} : memref<25x80xi32, #tpu.memory_space<vmem>>, vector<16xi32>,
      tpu.vector_store_idx %arg13[%select_n3A_622], %broadcast_in_dim3A_56 {add = true} : memref<10240xf32, #tpu.memory_space<vmem>>[vector<16xi32>], vector<16xf32>,
      %dma_wait3A_627 = arith.constant 400 : i32
      %dma_wait3A_628 = tpu.memref_slice %arg7[%dma_wait3A_627] : memref<2000xi32, #tpu.memory_space<vmem>> -> memref<80xi32, #tpu.memory_space<vmem>>
      %dma_wait3A_629 = arith.constant 0 : i32
      %dma_wait3A_630 = arith.constant 0 : i32
      %dma_wait3A_631 = tpu.memref_slice %arg3[%dma_wait3A_629, %dma_wait3A_630] : memref<10000x128xbf16, #tpu.memory_space<hbm>> -> memref<10000x128xbf16, #tpu.memory_space<hbm>>
      tpu.wait_indirect_dma semaphore(%arg17 : memref<!tpu.dma_semaphore, #tpu.memory_space<semaphore_mem>>) src(%dma_wait3A_631 : memref<10000x128xbf16, #tpu.memory_space<hbm>>) dst(%arg12 : memref<80x128xbf16, #tpu.memory_space<vmem>>)
      %dma_start3A_632 = arith.constant 5 : i32
      %dma_start3A_633 = arith.constant 0 : i32
      %dma_start3A_634 = tpu.memref_slice %arg9[%dma_start3A_632, %dma_start3A_633] : memref<25x80xi32, #tpu.memory_space<vmem>> -> memref<1x80xi32, #tpu.memory_space<vmem>>
      %dma_start3A_635 = tpu.memref_squeeze %dma_start3A_634 : memref<1x80xi32, #tpu.memory_space<vmem>> -> memref<80xi32, #tpu.memory_space<vmem>>
      %dma_start3A_636 = arith.constant 0 : i32
      %dma_start3A_637 = arith.constant 0 : i32
      %dma_start3A_638 = tpu.memref_slice %arg6[%dma_start3A_636, %dma_start3A_637] : memref<10240x128xbf16, #tpu.memory_space<vmem_shared>> -> memref<10240x128xbf16, #tpu.memory_space<vmem_shared>>
      tpu.enqueue_indirect_dma source(%arg12 : memref<80x128xbf16, #tpu.memory_space<vmem>>) target(%dma_start3A_638 : memref<10240x128xbf16, #tpu.memory_space<vmem_shared>>) offsets(%dma_start3A_635 : memref<80xi32, #tpu.memory_space<vmem>>) semaphore(%arg18 : memref<!tpu.dma_semaphore, #tpu.memory_space<semaphore_mem>>) {add = true}
      %dma_wait3A_639 = arith.constant 4 : i32
      %dma_wait3A_640 = arith.constant 0 : i32
      %dma_wait3A_641 = tpu.memref_slice %arg9[%dma_wait3A_639, %dma_wait3A_640] : memref<25x80xi32, #tpu.memory_space<vmem>> -> memref<1x80xi32, #tpu.memory_space<vmem>>
      %dma_wait3A_642 = tpu.memref_squeeze %dma_wait3A_641 : memref<1x80xi32, #tpu.memory_space<vmem>> -> memref<80xi32, #tpu.memory_space<vmem>>
      %dma_wait3A_643 = arith.constant 0 : i32
      %dma_wait3A_644 = arith.constant 0 : i32
      %dma_wait3A_645 = tpu.memref_slice %arg6[%dma_wait3A_643, %dma_wait3A_644] : memref<10240x128xbf16, #tpu.memory_space<vmem_shared>> -> memref<10240x128xbf16, #tpu.memory_space<vmem_shared>>
      tpu.wait_indirect_dma semaphore(%arg18 : memref<!tpu.dma_semaphore, #tpu.memory_space<semaphore_mem>>) src(%arg11 : memref<80x128xbf16, #tpu.memory_space<vmem>>) dst(%dma_wait3A_645 : memref<10240x128xbf16, #tpu.memory_space<vmem_shared>>)
      %dma_start3A_646 = arith.constant 560 : i32
      %dma_start3A_647 = tpu.memref_slice %arg7[%dma_start3A_646] : memref<2000xi32, #tpu.memory_space<vmem>> -> memref<80xi32, #tpu.memory_space<vmem>>
      %dma_start3A_648 = arith.constant 0 : i32
      %dma_start3A_649 = arith.constant 0 : i32
      %dma_start3A_650 = tpu.memref_slice %arg3[%dma_start3A_648, %dma_start3A_649] : memref<10000x128xbf16, #tpu.memory_space<hbm>> -> memref<10000x128xbf16, #tpu.memory_space<hbm>>
      tpu.enqueue_indirect_dma source(%dma_start3A_650 : memref<10000x128xbf16, #tpu.memory_space<hbm>>) target(%arg11 : memref<80x128xbf16, #tpu.memory_space<vmem>>) offsets(%dma_start3A_647 : memref<80xi32, #tpu.memory_space<vmem>>) semaphore(%arg16 : memref<!tpu.dma_semaphore, #tpu.memory_space<semaphore_mem>>)
      %get3A_651 = arith.constant 560 : index
      %get3A_652 = tpu.vector_load %arg7[%get3A_651] {strides = array<i32>} : memref<2000xi32, #tpu.memory_space<vmem>>, vector<16xi32>,
      %get3A_653 = arith.constant 560 : index
      %get3A_654 = tpu.vector_load %arg8[%get3A_653] {strides = array<i32>} : memref<2000xi32, #tpu.memory_space<vmem>>, vector<16xi32>,
      %eq3A_655 = arith.cmpi eq, %get3A_652, %get3A_654 : vector<16xi32>
      %jit3A_656 = arith.constant 10000 : i32
      %broadcast_in_dim3A_657 = vector.broadcast %jit3A_656 : i32 to vector<16xi32>
      %select_n3A_658 = arith.select %eq3A_655, %broadcast_in_dim3A_657, %get3A_654 : vector<16xi1>, vector<16xi32>
      %swap3A_659 = arith.constant 7 : i32
      %swap3A_660 = arith.index_cast %swap3A_659 : i32 to index
      %swap3A_661 = arith.constant 0 : index
      %swap3A_662 = tpu.vector_load %arg9[%swap3A_660, %swap3A_661] {strides = array<i32>} : memref<25x80xi32, #tpu.memory_space<vmem>>, vector<16xi32>,
      tpu.vector_store %arg9[%swap3A_660, %swap3A_661], %select_n3A_658 {strides = array<i32>} : memref<25x80xi32, #tpu.memory_space<vmem>>, vector<16xi32>,
      tpu.vector_store_idx %arg13[%select_n3A_658], %broadcast_in_dim3A_56 {add = true} : memref<10240xf32, #tpu.memory_space<vmem>>[vector<16xi32>], vector<16xf32>,
      %get3A_663 = arith.constant 576 : index
      %get3A_664 = tpu.vector_load %arg7[%get3A_663] {strides = array<i32>} : memref<2000xi32, #tpu.memory_space<vmem>>, vector<16xi32>,
      %get3A_665 = arith.constant 576 : index
      %get3A_666 = tpu.vector_load %arg8[%get3A_665] {strides = array<i32>} : memref<2000xi32, #tpu.memory_space<vmem>>, vector<16xi32>,
      %eq3A_667 = arith.cmpi eq, %get3A_664, %get3A_666 : vector<16xi32>
      %jit3A_668 = arith.constant 10000 : i32
      %broadcast_in_dim3A_669 = vector.broadcast %jit3A_668 : i32 to vector<16xi32>
      %select_n3A_670 = arith.select %eq3A_667, %broadcast_in_dim3A_669, %get3A_666 : vector<16xi1>, vector<16xi32>
      %swap3A_671 = arith.constant 7 : i32
      %swap3A_672 = arith.index_cast %swap3A_671 : i32 to index
      %swap3A_673 = arith.constant 16 : index
      %swap3A_674 = tpu.vector_load %arg9[%swap3A_672, %swap3A_673] {strides = array<i32>} : memref<25x80xi32, #tpu.memory_space<vmem>>, vector<16xi32>,
      tpu.vector_store %arg9[%swap3A_672, %swap3A_673], %select_n3A_670 {strides = array<i32>} : memref<25x80xi32, #tpu.memory_space<vmem>>, vector<16xi32>,
      tpu.vector_store_idx %arg13[%select_n3A_670], %broadcast_in_dim3A_56 {add = true} : memref<10240xf32, #tpu.memory_space<vmem>>[vector<16xi32>], vector<16xf32>,
      %get3A_675 = arith.constant 592 : index
      %get3A_676 = tpu.vector_load %arg7[%get3A_675] {strides = array<i32>} : memref<2000xi32, #tpu.memory_space<vmem>>, vector<16xi32>,
      %get3A_677 = arith.constant 592 : index
      %get3A_678 = tpu.vector_load %arg8[%get3A_677] {strides = array<i32>} : memref<2000xi32, #tpu.memory_space<vmem>>, vector<16xi32>,
      %eq3A_679 = arith.cmpi eq, %get3A_676, %get3A_678 : vector<16xi32>
      %jit3A_680 = arith.constant 10000 : i32
      %broadcast_in_dim3A_681 = vector.broadcast %jit3A_680 : i32 to vector<16xi32>
      %select_n3A_682 = arith.select %eq3A_679, %broadcast_in_dim3A_681, %get3A_678 : vector<16xi1>, vector<16xi32>
      %swap3A_683 = arith.constant 7 : i32
      %swap3A_684 = arith.index_cast %swap3A_683 : i32 to index
      %swap3A_685 = arith.constant 32 : index
      %swap3A_686 = tpu.vector_load %arg9[%swap3A_684, %swap3A_685] {strides = array<i32>} : memref<25x80xi32, #tpu.memory_space<vmem>>, vector<16xi32>,
      tpu.vector_store %arg9[%swap3A_684, %swap3A_685], %select_n3A_682 {strides = array<i32>} : memref<25x80xi32, #tpu.memory_space<vmem>>, vector<16xi32>,
      tpu.vector_store_idx %arg13[%select_n3A_682], %broadcast_in_dim3A_56 {add = true} : memref<10240xf32, #tpu.memory_space<vmem>>[vector<16xi32>], vector<16xf32>,
      %get3A_687 = arith.constant 608 : index
      %get3A_688 = tpu.vector_load %arg7[%get3A_687] {strides = array<i32>} : memref<2000xi32, #tpu.memory_space<vmem>>, vector<16xi32>,
      %get3A_689 = arith.constant 608 : index
      %get3A_690 = tpu.vector_load %arg8[%get3A_689] {strides = array<i32>} : memref<2000xi32, #tpu.memory_space<vmem>>, vector<16xi32>,
      %eq3A_691 = arith.cmpi eq, %get3A_688, %get3A_690 : vector<16xi32>
      %jit3A_692 = arith.constant 10000 : i32
      %broadcast_in_dim3A_693 = vector.broadcast %jit3A_692 : i32 to vector<16xi32>
      %select_n3A_694 = arith.select %eq3A_691, %broadcast_in_dim3A_693, %get3A_690 : vector<16xi1>, vector<16xi32>
      %swap3A_695 = arith.constant 7 : i32
      %swap3A_696 = arith.index_cast %swap3A_695 : i32 to index
      %swap3A_697 = arith.constant 48 : index
      %swap3A_698 = tpu.vector_load %arg9[%swap3A_696, %swap3A_697] {strides = array<i32>} : memref<25x80xi32, #tpu.memory_space<vmem>>, vector<16xi32>,
      tpu.vector_store %arg9[%swap3A_696, %swap3A_697], %select_n3A_694 {strides = array<i32>} : memref<25x80xi32, #tpu.memory_space<vmem>>, vector<16xi32>,
      tpu.vector_store_idx %arg13[%select_n3A_694], %broadcast_in_dim3A_56 {add = true} : memref<10240xf32, #tpu.memory_space<vmem>>[vector<16xi32>], vector<16xf32>,
      %get3A_699 = arith.constant 624 : index
      %get3A_700 = tpu.vector_load %arg7[%get3A_699] {strides = array<i32>} : memref<2000xi32, #tpu.memory_space<vmem>>, vector<16xi32>,
      %get3A_701 = arith.constant 624 : index
      %get3A_702 = tpu.vector_load %arg8[%get3A_701] {strides = array<i32>} : memref<2000xi32, #tpu.memory_space<vmem>>, vector<16xi32>,
      %eq3A_703 = arith.cmpi eq, %get3A_700, %get3A_702 : vector<16xi32>
      %jit3A_704 = arith.constant 10000 : i32
      %broadcast_in_dim3A_705 = vector.broadcast %jit3A_704 : i32 to vector<16xi32>
      %select_n3A_706 = arith.select %eq3A_703, %broadcast_in_dim3A_705, %get3A_702 : vector<16xi1>, vector<16xi32>
      %swap3A_707 = arith.constant 7 : i32
      %swap3A_708 = arith.index_cast %swap3A_707 : i32 to index
      %swap3A_709 = arith.constant 64 : index
      %swap3A_710 = tpu.vector_load %arg9[%swap3A_708, %swap3A_709] {strides = array<i32>} : memref<25x80xi32, #tpu.memory_space<vmem>>, vector<16xi32>,
      tpu.vector_store %arg9[%swap3A_708, %swap3A_709], %select_n3A_706 {strides = array<i32>} : memref<25x80xi32, #tpu.memory_space<vmem>>, vector<16xi32>,
      tpu.vector_store_idx %arg13[%select_n3A_706], %broadcast_in_dim3A_56 {add = true} : memref<10240xf32, #tpu.memory_space<vmem>>[vector<16xi32>], vector<16xf32>,
      %dma_wait3A_711 = arith.constant 480 : i32
      %dma_wait3A_712 = tpu.memref_slice %arg7[%dma_wait3A_711] : memref<2000xi32, #tpu.memory_space<vmem>> -> memref<80xi32, #tpu.memory_space<vmem>>
      %dma_wait3A_713 = arith.constant 0 : i32
      %dma_wait3A_714 = arith.constant 0 : i32
      %dma_wait3A_715 = tpu.memref_slice %arg3[%dma_wait3A_713, %dma_wait3A_714] : memref<10000x128xbf16, #tpu.memory_space<hbm>> -> memref<10000x128xbf16, #tpu.memory_space<hbm>>
      tpu.wait_indirect_dma semaphore(%arg15 : memref<!tpu.dma_semaphore, #tpu.memory_space<semaphore_mem>>) src(%dma_wait3A_715 : memref<10000x128xbf16, #tpu.memory_space<hbm>>) dst(%arg10 : memref<80x128xbf16, #tpu.memory_space<vmem>>)
      %dma_start3A_716 = arith.constant 6 : i32
      %dma_start3A_717 = arith.constant 0 : i32
      %dma_start3A_718 = tpu.memref_slice %arg9[%dma_start3A_716, %dma_start3A_717] : memref<25x80xi32, #tpu.memory_space<vmem>> -> memref<1x80xi32, #tpu.memory_space<vmem>>
      %dma_start3A_719 = tpu.memref_squeeze %dma_start3A_718 : memref<1x80xi32, #tpu.memory_space<vmem>> -> memref<80xi32, #tpu.memory_space<vmem>>
      %dma_start3A_720 = arith.constant 0 : i32
      %dma_start3A_721 = arith.constant 0 : i32
      %dma_start3A_722 = tpu.memref_slice %arg6[%dma_start3A_720, %dma_start3A_721] : memref<10240x128xbf16, #tpu.memory_space<vmem_shared>> -> memref<10240x128xbf16, #tpu.memory_space<vmem_shared>>
      tpu.enqueue_indirect_dma source(%arg10 : memref<80x128xbf16, #tpu.memory_space<vmem>>) target(%dma_start3A_722 : memref<10240x128xbf16, #tpu.memory_space<vmem_shared>>) offsets(%dma_start3A_719 : memref<80xi32, #tpu.memory_space<vmem>>) semaphore(%arg18 : memref<!tpu.dma_semaphore, #tpu.memory_space<semaphore_mem>>) {add = true}
      %dma_wait3A_723 = arith.constant 5 : i32
      %dma_wait3A_724 = arith.constant 0 : i32
      %dma_wait3A_725 = tpu.memref_slice %arg9[%dma_wait3A_723, %dma_wait3A_724] : memref<25x80xi32, #tpu.memory_space<vmem>> -> memref<1x80xi32, #tpu.memory_space<vmem>>
      %dma_wait3A_726 = tpu.memref_squeeze %dma_wait3A_725 : memref<1x80xi32, #tpu.memory_space<vmem>> -> memref<80xi32, #tpu.memory_space<vmem>>
      %dma_wait3A_727 = arith.constant 0 : i32
      %dma_wait3A_728 = arith.constant 0 : i32
      %dma_wait3A_729 = tpu.memref_slice %arg6[%dma_wait3A_727, %dma_wait3A_728] : memref<10240x128xbf16, #tpu.memory_space<vmem_shared>> -> memref<10240x128xbf16, #tpu.memory_space<vmem_shared>>
      tpu.wait_indirect_dma semaphore(%arg18 : memref<!tpu.dma_semaphore, #tpu.memory_space<semaphore_mem>>) src(%arg12 : memref<80x128xbf16, #tpu.memory_space<vmem>>) dst(%dma_wait3A_729 : memref<10240x128xbf16, #tpu.memory_space<vmem_shared>>)
      %dma_start3A_730 = arith.constant 640 : i32
      %dma_start3A_731 = tpu.memref_slice %arg7[%dma_start3A_730] : memref<2000xi32, #tpu.memory_space<vmem>> -> memref<80xi32, #tpu.memory_space<vmem>>
      %dma_start3A_732 = arith.constant 0 : i32
      %dma_start3A_733 = arith.constant 0 : i32
      %dma_start3A_734 = tpu.memref_slice %arg3[%dma_start3A_732, %dma_start3A_733] : memref<10000x128xbf16, #tpu.memory_space<hbm>> -> memref<10000x128xbf16, #tpu.memory_space<hbm>>
      tpu.enqueue_indirect_dma source(%dma_start3A_734 : memref<10000x128xbf16, #tpu.memory_space<hbm>>) target(%arg12 : memref<80x128xbf16, #tpu.memory_space<vmem>>) offsets(%dma_start3A_731 : memref<80xi32, #tpu.memory_space<vmem>>) semaphore(%arg17 : memref<!tpu.dma_semaphore, #tpu.memory_space<semaphore_mem>>)
      %get3A_735 = arith.constant 640 : index
      %get3A_736 = tpu.vector_load %arg7[%get3A_735] {strides = array<i32>} : memref<2000xi32, #tpu.memory_space<vmem>>, vector<16xi32>,
      %get3A_737 = arith.constant 640 : index
      %get3A_738 = tpu.vector_load %arg8[%get3A_737] {strides = array<i32>} : memref<2000xi32, #tpu.memory_space<vmem>>, vector<16xi32>,
      %eq3A_739 = arith.cmpi eq, %get3A_736, %get3A_738 : vector<16xi32>
      %jit3A_740 = arith.constant 10000 : i32
      %broadcast_in_dim3A_741 = vector.broadcast %jit3A_740 : i32 to vector<16xi32>
      %select_n3A_742 = arith.select %eq3A_739, %broadcast_in_dim3A_741, %get3A_738 : vector<16xi1>, vector<16xi32>
      %swap3A_743 = arith.constant 8 : i32
      %swap3A_744 = arith.index_cast %swap3A_743 : i32 to index
      %swap3A_745 = arith.constant 0 : index
      %swap3A_746 = tpu.vector_load %arg9[%swap3A_744, %swap3A_745] {strides = array<i32>} : memref<25x80xi32, #tpu.memory_space<vmem>>, vector<16xi32>,
      tpu.vector_store %arg9[%swap3A_744, %swap3A_745], %select_n3A_742 {strides = array<i32>} : memref<25x80xi32, #tpu.memory_space<vmem>>, vector<16xi32>,
      tpu.vector_store_idx %arg13[%select_n3A_742], %broadcast_in_dim3A_56 {add = true} : memref<10240xf32, #tpu.memory_space<vmem>>[vector<16xi32>], vector<16xf32>,
      %get3A_747 = arith.constant 656 : index
      %get3A_748 = tpu.vector_load %arg7[%get3A_747] {strides = array<i32>} : memref<2000xi32, #tpu.memory_space<vmem>>, vector<16xi32>,
      %get3A_749 = arith.constant 656 : index
      %get3A_750 = tpu.vector_load %arg8[%get3A_749] {strides = array<i32>} : memref<2000xi32, #tpu.memory_space<vmem>>, vector<16xi32>,
      %eq3A_751 = arith.cmpi eq, %get3A_748, %get3A_750 : vector<16xi32>
      %jit3A_752 = arith.constant 10000 : i32
      %broadcast_in_dim3A_753 = vector.broadcast %jit3A_752 : i32 to vector<16xi32>
      %select_n3A_754 = arith.select %eq3A_751, %broadcast_in_dim3A_753, %get3A_750 : vector<16xi1>, vector<16xi32>
      %swap3A_755 = arith.constant 8 : i32
      %swap3A_756 = arith.index_cast %swap3A_755 : i32 to index
      %swap3A_757 = arith.constant 16 : index
      %swap3A_758 = tpu.vector_load %arg9[%swap3A_756, %swap3A_757] {strides = array<i32>} : memref<25x80xi32, #tpu.memory_space<vmem>>, vector<16xi32>,
      tpu.vector_store %arg9[%swap3A_756, %swap3A_757], %select_n3A_754 {strides = array<i32>} : memref<25x80xi32, #tpu.memory_space<vmem>>, vector<16xi32>,
      tpu.vector_store_idx %arg13[%select_n3A_754], %broadcast_in_dim3A_56 {add = true} : memref<10240xf32, #tpu.memory_space<vmem>>[vector<16xi32>], vector<16xf32>,
      %get3A_759 = arith.constant 672 : index
      %get3A_760 = tpu.vector_load %arg7[%get3A_759] {strides = array<i32>} : memref<2000xi32, #tpu.memory_space<vmem>>, vector<16xi32>,
      %get3A_761 = arith.constant 672 : index
      %get3A_762 = tpu.vector_load %arg8[%get3A_761] {strides = array<i32>} : memref<2000xi32, #tpu.memory_space<vmem>>, vector<16xi32>,
      %eq3A_763 = arith.cmpi eq, %get3A_760, %get3A_762 : vector<16xi32>
      %jit3A_764 = arith.constant 10000 : i32
      %broadcast_in_dim3A_765 = vector.broadcast %jit3A_764 : i32 to vector<16xi32>
      %select_n3A_766 = arith.select %eq3A_763, %broadcast_in_dim3A_765, %get3A_762 : vector<16xi1>, vector<16xi32>
      %swap3A_767 = arith.constant 8 : i32
      %swap3A_768 = arith.index_cast %swap3A_767 : i32 to index
      %swap3A_769 = arith.constant 32 : index
      %swap3A_770 = tpu.vector_load %arg9[%swap3A_768, %swap3A_769] {strides = array<i32>} : memref<25x80xi32, #tpu.memory_space<vmem>>, vector<16xi32>,
      tpu.vector_store %arg9[%swap3A_768, %swap3A_769], %select_n3A_766 {strides = array<i32>} : memref<25x80xi32, #tpu.memory_space<vmem>>, vector<16xi32>,
      tpu.vector_store_idx %arg13[%select_n3A_766], %broadcast_in_dim3A_56 {add = true} : memref<10240xf32, #tpu.memory_space<vmem>>[vector<16xi32>], vector<16xf32>,
      %get3A_771 = arith.constant 688 : index
      %get3A_772 = tpu.vector_load %arg7[%get3A_771] {strides = array<i32>} : memref<2000xi32, #tpu.memory_space<vmem>>, vector<16xi32>,
      %get3A_773 = arith.constant 688 : index
      %get3A_774 = tpu.vector_load %arg8[%get3A_773] {strides = array<i32>} : memref<2000xi32, #tpu.memory_space<vmem>>, vector<16xi32>,
      %eq3A_775 = arith.cmpi eq, %get3A_772, %get3A_774 : vector<16xi32>
      %jit3A_776 = arith.constant 10000 : i32
      %broadcast_in_dim3A_777 = vector.broadcast %jit3A_776 : i32 to vector<16xi32>
      %select_n3A_778 = arith.select %eq3A_775, %broadcast_in_dim3A_777, %get3A_774 : vector<16xi1>, vector<16xi32>
      %swap3A_779 = arith.constant 8 : i32
      %swap3A_780 = arith.index_cast %swap3A_779 : i32 to index
      %swap3A_781 = arith.constant 48 : index
      %swap3A_782 = tpu.vector_load %arg9[%swap3A_780, %swap3A_781] {strides = array<i32>} : memref<25x80xi32, #tpu.memory_space<vmem>>, vector<16xi32>,
      tpu.vector_store %arg9[%swap3A_780, %swap3A_781], %select_n3A_778 {strides = array<i32>} : memref<25x80xi32, #tpu.memory_space<vmem>>, vector<16xi32>,
      tpu.vector_store_idx %arg13[%select_n3A_778], %broadcast_in_dim3A_56 {add = true} : memref<10240xf32, #tpu.memory_space<vmem>>[vector<16xi32>], vector<16xf32>,
      %get3A_783 = arith.constant 704 : index
      %get3A_784 = tpu.vector_load %arg7[%get3A_783] {strides = array<i32>} : memref<2000xi32, #tpu.memory_space<vmem>>, vector<16xi32>,
      %get3A_785 = arith.constant 704 : index
      %get3A_786 = tpu.vector_load %arg8[%get3A_785] {strides = array<i32>} : memref<2000xi32, #tpu.memory_space<vmem>>, vector<16xi32>,
      %eq3A_787 = arith.cmpi eq, %get3A_784, %get3A_786 : vector<16xi32>
      %jit3A_788 = arith.constant 10000 : i32
      %broadcast_in_dim3A_789 = vector.broadcast %jit3A_788 : i32 to vector<16xi32>
      %select_n3A_790 = arith.select %eq3A_787, %broadcast_in_dim3A_789, %get3A_786 : vector<16xi1>, vector<16xi32>
      %swap3A_791 = arith.constant 8 : i32
      %swap3A_792 = arith.index_cast %swap3A_791 : i32 to index
      %swap3A_793 = arith.constant 64 : index
      %swap3A_794 = tpu.vector_load %arg9[%swap3A_792, %swap3A_793] {strides = array<i32>} : memref<25x80xi32, #tpu.memory_space<vmem>>, vector<16xi32>,
      tpu.vector_store %arg9[%swap3A_792, %swap3A_793], %select_n3A_790 {strides = array<i32>} : memref<25x80xi32, #tpu.memory_space<vmem>>, vector<16xi32>,
      tpu.vector_store_idx %arg13[%select_n3A_790], %broadcast_in_dim3A_56 {add = true} : memref<10240xf32, #tpu.memory_space<vmem>>[vector<16xi32>], vector<16xf32>,
      %dma_wait3A_795 = arith.constant 560 : i32
      %dma_wait3A_796 = tpu.memref_slice %arg7[%dma_wait3A_795] : memref<2000xi32, #tpu.memory_space<vmem>> -> memref<80xi32, #tpu.memory_space<vmem>>
      %dma_wait3A_797 = arith.constant 0 : i32
      %dma_wait3A_798 = arith.constant 0 : i32
      %dma_wait3A_799 = tpu.memref_slice %arg3[%dma_wait3A_797, %dma_wait3A_798] : memref<10000x128xbf16, #tpu.memory_space<hbm>> -> memref<10000x128xbf16, #tpu.memory_space<hbm>>
      tpu.wait_indirect_dma semaphore(%arg16 : memref<!tpu.dma_semaphore, #tpu.memory_space<semaphore_mem>>) src(%dma_wait3A_799 : memref<10000x128xbf16, #tpu.memory_space<hbm>>) dst(%arg11 : memref<80x128xbf16, #tpu.memory_space<vmem>>)
      %dma_start3A_800 = arith.constant 7 : i32
      %dma_start3A_801 = arith.constant 0 : i32
      %dma_start3A_802 = tpu.memref_slice %arg9[%dma_start3A_800, %dma_start3A_801] : memref<25x80xi32, #tpu.memory_space<vmem>> -> memref<1x80xi32, #tpu.memory_space<vmem>>
      %dma_start3A_803 = tpu.memref_squeeze %dma_start3A_802 : memref<1x80xi32, #tpu.memory_space<vmem>> -> memref<80xi32, #tpu.memory_space<vmem>>
      %dma_start3A_804 = arith.constant 0 : i32
      %dma_start3A_805 = arith.constant 0 : i32
      %dma_start3A_806 = tpu.memref_slice %arg6[%dma_start3A_804, %dma_start3A_805] : memref<10240x128xbf16, #tpu.memory_space<vmem_shared>> -> memref<10240x128xbf16, #tpu.memory_space<vmem_shared>>
      tpu.enqueue_indirect_dma source(%arg11 : memref<80x128xbf16, #tpu.memory_space<vmem>>) target(%dma_start3A_806 : memref<10240x128xbf16, #tpu.memory_space<vmem_shared>>) offsets(%dma_start3A_803 : memref<80xi32, #tpu.memory_space<vmem>>) semaphore(%arg18 : memref<!tpu.dma_semaphore, #tpu.memory_space<semaphore_mem>>) {add = true}
      %dma_wait3A_807 = arith.constant 6 : i32
      %dma_wait3A_808 = arith.constant 0 : i32
      %dma_wait3A_809 = tpu.memref_slice %arg9[%dma_wait3A_807, %dma_wait3A_808] : memref<25x80xi32, #tpu.memory_space<vmem>> -> memref<1x80xi32, #tpu.memory_space<vmem>>
      %dma_wait3A_810 = tpu.memref_squeeze %dma_wait3A_809 : memref<1x80xi32, #tpu.memory_space<vmem>> -> memref<80xi32, #tpu.memory_space<vmem>>
      %dma_wait3A_811 = arith.constant 0 : i32
      %dma_wait3A_812 = arith.constant 0 : i32
      %dma_wait3A_813 = tpu.memref_slice %arg6[%dma_wait3A_811, %dma_wait3A_812] : memref<10240x128xbf16, #tpu.memory_space<vmem_shared>> -> memref<10240x128xbf16, #tpu.memory_space<vmem_shared>>
      tpu.wait_indirect_dma semaphore(%arg18 : memref<!tpu.dma_semaphore, #tpu.memory_space<semaphore_mem>>) src(%arg10 : memref<80x128xbf16, #tpu.memory_space<vmem>>) dst(%dma_wait3A_813 : memref<10240x128xbf16, #tpu.memory_space<vmem_shared>>)
      %dma_start3A_814 = arith.constant 720 : i32
      %dma_start3A_815 = tpu.memref_slice %arg7[%dma_start3A_814] : memref<2000xi32, #tpu.memory_space<vmem>> -> memref<80xi32, #tpu.memory_space<vmem>>
      %dma_start3A_816 = arith.constant 0 : i32
      %dma_start3A_817 = arith.constant 0 : i32
      %dma_start3A_818 = tpu.memref_slice %arg3[%dma_start3A_816, %dma_start3A_817] : memref<10000x128xbf16, #tpu.memory_space<hbm>> -> memref<10000x128xbf16, #tpu.memory_space<hbm>>
      tpu.enqueue_indirect_dma source(%dma_start3A_818 : memref<10000x128xbf16, #tpu.memory_space<hbm>>) target(%arg10 : memref<80x128xbf16, #tpu.memory_space<vmem>>) offsets(%dma_start3A_815 : memref<80xi32, #tpu.memory_space<vmem>>) semaphore(%arg15 : memref<!tpu.dma_semaphore, #tpu.memory_space<semaphore_mem>>)
      %get3A_819 = arith.constant 720 : index
      %get3A_820 = tpu.vector_load %arg7[%get3A_819] {strides = array<i32>} : memref<2000xi32, #tpu.memory_space<vmem>>, vector<16xi32>,
      %get3A_821 = arith.constant 720 : index
      %get3A_822 = tpu.vector_load %arg8[%get3A_821] {strides = array<i32>} : memref<2000xi32, #tpu.memory_space<vmem>>, vector<16xi32>,
      %eq3A_823 = arith.cmpi eq, %get3A_820, %get3A_822 : vector<16xi32>
      %jit3A_824 = arith.constant 10000 : i32
      %broadcast_in_dim3A_825 = vector.broadcast %jit3A_824 : i32 to vector<16xi32>
      %select_n3A_826 = arith.select %eq3A_823, %broadcast_in_dim3A_825, %get3A_822 : vector<16xi1>, vector<16xi32>
      %swap3A_827 = arith.constant 9 : i32
      %swap3A_828 = arith.index_cast %swap3A_827 : i32 to index
      %swap3A_829 = arith.constant 0 : index
      %swap3A_830 = tpu.vector_load %arg9[%swap3A_828, %swap3A_829] {strides = array<i32>} : memref<25x80xi32, #tpu.memory_space<vmem>>, vector<16xi32>,
      tpu.vector_store %arg9[%swap3A_828, %swap3A_829], %select_n3A_826 {strides = array<i32>} : memref<25x80xi32, #tpu.memory_space<vmem>>, vector<16xi32>,
      tpu.vector_store_idx %arg13[%select_n3A_826], %broadcast_in_dim3A_56 {add = true} : memref<10240xf32, #tpu.memory_space<vmem>>[vector<16xi32>], vector<16xf32>,
      %get3A_831 = arith.constant 736 : index
      %get3A_832 = tpu.vector_load %arg7[%get3A_831] {strides = array<i32>} : memref<2000xi32, #tpu.memory_space<vmem>>, vector<16xi32>,
      %get3A_833 = arith.constant 736 : index
      %get3A_834 = tpu.vector_load %arg8[%get3A_833] {strides = array<i32>} : memref<2000xi32, #tpu.memory_space<vmem>>, vector<16xi32>,
      %eq3A_835 = arith.cmpi eq, %get3A_832, %get3A_834 : vector<16xi32>
      %jit3A_836 = arith.constant 10000 : i32
      %broadcast_in_dim3A_837 = vector.broadcast %jit3A_836 : i32 to vector<16xi32>
      %select_n3A_838 = arith.select %eq3A_835, %broadcast_in_dim3A_837, %get3A_834 : vector<16xi1>, vector<16xi32>
      %swap3A_839 = arith.constant 9 : i32
      %swap3A_840 = arith.index_cast %swap3A_839 : i32 to index
      %swap3A_841 = arith.constant 16 : index
      %swap3A_842 = tpu.vector_load %arg9[%swap3A_840, %swap3A_841] {strides = array<i32>} : memref<25x80xi32, #tpu.memory_space<vmem>>, vector<16xi32>,
      tpu.vector_store %arg9[%swap3A_840, %swap3A_841], %select_n3A_838 {strides = array<i32>} : memref<25x80xi32, #tpu.memory_space<vmem>>, vector<16xi32>,
      tpu.vector_store_idx %arg13[%select_n3A_838], %broadcast_in_dim3A_56 {add = true} : memref<10240xf32, #tpu.memory_space<vmem>>[vector<16xi32>], vector<16xf32>,
      %get3A_843 = arith.constant 752 : index
      %get3A_844 = tpu.vector_load %arg7[%get3A_843] {strides = array<i32>} : memref<2000xi32, #tpu.memory_space<vmem>>, vector<16xi32>,
      %get3A_845 = arith.constant 752 : index
      %get3A_846 = tpu.vector_load %arg8[%get3A_845] {strides = array<i32>} : memref<2000xi32, #tpu.memory_space<vmem>>, vector<16xi32>,
      %eq3A_847 = arith.cmpi eq, %get3A_844, %get3A_846 : vector<16xi32>
      %jit3A_848 = arith.constant 10000 : i32
      %broadcast_in_dim3A_849 = vector.broadcast %jit3A_848 : i32 to vector<16xi32>
      %select_n3A_850 = arith.select %eq3A_847, %broadcast_in_dim3A_849, %get3A_846 : vector<16xi1>, vector<16xi32>
      %swap3A_851 = arith.constant 9 : i32
      %swap3A_852 = arith.index_cast %swap3A_851 : i32 to index
      %swap3A_853 = arith.constant 32 : index
      %swap3A_854 = tpu.vector_load %arg9[%swap3A_852, %swap3A_853] {strides = array<i32>} : memref<25x80xi32, #tpu.memory_space<vmem>>, vector<16xi32>,
      tpu.vector_store %arg9[%swap3A_852, %swap3A_853], %select_n3A_850 {strides = array<i32>} : memref<25x80xi32, #tpu.memory_space<vmem>>, vector<16xi32>,
      tpu.vector_store_idx %arg13[%select_n3A_850], %broadcast_in_dim3A_56 {add = true} : memref<10240xf32, #tpu.memory_space<vmem>>[vector<16xi32>], vector<16xf32>,
      %get3A_855 = arith.constant 768 : index
      %get3A_856 = tpu.vector_load %arg7[%get3A_855] {strides = array<i32>} : memref<2000xi32, #tpu.memory_space<vmem>>, vector<16xi32>,
      %get3A_857 = arith.constant 768 : index
      %get3A_858 = tpu.vector_load %arg8[%get3A_857] {strides = array<i32>} : memref<2000xi32, #tpu.memory_space<vmem>>, vector<16xi32>,
      %eq3A_859 = arith.cmpi eq, %get3A_856, %get3A_858 : vector<16xi32>
      %jit3A_860 = arith.constant 10000 : i32
      %broadcast_in_dim3A_861 = vector.broadcast %jit3A_860 : i32 to vector<16xi32>
      %select_n3A_862 = arith.select %eq3A_859, %broadcast_in_dim3A_861, %get3A_858 : vector<16xi1>, vector<16xi32>
      %swap3A_863 = arith.constant 9 : i32
      %swap3A_864 = arith.index_cast %swap3A_863 : i32 to index
      %swap3A_865 = arith.constant 48 : index
      %swap3A_866 = tpu.vector_load %arg9[%swap3A_864, %swap3A_865] {strides = array<i32>} : memref<25x80xi32, #tpu.memory_space<vmem>>, vector<16xi32>,
      tpu.vector_store %arg9[%swap3A_864, %swap3A_865], %select_n3A_862 {strides = array<i32>} : memref<25x80xi32, #tpu.memory_space<vmem>>, vector<16xi32>,
      tpu.vector_store_idx %arg13[%select_n3A_862], %broadcast_in_dim3A_56 {add = true} : memref<10240xf32, #tpu.memory_space<vmem>>[vector<16xi32>], vector<16xf32>,
      %get3A_867 = arith.constant 784 : index
      %get3A_868 = tpu.vector_load %arg7[%get3A_867] {strides = array<i32>} : memref<2000xi32, #tpu.memory_space<vmem>>, vector<16xi32>,
      %get3A_869 = arith.constant 784 : index
      %get3A_870 = tpu.vector_load %arg8[%get3A_869] {strides = array<i32>} : memref<2000xi32, #tpu.memory_space<vmem>>, vector<16xi32>,
      %eq3A_871 = arith.cmpi eq, %get3A_868, %get3A_870 : vector<16xi32>
      %jit3A_872 = arith.constant 10000 : i32
      %broadcast_in_dim3A_873 = vector.broadcast %jit3A_872 : i32 to vector<16xi32>
      %select_n3A_874 = arith.select %eq3A_871, %broadcast_in_dim3A_873, %get3A_870 : vector<16xi1>, vector<16xi32>
      %swap3A_875 = arith.constant 9 : i32
      %swap3A_876 = arith.index_cast %swap3A_875 : i32 to index
      %swap3A_877 = arith.constant 64 : index
      %swap3A_878 = tpu.vector_load %arg9[%swap3A_876, %swap3A_877] {strides = array<i32>} : memref<25x80xi32, #tpu.memory_space<vmem>>, vector<16xi32>,
      tpu.vector_store %arg9[%swap3A_876, %swap3A_877], %select_n3A_874 {strides = array<i32>} : memref<25x80xi32, #tpu.memory_space<vmem>>, vector<16xi32>,
      tpu.vector_store_idx %arg13[%select_n3A_874], %broadcast_in_dim3A_56 {add = true} : memref<10240xf32, #tpu.memory_space<vmem>>[vector<16xi32>], vector<16xf32>,
      %dma_wait3A_879 = arith.constant 640 : i32
      %dma_wait3A_880 = tpu.memref_slice %arg7[%dma_wait3A_879] : memref<2000xi32, #tpu.memory_space<vmem>> -> memref<80xi32, #tpu.memory_space<vmem>>
      %dma_wait3A_881 = arith.constant 0 : i32
      %dma_wait3A_882 = arith.constant 0 : i32
      %dma_wait3A_883 = tpu.memref_slice %arg3[%dma_wait3A_881, %dma_wait3A_882] : memref<10000x128xbf16, #tpu.memory_space<hbm>> -> memref<10000x128xbf16, #tpu.memory_space<hbm>>
      tpu.wait_indirect_dma semaphore(%arg17 : memref<!tpu.dma_semaphore, #tpu.memory_space<semaphore_mem>>) src(%dma_wait3A_883 : memref<10000x128xbf16, #tpu.memory_space<hbm>>) dst(%arg12 : memref<80x128xbf16, #tpu.memory_space<vmem>>)
      %dma_start3A_884 = arith.constant 8 : i32
      %dma_start3A_885 = arith.constant 0 : i32
      %dma_start3A_886 = tpu.memref_slice %arg9[%dma_start3A_884, %dma_start3A_885] : memref<25x80xi32, #tpu.memory_space<vmem>> -> memref<1x80xi32, #tpu.memory_space<vmem>>
      %dma_start3A_887 = tpu.memref_squeeze %dma_start3A_886 : memref<1x80xi32, #tpu.memory_space<vmem>> -> memref<80xi32, #tpu.memory_space<vmem>>
      %dma_start3A_888 = arith.constant 0 : i32
      %dma_start3A_889 = arith.constant 0 : i32
      %dma_start3A_890 = tpu.memref_slice %arg6[%dma_start3A_888, %dma_start3A_889] : memref<10240x128xbf16, #tpu.memory_space<vmem_shared>> -> memref<10240x128xbf16, #tpu.memory_space<vmem_shared>>
      tpu.enqueue_indirect_dma source(%arg12 : memref<80x128xbf16, #tpu.memory_space<vmem>>) target(%dma_start3A_890 : memref<10240x128xbf16, #tpu.memory_space<vmem_shared>>) offsets(%dma_start3A_887 : memref<80xi32, #tpu.memory_space<vmem>>) semaphore(%arg18 : memref<!tpu.dma_semaphore, #tpu.memory_space<semaphore_mem>>) {add = true}
      %dma_wait3A_891 = arith.constant 7 : i32
      %dma_wait3A_892 = arith.constant 0 : i32
      %dma_wait3A_893 = tpu.memref_slice %arg9[%dma_wait3A_891, %dma_wait3A_892] : memref<25x80xi32, #tpu.memory_space<vmem>> -> memref<1x80xi32, #tpu.memory_space<vmem>>
      %dma_wait3A_894 = tpu.memref_squeeze %dma_wait3A_893 : memref<1x80xi32, #tpu.memory_space<vmem>> -> memref<80xi32, #tpu.memory_space<vmem>>
      %dma_wait3A_895 = arith.constant 0 : i32
      %dma_wait3A_896 = arith.constant 0 : i32
      %dma_wait3A_897 = tpu.memref_slice %arg6[%dma_wait3A_895, %dma_wait3A_896] : memref<10240x128xbf16, #tpu.memory_space<vmem_shared>> -> memref<10240x128xbf16, #tpu.memory_space<vmem_shared>>
      tpu.wait_indirect_dma semaphore(%arg18 : memref<!tpu.dma_semaphore, #tpu.memory_space<semaphore_mem>>) src(%arg11 : memref<80x128xbf16, #tpu.memory_space<vmem>>) dst(%dma_wait3A_897 : memref<10240x128xbf16, #tpu.memory_space<vmem_shared>>)
      %dma_start3A_898 = arith.constant 800 : i32
      %dma_start3A_899 = tpu.memref_slice %arg7[%dma_start3A_898] : memref<2000xi32, #tpu.memory_space<vmem>> -> memref<80xi32, #tpu.memory_space<vmem>>
      %dma_start3A_900 = arith.constant 0 : i32
      %dma_start3A_901 = arith.constant 0 : i32
      %dma_start3A_902 = tpu.memref_slice %arg3[%dma_start3A_900, %dma_start3A_901] : memref<10000x128xbf16, #tpu.memory_space<hbm>> -> memref<10000x128xbf16, #tpu.memory_space<hbm>>
      tpu.enqueue_indirect_dma source(%dma_start3A_902 : memref<10000x128xbf16, #tpu.memory_space<hbm>>) target(%arg11 : memref<80x128xbf16, #tpu.memory_space<vmem>>) offsets(%dma_start3A_899 : memref<80xi32, #tpu.memory_space<vmem>>) semaphore(%arg16 : memref<!tpu.dma_semaphore, #tpu.memory_space<semaphore_mem>>)
      %get3A_903 = arith.constant 800 : index
      %get3A_904 = tpu.vector_load %arg7[%get3A_903] {strides = array<i32>} : memref<2000xi32, #tpu.memory_space<vmem>>, vector<16xi32>,
      %get3A_905 = arith.constant 800 : index
      %get3A_906 = tpu.vector_load %arg8[%get3A_905] {strides = array<i32>} : memref<2000xi32, #tpu.memory_space<vmem>>, vector<16xi32>,
      %eq3A_907 = arith.cmpi eq, %get3A_904, %get3A_906 : vector<16xi32>
      %jit3A_908 = arith.constant 10000 : i32
      %broadcast_in_dim3A_909 = vector.broadcast %jit3A_908 : i32 to vector<16xi32>
      %select_n3A_910 = arith.select %eq3A_907, %broadcast_in_dim3A_909, %get3A_906 : vector<16xi1>, vector<16xi32>
      %swap3A_911 = arith.constant 10 : i32
      %swap3A_912 = arith.index_cast %swap3A_911 : i32 to index
      %swap3A_913 = arith.constant 0 : index
      %swap3A_914 = tpu.vector_load %arg9[%swap3A_912, %swap3A_913] {strides = array<i32>} : memref<25x80xi32, #tpu.memory_space<vmem>>, vector<16xi32>,
      tpu.vector_store %arg9[%swap3A_912, %swap3A_913], %select_n3A_910 {strides = array<i32>} : memref<25x80xi32, #tpu.memory_space<vmem>>, vector<16xi32>,
      tpu.vector_store_idx %arg13[%select_n3A_910], %broadcast_in_dim3A_56 {add = true} : memref<10240xf32, #tpu.memory_space<vmem>>[vector<16xi32>], vector<16xf32>,
      %get3A_915 = arith.constant 816 : index
      %get3A_916 = tpu.vector_load %arg7[%get3A_915] {strides = array<i32>} : memref<2000xi32, #tpu.memory_space<vmem>>, vector<16xi32>,
      %get3A_917 = arith.constant 816 : index
      %get3A_918 = tpu.vector_load %arg8[%get3A_917] {strides = array<i32>} : memref<2000xi32, #tpu.memory_space<vmem>>, vector<16xi32>,
      %eq3A_919 = arith.cmpi eq, %get3A_916, %get3A_918 : vector<16xi32>
      %jit3A_920 = arith.constant 10000 : i32
      %broadcast_in_dim3A_921 = vector.broadcast %jit3A_920 : i32 to vector<16xi32>
      %select_n3A_922 = arith.select %eq3A_919, %broadcast_in_dim3A_921, %get3A_918 : vector<16xi1>, vector<16xi32>
      %swap3A_923 = arith.constant 10 : i32
      %swap3A_924 = arith.index_cast %swap3A_923 : i32 to index
      %swap3A_925 = arith.constant 16 : index
      %swap3A_926 = tpu.vector_load %arg9[%swap3A_924, %swap3A_925] {strides = array<i32>} : memref<25x80xi32, #tpu.memory_space<vmem>>, vector<16xi32>,
      tpu.vector_store %arg9[%swap3A_924, %swap3A_925], %select_n3A_922 {strides = array<i32>} : memref<25x80xi32, #tpu.memory_space<vmem>>, vector<16xi32>,
      tpu.vector_store_idx %arg13[%select_n3A_922], %broadcast_in_dim3A_56 {add = true} : memref<10240xf32, #tpu.memory_space<vmem>>[vector<16xi32>], vector<16xf32>,
      %get3A_927 = arith.constant 832 : index
      %get3A_928 = tpu.vector_load %arg7[%get3A_927] {strides = array<i32>} : memref<2000xi32, #tpu.memory_space<vmem>>, vector<16xi32>,
      %get3A_929 = arith.constant 832 : index
      %get3A_930 = tpu.vector_load %arg8[%get3A_929] {strides = array<i32>} : memref<2000xi32, #tpu.memory_space<vmem>>, vector<16xi32>,
      %eq3A_931 = arith.cmpi eq, %get3A_928, %get3A_930 : vector<16xi32>
      %jit3A_932 = arith.constant 10000 : i32
      %broadcast_in_dim3A_933 = vector.broadcast %jit3A_932 : i32 to vector<16xi32>
      %select_n3A_934 = arith.select %eq3A_931, %broadcast_in_dim3A_933, %get3A_930 : vector<16xi1>, vector<16xi32>
      %swap3A_935 = arith.constant 10 : i32
      %swap3A_936 = arith.index_cast %swap3A_935 : i32 to index
      %swap3A_937 = arith.constant 32 : index
      %swap3A_938 = tpu.vector_load %arg9[%swap3A_936, %swap3A_937] {strides = array<i32>} : memref<25x80xi32, #tpu.memory_space<vmem>>, vector<16xi32>,
      tpu.vector_store %arg9[%swap3A_936, %swap3A_937], %select_n3A_934 {strides = array<i32>} : memref<25x80xi32, #tpu.memory_space<vmem>>, vector<16xi32>,
      tpu.vector_store_idx %arg13[%select_n3A_934], %broadcast_in_dim3A_56 {add = true} : memref<10240xf32, #tpu.memory_space<vmem>>[vector<16xi32>], vector<16xf32>,
      %get3A_939 = arith.constant 848 : index
      %get3A_940 = tpu.vector_load %arg7[%get3A_939] {strides = array<i32>} : memref<2000xi32, #tpu.memory_space<vmem>>, vector<16xi32>,
      %get3A_941 = arith.constant 848 : index
      %get3A_942 = tpu.vector_load %arg8[%get3A_941] {strides = array<i32>} : memref<2000xi32, #tpu.memory_space<vmem>>, vector<16xi32>,
      %eq3A_943 = arith.cmpi eq, %get3A_940, %get3A_942 : vector<16xi32>
      %jit3A_944 = arith.constant 10000 : i32
      %broadcast_in_dim3A_945 = vector.broadcast %jit3A_944 : i32 to vector<16xi32>
      %select_n3A_946 = arith.select %eq3A_943, %broadcast_in_dim3A_945, %get3A_942 : vector<16xi1>, vector<16xi32>
      %swap3A_947 = arith.constant 10 : i32
      %swap3A_948 = arith.index_cast %swap3A_947 : i32 to index
      %swap3A_949 = arith.constant 48 : index
      %swap3A_950 = tpu.vector_load %arg9[%swap3A_948, %swap3A_949] {strides = array<i32>} : memref<25x80xi32, #tpu.memory_space<vmem>>, vector<16xi32>,
      tpu.vector_store %arg9[%swap3A_948, %swap3A_949], %select_n3A_946 {strides = array<i32>} : memref<25x80xi32, #tpu.memory_space<vmem>>, vector<16xi32>,
      tpu.vector_store_idx %arg13[%select_n3A_946], %broadcast_in_dim3A_56 {add = true} : memref<10240xf32, #tpu.memory_space<vmem>>[vector<16xi32>], vector<16xf32>,
      %get3A_951 = arith.constant 864 : index
      %get3A_952 = tpu.vector_load %arg7[%get3A_951] {strides = array<i32>} : memref<2000xi32, #tpu.memory_space<vmem>>, vector<16xi32>,
      %get3A_953 = arith.constant 864 : index
      %get3A_954 = tpu.vector_load %arg8[%get3A_953] {strides = array<i32>} : memref<2000xi32, #tpu.memory_space<vmem>>, vector<16xi32>,
      %eq3A_955 = arith.cmpi eq, %get3A_952, %get3A_954 : vector<16xi32>
      %jit3A_956 = arith.constant 10000 : i32
      %broadcast_in_dim3A_957 = vector.broadcast %jit3A_956 : i32 to vector<16xi32>
      %select_n3A_958 = arith.select %eq3A_955, %broadcast_in_dim3A_957, %get3A_954 : vector<16xi1>, vector<16xi32>
      %swap3A_959 = arith.constant 10 : i32
      %swap3A_960 = arith.index_cast %swap3A_959 : i32 to index
      %swap3A_961 = arith.constant 64 : index
      %swap3A_962 = tpu.vector_load %arg9[%swap3A_960, %swap3A_961] {strides = array<i32>} : memref<25x80xi32, #tpu.memory_space<vmem>>, vector<16xi32>,
      tpu.vector_store %arg9[%swap3A_960, %swap3A_961], %select_n3A_958 {strides = array<i32>} : memref<25x80xi32, #tpu.memory_space<vmem>>, vector<16xi32>,
      tpu.vector_store_idx %arg13[%select_n3A_958], %broadcast_in_dim3A_56 {add = true} : memref<10240xf32, #tpu.memory_space<vmem>>[vector<16xi32>], vector<16xf32>,
      %dma_wait3A_963 = arith.constant 720 : i32
      %dma_wait3A_964 = tpu.memref_slice %arg7[%dma_wait3A_963] : memref<2000xi32, #tpu.memory_space<vmem>> -> memref<80xi32, #tpu.memory_space<vmem>>
      %dma_wait3A_965 = arith.constant 0 : i32
      %dma_wait3A_966 = arith.constant 0 : i32
      %dma_wait3A_967 = tpu.memref_slice %arg3[%dma_wait3A_965, %dma_wait3A_966] : memref<10000x128xbf16, #tpu.memory_space<hbm>> -> memref<10000x128xbf16, #tpu.memory_space<hbm>>
      tpu.wait_indirect_dma semaphore(%arg15 : memref<!tpu.dma_semaphore, #tpu.memory_space<semaphore_mem>>) src(%dma_wait3A_967 : memref<10000x128xbf16, #tpu.memory_space<hbm>>) dst(%arg10 : memref<80x128xbf16, #tpu.memory_space<vmem>>)
      %dma_start3A_968 = arith.constant 9 : i32
      %dma_start3A_969 = arith.constant 0 : i32
      %dma_start3A_970 = tpu.memref_slice %arg9[%dma_start3A_968, %dma_start3A_969] : memref<25x80xi32, #tpu.memory_space<vmem>> -> memref<1x80xi32, #tpu.memory_space<vmem>>
      %dma_start3A_971 = tpu.memref_squeeze %dma_start3A_970 : memref<1x80xi32, #tpu.memory_space<vmem>> -> memref<80xi32, #tpu.memory_space<vmem>>
      %dma_start3A_972 = arith.constant 0 : i32
      %dma_start3A_973 = arith.constant 0 : i32
      %dma_start3A_974 = tpu.memref_slice %arg6[%dma_start3A_972, %dma_start3A_973] : memref<10240x128xbf16, #tpu.memory_space<vmem_shared>> -> memref<10240x128xbf16, #tpu.memory_space<vmem_shared>>
      tpu.enqueue_indirect_dma source(%arg10 : memref<80x128xbf16, #tpu.memory_space<vmem>>) target(%dma_start3A_974 : memref<10240x128xbf16, #tpu.memory_space<vmem_shared>>) offsets(%dma_start3A_971 : memref<80xi32, #tpu.memory_space<vmem>>) semaphore(%arg18 : memref<!tpu.dma_semaphore, #tpu.memory_space<semaphore_mem>>) {add = true}
      %dma_wait3A_975 = arith.constant 8 : i32
      %dma_wait3A_976 = arith.constant 0 : i32
      %dma_wait3A_977 = tpu.memref_slice %arg9[%dma_wait3A_975, %dma_wait3A_976] : memref<25x80xi32, #tpu.memory_space<vmem>> -> memref<1x80xi32, #tpu.memory_space<vmem>>
      %dma_wait3A_978 = tpu.memref_squeeze %dma_wait3A_977 : memref<1x80xi32, #tpu.memory_space<vmem>> -> memref<80xi32, #tpu.memory_space<vmem>>
      %dma_wait3A_979 = arith.constant 0 : i32
      %dma_wait3A_980 = arith.constant 0 : i32
      %dma_wait3A_981 = tpu.memref_slice %arg6[%dma_wait3A_979, %dma_wait3A_980] : memref<10240x128xbf16, #tpu.memory_space<vmem_shared>> -> memref<10240x128xbf16, #tpu.memory_space<vmem_shared>>
      tpu.wait_indirect_dma semaphore(%arg18 : memref<!tpu.dma_semaphore, #tpu.memory_space<semaphore_mem>>) src(%arg12 : memref<80x128xbf16, #tpu.memory_space<vmem>>) dst(%dma_wait3A_981 : memref<10240x128xbf16, #tpu.memory_space<vmem_shared>>)
      %dma_start3A_982 = arith.constant 880 : i32
      %dma_start3A_983 = tpu.memref_slice %arg7[%dma_start3A_982] : memref<2000xi32, #tpu.memory_space<vmem>> -> memref<80xi32, #tpu.memory_space<vmem>>
      %dma_start3A_984 = arith.constant 0 : i32
      %dma_start3A_985 = arith.constant 0 : i32
      %dma_start3A_986 = tpu.memref_slice %arg3[%dma_start3A_984, %dma_start3A_985] : memref<10000x128xbf16, #tpu.memory_space<hbm>> -> memref<10000x128xbf16, #tpu.memory_space<hbm>>
      tpu.enqueue_indirect_dma source(%dma_start3A_986 : memref<10000x128xbf16, #tpu.memory_space<hbm>>) target(%arg12 : memref<80x128xbf16, #tpu.memory_space<vmem>>) offsets(%dma_start3A_983 : memref<80xi32, #tpu.memory_space<vmem>>) semaphore(%arg17 : memref<!tpu.dma_semaphore, #tpu.memory_space<semaphore_mem>>)
      %get3A_987 = arith.constant 880 : index
      %get3A_988 = tpu.vector_load %arg7[%get3A_987] {strides = array<i32>} : memref<2000xi32, #tpu.memory_space<vmem>>, vector<16xi32>,
      %get3A_989 = arith.constant 880 : index
      %get3A_990 = tpu.vector_load %arg8[%get3A_989] {strides = array<i32>} : memref<2000xi32, #tpu.memory_space<vmem>>, vector<16xi32>,
      %eq3A_991 = arith.cmpi eq, %get3A_988, %get3A_990 : vector<16xi32>
      %jit3A_992 = arith.constant 10000 : i32
      %broadcast_in_dim3A_993 = vector.broadcast %jit3A_992 : i32 to vector<16xi32>
      %select_n3A_994 = arith.select %eq3A_991, %broadcast_in_dim3A_993, %get3A_990 : vector<16xi1>, vector<16xi32>
      %swap3A_995 = arith.constant 11 : i32
      %swap3A_996 = arith.index_cast %swap3A_995 : i32 to index
      %swap3A_997 = arith.constant 0 : index
      %swap3A_998 = tpu.vector_load %arg9[%swap3A_996, %swap3A_997] {strides = array<i32>} : memref<25x80xi32, #tpu.memory_space<vmem>>, vector<16xi32>,
      tpu.vector_store %arg9[%swap3A_996, %swap3A_997], %select_n3A_994 {strides = array<i32>} : memref<25x80xi32, #tpu.memory_space<vmem>>, vector<16xi32>,
      tpu.vector_store_idx %arg13[%select_n3A_994], %broadcast_in_dim3A_56 {add = true} : memref<10240xf32, #tpu.memory_space<vmem>>[vector<16xi32>], vector<16xf32>,
      %get3A_999 = arith.constant 896 : index
      %get3A_1000 = tpu.vector_load %arg7[%get3A_999] {strides = array<i32>} : memref<2000xi32, #tpu.memory_space<vmem>>, vector<16xi32>,
      %get3A_1001 = arith.constant 896 : index
      %get3A_1002 = tpu.vector_load %arg8[%get3A_1001] {strides = array<i32>} : memref<2000xi32, #tpu.memory_space<vmem>>, vector<16xi32>,
      %eq3A_1003 = arith.cmpi eq, %get3A_1000, %get3A_1002 : vector<16xi32>
      %jit3A_1004 = arith.constant 10000 : i32
      %broadcast_in_dim3A_1005 = vector.broadcast %jit3A_1004 : i32 to vector<16xi32>
      %select_n3A_1006 = arith.select %eq3A_1003, %broadcast_in_dim3A_1005, %get3A_1002 : vector<16xi1>, vector<16xi32>
      %swap3A_1007 = arith.constant 11 : i32
      %swap3A_1008 = arith.index_cast %swap3A_1007 : i32 to index
      %swap3A_1009 = arith.constant 16 : index
      %swap3A_1010 = tpu.vector_load %arg9[%swap3A_1008, %swap3A_1009] {strides = array<i32>} : memref<25x80xi32, #tpu.memory_space<vmem>>, vector<16xi32>,
      tpu.vector_store %arg9[%swap3A_1008, %swap3A_1009], %select_n3A_1006 {strides = array<i32>} : memref<25x80xi32, #tpu.memory_space<vmem>>, vector<16xi32>,
      tpu.vector_store_idx %arg13[%select_n3A_1006], %broadcast_in_dim3A_56 {add = true} : memref<10240xf32, #tpu.memory_space<vmem>>[vector<16xi32>], vector<16xf32>,
      %get3A_1011 = arith.constant 912 : index
      %get3A_1012 = tpu.vector_load %arg7[%get3A_1011] {strides = array<i32>} : memref<2000xi32, #tpu.memory_space<vmem>>, vector<16xi32>,
      %get3A_1013 = arith.constant 912 : index
      %get3A_1014 = tpu.vector_load %arg8[%get3A_1013] {strides = array<i32>} : memref<2000xi32, #tpu.memory_space<vmem>>, vector<16xi32>,
      %eq3A_1015 = arith.cmpi eq, %get3A_1012, %get3A_1014 : vector<16xi32>
      %jit3A_1016 = arith.constant 10000 : i32
      %broadcast_in_dim3A_1017 = vector.broadcast %jit3A_1016 : i32 to vector<16xi32>
      %select_n3A_1018 = arith.select %eq3A_1015, %broadcast_in_dim3A_1017, %get3A_1014 : vector<16xi1>, vector<16xi32>
      %swap3A_1019 = arith.constant 11 : i32
      %swap3A_1020 = arith.index_cast %swap3A_1019 : i32 to index
      %swap3A_1021 = arith.constant 32 : index
      %swap3A_1022 = tpu.vector_load %arg9[%swap3A_1020, %swap3A_1021] {strides = array<i32>} : memref<25x80xi32, #tpu.memory_space<vmem>>, vector<16xi32>,
      tpu.vector_store %arg9[%swap3A_1020, %swap3A_1021], %select_n3A_1018 {strides = array<i32>} : memref<25x80xi32, #tpu.memory_space<vmem>>, vector<16xi32>,
      tpu.vector_store_idx %arg13[%select_n3A_1018], %broadcast_in_dim3A_56 {add = true} : memref<10240xf32, #tpu.memory_space<vmem>>[vector<16xi32>], vector<16xf32>,
      %get3A_1023 = arith.constant 928 : index
      %get3A_1024 = tpu.vector_load %arg7[%get3A_1023] {strides = array<i32>} : memref<2000xi32, #tpu.memory_space<vmem>>, vector<16xi32>,
      %get3A_1025 = arith.constant 928 : index
      %get3A_1026 = tpu.vector_load %arg8[%get3A_1025] {strides = array<i32>} : memref<2000xi32, #tpu.memory_space<vmem>>, vector<16xi32>,
      %eq3A_1027 = arith.cmpi eq, %get3A_1024, %get3A_1026 : vector<16xi32>
      %jit3A_1028 = arith.constant 10000 : i32
      %broadcast_in_dim3A_1029 = vector.broadcast %jit3A_1028 : i32 to vector<16xi32>
      %select_n3A_1030 = arith.select %eq3A_1027, %broadcast_in_dim3A_1029, %get3A_1026 : vector<16xi1>, vector<16xi32>
      %swap3A_1031 = arith.constant 11 : i32
      %swap3A_1032 = arith.index_cast %swap3A_1031 : i32 to index
      %swap3A_1033 = arith.constant 48 : index
      %swap3A_1034 = tpu.vector_load %arg9[%swap3A_1032, %swap3A_1033] {strides = array<i32>} : memref<25x80xi32, #tpu.memory_space<vmem>>, vector<16xi32>,
      tpu.vector_store %arg9[%swap3A_1032, %swap3A_1033], %select_n3A_1030 {strides = array<i32>} : memref<25x80xi32, #tpu.memory_space<vmem>>, vector<16xi32>,
      tpu.vector_store_idx %arg13[%select_n3A_1030], %broadcast_in_dim3A_56 {add = true} : memref<10240xf32, #tpu.memory_space<vmem>>[vector<16xi32>], vector<16xf32>,
      %get3A_1035 = arith.constant 944 : index
      %get3A_1036 = tpu.vector_load %arg7[%get3A_1035] {strides = array<i32>} : memref<2000xi32, #tpu.memory_space<vmem>>, vector<16xi32>,
      %get3A_1037 = arith.constant 944 : index
      %get3A_1038 = tpu.vector_load %arg8[%get3A_1037] {strides = array<i32>} : memref<2000xi32, #tpu.memory_space<vmem>>, vector<16xi32>,
      %eq3A_1039 = arith.cmpi eq, %get3A_1036, %get3A_1038 : vector<16xi32>
      %jit3A_1040 = arith.constant 10000 : i32
      %broadcast_in_dim3A_1041 = vector.broadcast %jit3A_1040 : i32 to vector<16xi32>
      %select_n3A_1042 = arith.select %eq3A_1039, %broadcast_in_dim3A_1041, %get3A_1038 : vector<16xi1>, vector<16xi32>
      %swap3A_1043 = arith.constant 11 : i32
      %swap3A_1044 = arith.index_cast %swap3A_1043 : i32 to index
      %swap3A_1045 = arith.constant 64 : index
      %swap3A_1046 = tpu.vector_load %arg9[%swap3A_1044, %swap3A_1045] {strides = array<i32>} : memref<25x80xi32, #tpu.memory_space<vmem>>, vector<16xi32>,
      tpu.vector_store %arg9[%swap3A_1044, %swap3A_1045], %select_n3A_1042 {strides = array<i32>} : memref<25x80xi32, #tpu.memory_space<vmem>>, vector<16xi32>,
      tpu.vector_store_idx %arg13[%select_n3A_1042], %broadcast_in_dim3A_56 {add = true} : memref<10240xf32, #tpu.memory_space<vmem>>[vector<16xi32>], vector<16xf32>,
      %dma_wait3A_1047 = arith.constant 800 : i32
      %dma_wait3A_1048 = tpu.memref_slice %arg7[%dma_wait3A_1047] : memref<2000xi32, #tpu.memory_space<vmem>> -> memref<80xi32, #tpu.memory_space<vmem>>
      %dma_wait3A_1049 = arith.constant 0 : i32
      %dma_wait3A_1050 = arith.constant 0 : i32
      %dma_wait3A_1051 = tpu.memref_slice %arg3[%dma_wait3A_1049, %dma_wait3A_1050] : memref<10000x128xbf16, #tpu.memory_space<hbm>> -> memref<10000x128xbf16, #tpu.memory_space<hbm>>
      tpu.wait_indirect_dma semaphore(%arg16 : memref<!tpu.dma_semaphore, #tpu.memory_space<semaphore_mem>>) src(%dma_wait3A_1051 : memref<10000x128xbf16, #tpu.memory_space<hbm>>) dst(%arg11 : memref<80x128xbf16, #tpu.memory_space<vmem>>)
      %dma_start3A_1052 = arith.constant 10 : i32
      %dma_start3A_1053 = arith.constant 0 : i32
      %dma_start3A_1054 = tpu.memref_slice %arg9[%dma_start3A_1052, %dma_start3A_1053] : memref<25x80xi32, #tpu.memory_space<vmem>> -> memref<1x80xi32, #tpu.memory_space<vmem>>
      %dma_start3A_1055 = tpu.memref_squeeze %dma_start3A_1054 : memref<1x80xi32, #tpu.memory_space<vmem>> -> memref<80xi32, #tpu.memory_space<vmem>>
      %dma_start3A_1056 = arith.constant 0 : i32
      %dma_start3A_1057 = arith.constant 0 : i32
      %dma_start3A_1058 = tpu.memref_slice %arg6[%dma_start3A_1056, %dma_start3A_1057] : memref<10240x128xbf16, #tpu.memory_space<vmem_shared>> -> memref<10240x128xbf16, #tpu.memory_space<vmem_shared>>
      tpu.enqueue_indirect_dma source(%arg11 : memref<80x128xbf16, #tpu.memory_space<vmem>>) target(%dma_start3A_1058 : memref<10240x128xbf16, #tpu.memory_space<vmem_shared>>) offsets(%dma_start3A_1055 : memref<80xi32, #tpu.memory_space<vmem>>) semaphore(%arg18 : memref<!tpu.dma_semaphore, #tpu.memory_space<semaphore_mem>>) {add = true}
      %dma_wait3A_1059 = arith.constant 9 : i32
      %dma_wait3A_1060 = arith.constant 0 : i32
      %dma_wait3A_1061 = tpu.memref_slice %arg9[%dma_wait3A_1059, %dma_wait3A_1060] : memref<25x80xi32, #tpu.memory_space<vmem>> -> memref<1x80xi32, #tpu.memory_space<vmem>>
      %dma_wait3A_1062 = tpu.memref_squeeze %dma_wait3A_1061 : memref<1x80xi32, #tpu.memory_space<vmem>> -> memref<80xi32, #tpu.memory_space<vmem>>
      %dma_wait3A_1063 = arith.constant 0 : i32
      %dma_wait3A_1064 = arith.constant 0 : i32
      %dma_wait3A_1065 = tpu.memref_slice %arg6[%dma_wait3A_1063, %dma_wait3A_1064] : memref<10240x128xbf16, #tpu.memory_space<vmem_shared>> -> memref<10240x128xbf16, #tpu.memory_space<vmem_shared>>
      tpu.wait_indirect_dma semaphore(%arg18 : memref<!tpu.dma_semaphore, #tpu.memory_space<semaphore_mem>>) src(%arg10 : memref<80x128xbf16, #tpu.memory_space<vmem>>) dst(%dma_wait3A_1065 : memref<10240x128xbf16, #tpu.memory_space<vmem_shared>>)
      %dma_start3A_1066 = arith.constant 960 : i32
      %dma_start3A_1067 = tpu.memref_slice %arg7[%dma_start3A_1066] : memref<2000xi32, #tpu.memory_space<vmem>> -> memref<80xi32, #tpu.memory_space<vmem>>
      %dma_start3A_1068 = arith.constant 0 : i32
      %dma_start3A_1069 = arith.constant 0 : i32
      %dma_start3A_1070 = tpu.memref_slice %arg3[%dma_start3A_1068, %dma_start3A_1069] : memref<10000x128xbf16, #tpu.memory_space<hbm>> -> memref<10000x128xbf16, #tpu.memory_space<hbm>>
      tpu.enqueue_indirect_dma source(%dma_start3A_1070 : memref<10000x128xbf16, #tpu.memory_space<hbm>>) target(%arg10 : memref<80x128xbf16, #tpu.memory_space<vmem>>) offsets(%dma_start3A_1067 : memref<80xi32, #tpu.memory_space<vmem>>) semaphore(%arg15 : memref<!tpu.dma_semaphore, #tpu.memory_space<semaphore_mem>>)
      %get3A_1071 = arith.constant 960 : index
      %get3A_1072 = tpu.vector_load %arg7[%get3A_1071] {strides = array<i32>} : memref<2000xi32, #tpu.memory_space<vmem>>, vector<16xi32>,
      %get3A_1073 = arith.constant 960 : index
      %get3A_1074 = tpu.vector_load %arg8[%get3A_1073] {strides = array<i32>} : memref<2000xi32, #tpu.memory_space<vmem>>, vector<16xi32>,
      %eq3A_1075 = arith.cmpi eq, %get3A_1072, %get3A_1074 : vector<16xi32>
      %jit3A_1076 = arith.constant 10000 : i32
      %broadcast_in_dim3A_1077 = vector.broadcast %jit3A_1076 : i32 to vector<16xi32>
      %select_n3A_1078 = arith.select %eq3A_1075, %broadcast_in_dim3A_1077, %get3A_1074 : vector<16xi1>, vector<16xi32>
      %swap3A_1079 = arith.constant 12 : i32
      %swap3A_1080 = arith.index_cast %swap3A_1079 : i32 to index
      %swap3A_1081 = arith.constant 0 : index
      %swap3A_1082 = tpu.vector_load %arg9[%swap3A_1080, %swap3A_1081] {strides = array<i32>} : memref<25x80xi32, #tpu.memory_space<vmem>>, vector<16xi32>,
      tpu.vector_store %arg9[%swap3A_1080, %swap3A_1081], %select_n3A_1078 {strides = array<i32>} : memref<25x80xi32, #tpu.memory_space<vmem>>, vector<16xi32>,
      tpu.vector_store_idx %arg13[%select_n3A_1078], %broadcast_in_dim3A_56 {add = true} : memref<10240xf32, #tpu.memory_space<vmem>>[vector<16xi32>], vector<16xf32>,
      %get3A_1083 = arith.constant 976 : index
      %get3A_1084 = tpu.vector_load %arg7[%get3A_1083] {strides = array<i32>} : memref<2000xi32, #tpu.memory_space<vmem>>, vector<16xi32>,
      %get3A_1085 = arith.constant 976 : index
      %get3A_1086 = tpu.vector_load %arg8[%get3A_1085] {strides = array<i32>} : memref<2000xi32, #tpu.memory_space<vmem>>, vector<16xi32>,
      %eq3A_1087 = arith.cmpi eq, %get3A_1084, %get3A_1086 : vector<16xi32>
      %jit3A_1088 = arith.constant 10000 : i32
      %broadcast_in_dim3A_1089 = vector.broadcast %jit3A_1088 : i32 to vector<16xi32>
      %select_n3A_1090 = arith.select %eq3A_1087, %broadcast_in_dim3A_1089, %get3A_1086 : vector<16xi1>, vector<16xi32>
      %swap3A_1091 = arith.constant 12 : i32
      %swap3A_1092 = arith.index_cast %swap3A_1091 : i32 to index
      %swap3A_1093 = arith.constant 16 : index
      %swap3A_1094 = tpu.vector_load %arg9[%swap3A_1092, %swap3A_1093] {strides = array<i32>} : memref<25x80xi32, #tpu.memory_space<vmem>>, vector<16xi32>,
      tpu.vector_store %arg9[%swap3A_1092, %swap3A_1093], %select_n3A_1090 {strides = array<i32>} : memref<25x80xi32, #tpu.memory_space<vmem>>, vector<16xi32>,
      tpu.vector_store_idx %arg13[%select_n3A_1090], %broadcast_in_dim3A_56 {add = true} : memref<10240xf32, #tpu.memory_space<vmem>>[vector<16xi32>], vector<16xf32>,
      %get3A_1095 = arith.constant 992 : index
      %get3A_1096 = tpu.vector_load %arg7[%get3A_1095] {strides = array<i32>} : memref<2000xi32, #tpu.memory_space<vmem>>, vector<16xi32>,
      %get3A_1097 = arith.constant 992 : index
      %get3A_1098 = tpu.vector_load %arg8[%get3A_1097] {strides = array<i32>} : memref<2000xi32, #tpu.memory_space<vmem>>, vector<16xi32>,
      %eq3A_1099 = arith.cmpi eq, %get3A_1096, %get3A_1098 : vector<16xi32>
      %jit3A_1100 = arith.constant 10000 : i32
      %broadcast_in_dim3A_1101 = vector.broadcast %jit3A_1100 : i32 to vector<16xi32>
      %select_n3A_1102 = arith.select %eq3A_1099, %broadcast_in_dim3A_1101, %get3A_1098 : vector<16xi1>, vector<16xi32>
      %swap3A_1103 = arith.constant 12 : i32
      %swap3A_1104 = arith.index_cast %swap3A_1103 : i32 to index
      %swap3A_1105 = arith.constant 32 : index
      %swap3A_1106 = tpu.vector_load %arg9[%swap3A_1104, %swap3A_1105] {strides = array<i32>} : memref<25x80xi32, #tpu.memory_space<vmem>>, vector<16xi32>,
      tpu.vector_store %arg9[%swap3A_1104, %swap3A_1105], %select_n3A_1102 {strides = array<i32>} : memref<25x80xi32, #tpu.memory_space<vmem>>, vector<16xi32>,
      tpu.vector_store_idx %arg13[%select_n3A_1102], %broadcast_in_dim3A_56 {add = true} : memref<10240xf32, #tpu.memory_space<vmem>>[vector<16xi32>], vector<16xf32>,
      %get3A_1107 = arith.constant 1008 : index
      %get3A_1108 = tpu.vector_load %arg7[%get3A_1107] {strides = array<i32>} : memref<2000xi32, #tpu.memory_space<vmem>>, vector<16xi32>,
      %get3A_1109 = arith.constant 1008 : index
      %get3A_1110 = tpu.vector_load %arg8[%get3A_1109] {strides = array<i32>} : memref<2000xi32, #tpu.memory_space<vmem>>, vector<16xi32>,
      %eq3A_1111 = arith.cmpi eq, %get3A_1108, %get3A_1110 : vector<16xi32>
      %jit3A_1112 = arith.constant 10000 : i32
      %broadcast_in_dim3A_1113 = vector.broadcast %jit3A_1112 : i32 to vector<16xi32>
      %select_n3A_1114 = arith.select %eq3A_1111, %broadcast_in_dim3A_1113, %get3A_1110 : vector<16xi1>, vector<16xi32>
      %swap3A_1115 = arith.constant 12 : i32
      %swap3A_1116 = arith.index_cast %swap3A_1115 : i32 to index
      %swap3A_1117 = arith.constant 48 : index
      %swap3A_1118 = tpu.vector_load %arg9[%swap3A_1116, %swap3A_1117] {strides = array<i32>} : memref<25x80xi32, #tpu.memory_space<vmem>>, vector<16xi32>,
      tpu.vector_store %arg9[%swap3A_1116, %swap3A_1117], %select_n3A_1114 {strides = array<i32>} : memref<25x80xi32, #tpu.memory_space<vmem>>, vector<16xi32>,
      tpu.vector_store_idx %arg13[%select_n3A_1114], %broadcast_in_dim3A_56 {add = true} : memref<10240xf32, #tpu.memory_space<vmem>>[vector<16xi32>], vector<16xf32>,
      %get3A_1119 = arith.constant 1024 : index
      %get3A_1120 = tpu.vector_load %arg7[%get3A_1119] {strides = array<i32>} : memref<2000xi32, #tpu.memory_space<vmem>>, vector<16xi32>,
      %get3A_1121 = arith.constant 1024 : index
      %get3A_1122 = tpu.vector_load %arg8[%get3A_1121] {strides = array<i32>} : memref<2000xi32, #tpu.memory_space<vmem>>, vector<16xi32>,
      %eq3A_1123 = arith.cmpi eq, %get3A_1120, %get3A_1122 : vector<16xi32>
      %jit3A_1124 = arith.constant 10000 : i32
      %broadcast_in_dim3A_1125 = vector.broadcast %jit3A_1124 : i32 to vector<16xi32>
      %select_n3A_1126 = arith.select %eq3A_1123, %broadcast_in_dim3A_1125, %get3A_1122 : vector<16xi1>, vector<16xi32>
      %swap3A_1127 = arith.constant 12 : i32
      %swap3A_1128 = arith.index_cast %swap3A_1127 : i32 to index
      %swap3A_1129 = arith.constant 64 : index
      %swap3A_1130 = tpu.vector_load %arg9[%swap3A_1128, %swap3A_1129] {strides = array<i32>} : memref<25x80xi32, #tpu.memory_space<vmem>>, vector<16xi32>,
      tpu.vector_store %arg9[%swap3A_1128, %swap3A_1129], %select_n3A_1126 {strides = array<i32>} : memref<25x80xi32, #tpu.memory_space<vmem>>, vector<16xi32>,
      tpu.vector_store_idx %arg13[%select_n3A_1126], %broadcast_in_dim3A_56 {add = true} : memref<10240xf32, #tpu.memory_space<vmem>>[vector<16xi32>], vector<16xf32>,
      %dma_wait3A_1131 = arith.constant 880 : i32
      %dma_wait3A_1132 = tpu.memref_slice %arg7[%dma_wait3A_1131] : memref<2000xi32, #tpu.memory_space<vmem>> -> memref<80xi32, #tpu.memory_space<vmem>>
      %dma_wait3A_1133 = arith.constant 0 : i32
      %dma_wait3A_1134 = arith.constant 0 : i32
      %dma_wait3A_1135 = tpu.memref_slice %arg3[%dma_wait3A_1133, %dma_wait3A_1134] : memref<10000x128xbf16, #tpu.memory_space<hbm>> -> memref<10000x128xbf16, #tpu.memory_space<hbm>>
      tpu.wait_indirect_dma semaphore(%arg17 : memref<!tpu.dma_semaphore, #tpu.memory_space<semaphore_mem>>) src(%dma_wait3A_1135 : memref<10000x128xbf16, #tpu.memory_space<hbm>>) dst(%arg12 : memref<80x128xbf16, #tpu.memory_space<vmem>>)
      %dma_start3A_1136 = arith.constant 11 : i32
      %dma_start3A_1137 = arith.constant 0 : i32
      %dma_start3A_1138 = tpu.memref_slice %arg9[%dma_start3A_1136, %dma_start3A_1137] : memref<25x80xi32, #tpu.memory_space<vmem>> -> memref<1x80xi32, #tpu.memory_space<vmem>>
      %dma_start3A_1139 = tpu.memref_squeeze %dma_start3A_1138 : memref<1x80xi32, #tpu.memory_space<vmem>> -> memref<80xi32, #tpu.memory_space<vmem>>
      %dma_start3A_1140 = arith.constant 0 : i32
      %dma_start3A_1141 = arith.constant 0 : i32
      %dma_start3A_1142 = tpu.memref_slice %arg6[%dma_start3A_1140, %dma_start3A_1141] : memref<10240x128xbf16, #tpu.memory_space<vmem_shared>> -> memref<10240x128xbf16, #tpu.memory_space<vmem_shared>>
      tpu.enqueue_indirect_dma source(%arg12 : memref<80x128xbf16, #tpu.memory_space<vmem>>) target(%dma_start3A_1142 : memref<10240x128xbf16, #tpu.memory_space<vmem_shared>>) offsets(%dma_start3A_1139 : memref<80xi32, #tpu.memory_space<vmem>>) semaphore(%arg18 : memref<!tpu.dma_semaphore, #tpu.memory_space<semaphore_mem>>) {add = true}
      %dma_wait3A_1143 = arith.constant 10 : i32
      %dma_wait3A_1144 = arith.constant 0 : i32
      %dma_wait3A_1145 = tpu.memref_slice %arg9[%dma_wait3A_1143, %dma_wait3A_1144] : memref<25x80xi32, #tpu.memory_space<vmem>> -> memref<1x80xi32, #tpu.memory_space<vmem>>
      %dma_wait3A_1146 = tpu.memref_squeeze %dma_wait3A_1145 : memref<1x80xi32, #tpu.memory_space<vmem>> -> memref<80xi32, #tpu.memory_space<vmem>>
      %dma_wait3A_1147 = arith.constant 0 : i32
      %dma_wait3A_1148 = arith.constant 0 : i32
      %dma_wait3A_1149 = tpu.memref_slice %arg6[%dma_wait3A_1147, %dma_wait3A_1148] : memref<10240x128xbf16, #tpu.memory_space<vmem_shared>> -> memref<10240x128xbf16, #tpu.memory_space<vmem_shared>>
      tpu.wait_indirect_dma semaphore(%arg18 : memref<!tpu.dma_semaphore, #tpu.memory_space<semaphore_mem>>) src(%arg11 : memref<80x128xbf16, #tpu.memory_space<vmem>>) dst(%dma_wait3A_1149 : memref<10240x128xbf16, #tpu.memory_space<vmem_shared>>)
      %dma_start3A_1150 = arith.constant 1040 : i32
      %dma_start3A_1151 = tpu.memref_slice %arg7[%dma_start3A_1150] : memref<2000xi32, #tpu.memory_space<vmem>> -> memref<80xi32, #tpu.memory_space<vmem>>
      %dma_start3A_1152 = arith.constant 0 : i32
      %dma_start3A_1153 = arith.constant 0 : i32
      %dma_start3A_1154 = tpu.memref_slice %arg3[%dma_start3A_1152, %dma_start3A_1153] : memref<10000x128xbf16, #tpu.memory_space<hbm>> -> memref<10000x128xbf16, #tpu.memory_space<hbm>>
      tpu.enqueue_indirect_dma source(%dma_start3A_1154 : memref<10000x128xbf16, #tpu.memory_space<hbm>>) target(%arg11 : memref<80x128xbf16, #tpu.memory_space<vmem>>) offsets(%dma_start3A_1151 : memref<80xi32, #tpu.memory_space<vmem>>) semaphore(%arg16 : memref<!tpu.dma_semaphore, #tpu.memory_space<semaphore_mem>>)
      %get3A_1155 = arith.constant 1040 : index
      %get3A_1156 = tpu.vector_load %arg7[%get3A_1155] {strides = array<i32>} : memref<2000xi32, #tpu.memory_space<vmem>>, vector<16xi32>,
      %get3A_1157 = arith.constant 1040 : index
      %get3A_1158 = tpu.vector_load %arg8[%get3A_1157] {strides = array<i32>} : memref<2000xi32, #tpu.memory_space<vmem>>, vector<16xi32>,
      %eq3A_1159 = arith.cmpi eq, %get3A_1156, %get3A_1158 : vector<16xi32>
      %jit3A_1160 = arith.constant 10000 : i32
      %broadcast_in_dim3A_1161 = vector.broadcast %jit3A_1160 : i32 to vector<16xi32>
      %select_n3A_1162 = arith.select %eq3A_1159, %broadcast_in_dim3A_1161, %get3A_1158 : vector<16xi1>, vector<16xi32>
      %swap3A_1163 = arith.constant 13 : i32
      %swap3A_1164 = arith.index_cast %swap3A_1163 : i32 to index
      %swap3A_1165 = arith.constant 0 : index
      %swap3A_1166 = tpu.vector_load %arg9[%swap3A_1164, %swap3A_1165] {strides = array<i32>} : memref<25x80xi32, #tpu.memory_space<vmem>>, vector<16xi32>,
      tpu.vector_store %arg9[%swap3A_1164, %swap3A_1165], %select_n3A_1162 {strides = array<i32>} : memref<25x80xi32, #tpu.memory_space<vmem>>, vector<16xi32>,
      tpu.vector_store_idx %arg13[%select_n3A_1162], %broadcast_in_dim3A_56 {add = true} : memref<10240xf32, #tpu.memory_space<vmem>>[vector<16xi32>], vector<16xf32>,
      %get3A_1167 = arith.constant 1056 : index
      %get3A_1168 = tpu.vector_load %arg7[%get3A_1167] {strides = array<i32>} : memref<2000xi32, #tpu.memory_space<vmem>>, vector<16xi32>,
      %get3A_1169 = arith.constant 1056 : index
      %get3A_1170 = tpu.vector_load %arg8[%get3A_1169] {strides = array<i32>} : memref<2000xi32, #tpu.memory_space<vmem>>, vector<16xi32>,
      %eq3A_1171 = arith.cmpi eq, %get3A_1168, %get3A_1170 : vector<16xi32>
      %jit3A_1172 = arith.constant 10000 : i32
      %broadcast_in_dim3A_1173 = vector.broadcast %jit3A_1172 : i32 to vector<16xi32>
      %select_n3A_1174 = arith.select %eq3A_1171, %broadcast_in_dim3A_1173, %get3A_1170 : vector<16xi1>, vector<16xi32>
      %swap3A_1175 = arith.constant 13 : i32
      %swap3A_1176 = arith.index_cast %swap3A_1175 : i32 to index
      %swap3A_1177 = arith.constant 16 : index
      %swap3A_1178 = tpu.vector_load %arg9[%swap3A_1176, %swap3A_1177] {strides = array<i32>} : memref<25x80xi32, #tpu.memory_space<vmem>>, vector<16xi32>,
      tpu.vector_store %arg9[%swap3A_1176, %swap3A_1177], %select_n3A_1174 {strides = array<i32>} : memref<25x80xi32, #tpu.memory_space<vmem>>, vector<16xi32>,
      tpu.vector_store_idx %arg13[%select_n3A_1174], %broadcast_in_dim3A_56 {add = true} : memref<10240xf32, #tpu.memory_space<vmem>>[vector<16xi32>], vector<16xf32>,
      %get3A_1179 = arith.constant 1072 : index
      %get3A_1180 = tpu.vector_load %arg7[%get3A_1179] {strides = array<i32>} : memref<2000xi32, #tpu.memory_space<vmem>>, vector<16xi32>,
      %get3A_1181 = arith.constant 1072 : index
      %get3A_1182 = tpu.vector_load %arg8[%get3A_1181] {strides = array<i32>} : memref<2000xi32, #tpu.memory_space<vmem>>, vector<16xi32>,
      %eq3A_1183 = arith.cmpi eq, %get3A_1180, %get3A_1182 : vector<16xi32>
      %jit3A_1184 = arith.constant 10000 : i32
      %broadcast_in_dim3A_1185 = vector.broadcast %jit3A_1184 : i32 to vector<16xi32>
      %select_n3A_1186 = arith.select %eq3A_1183, %broadcast_in_dim3A_1185, %get3A_1182 : vector<16xi1>, vector<16xi32>
      %swap3A_1187 = arith.constant 13 : i32
      %swap3A_1188 = arith.index_cast %swap3A_1187 : i32 to index
      %swap3A_1189 = arith.constant 32 : index
      %swap3A_1190 = tpu.vector_load %arg9[%swap3A_1188, %swap3A_1189] {strides = array<i32>} : memref<25x80xi32, #tpu.memory_space<vmem>>, vector<16xi32>,
      tpu.vector_store %arg9[%swap3A_1188, %swap3A_1189], %select_n3A_1186 {strides = array<i32>} : memref<25x80xi32, #tpu.memory_space<vmem>>, vector<16xi32>,
      tpu.vector_store_idx %arg13[%select_n3A_1186], %broadcast_in_dim3A_56 {add = true} : memref<10240xf32, #tpu.memory_space<vmem>>[vector<16xi32>], vector<16xf32>,
      %get3A_1191 = arith.constant 1088 : index
      %get3A_1192 = tpu.vector_load %arg7[%get3A_1191] {strides = array<i32>} : memref<2000xi32, #tpu.memory_space<vmem>>, vector<16xi32>,
      %get3A_1193 = arith.constant 1088 : index
      %get3A_1194 = tpu.vector_load %arg8[%get3A_1193] {strides = array<i32>} : memref<2000xi32, #tpu.memory_space<vmem>>, vector<16xi32>,
      %eq3A_1195 = arith.cmpi eq, %get3A_1192, %get3A_1194 : vector<16xi32>
      %jit3A_1196 = arith.constant 10000 : i32
      %broadcast_in_dim3A_1197 = vector.broadcast %jit3A_1196 : i32 to vector<16xi32>
      %select_n3A_1198 = arith.select %eq3A_1195, %broadcast_in_dim3A_1197, %get3A_1194 : vector<16xi1>, vector<16xi32>
      %swap3A_1199 = arith.constant 13 : i32
      %swap3A_1200 = arith.index_cast %swap3A_1199 : i32 to index
      %swap3A_1201 = arith.constant 48 : index
      %swap3A_1202 = tpu.vector_load %arg9[%swap3A_1200, %swap3A_1201] {strides = array<i32>} : memref<25x80xi32, #tpu.memory_space<vmem>>, vector<16xi32>,
      tpu.vector_store %arg9[%swap3A_1200, %swap3A_1201], %select_n3A_1198 {strides = array<i32>} : memref<25x80xi32, #tpu.memory_space<vmem>>, vector<16xi32>,
      tpu.vector_store_idx %arg13[%select_n3A_1198], %broadcast_in_dim3A_56 {add = true} : memref<10240xf32, #tpu.memory_space<vmem>>[vector<16xi32>], vector<16xf32>,
      %get3A_1203 = arith.constant 1104 : index
      %get3A_1204 = tpu.vector_load %arg7[%get3A_1203] {strides = array<i32>} : memref<2000xi32, #tpu.memory_space<vmem>>, vector<16xi32>,
      %get3A_1205 = arith.constant 1104 : index
      %get3A_1206 = tpu.vector_load %arg8[%get3A_1205] {strides = array<i32>} : memref<2000xi32, #tpu.memory_space<vmem>>, vector<16xi32>,
      %eq3A_1207 = arith.cmpi eq, %get3A_1204, %get3A_1206 : vector<16xi32>
      %jit3A_1208 = arith.constant 10000 : i32
      %broadcast_in_dim3A_1209 = vector.broadcast %jit3A_1208 : i32 to vector<16xi32>
      %select_n3A_1210 = arith.select %eq3A_1207, %broadcast_in_dim3A_1209, %get3A_1206 : vector<16xi1>, vector<16xi32>
      %swap3A_1211 = arith.constant 13 : i32
      %swap3A_1212 = arith.index_cast %swap3A_1211 : i32 to index
      %swap3A_1213 = arith.constant 64 : index
      %swap3A_1214 = tpu.vector_load %arg9[%swap3A_1212, %swap3A_1213] {strides = array<i32>} : memref<25x80xi32, #tpu.memory_space<vmem>>, vector<16xi32>,
      tpu.vector_store %arg9[%swap3A_1212, %swap3A_1213], %select_n3A_1210 {strides = array<i32>} : memref<25x80xi32, #tpu.memory_space<vmem>>, vector<16xi32>,
      tpu.vector_store_idx %arg13[%select_n3A_1210], %broadcast_in_dim3A_56 {add = true} : memref<10240xf32, #tpu.memory_space<vmem>>[vector<16xi32>], vector<16xf32>,
      %dma_wait3A_1215 = arith.constant 960 : i32
      %dma_wait3A_1216 = tpu.memref_slice %arg7[%dma_wait3A_1215] : memref<2000xi32, #tpu.memory_space<vmem>> -> memref<80xi32, #tpu.memory_space<vmem>>
      %dma_wait3A_1217 = arith.constant 0 : i32
      %dma_wait3A_1218 = arith.constant 0 : i32
      %dma_wait3A_1219 = tpu.memref_slice %arg3[%dma_wait3A_1217, %dma_wait3A_1218] : memref<10000x128xbf16, #tpu.memory_space<hbm>> -> memref<10000x128xbf16, #tpu.memory_space<hbm>>
      tpu.wait_indirect_dma semaphore(%arg15 : memref<!tpu.dma_semaphore, #tpu.memory_space<semaphore_mem>>) src(%dma_wait3A_1219 : memref<10000x128xbf16, #tpu.memory_space<hbm>>) dst(%arg10 : memref<80x128xbf16, #tpu.memory_space<vmem>>)
      %dma_start3A_1220 = arith.constant 12 : i32
      %dma_start3A_1221 = arith.constant 0 : i32
      %dma_start3A_1222 = tpu.memref_slice %arg9[%dma_start3A_1220, %dma_start3A_1221] : memref<25x80xi32, #tpu.memory_space<vmem>> -> memref<1x80xi32, #tpu.memory_space<vmem>>
      %dma_start3A_1223 = tpu.memref_squeeze %dma_start3A_1222 : memref<1x80xi32, #tpu.memory_space<vmem>> -> memref<80xi32, #tpu.memory_space<vmem>>
      %dma_start3A_1224 = arith.constant 0 : i32
      %dma_start3A_1225 = arith.constant 0 : i32
      %dma_start3A_1226 = tpu.memref_slice %arg6[%dma_start3A_1224, %dma_start3A_1225] : memref<10240x128xbf16, #tpu.memory_space<vmem_shared>> -> memref<10240x128xbf16, #tpu.memory_space<vmem_shared>>
      tpu.enqueue_indirect_dma source(%arg10 : memref<80x128xbf16, #tpu.memory_space<vmem>>) target(%dma_start3A_1226 : memref<10240x128xbf16, #tpu.memory_space<vmem_shared>>) offsets(%dma_start3A_1223 : memref<80xi32, #tpu.memory_space<vmem>>) semaphore(%arg18 : memref<!tpu.dma_semaphore, #tpu.memory_space<semaphore_mem>>) {add = true}
      %dma_wait3A_1227 = arith.constant 11 : i32
      %dma_wait3A_1228 = arith.constant 0 : i32
      %dma_wait3A_1229 = tpu.memref_slice %arg9[%dma_wait3A_1227, %dma_wait3A_1228] : memref<25x80xi32, #tpu.memory_space<vmem>> -> memref<1x80xi32, #tpu.memory_space<vmem>>
      %dma_wait3A_1230 = tpu.memref_squeeze %dma_wait3A_1229 : memref<1x80xi32, #tpu.memory_space<vmem>> -> memref<80xi32, #tpu.memory_space<vmem>>
      %dma_wait3A_1231 = arith.constant 0 : i32
      %dma_wait3A_1232 = arith.constant 0 : i32
      %dma_wait3A_1233 = tpu.memref_slice %arg6[%dma_wait3A_1231, %dma_wait3A_1232] : memref<10240x128xbf16, #tpu.memory_space<vmem_shared>> -> memref<10240x128xbf16, #tpu.memory_space<vmem_shared>>
      tpu.wait_indirect_dma semaphore(%arg18 : memref<!tpu.dma_semaphore, #tpu.memory_space<semaphore_mem>>) src(%arg12 : memref<80x128xbf16, #tpu.memory_space<vmem>>) dst(%dma_wait3A_1233 : memref<10240x128xbf16, #tpu.memory_space<vmem_shared>>)
      %dma_start3A_1234 = arith.constant 1120 : i32
      %dma_start3A_1235 = tpu.memref_slice %arg7[%dma_start3A_1234] : memref<2000xi32, #tpu.memory_space<vmem>> -> memref<80xi32, #tpu.memory_space<vmem>>
      %dma_start3A_1236 = arith.constant 0 : i32
      %dma_start3A_1237 = arith.constant 0 : i32
      %dma_start3A_1238 = tpu.memref_slice %arg3[%dma_start3A_1236, %dma_start3A_1237] : memref<10000x128xbf16, #tpu.memory_space<hbm>> -> memref<10000x128xbf16, #tpu.memory_space<hbm>>
      tpu.enqueue_indirect_dma source(%dma_start3A_1238 : memref<10000x128xbf16, #tpu.memory_space<hbm>>) target(%arg12 : memref<80x128xbf16, #tpu.memory_space<vmem>>) offsets(%dma_start3A_1235 : memref<80xi32, #tpu.memory_space<vmem>>) semaphore(%arg17 : memref<!tpu.dma_semaphore, #tpu.memory_space<semaphore_mem>>)
      %get3A_1239 = arith.constant 1120 : index
      %get3A_1240 = tpu.vector_load %arg7[%get3A_1239] {strides = array<i32>} : memref<2000xi32, #tpu.memory_space<vmem>>, vector<16xi32>,
      %get3A_1241 = arith.constant 1120 : index
      %get3A_1242 = tpu.vector_load %arg8[%get3A_1241] {strides = array<i32>} : memref<2000xi32, #tpu.memory_space<vmem>>, vector<16xi32>,
      %eq3A_1243 = arith.cmpi eq, %get3A_1240, %get3A_1242 : vector<16xi32>
      %jit3A_1244 = arith.constant 10000 : i32
      %broadcast_in_dim3A_1245 = vector.broadcast %jit3A_1244 : i32 to vector<16xi32>
      %select_n3A_1246 = arith.select %eq3A_1243, %broadcast_in_dim3A_1245, %get3A_1242 : vector<16xi1>, vector<16xi32>
      %swap3A_1247 = arith.constant 14 : i32
      %swap3A_1248 = arith.index_cast %swap3A_1247 : i32 to index
      %swap3A_1249 = arith.constant 0 : index
      %swap3A_1250 = tpu.vector_load %arg9[%swap3A_1248, %swap3A_1249] {strides = array<i32>} : memref<25x80xi32, #tpu.memory_space<vmem>>, vector<16xi32>,
      tpu.vector_store %arg9[%swap3A_1248, %swap3A_1249], %select_n3A_1246 {strides = array<i32>} : memref<25x80xi32, #tpu.memory_space<vmem>>, vector<16xi32>,
      tpu.vector_store_idx %arg13[%select_n3A_1246], %broadcast_in_dim3A_56 {add = true} : memref<10240xf32, #tpu.memory_space<vmem>>[vector<16xi32>], vector<16xf32>,
      %get3A_1251 = arith.constant 1136 : index
      %get3A_1252 = tpu.vector_load %arg7[%get3A_1251] {strides = array<i32>} : memref<2000xi32, #tpu.memory_space<vmem>>, vector<16xi32>,
      %get3A_1253 = arith.constant 1136 : index
      %get3A_1254 = tpu.vector_load %arg8[%get3A_1253] {strides = array<i32>} : memref<2000xi32, #tpu.memory_space<vmem>>, vector<16xi32>,
      %eq3A_1255 = arith.cmpi eq, %get3A_1252, %get3A_1254 : vector<16xi32>
      %jit3A_1256 = arith.constant 10000 : i32
      %broadcast_in_dim3A_1257 = vector.broadcast %jit3A_1256 : i32 to vector<16xi32>
      %select_n3A_1258 = arith.select %eq3A_1255, %broadcast_in_dim3A_1257, %get3A_1254 : vector<16xi1>, vector<16xi32>
      %swap3A_1259 = arith.constant 14 : i32
      %swap3A_1260 = arith.index_cast %swap3A_1259 : i32 to index
      %swap3A_1261 = arith.constant 16 : index
      %swap3A_1262 = tpu.vector_load %arg9[%swap3A_1260, %swap3A_1261] {strides = array<i32>} : memref<25x80xi32, #tpu.memory_space<vmem>>, vector<16xi32>,
      tpu.vector_store %arg9[%swap3A_1260, %swap3A_1261], %select_n3A_1258 {strides = array<i32>} : memref<25x80xi32, #tpu.memory_space<vmem>>, vector<16xi32>,
      tpu.vector_store_idx %arg13[%select_n3A_1258], %broadcast_in_dim3A_56 {add = true} : memref<10240xf32, #tpu.memory_space<vmem>>[vector<16xi32>], vector<16xf32>,
      %get3A_1263 = arith.constant 1152 : index
      %get3A_1264 = tpu.vector_load %arg7[%get3A_1263] {strides = array<i32>} : memref<2000xi32, #tpu.memory_space<vmem>>, vector<16xi32>,
      %get3A_1265 = arith.constant 1152 : index
      %get3A_1266 = tpu.vector_load %arg8[%get3A_1265] {strides = array<i32>} : memref<2000xi32, #tpu.memory_space<vmem>>, vector<16xi32>,
      %eq3A_1267 = arith.cmpi eq, %get3A_1264, %get3A_1266 : vector<16xi32>
      %jit3A_1268 = arith.constant 10000 : i32
      %broadcast_in_dim3A_1269 = vector.broadcast %jit3A_1268 : i32 to vector<16xi32>
      %select_n3A_1270 = arith.select %eq3A_1267, %broadcast_in_dim3A_1269, %get3A_1266 : vector<16xi1>, vector<16xi32>
      %swap3A_1271 = arith.constant 14 : i32
      %swap3A_1272 = arith.index_cast %swap3A_1271 : i32 to index
      %swap3A_1273 = arith.constant 32 : index
      %swap3A_1274 = tpu.vector_load %arg9[%swap3A_1272, %swap3A_1273] {strides = array<i32>} : memref<25x80xi32, #tpu.memory_space<vmem>>, vector<16xi32>,
      tpu.vector_store %arg9[%swap3A_1272, %swap3A_1273], %select_n3A_1270 {strides = array<i32>} : memref<25x80xi32, #tpu.memory_space<vmem>>, vector<16xi32>,
      tpu.vector_store_idx %arg13[%select_n3A_1270], %broadcast_in_dim3A_56 {add = true} : memref<10240xf32, #tpu.memory_space<vmem>>[vector<16xi32>], vector<16xf32>,
      %get3A_1275 = arith.constant 1168 : index
      %get3A_1276 = tpu.vector_load %arg7[%get3A_1275] {strides = array<i32>} : memref<2000xi32, #tpu.memory_space<vmem>>, vector<16xi32>,
      %get3A_1277 = arith.constant 1168 : index
      %get3A_1278 = tpu.vector_load %arg8[%get3A_1277] {strides = array<i32>} : memref<2000xi32, #tpu.memory_space<vmem>>, vector<16xi32>,
      %eq3A_1279 = arith.cmpi eq, %get3A_1276, %get3A_1278 : vector<16xi32>
      %jit3A_1280 = arith.constant 10000 : i32
      %broadcast_in_dim3A_1281 = vector.broadcast %jit3A_1280 : i32 to vector<16xi32>
      %select_n3A_1282 = arith.select %eq3A_1279, %broadcast_in_dim3A_1281, %get3A_1278 : vector<16xi1>, vector<16xi32>
      %swap3A_1283 = arith.constant 14 : i32
      %swap3A_1284 = arith.index_cast %swap3A_1283 : i32 to index
      %swap3A_1285 = arith.constant 48 : index
      %swap3A_1286 = tpu.vector_load %arg9[%swap3A_1284, %swap3A_1285] {strides = array<i32>} : memref<25x80xi32, #tpu.memory_space<vmem>>, vector<16xi32>,
      tpu.vector_store %arg9[%swap3A_1284, %swap3A_1285], %select_n3A_1282 {strides = array<i32>} : memref<25x80xi32, #tpu.memory_space<vmem>>, vector<16xi32>,
      tpu.vector_store_idx %arg13[%select_n3A_1282], %broadcast_in_dim3A_56 {add = true} : memref<10240xf32, #tpu.memory_space<vmem>>[vector<16xi32>], vector<16xf32>,
      %get3A_1287 = arith.constant 1184 : index
      %get3A_1288 = tpu.vector_load %arg7[%get3A_1287] {strides = array<i32>} : memref<2000xi32, #tpu.memory_space<vmem>>, vector<16xi32>,
      %get3A_1289 = arith.constant 1184 : index
      %get3A_1290 = tpu.vector_load %arg8[%get3A_1289] {strides = array<i32>} : memref<2000xi32, #tpu.memory_space<vmem>>, vector<16xi32>,
      %eq3A_1291 = arith.cmpi eq, %get3A_1288, %get3A_1290 : vector<16xi32>
      %jit3A_1292 = arith.constant 10000 : i32
      %broadcast_in_dim3A_1293 = vector.broadcast %jit3A_1292 : i32 to vector<16xi32>
      %select_n3A_1294 = arith.select %eq3A_1291, %broadcast_in_dim3A_1293, %get3A_1290 : vector<16xi1>, vector<16xi32>
      %swap3A_1295 = arith.constant 14 : i32
      %swap3A_1296 = arith.index_cast %swap3A_1295 : i32 to index
      %swap3A_1297 = arith.constant 64 : index
      %swap3A_1298 = tpu.vector_load %arg9[%swap3A_1296, %swap3A_1297] {strides = array<i32>} : memref<25x80xi32, #tpu.memory_space<vmem>>, vector<16xi32>,
      tpu.vector_store %arg9[%swap3A_1296, %swap3A_1297], %select_n3A_1294 {strides = array<i32>} : memref<25x80xi32, #tpu.memory_space<vmem>>, vector<16xi32>,
      tpu.vector_store_idx %arg13[%select_n3A_1294], %broadcast_in_dim3A_56 {add = true} : memref<10240xf32, #tpu.memory_space<vmem>>[vector<16xi32>], vector<16xf32>,
      %dma_wait3A_1299 = arith.constant 1040 : i32
      %dma_wait3A_1300 = tpu.memref_slice %arg7[%dma_wait3A_1299] : memref<2000xi32, #tpu.memory_space<vmem>> -> memref<80xi32, #tpu.memory_space<vmem>>
      %dma_wait3A_1301 = arith.constant 0 : i32
      %dma_wait3A_1302 = arith.constant 0 : i32
      %dma_wait3A_1303 = tpu.memref_slice %arg3[%dma_wait3A_1301, %dma_wait3A_1302] : memref<10000x128xbf16, #tpu.memory_space<hbm>> -> memref<10000x128xbf16, #tpu.memory_space<hbm>>
      tpu.wait_indirect_dma semaphore(%arg16 : memref<!tpu.dma_semaphore, #tpu.memory_space<semaphore_mem>>) src(%dma_wait3A_1303 : memref<10000x128xbf16, #tpu.memory_space<hbm>>) dst(%arg11 : memref<80x128xbf16, #tpu.memory_space<vmem>>)
      %dma_start3A_1304 = arith.constant 13 : i32
      %dma_start3A_1305 = arith.constant 0 : i32
      %dma_start3A_1306 = tpu.memref_slice %arg9[%dma_start3A_1304, %dma_start3A_1305] : memref<25x80xi32, #tpu.memory_space<vmem>> -> memref<1x80xi32, #tpu.memory_space<vmem>>
      %dma_start3A_1307 = tpu.memref_squeeze %dma_start3A_1306 : memref<1x80xi32, #tpu.memory_space<vmem>> -> memref<80xi32, #tpu.memory_space<vmem>>
      %dma_start3A_1308 = arith.constant 0 : i32
      %dma_start3A_1309 = arith.constant 0 : i32
      %dma_start3A_1310 = tpu.memref_slice %arg6[%dma_start3A_1308, %dma_start3A_1309] : memref<10240x128xbf16, #tpu.memory_space<vmem_shared>> -> memref<10240x128xbf16, #tpu.memory_space<vmem_shared>>
      tpu.enqueue_indirect_dma source(%arg11 : memref<80x128xbf16, #tpu.memory_space<vmem>>) target(%dma_start3A_1310 : memref<10240x128xbf16, #tpu.memory_space<vmem_shared>>) offsets(%dma_start3A_1307 : memref<80xi32, #tpu.memory_space<vmem>>) semaphore(%arg18 : memref<!tpu.dma_semaphore, #tpu.memory_space<semaphore_mem>>) {add = true}
      %dma_wait3A_1311 = arith.constant 12 : i32
      %dma_wait3A_1312 = arith.constant 0 : i32
      %dma_wait3A_1313 = tpu.memref_slice %arg9[%dma_wait3A_1311, %dma_wait3A_1312] : memref<25x80xi32, #tpu.memory_space<vmem>> -> memref<1x80xi32, #tpu.memory_space<vmem>>
      %dma_wait3A_1314 = tpu.memref_squeeze %dma_wait3A_1313 : memref<1x80xi32, #tpu.memory_space<vmem>> -> memref<80xi32, #tpu.memory_space<vmem>>
      %dma_wait3A_1315 = arith.constant 0 : i32
      %dma_wait3A_1316 = arith.constant 0 : i32
      %dma_wait3A_1317 = tpu.memref_slice %arg6[%dma_wait3A_1315, %dma_wait3A_1316] : memref<10240x128xbf16, #tpu.memory_space<vmem_shared>> -> memref<10240x128xbf16, #tpu.memory_space<vmem_shared>>
      tpu.wait_indirect_dma semaphore(%arg18 : memref<!tpu.dma_semaphore, #tpu.memory_space<semaphore_mem>>) src(%arg10 : memref<80x128xbf16, #tpu.memory_space<vmem>>) dst(%dma_wait3A_1317 : memref<10240x128xbf16, #tpu.memory_space<vmem_shared>>)
      %dma_start3A_1318 = arith.constant 1200 : i32
      %dma_start3A_1319 = tpu.memref_slice %arg7[%dma_start3A_1318] : memref<2000xi32, #tpu.memory_space<vmem>> -> memref<80xi32, #tpu.memory_space<vmem>>
      %dma_start3A_1320 = arith.constant 0 : i32
      %dma_start3A_1321 = arith.constant 0 : i32
      %dma_start3A_1322 = tpu.memref_slice %arg3[%dma_start3A_1320, %dma_start3A_1321] : memref<10000x128xbf16, #tpu.memory_space<hbm>> -> memref<10000x128xbf16, #tpu.memory_space<hbm>>
      tpu.enqueue_indirect_dma source(%dma_start3A_1322 : memref<10000x128xbf16, #tpu.memory_space<hbm>>) target(%arg10 : memref<80x128xbf16, #tpu.memory_space<vmem>>) offsets(%dma_start3A_1319 : memref<80xi32, #tpu.memory_space<vmem>>) semaphore(%arg15 : memref<!tpu.dma_semaphore, #tpu.memory_space<semaphore_mem>>)
      %get3A_1323 = arith.constant 1200 : index
      %get3A_1324 = tpu.vector_load %arg7[%get3A_1323] {strides = array<i32>} : memref<2000xi32, #tpu.memory_space<vmem>>, vector<16xi32>,
      %get3A_1325 = arith.constant 1200 : index
      %get3A_1326 = tpu.vector_load %arg8[%get3A_1325] {strides = array<i32>} : memref<2000xi32, #tpu.memory_space<vmem>>, vector<16xi32>,
      %eq3A_1327 = arith.cmpi eq, %get3A_1324, %get3A_1326 : vector<16xi32>
      %jit3A_1328 = arith.constant 10000 : i32
      %broadcast_in_dim3A_1329 = vector.broadcast %jit3A_1328 : i32 to vector<16xi32>
      %select_n3A_1330 = arith.select %eq3A_1327, %broadcast_in_dim3A_1329, %get3A_1326 : vector<16xi1>, vector<16xi32>
      %swap3A_1331 = arith.constant 15 : i32
      %swap3A_1332 = arith.index_cast %swap3A_1331 : i32 to index
      %swap3A_1333 = arith.constant 0 : index
      %swap3A_1334 = tpu.vector_load %arg9[%swap3A_1332, %swap3A_1333] {strides = array<i32>} : memref<25x80xi32, #tpu.memory_space<vmem>>, vector<16xi32>,
      tpu.vector_store %arg9[%swap3A_1332, %swap3A_1333], %select_n3A_1330 {strides = array<i32>} : memref<25x80xi32, #tpu.memory_space<vmem>>, vector<16xi32>,
      tpu.vector_store_idx %arg13[%select_n3A_1330], %broadcast_in_dim3A_56 {add = true} : memref<10240xf32, #tpu.memory_space<vmem>>[vector<16xi32>], vector<16xf32>,
      %get3A_1335 = arith.constant 1216 : index
      %get3A_1336 = tpu.vector_load %arg7[%get3A_1335] {strides = array<i32>} : memref<2000xi32, #tpu.memory_space<vmem>>, vector<16xi32>,
      %get3A_1337 = arith.constant 1216 : index
      %get3A_1338 = tpu.vector_load %arg8[%get3A_1337] {strides = array<i32>} : memref<2000xi32, #tpu.memory_space<vmem>>, vector<16xi32>,
      %eq3A_1339 = arith.cmpi eq, %get3A_1336, %get3A_1338 : vector<16xi32>
      %jit3A_1340 = arith.constant 10000 : i32
      %broadcast_in_dim3A_1341 = vector.broadcast %jit3A_1340 : i32 to vector<16xi32>
      %select_n3A_1342 = arith.select %eq3A_1339, %broadcast_in_dim3A_1341, %get3A_1338 : vector<16xi1>, vector<16xi32>
      %swap3A_1343 = arith.constant 15 : i32
      %swap3A_1344 = arith.index_cast %swap3A_1343 : i32 to index
      %swap3A_1345 = arith.constant 16 : index
      %swap3A_1346 = tpu.vector_load %arg9[%swap3A_1344, %swap3A_1345] {strides = array<i32>} : memref<25x80xi32, #tpu.memory_space<vmem>>, vector<16xi32>,
      tpu.vector_store %arg9[%swap3A_1344, %swap3A_1345], %select_n3A_1342 {strides = array<i32>} : memref<25x80xi32, #tpu.memory_space<vmem>>, vector<16xi32>,
      tpu.vector_store_idx %arg13[%select_n3A_1342], %broadcast_in_dim3A_56 {add = true} : memref<10240xf32, #tpu.memory_space<vmem>>[vector<16xi32>], vector<16xf32>,
      %get3A_1347 = arith.constant 1232 : index
      %get3A_1348 = tpu.vector_load %arg7[%get3A_1347] {strides = array<i32>} : memref<2000xi32, #tpu.memory_space<vmem>>, vector<16xi32>,
      %get3A_1349 = arith.constant 1232 : index
      %get3A_1350 = tpu.vector_load %arg8[%get3A_1349] {strides = array<i32>} : memref<2000xi32, #tpu.memory_space<vmem>>, vector<16xi32>,
      %eq3A_1351 = arith.cmpi eq, %get3A_1348, %get3A_1350 : vector<16xi32>
      %jit3A_1352 = arith.constant 10000 : i32
      %broadcast_in_dim3A_1353 = vector.broadcast %jit3A_1352 : i32 to vector<16xi32>
      %select_n3A_1354 = arith.select %eq3A_1351, %broadcast_in_dim3A_1353, %get3A_1350 : vector<16xi1>, vector<16xi32>
      %swap3A_1355 = arith.constant 15 : i32
      %swap3A_1356 = arith.index_cast %swap3A_1355 : i32 to index
      %swap3A_1357 = arith.constant 32 : index
      %swap3A_1358 = tpu.vector_load %arg9[%swap3A_1356, %swap3A_1357] {strides = array<i32>} : memref<25x80xi32, #tpu.memory_space<vmem>>, vector<16xi32>,
      tpu.vector_store %arg9[%swap3A_1356, %swap3A_1357], %select_n3A_1354 {strides = array<i32>} : memref<25x80xi32, #tpu.memory_space<vmem>>, vector<16xi32>,
      tpu.vector_store_idx %arg13[%select_n3A_1354], %broadcast_in_dim3A_56 {add = true} : memref<10240xf32, #tpu.memory_space<vmem>>[vector<16xi32>], vector<16xf32>,
      %get3A_1359 = arith.constant 1248 : index
      %get3A_1360 = tpu.vector_load %arg7[%get3A_1359] {strides = array<i32>} : memref<2000xi32, #tpu.memory_space<vmem>>, vector<16xi32>,
      %get3A_1361 = arith.constant 1248 : index
      %get3A_1362 = tpu.vector_load %arg8[%get3A_1361] {strides = array<i32>} : memref<2000xi32, #tpu.memory_space<vmem>>, vector<16xi32>,
      %eq3A_1363 = arith.cmpi eq, %get3A_1360, %get3A_1362 : vector<16xi32>
      %jit3A_1364 = arith.constant 10000 : i32
      %broadcast_in_dim3A_1365 = vector.broadcast %jit3A_1364 : i32 to vector<16xi32>
      %select_n3A_1366 = arith.select %eq3A_1363, %broadcast_in_dim3A_1365, %get3A_1362 : vector<16xi1>, vector<16xi32>
      %swap3A_1367 = arith.constant 15 : i32
      %swap3A_1368 = arith.index_cast %swap3A_1367 : i32 to index
      %swap3A_1369 = arith.constant 48 : index
      %swap3A_1370 = tpu.vector_load %arg9[%swap3A_1368, %swap3A_1369] {strides = array<i32>} : memref<25x80xi32, #tpu.memory_space<vmem>>, vector<16xi32>,
      tpu.vector_store %arg9[%swap3A_1368, %swap3A_1369], %select_n3A_1366 {strides = array<i32>} : memref<25x80xi32, #tpu.memory_space<vmem>>, vector<16xi32>,
      tpu.vector_store_idx %arg13[%select_n3A_1366], %broadcast_in_dim3A_56 {add = true} : memref<10240xf32, #tpu.memory_space<vmem>>[vector<16xi32>], vector<16xf32>,
      %get3A_1371 = arith.constant 1264 : index
      %get3A_1372 = tpu.vector_load %arg7[%get3A_1371] {strides = array<i32>} : memref<2000xi32, #tpu.memory_space<vmem>>, vector<16xi32>,
      %get3A_1373 = arith.constant 1264 : index
      %get3A_1374 = tpu.vector_load %arg8[%get3A_1373] {strides = array<i32>} : memref<2000xi32, #tpu.memory_space<vmem>>, vector<16xi32>,
      %eq3A_1375 = arith.cmpi eq, %get3A_1372, %get3A_1374 : vector<16xi32>
      %jit3A_1376 = arith.constant 10000 : i32
      %broadcast_in_dim3A_1377 = vector.broadcast %jit3A_1376 : i32 to vector<16xi32>
      %select_n3A_1378 = arith.select %eq3A_1375, %broadcast_in_dim3A_1377, %get3A_1374 : vector<16xi1>, vector<16xi32>
      %swap3A_1379 = arith.constant 15 : i32
      %swap3A_1380 = arith.index_cast %swap3A_1379 : i32 to index
      %swap3A_1381 = arith.constant 64 : index
      %swap3A_1382 = tpu.vector_load %arg9[%swap3A_1380, %swap3A_1381] {strides = array<i32>} : memref<25x80xi32, #tpu.memory_space<vmem>>, vector<16xi32>,
      tpu.vector_store %arg9[%swap3A_1380, %swap3A_1381], %select_n3A_1378 {strides = array<i32>} : memref<25x80xi32, #tpu.memory_space<vmem>>, vector<16xi32>,
      tpu.vector_store_idx %arg13[%select_n3A_1378], %broadcast_in_dim3A_56 {add = true} : memref<10240xf32, #tpu.memory_space<vmem>>[vector<16xi32>], vector<16xf32>,
      %dma_wait3A_1383 = arith.constant 1120 : i32
      %dma_wait3A_1384 = tpu.memref_slice %arg7[%dma_wait3A_1383] : memref<2000xi32, #tpu.memory_space<vmem>> -> memref<80xi32, #tpu.memory_space<vmem>>
      %dma_wait3A_1385 = arith.constant 0 : i32
      %dma_wait3A_1386 = arith.constant 0 : i32
      %dma_wait3A_1387 = tpu.memref_slice %arg3[%dma_wait3A_1385, %dma_wait3A_1386] : memref<10000x128xbf16, #tpu.memory_space<hbm>> -> memref<10000x128xbf16, #tpu.memory_space<hbm>>
      tpu.wait_indirect_dma semaphore(%arg17 : memref<!tpu.dma_semaphore, #tpu.memory_space<semaphore_mem>>) src(%dma_wait3A_1387 : memref<10000x128xbf16, #tpu.memory_space<hbm>>) dst(%arg12 : memref<80x128xbf16, #tpu.memory_space<vmem>>)
      %dma_start3A_1388 = arith.constant 14 : i32
      %dma_start3A_1389 = arith.constant 0 : i32
      %dma_start3A_1390 = tpu.memref_slice %arg9[%dma_start3A_1388, %dma_start3A_1389] : memref<25x80xi32, #tpu.memory_space<vmem>> -> memref<1x80xi32, #tpu.memory_space<vmem>>
      %dma_start3A_1391 = tpu.memref_squeeze %dma_start3A_1390 : memref<1x80xi32, #tpu.memory_space<vmem>> -> memref<80xi32, #tpu.memory_space<vmem>>
      %dma_start3A_1392 = arith.constant 0 : i32
      %dma_start3A_1393 = arith.constant 0 : i32
      %dma_start3A_1394 = tpu.memref_slice %arg6[%dma_start3A_1392, %dma_start3A_1393] : memref<10240x128xbf16, #tpu.memory_space<vmem_shared>> -> memref<10240x128xbf16, #tpu.memory_space<vmem_shared>>
      tpu.enqueue_indirect_dma source(%arg12 : memref<80x128xbf16, #tpu.memory_space<vmem>>) target(%dma_start3A_1394 : memref<10240x128xbf16, #tpu.memory_space<vmem_shared>>) offsets(%dma_start3A_1391 : memref<80xi32, #tpu.memory_space<vmem>>) semaphore(%arg18 : memref<!tpu.dma_semaphore, #tpu.memory_space<semaphore_mem>>) {add = true}
      %dma_wait3A_1395 = arith.constant 13 : i32
      %dma_wait3A_1396 = arith.constant 0 : i32
      %dma_wait3A_1397 = tpu.memref_slice %arg9[%dma_wait3A_1395, %dma_wait3A_1396] : memref<25x80xi32, #tpu.memory_space<vmem>> -> memref<1x80xi32, #tpu.memory_space<vmem>>
      %dma_wait3A_1398 = tpu.memref_squeeze %dma_wait3A_1397 : memref<1x80xi32, #tpu.memory_space<vmem>> -> memref<80xi32, #tpu.memory_space<vmem>>
      %dma_wait3A_1399 = arith.constant 0 : i32
      %dma_wait3A_1400 = arith.constant 0 : i32
      %dma_wait3A_1401 = tpu.memref_slice %arg6[%dma_wait3A_1399, %dma_wait3A_1400] : memref<10240x128xbf16, #tpu.memory_space<vmem_shared>> -> memref<10240x128xbf16, #tpu.memory_space<vmem_shared>>
      tpu.wait_indirect_dma semaphore(%arg18 : memref<!tpu.dma_semaphore, #tpu.memory_space<semaphore_mem>>) src(%arg11 : memref<80x128xbf16, #tpu.memory_space<vmem>>) dst(%dma_wait3A_1401 : memref<10240x128xbf16, #tpu.memory_space<vmem_shared>>)
      %dma_start3A_1402 = arith.constant 1280 : i32
      %dma_start3A_1403 = tpu.memref_slice %arg7[%dma_start3A_1402] : memref<2000xi32, #tpu.memory_space<vmem>> -> memref<80xi32, #tpu.memory_space<vmem>>
      %dma_start3A_1404 = arith.constant 0 : i32
      %dma_start3A_1405 = arith.constant 0 : i32
      %dma_start3A_1406 = tpu.memref_slice %arg3[%dma_start3A_1404, %dma_start3A_1405] : memref<10000x128xbf16, #tpu.memory_space<hbm>> -> memref<10000x128xbf16, #tpu.memory_space<hbm>>
      tpu.enqueue_indirect_dma source(%dma_start3A_1406 : memref<10000x128xbf16, #tpu.memory_space<hbm>>) target(%arg11 : memref<80x128xbf16, #tpu.memory_space<vmem>>) offsets(%dma_start3A_1403 : memref<80xi32, #tpu.memory_space<vmem>>) semaphore(%arg16 : memref<!tpu.dma_semaphore, #tpu.memory_space<semaphore_mem>>)
      %get3A_1407 = arith.constant 1280 : index
      %get3A_1408 = tpu.vector_load %arg7[%get3A_1407] {strides = array<i32>} : memref<2000xi32, #tpu.memory_space<vmem>>, vector<16xi32>,
      %get3A_1409 = arith.constant 1280 : index
      %get3A_1410 = tpu.vector_load %arg8[%get3A_1409] {strides = array<i32>} : memref<2000xi32, #tpu.memory_space<vmem>>, vector<16xi32>,
      %eq3A_1411 = arith.cmpi eq, %get3A_1408, %get3A_1410 : vector<16xi32>
      %jit3A_1412 = arith.constant 10000 : i32
      %broadcast_in_dim3A_1413 = vector.broadcast %jit3A_1412 : i32 to vector<16xi32>
      %select_n3A_1414 = arith.select %eq3A_1411, %broadcast_in_dim3A_1413, %get3A_1410 : vector<16xi1>, vector<16xi32>
      %swap3A_1415 = arith.constant 16 : i32
      %swap3A_1416 = arith.index_cast %swap3A_1415 : i32 to index
      %swap3A_1417 = arith.constant 0 : index
      %swap3A_1418 = tpu.vector_load %arg9[%swap3A_1416, %swap3A_1417] {strides = array<i32>} : memref<25x80xi32, #tpu.memory_space<vmem>>, vector<16xi32>,
      tpu.vector_store %arg9[%swap3A_1416, %swap3A_1417], %select_n3A_1414 {strides = array<i32>} : memref<25x80xi32, #tpu.memory_space<vmem>>, vector<16xi32>,
      tpu.vector_store_idx %arg13[%select_n3A_1414], %broadcast_in_dim3A_56 {add = true} : memref<10240xf32, #tpu.memory_space<vmem>>[vector<16xi32>], vector<16xf32>,
      %get3A_1419 = arith.constant 1296 : index
      %get3A_1420 = tpu.vector_load %arg7[%get3A_1419] {strides = array<i32>} : memref<2000xi32, #tpu.memory_space<vmem>>, vector<16xi32>,
      %get3A_1421 = arith.constant 1296 : index
      %get3A_1422 = tpu.vector_load %arg8[%get3A_1421] {strides = array<i32>} : memref<2000xi32, #tpu.memory_space<vmem>>, vector<16xi32>,
      %eq3A_1423 = arith.cmpi eq, %get3A_1420, %get3A_1422 : vector<16xi32>
      %jit3A_1424 = arith.constant 10000 : i32
      %broadcast_in_dim3A_1425 = vector.broadcast %jit3A_1424 : i32 to vector<16xi32>
      %select_n3A_1426 = arith.select %eq3A_1423, %broadcast_in_dim3A_1425, %get3A_1422 : vector<16xi1>, vector<16xi32>
      %swap3A_1427 = arith.constant 16 : i32
      %swap3A_1428 = arith.index_cast %swap3A_1427 : i32 to index
      %swap3A_1429 = arith.constant 16 : index
      %swap3A_1430 = tpu.vector_load %arg9[%swap3A_1428, %swap3A_1429] {strides = array<i32>} : memref<25x80xi32, #tpu.memory_space<vmem>>, vector<16xi32>,
      tpu.vector_store %arg9[%swap3A_1428, %swap3A_1429], %select_n3A_1426 {strides = array<i32>} : memref<25x80xi32, #tpu.memory_space<vmem>>, vector<16xi32>,
      tpu.vector_store_idx %arg13[%select_n3A_1426], %broadcast_in_dim3A_56 {add = true} : memref<10240xf32, #tpu.memory_space<vmem>>[vector<16xi32>], vector<16xf32>,
      %get3A_1431 = arith.constant 1312 : index
      %get3A_1432 = tpu.vector_load %arg7[%get3A_1431] {strides = array<i32>} : memref<2000xi32, #tpu.memory_space<vmem>>, vector<16xi32>,
      %get3A_1433 = arith.constant 1312 : index
      %get3A_1434 = tpu.vector_load %arg8[%get3A_1433] {strides = array<i32>} : memref<2000xi32, #tpu.memory_space<vmem>>, vector<16xi32>,
      %eq3A_1435 = arith.cmpi eq, %get3A_1432, %get3A_1434 : vector<16xi32>
      %jit3A_1436 = arith.constant 10000 : i32
      %broadcast_in_dim3A_1437 = vector.broadcast %jit3A_1436 : i32 to vector<16xi32>
      %select_n3A_1438 = arith.select %eq3A_1435, %broadcast_in_dim3A_1437, %get3A_1434 : vector<16xi1>, vector<16xi32>
      %swap3A_1439 = arith.constant 16 : i32
      %swap3A_1440 = arith.index_cast %swap3A_1439 : i32 to index
      %swap3A_1441 = arith.constant 32 : index
      %swap3A_1442 = tpu.vector_load %arg9[%swap3A_1440, %swap3A_1441] {strides = array<i32>} : memref<25x80xi32, #tpu.memory_space<vmem>>, vector<16xi32>,
      tpu.vector_store %arg9[%swap3A_1440, %swap3A_1441], %select_n3A_1438 {strides = array<i32>} : memref<25x80xi32, #tpu.memory_space<vmem>>, vector<16xi32>,
      tpu.vector_store_idx %arg13[%select_n3A_1438], %broadcast_in_dim3A_56 {add = true} : memref<10240xf32, #tpu.memory_space<vmem>>[vector<16xi32>], vector<16xf32>,
      %get3A_1443 = arith.constant 1328 : index
      %get3A_1444 = tpu.vector_load %arg7[%get3A_1443] {strides = array<i32>} : memref<2000xi32, #tpu.memory_space<vmem>>, vector<16xi32>,
      %get3A_1445 = arith.constant 1328 : index
      %get3A_1446 = tpu.vector_load %arg8[%get3A_1445] {strides = array<i32>} : memref<2000xi32, #tpu.memory_space<vmem>>, vector<16xi32>,
      %eq3A_1447 = arith.cmpi eq, %get3A_1444, %get3A_1446 : vector<16xi32>
      %jit3A_1448 = arith.constant 10000 : i32
      %broadcast_in_dim3A_1449 = vector.broadcast %jit3A_1448 : i32 to vector<16xi32>
      %select_n3A_1450 = arith.select %eq3A_1447, %broadcast_in_dim3A_1449, %get3A_1446 : vector<16xi1>, vector<16xi32>
      %swap3A_1451 = arith.constant 16 : i32
      %swap3A_1452 = arith.index_cast %swap3A_1451 : i32 to index
      %swap3A_1453 = arith.constant 48 : index
      %swap3A_1454 = tpu.vector_load %arg9[%swap3A_1452, %swap3A_1453] {strides = array<i32>} : memref<25x80xi32, #tpu.memory_space<vmem>>, vector<16xi32>,
      tpu.vector_store %arg9[%swap3A_1452, %swap3A_1453], %select_n3A_1450 {strides = array<i32>} : memref<25x80xi32, #tpu.memory_space<vmem>>, vector<16xi32>,
      tpu.vector_store_idx %arg13[%select_n3A_1450], %broadcast_in_dim3A_56 {add = true} : memref<10240xf32, #tpu.memory_space<vmem>>[vector<16xi32>], vector<16xf32>,
      %get3A_1455 = arith.constant 1344 : index
      %get3A_1456 = tpu.vector_load %arg7[%get3A_1455] {strides = array<i32>} : memref<2000xi32, #tpu.memory_space<vmem>>, vector<16xi32>,
      %get3A_1457 = arith.constant 1344 : index
      %get3A_1458 = tpu.vector_load %arg8[%get3A_1457] {strides = array<i32>} : memref<2000xi32, #tpu.memory_space<vmem>>, vector<16xi32>,
      %eq3A_1459 = arith.cmpi eq, %get3A_1456, %get3A_1458 : vector<16xi32>
      %jit3A_1460 = arith.constant 10000 : i32
      %broadcast_in_dim3A_1461 = vector.broadcast %jit3A_1460 : i32 to vector<16xi32>
      %select_n3A_1462 = arith.select %eq3A_1459, %broadcast_in_dim3A_1461, %get3A_1458 : vector<16xi1>, vector<16xi32>
      %swap3A_1463 = arith.constant 16 : i32
      %swap3A_1464 = arith.index_cast %swap3A_1463 : i32 to index
      %swap3A_1465 = arith.constant 64 : index
      %swap3A_1466 = tpu.vector_load %arg9[%swap3A_1464, %swap3A_1465] {strides = array<i32>} : memref<25x80xi32, #tpu.memory_space<vmem>>, vector<16xi32>,
      tpu.vector_store %arg9[%swap3A_1464, %swap3A_1465], %select_n3A_1462 {strides = array<i32>} : memref<25x80xi32, #tpu.memory_space<vmem>>, vector<16xi32>,
      tpu.vector_store_idx %arg13[%select_n3A_1462], %broadcast_in_dim3A_56 {add = true} : memref<10240xf32, #tpu.memory_space<vmem>>[vector<16xi32>], vector<16xf32>,
      %dma_wait3A_1467 = arith.constant 1200 : i32
      %dma_wait3A_1468 = tpu.memref_slice %arg7[%dma_wait3A_1467] : memref<2000xi32, #tpu.memory_space<vmem>> -> memref<80xi32, #tpu.memory_space<vmem>>
      %dma_wait3A_1469 = arith.constant 0 : i32
      %dma_wait3A_1470 = arith.constant 0 : i32
      %dma_wait3A_1471 = tpu.memref_slice %arg3[%dma_wait3A_1469, %dma_wait3A_1470] : memref<10000x128xbf16, #tpu.memory_space<hbm>> -> memref<10000x128xbf16, #tpu.memory_space<hbm>>
      tpu.wait_indirect_dma semaphore(%arg15 : memref<!tpu.dma_semaphore, #tpu.memory_space<semaphore_mem>>) src(%dma_wait3A_1471 : memref<10000x128xbf16, #tpu.memory_space<hbm>>) dst(%arg10 : memref<80x128xbf16, #tpu.memory_space<vmem>>)
      %dma_start3A_1472 = arith.constant 15 : i32
      %dma_start3A_1473 = arith.constant 0 : i32
      %dma_start3A_1474 = tpu.memref_slice %arg9[%dma_start3A_1472, %dma_start3A_1473] : memref<25x80xi32, #tpu.memory_space<vmem>> -> memref<1x80xi32, #tpu.memory_space<vmem>>
      %dma_start3A_1475 = tpu.memref_squeeze %dma_start3A_1474 : memref<1x80xi32, #tpu.memory_space<vmem>> -> memref<80xi32, #tpu.memory_space<vmem>>
      %dma_start3A_1476 = arith.constant 0 : i32
      %dma_start3A_1477 = arith.constant 0 : i32
      %dma_start3A_1478 = tpu.memref_slice %arg6[%dma_start3A_1476, %dma_start3A_1477] : memref<10240x128xbf16, #tpu.memory_space<vmem_shared>> -> memref<10240x128xbf16, #tpu.memory_space<vmem_shared>>
      tpu.enqueue_indirect_dma source(%arg10 : memref<80x128xbf16, #tpu.memory_space<vmem>>) target(%dma_start3A_1478 : memref<10240x128xbf16, #tpu.memory_space<vmem_shared>>) offsets(%dma_start3A_1475 : memref<80xi32, #tpu.memory_space<vmem>>) semaphore(%arg18 : memref<!tpu.dma_semaphore, #tpu.memory_space<semaphore_mem>>) {add = true}
      %dma_wait3A_1479 = arith.constant 14 : i32
      %dma_wait3A_1480 = arith.constant 0 : i32
      %dma_wait3A_1481 = tpu.memref_slice %arg9[%dma_wait3A_1479, %dma_wait3A_1480] : memref<25x80xi32, #tpu.memory_space<vmem>> -> memref<1x80xi32, #tpu.memory_space<vmem>>
      %dma_wait3A_1482 = tpu.memref_squeeze %dma_wait3A_1481 : memref<1x80xi32, #tpu.memory_space<vmem>> -> memref<80xi32, #tpu.memory_space<vmem>>
      %dma_wait3A_1483 = arith.constant 0 : i32
      %dma_wait3A_1484 = arith.constant 0 : i32
      %dma_wait3A_1485 = tpu.memref_slice %arg6[%dma_wait3A_1483, %dma_wait3A_1484] : memref<10240x128xbf16, #tpu.memory_space<vmem_shared>> -> memref<10240x128xbf16, #tpu.memory_space<vmem_shared>>
      tpu.wait_indirect_dma semaphore(%arg18 : memref<!tpu.dma_semaphore, #tpu.memory_space<semaphore_mem>>) src(%arg12 : memref<80x128xbf16, #tpu.memory_space<vmem>>) dst(%dma_wait3A_1485 : memref<10240x128xbf16, #tpu.memory_space<vmem_shared>>)
      %dma_start3A_1486 = arith.constant 1360 : i32
      %dma_start3A_1487 = tpu.memref_slice %arg7[%dma_start3A_1486] : memref<2000xi32, #tpu.memory_space<vmem>> -> memref<80xi32, #tpu.memory_space<vmem>>
      %dma_start3A_1488 = arith.constant 0 : i32
      %dma_start3A_1489 = arith.constant 0 : i32
      %dma_start3A_1490 = tpu.memref_slice %arg3[%dma_start3A_1488, %dma_start3A_1489] : memref<10000x128xbf16, #tpu.memory_space<hbm>> -> memref<10000x128xbf16, #tpu.memory_space<hbm>>
      tpu.enqueue_indirect_dma source(%dma_start3A_1490 : memref<10000x128xbf16, #tpu.memory_space<hbm>>) target(%arg12 : memref<80x128xbf16, #tpu.memory_space<vmem>>) offsets(%dma_start3A_1487 : memref<80xi32, #tpu.memory_space<vmem>>) semaphore(%arg17 : memref<!tpu.dma_semaphore, #tpu.memory_space<semaphore_mem>>)
      %get3A_1491 = arith.constant 1360 : index
      %get3A_1492 = tpu.vector_load %arg7[%get3A_1491] {strides = array<i32>} : memref<2000xi32, #tpu.memory_space<vmem>>, vector<16xi32>,
      %get3A_1493 = arith.constant 1360 : index
      %get3A_1494 = tpu.vector_load %arg8[%get3A_1493] {strides = array<i32>} : memref<2000xi32, #tpu.memory_space<vmem>>, vector<16xi32>,
      %eq3A_1495 = arith.cmpi eq, %get3A_1492, %get3A_1494 : vector<16xi32>
      %jit3A_1496 = arith.constant 10000 : i32
      %broadcast_in_dim3A_1497 = vector.broadcast %jit3A_1496 : i32 to vector<16xi32>
      %select_n3A_1498 = arith.select %eq3A_1495, %broadcast_in_dim3A_1497, %get3A_1494 : vector<16xi1>, vector<16xi32>
      %swap3A_1499 = arith.constant 17 : i32
      %swap3A_1500 = arith.index_cast %swap3A_1499 : i32 to index
      %swap3A_1501 = arith.constant 0 : index
      %swap3A_1502 = tpu.vector_load %arg9[%swap3A_1500, %swap3A_1501] {strides = array<i32>} : memref<25x80xi32, #tpu.memory_space<vmem>>, vector<16xi32>,
      tpu.vector_store %arg9[%swap3A_1500, %swap3A_1501], %select_n3A_1498 {strides = array<i32>} : memref<25x80xi32, #tpu.memory_space<vmem>>, vector<16xi32>,
      tpu.vector_store_idx %arg13[%select_n3A_1498], %broadcast_in_dim3A_56 {add = true} : memref<10240xf32, #tpu.memory_space<vmem>>[vector<16xi32>], vector<16xf32>,
      %get3A_1503 = arith.constant 1376 : index
      %get3A_1504 = tpu.vector_load %arg7[%get3A_1503] {strides = array<i32>} : memref<2000xi32, #tpu.memory_space<vmem>>, vector<16xi32>,
      %get3A_1505 = arith.constant 1376 : index
      %get3A_1506 = tpu.vector_load %arg8[%get3A_1505] {strides = array<i32>} : memref<2000xi32, #tpu.memory_space<vmem>>, vector<16xi32>,
      %eq3A_1507 = arith.cmpi eq, %get3A_1504, %get3A_1506 : vector<16xi32>
      %jit3A_1508 = arith.constant 10000 : i32
      %broadcast_in_dim3A_1509 = vector.broadcast %jit3A_1508 : i32 to vector<16xi32>
      %select_n3A_1510 = arith.select %eq3A_1507, %broadcast_in_dim3A_1509, %get3A_1506 : vector<16xi1>, vector<16xi32>
      %swap3A_1511 = arith.constant 17 : i32
      %swap3A_1512 = arith.index_cast %swap3A_1511 : i32 to index
      %swap3A_1513 = arith.constant 16 : index
      %swap3A_1514 = tpu.vector_load %arg9[%swap3A_1512, %swap3A_1513] {strides = array<i32>} : memref<25x80xi32, #tpu.memory_space<vmem>>, vector<16xi32>,
      tpu.vector_store %arg9[%swap3A_1512, %swap3A_1513], %select_n3A_1510 {strides = array<i32>} : memref<25x80xi32, #tpu.memory_space<vmem>>, vector<16xi32>,
      tpu.vector_store_idx %arg13[%select_n3A_1510], %broadcast_in_dim3A_56 {add = true} : memref<10240xf32, #tpu.memory_space<vmem>>[vector<16xi32>], vector<16xf32>,
      %get3A_1515 = arith.constant 1392 : index
      %get3A_1516 = tpu.vector_load %arg7[%get3A_1515] {strides = array<i32>} : memref<2000xi32, #tpu.memory_space<vmem>>, vector<16xi32>,
      %get3A_1517 = arith.constant 1392 : index
      %get3A_1518 = tpu.vector_load %arg8[%get3A_1517] {strides = array<i32>} : memref<2000xi32, #tpu.memory_space<vmem>>, vector<16xi32>,
      %eq3A_1519 = arith.cmpi eq, %get3A_1516, %get3A_1518 : vector<16xi32>
      %jit3A_1520 = arith.constant 10000 : i32
      %broadcast_in_dim3A_1521 = vector.broadcast %jit3A_1520 : i32 to vector<16xi32>
      %select_n3A_1522 = arith.select %eq3A_1519, %broadcast_in_dim3A_1521, %get3A_1518 : vector<16xi1>, vector<16xi32>
      %swap3A_1523 = arith.constant 17 : i32
      %swap3A_1524 = arith.index_cast %swap3A_1523 : i32 to index
      %swap3A_1525 = arith.constant 32 : index
      %swap3A_1526 = tpu.vector_load %arg9[%swap3A_1524, %swap3A_1525] {strides = array<i32>} : memref<25x80xi32, #tpu.memory_space<vmem>>, vector<16xi32>,
      tpu.vector_store %arg9[%swap3A_1524, %swap3A_1525], %select_n3A_1522 {strides = array<i32>} : memref<25x80xi32, #tpu.memory_space<vmem>>, vector<16xi32>,
      tpu.vector_store_idx %arg13[%select_n3A_1522], %broadcast_in_dim3A_56 {add = true} : memref<10240xf32, #tpu.memory_space<vmem>>[vector<16xi32>], vector<16xf32>,
      %get3A_1527 = arith.constant 1408 : index
      %get3A_1528 = tpu.vector_load %arg7[%get3A_1527] {strides = array<i32>} : memref<2000xi32, #tpu.memory_space<vmem>>, vector<16xi32>,
      %get3A_1529 = arith.constant 1408 : index
      %get3A_1530 = tpu.vector_load %arg8[%get3A_1529] {strides = array<i32>} : memref<2000xi32, #tpu.memory_space<vmem>>, vector<16xi32>,
      %eq3A_1531 = arith.cmpi eq, %get3A_1528, %get3A_1530 : vector<16xi32>
      %jit3A_1532 = arith.constant 10000 : i32
      %broadcast_in_dim3A_1533 = vector.broadcast %jit3A_1532 : i32 to vector<16xi32>
      %select_n3A_1534 = arith.select %eq3A_1531, %broadcast_in_dim3A_1533, %get3A_1530 : vector<16xi1>, vector<16xi32>
      %swap3A_1535 = arith.constant 17 : i32
      %swap3A_1536 = arith.index_cast %swap3A_1535 : i32 to index
      %swap3A_1537 = arith.constant 48 : index
      %swap3A_1538 = tpu.vector_load %arg9[%swap3A_1536, %swap3A_1537] {strides = array<i32>} : memref<25x80xi32, #tpu.memory_space<vmem>>, vector<16xi32>,
      tpu.vector_store %arg9[%swap3A_1536, %swap3A_1537], %select_n3A_1534 {strides = array<i32>} : memref<25x80xi32, #tpu.memory_space<vmem>>, vector<16xi32>,
      tpu.vector_store_idx %arg13[%select_n3A_1534], %broadcast_in_dim3A_56 {add = true} : memref<10240xf32, #tpu.memory_space<vmem>>[vector<16xi32>], vector<16xf32>,
      %get3A_1539 = arith.constant 1424 : index
      %get3A_1540 = tpu.vector_load %arg7[%get3A_1539] {strides = array<i32>} : memref<2000xi32, #tpu.memory_space<vmem>>, vector<16xi32>,
      %get3A_1541 = arith.constant 1424 : index
      %get3A_1542 = tpu.vector_load %arg8[%get3A_1541] {strides = array<i32>} : memref<2000xi32, #tpu.memory_space<vmem>>, vector<16xi32>,
      %eq3A_1543 = arith.cmpi eq, %get3A_1540, %get3A_1542 : vector<16xi32>
      %jit3A_1544 = arith.constant 10000 : i32
      %broadcast_in_dim3A_1545 = vector.broadcast %jit3A_1544 : i32 to vector<16xi32>
      %select_n3A_1546 = arith.select %eq3A_1543, %broadcast_in_dim3A_1545, %get3A_1542 : vector<16xi1>, vector<16xi32>
      %swap3A_1547 = arith.constant 17 : i32
      %swap3A_1548 = arith.index_cast %swap3A_1547 : i32 to index
      %swap3A_1549 = arith.constant 64 : index
      %swap3A_1550 = tpu.vector_load %arg9[%swap3A_1548, %swap3A_1549] {strides = array<i32>} : memref<25x80xi32, #tpu.memory_space<vmem>>, vector<16xi32>,
      tpu.vector_store %arg9[%swap3A_1548, %swap3A_1549], %select_n3A_1546 {strides = array<i32>} : memref<25x80xi32, #tpu.memory_space<vmem>>, vector<16xi32>,
      tpu.vector_store_idx %arg13[%select_n3A_1546], %broadcast_in_dim3A_56 {add = true} : memref<10240xf32, #tpu.memory_space<vmem>>[vector<16xi32>], vector<16xf32>,
      %dma_wait3A_1551 = arith.constant 1280 : i32
      %dma_wait3A_1552 = tpu.memref_slice %arg7[%dma_wait3A_1551] : memref<2000xi32, #tpu.memory_space<vmem>> -> memref<80xi32, #tpu.memory_space<vmem>>
      %dma_wait3A_1553 = arith.constant 0 : i32
      %dma_wait3A_1554 = arith.constant 0 : i32
      %dma_wait3A_1555 = tpu.memref_slice %arg3[%dma_wait3A_1553, %dma_wait3A_1554] : memref<10000x128xbf16, #tpu.memory_space<hbm>> -> memref<10000x128xbf16, #tpu.memory_space<hbm>>
      tpu.wait_indirect_dma semaphore(%arg16 : memref<!tpu.dma_semaphore, #tpu.memory_space<semaphore_mem>>) src(%dma_wait3A_1555 : memref<10000x128xbf16, #tpu.memory_space<hbm>>) dst(%arg11 : memref<80x128xbf16, #tpu.memory_space<vmem>>)
      %dma_start3A_1556 = arith.constant 16 : i32
      %dma_start3A_1557 = arith.constant 0 : i32
      %dma_start3A_1558 = tpu.memref_slice %arg9[%dma_start3A_1556, %dma_start3A_1557] : memref<25x80xi32, #tpu.memory_space<vmem>> -> memref<1x80xi32, #tpu.memory_space<vmem>>
      %dma_start3A_1559 = tpu.memref_squeeze %dma_start3A_1558 : memref<1x80xi32, #tpu.memory_space<vmem>> -> memref<80xi32, #tpu.memory_space<vmem>>
      %dma_start3A_1560 = arith.constant 0 : i32
      %dma_start3A_1561 = arith.constant 0 : i32
      %dma_start3A_1562 = tpu.memref_slice %arg6[%dma_start3A_1560, %dma_start3A_1561] : memref<10240x128xbf16, #tpu.memory_space<vmem_shared>> -> memref<10240x128xbf16, #tpu.memory_space<vmem_shared>>
      tpu.enqueue_indirect_dma source(%arg11 : memref<80x128xbf16, #tpu.memory_space<vmem>>) target(%dma_start3A_1562 : memref<10240x128xbf16, #tpu.memory_space<vmem_shared>>) offsets(%dma_start3A_1559 : memref<80xi32, #tpu.memory_space<vmem>>) semaphore(%arg18 : memref<!tpu.dma_semaphore, #tpu.memory_space<semaphore_mem>>) {add = true}
      %dma_wait3A_1563 = arith.constant 15 : i32
      %dma_wait3A_1564 = arith.constant 0 : i32
      %dma_wait3A_1565 = tpu.memref_slice %arg9[%dma_wait3A_1563, %dma_wait3A_1564] : memref<25x80xi32, #tpu.memory_space<vmem>> -> memref<1x80xi32, #tpu.memory_space<vmem>>
      %dma_wait3A_1566 = tpu.memref_squeeze %dma_wait3A_1565 : memref<1x80xi32, #tpu.memory_space<vmem>> -> memref<80xi32, #tpu.memory_space<vmem>>
      %dma_wait3A_1567 = arith.constant 0 : i32
      %dma_wait3A_1568 = arith.constant 0 : i32
      %dma_wait3A_1569 = tpu.memref_slice %arg6[%dma_wait3A_1567, %dma_wait3A_1568] : memref<10240x128xbf16, #tpu.memory_space<vmem_shared>> -> memref<10240x128xbf16, #tpu.memory_space<vmem_shared>>
      tpu.wait_indirect_dma semaphore(%arg18 : memref<!tpu.dma_semaphore, #tpu.memory_space<semaphore_mem>>) src(%arg10 : memref<80x128xbf16, #tpu.memory_space<vmem>>) dst(%dma_wait3A_1569 : memref<10240x128xbf16, #tpu.memory_space<vmem_shared>>)
      %dma_start3A_1570 = arith.constant 1440 : i32
      %dma_start3A_1571 = tpu.memref_slice %arg7[%dma_start3A_1570] : memref<2000xi32, #tpu.memory_space<vmem>> -> memref<80xi32, #tpu.memory_space<vmem>>
      %dma_start3A_1572 = arith.constant 0 : i32
      %dma_start3A_1573 = arith.constant 0 : i32
      %dma_start3A_1574 = tpu.memref_slice %arg3[%dma_start3A_1572, %dma_start3A_1573] : memref<10000x128xbf16, #tpu.memory_space<hbm>> -> memref<10000x128xbf16, #tpu.memory_space<hbm>>
      tpu.enqueue_indirect_dma source(%dma_start3A_1574 : memref<10000x128xbf16, #tpu.memory_space<hbm>>) target(%arg10 : memref<80x128xbf16, #tpu.memory_space<vmem>>) offsets(%dma_start3A_1571 : memref<80xi32, #tpu.memory_space<vmem>>) semaphore(%arg15 : memref<!tpu.dma_semaphore, #tpu.memory_space<semaphore_mem>>)
      %get3A_1575 = arith.constant 1440 : index
      %get3A_1576 = tpu.vector_load %arg7[%get3A_1575] {strides = array<i32>} : memref<2000xi32, #tpu.memory_space<vmem>>, vector<16xi32>,
      %get3A_1577 = arith.constant 1440 : index
      %get3A_1578 = tpu.vector_load %arg8[%get3A_1577] {strides = array<i32>} : memref<2000xi32, #tpu.memory_space<vmem>>, vector<16xi32>,
      %eq3A_1579 = arith.cmpi eq, %get3A_1576, %get3A_1578 : vector<16xi32>
      %jit3A_1580 = arith.constant 10000 : i32
      %broadcast_in_dim3A_1581 = vector.broadcast %jit3A_1580 : i32 to vector<16xi32>
      %select_n3A_1582 = arith.select %eq3A_1579, %broadcast_in_dim3A_1581, %get3A_1578 : vector<16xi1>, vector<16xi32>
      %swap3A_1583 = arith.constant 18 : i32
      %swap3A_1584 = arith.index_cast %swap3A_1583 : i32 to index
      %swap3A_1585 = arith.constant 0 : index
      %swap3A_1586 = tpu.vector_load %arg9[%swap3A_1584, %swap3A_1585] {strides = array<i32>} : memref<25x80xi32, #tpu.memory_space<vmem>>, vector<16xi32>,
      tpu.vector_store %arg9[%swap3A_1584, %swap3A_1585], %select_n3A_1582 {strides = array<i32>} : memref<25x80xi32, #tpu.memory_space<vmem>>, vector<16xi32>,
      tpu.vector_store_idx %arg13[%select_n3A_1582], %broadcast_in_dim3A_56 {add = true} : memref<10240xf32, #tpu.memory_space<vmem>>[vector<16xi32>], vector<16xf32>,
      %get3A_1587 = arith.constant 1456 : index
      %get3A_1588 = tpu.vector_load %arg7[%get3A_1587] {strides = array<i32>} : memref<2000xi32, #tpu.memory_space<vmem>>, vector<16xi32>,
      %get3A_1589 = arith.constant 1456 : index
      %get3A_1590 = tpu.vector_load %arg8[%get3A_1589] {strides = array<i32>} : memref<2000xi32, #tpu.memory_space<vmem>>, vector<16xi32>,
      %eq3A_1591 = arith.cmpi eq, %get3A_1588, %get3A_1590 : vector<16xi32>
      %jit3A_1592 = arith.constant 10000 : i32
      %broadcast_in_dim3A_1593 = vector.broadcast %jit3A_1592 : i32 to vector<16xi32>
      %select_n3A_1594 = arith.select %eq3A_1591, %broadcast_in_dim3A_1593, %get3A_1590 : vector<16xi1>, vector<16xi32>
      %swap3A_1595 = arith.constant 18 : i32
      %swap3A_1596 = arith.index_cast %swap3A_1595 : i32 to index
      %swap3A_1597 = arith.constant 16 : index
      %swap3A_1598 = tpu.vector_load %arg9[%swap3A_1596, %swap3A_1597] {strides = array<i32>} : memref<25x80xi32, #tpu.memory_space<vmem>>, vector<16xi32>,
      tpu.vector_store %arg9[%swap3A_1596, %swap3A_1597], %select_n3A_1594 {strides = array<i32>} : memref<25x80xi32, #tpu.memory_space<vmem>>, vector<16xi32>,
      tpu.vector_store_idx %arg13[%select_n3A_1594], %broadcast_in_dim3A_56 {add = true} : memref<10240xf32, #tpu.memory_space<vmem>>[vector<16xi32>], vector<16xf32>,
      %get3A_1599 = arith.constant 1472 : index
      %get3A_1600 = tpu.vector_load %arg7[%get3A_1599] {strides = array<i32>} : memref<2000xi32, #tpu.memory_space<vmem>>, vector<16xi32>,
      %get3A_1601 = arith.constant 1472 : index
      %get3A_1602 = tpu.vector_load %arg8[%get3A_1601] {strides = array<i32>} : memref<2000xi32, #tpu.memory_space<vmem>>, vector<16xi32>,
      %eq3A_1603 = arith.cmpi eq, %get3A_1600, %get3A_1602 : vector<16xi32>
      %jit3A_1604 = arith.constant 10000 : i32
      %broadcast_in_dim3A_1605 = vector.broadcast %jit3A_1604 : i32 to vector<16xi32>
      %select_n3A_1606 = arith.select %eq3A_1603, %broadcast_in_dim3A_1605, %get3A_1602 : vector<16xi1>, vector<16xi32>
      %swap3A_1607 = arith.constant 18 : i32
      %swap3A_1608 = arith.index_cast %swap3A_1607 : i32 to index
      %swap3A_1609 = arith.constant 32 : index
      %swap3A_1610 = tpu.vector_load %arg9[%swap3A_1608, %swap3A_1609] {strides = array<i32>} : memref<25x80xi32, #tpu.memory_space<vmem>>, vector<16xi32>,
      tpu.vector_store %arg9[%swap3A_1608, %swap3A_1609], %select_n3A_1606 {strides = array<i32>} : memref<25x80xi32, #tpu.memory_space<vmem>>, vector<16xi32>,
      tpu.vector_store_idx %arg13[%select_n3A_1606], %broadcast_in_dim3A_56 {add = true} : memref<10240xf32, #tpu.memory_space<vmem>>[vector<16xi32>], vector<16xf32>,
      %get3A_1611 = arith.constant 1488 : index
      %get3A_1612 = tpu.vector_load %arg7[%get3A_1611] {strides = array<i32>} : memref<2000xi32, #tpu.memory_space<vmem>>, vector<16xi32>,
      %get3A_1613 = arith.constant 1488 : index
      %get3A_1614 = tpu.vector_load %arg8[%get3A_1613] {strides = array<i32>} : memref<2000xi32, #tpu.memory_space<vmem>>, vector<16xi32>,
      %eq3A_1615 = arith.cmpi eq, %get3A_1612, %get3A_1614 : vector<16xi32>
      %jit3A_1616 = arith.constant 10000 : i32
      %broadcast_in_dim3A_1617 = vector.broadcast %jit3A_1616 : i32 to vector<16xi32>
      %select_n3A_1618 = arith.select %eq3A_1615, %broadcast_in_dim3A_1617, %get3A_1614 : vector<16xi1>, vector<16xi32>
      %swap3A_1619 = arith.constant 18 : i32
      %swap3A_1620 = arith.index_cast %swap3A_1619 : i32 to index
      %swap3A_1621 = arith.constant 48 : index
      %swap3A_1622 = tpu.vector_load %arg9[%swap3A_1620, %swap3A_1621] {strides = array<i32>} : memref<25x80xi32, #tpu.memory_space<vmem>>, vector<16xi32>,
      tpu.vector_store %arg9[%swap3A_1620, %swap3A_1621], %select_n3A_1618 {strides = array<i32>} : memref<25x80xi32, #tpu.memory_space<vmem>>, vector<16xi32>,
      tpu.vector_store_idx %arg13[%select_n3A_1618], %broadcast_in_dim3A_56 {add = true} : memref<10240xf32, #tpu.memory_space<vmem>>[vector<16xi32>], vector<16xf32>,
      %get3A_1623 = arith.constant 1504 : index
      %get3A_1624 = tpu.vector_load %arg7[%get3A_1623] {strides = array<i32>} : memref<2000xi32, #tpu.memory_space<vmem>>, vector<16xi32>,
      %get3A_1625 = arith.constant 1504 : index
      %get3A_1626 = tpu.vector_load %arg8[%get3A_1625] {strides = array<i32>} : memref<2000xi32, #tpu.memory_space<vmem>>, vector<16xi32>,
      %eq3A_1627 = arith.cmpi eq, %get3A_1624, %get3A_1626 : vector<16xi32>
      %jit3A_1628 = arith.constant 10000 : i32
      %broadcast_in_dim3A_1629 = vector.broadcast %jit3A_1628 : i32 to vector<16xi32>
      %select_n3A_1630 = arith.select %eq3A_1627, %broadcast_in_dim3A_1629, %get3A_1626 : vector<16xi1>, vector<16xi32>
      %swap3A_1631 = arith.constant 18 : i32
      %swap3A_1632 = arith.index_cast %swap3A_1631 : i32 to index
      %swap3A_1633 = arith.constant 64 : index
      %swap3A_1634 = tpu.vector_load %arg9[%swap3A_1632, %swap3A_1633] {strides = array<i32>} : memref<25x80xi32, #tpu.memory_space<vmem>>, vector<16xi32>,
      tpu.vector_store %arg9[%swap3A_1632, %swap3A_1633], %select_n3A_1630 {strides = array<i32>} : memref<25x80xi32, #tpu.memory_space<vmem>>, vector<16xi32>,
      tpu.vector_store_idx %arg13[%select_n3A_1630], %broadcast_in_dim3A_56 {add = true} : memref<10240xf32, #tpu.memory_space<vmem>>[vector<16xi32>], vector<16xf32>,
      %dma_wait3A_1635 = arith.constant 1360 : i32
      %dma_wait3A_1636 = tpu.memref_slice %arg7[%dma_wait3A_1635] : memref<2000xi32, #tpu.memory_space<vmem>> -> memref<80xi32, #tpu.memory_space<vmem>>
      %dma_wait3A_1637 = arith.constant 0 : i32
      %dma_wait3A_1638 = arith.constant 0 : i32
      %dma_wait3A_1639 = tpu.memref_slice %arg3[%dma_wait3A_1637, %dma_wait3A_1638] : memref<10000x128xbf16, #tpu.memory_space<hbm>> -> memref<10000x128xbf16, #tpu.memory_space<hbm>>
      tpu.wait_indirect_dma semaphore(%arg17 : memref<!tpu.dma_semaphore, #tpu.memory_space<semaphore_mem>>) src(%dma_wait3A_1639 : memref<10000x128xbf16, #tpu.memory_space<hbm>>) dst(%arg12 : memref<80x128xbf16, #tpu.memory_space<vmem>>)
      %dma_start3A_1640 = arith.constant 17 : i32
      %dma_start3A_1641 = arith.constant 0 : i32
      %dma_start3A_1642 = tpu.memref_slice %arg9[%dma_start3A_1640, %dma_start3A_1641] : memref<25x80xi32, #tpu.memory_space<vmem>> -> memref<1x80xi32, #tpu.memory_space<vmem>>
      %dma_start3A_1643 = tpu.memref_squeeze %dma_start3A_1642 : memref<1x80xi32, #tpu.memory_space<vmem>> -> memref<80xi32, #tpu.memory_space<vmem>>
      %dma_start3A_1644 = arith.constant 0 : i32
      %dma_start3A_1645 = arith.constant 0 : i32
      %dma_start3A_1646 = tpu.memref_slice %arg6[%dma_start3A_1644, %dma_start3A_1645] : memref<10240x128xbf16, #tpu.memory_space<vmem_shared>> -> memref<10240x128xbf16, #tpu.memory_space<vmem_shared>>
      tpu.enqueue_indirect_dma source(%arg12 : memref<80x128xbf16, #tpu.memory_space<vmem>>) target(%dma_start3A_1646 : memref<10240x128xbf16, #tpu.memory_space<vmem_shared>>) offsets(%dma_start3A_1643 : memref<80xi32, #tpu.memory_space<vmem>>) semaphore(%arg18 : memref<!tpu.dma_semaphore, #tpu.memory_space<semaphore_mem>>) {add = true}
      %dma_wait3A_1647 = arith.constant 16 : i32
      %dma_wait3A_1648 = arith.constant 0 : i32
      %dma_wait3A_1649 = tpu.memref_slice %arg9[%dma_wait3A_1647, %dma_wait3A_1648] : memref<25x80xi32, #tpu.memory_space<vmem>> -> memref<1x80xi32, #tpu.memory_space<vmem>>
      %dma_wait3A_1650 = tpu.memref_squeeze %dma_wait3A_1649 : memref<1x80xi32, #tpu.memory_space<vmem>> -> memref<80xi32, #tpu.memory_space<vmem>>
      %dma_wait3A_1651 = arith.constant 0 : i32
      %dma_wait3A_1652 = arith.constant 0 : i32
      %dma_wait3A_1653 = tpu.memref_slice %arg6[%dma_wait3A_1651, %dma_wait3A_1652] : memref<10240x128xbf16, #tpu.memory_space<vmem_shared>> -> memref<10240x128xbf16, #tpu.memory_space<vmem_shared>>
      tpu.wait_indirect_dma semaphore(%arg18 : memref<!tpu.dma_semaphore, #tpu.memory_space<semaphore_mem>>) src(%arg11 : memref<80x128xbf16, #tpu.memory_space<vmem>>) dst(%dma_wait3A_1653 : memref<10240x128xbf16, #tpu.memory_space<vmem_shared>>)
      %dma_start3A_1654 = arith.constant 1520 : i32
      %dma_start3A_1655 = tpu.memref_slice %arg7[%dma_start3A_1654] : memref<2000xi32, #tpu.memory_space<vmem>> -> memref<80xi32, #tpu.memory_space<vmem>>
      %dma_start3A_1656 = arith.constant 0 : i32
      %dma_start3A_1657 = arith.constant 0 : i32
      %dma_start3A_1658 = tpu.memref_slice %arg3[%dma_start3A_1656, %dma_start3A_1657] : memref<10000x128xbf16, #tpu.memory_space<hbm>> -> memref<10000x128xbf16, #tpu.memory_space<hbm>>
      tpu.enqueue_indirect_dma source(%dma_start3A_1658 : memref<10000x128xbf16, #tpu.memory_space<hbm>>) target(%arg11 : memref<80x128xbf16, #tpu.memory_space<vmem>>) offsets(%dma_start3A_1655 : memref<80xi32, #tpu.memory_space<vmem>>) semaphore(%arg16 : memref<!tpu.dma_semaphore, #tpu.memory_space<semaphore_mem>>)
      %get3A_1659 = arith.constant 1520 : index
      %get3A_1660 = tpu.vector_load %arg7[%get3A_1659] {strides = array<i32>} : memref<2000xi32, #tpu.memory_space<vmem>>, vector<16xi32>,
      %get3A_1661 = arith.constant 1520 : index
      %get3A_1662 = tpu.vector_load %arg8[%get3A_1661] {strides = array<i32>} : memref<2000xi32, #tpu.memory_space<vmem>>, vector<16xi32>,
      %eq3A_1663 = arith.cmpi eq, %get3A_1660, %get3A_1662 : vector<16xi32>
      %jit3A_1664 = arith.constant 10000 : i32
      %broadcast_in_dim3A_1665 = vector.broadcast %jit3A_1664 : i32 to vector<16xi32>
      %select_n3A_1666 = arith.select %eq3A_1663, %broadcast_in_dim3A_1665, %get3A_1662 : vector<16xi1>, vector<16xi32>
      %swap3A_1667 = arith.constant 19 : i32
      %swap3A_1668 = arith.index_cast %swap3A_1667 : i32 to index
      %swap3A_1669 = arith.constant 0 : index
      %swap3A_1670 = tpu.vector_load %arg9[%swap3A_1668, %swap3A_1669] {strides = array<i32>} : memref<25x80xi32, #tpu.memory_space<vmem>>, vector<16xi32>,
      tpu.vector_store %arg9[%swap3A_1668, %swap3A_1669], %select_n3A_1666 {strides = array<i32>} : memref<25x80xi32, #tpu.memory_space<vmem>>, vector<16xi32>,
      tpu.vector_store_idx %arg13[%select_n3A_1666], %broadcast_in_dim3A_56 {add = true} : memref<10240xf32, #tpu.memory_space<vmem>>[vector<16xi32>], vector<16xf32>,
      %get3A_1671 = arith.constant 1536 : index
      %get3A_1672 = tpu.vector_load %arg7[%get3A_1671] {strides = array<i32>} : memref<2000xi32, #tpu.memory_space<vmem>>, vector<16xi32>,
      %get3A_1673 = arith.constant 1536 : index
      %get3A_1674 = tpu.vector_load %arg8[%get3A_1673] {strides = array<i32>} : memref<2000xi32, #tpu.memory_space<vmem>>, vector<16xi32>,
      %eq3A_1675 = arith.cmpi eq, %get3A_1672, %get3A_1674 : vector<16xi32>
      %jit3A_1676 = arith.constant 10000 : i32
      %broadcast_in_dim3A_1677 = vector.broadcast %jit3A_1676 : i32 to vector<16xi32>
      %select_n3A_1678 = arith.select %eq3A_1675, %broadcast_in_dim3A_1677, %get3A_1674 : vector<16xi1>, vector<16xi32>
      %swap3A_1679 = arith.constant 19 : i32
      %swap3A_1680 = arith.index_cast %swap3A_1679 : i32 to index
      %swap3A_1681 = arith.constant 16 : index
      %swap3A_1682 = tpu.vector_load %arg9[%swap3A_1680, %swap3A_1681] {strides = array<i32>} : memref<25x80xi32, #tpu.memory_space<vmem>>, vector<16xi32>,
      tpu.vector_store %arg9[%swap3A_1680, %swap3A_1681], %select_n3A_1678 {strides = array<i32>} : memref<25x80xi32, #tpu.memory_space<vmem>>, vector<16xi32>,
      tpu.vector_store_idx %arg13[%select_n3A_1678], %broadcast_in_dim3A_56 {add = true} : memref<10240xf32, #tpu.memory_space<vmem>>[vector<16xi32>], vector<16xf32>,
      %get3A_1683 = arith.constant 1552 : index
      %get3A_1684 = tpu.vector_load %arg7[%get3A_1683] {strides = array<i32>} : memref<2000xi32, #tpu.memory_space<vmem>>, vector<16xi32>,
      %get3A_1685 = arith.constant 1552 : index
      %get3A_1686 = tpu.vector_load %arg8[%get3A_1685] {strides = array<i32>} : memref<2000xi32, #tpu.memory_space<vmem>>, vector<16xi32>,
      %eq3A_1687 = arith.cmpi eq, %get3A_1684, %get3A_1686 : vector<16xi32>
      %jit3A_1688 = arith.constant 10000 : i32
      %broadcast_in_dim3A_1689 = vector.broadcast %jit3A_1688 : i32 to vector<16xi32>
      %select_n3A_1690 = arith.select %eq3A_1687, %broadcast_in_dim3A_1689, %get3A_1686 : vector<16xi1>, vector<16xi32>
      %swap3A_1691 = arith.constant 19 : i32
      %swap3A_1692 = arith.index_cast %swap3A_1691 : i32 to index
      %swap3A_1693 = arith.constant 32 : index
      %swap3A_1694 = tpu.vector_load %arg9[%swap3A_1692, %swap3A_1693] {strides = array<i32>} : memref<25x80xi32, #tpu.memory_space<vmem>>, vector<16xi32>,
      tpu.vector_store %arg9[%swap3A_1692, %swap3A_1693], %select_n3A_1690 {strides = array<i32>} : memref<25x80xi32, #tpu.memory_space<vmem>>, vector<16xi32>,
      tpu.vector_store_idx %arg13[%select_n3A_1690], %broadcast_in_dim3A_56 {add = true} : memref<10240xf32, #tpu.memory_space<vmem>>[vector<16xi32>], vector<16xf32>,
      %get3A_1695 = arith.constant 1568 : index
      %get3A_1696 = tpu.vector_load %arg7[%get3A_1695] {strides = array<i32>} : memref<2000xi32, #tpu.memory_space<vmem>>, vector<16xi32>,
      %get3A_1697 = arith.constant 1568 : index
      %get3A_1698 = tpu.vector_load %arg8[%get3A_1697] {strides = array<i32>} : memref<2000xi32, #tpu.memory_space<vmem>>, vector<16xi32>,
      %eq3A_1699 = arith.cmpi eq, %get3A_1696, %get3A_1698 : vector<16xi32>
      %jit3A_1700 = arith.constant 10000 : i32
      %broadcast_in_dim3A_1701 = vector.broadcast %jit3A_1700 : i32 to vector<16xi32>
      %select_n3A_1702 = arith.select %eq3A_1699, %broadcast_in_dim3A_1701, %get3A_1698 : vector<16xi1>, vector<16xi32>
      %swap3A_1703 = arith.constant 19 : i32
      %swap3A_1704 = arith.index_cast %swap3A_1703 : i32 to index
      %swap3A_1705 = arith.constant 48 : index
      %swap3A_1706 = tpu.vector_load %arg9[%swap3A_1704, %swap3A_1705] {strides = array<i32>} : memref<25x80xi32, #tpu.memory_space<vmem>>, vector<16xi32>,
      tpu.vector_store %arg9[%swap3A_1704, %swap3A_1705], %select_n3A_1702 {strides = array<i32>} : memref<25x80xi32, #tpu.memory_space<vmem>>, vector<16xi32>,
      tpu.vector_store_idx %arg13[%select_n3A_1702], %broadcast_in_dim3A_56 {add = true} : memref<10240xf32, #tpu.memory_space<vmem>>[vector<16xi32>], vector<16xf32>,
      %get3A_1707 = arith.constant 1584 : index
      %get3A_1708 = tpu.vector_load %arg7[%get3A_1707] {strides = array<i32>} : memref<2000xi32, #tpu.memory_space<vmem>>, vector<16xi32>,
      %get3A_1709 = arith.constant 1584 : index
      %get3A_1710 = tpu.vector_load %arg8[%get3A_1709] {strides = array<i32>} : memref<2000xi32, #tpu.memory_space<vmem>>, vector<16xi32>,
      %eq3A_1711 = arith.cmpi eq, %get3A_1708, %get3A_1710 : vector<16xi32>
      %jit3A_1712 = arith.constant 10000 : i32
      %broadcast_in_dim3A_1713 = vector.broadcast %jit3A_1712 : i32 to vector<16xi32>
      %select_n3A_1714 = arith.select %eq3A_1711, %broadcast_in_dim3A_1713, %get3A_1710 : vector<16xi1>, vector<16xi32>
      %swap3A_1715 = arith.constant 19 : i32
      %swap3A_1716 = arith.index_cast %swap3A_1715 : i32 to index
      %swap3A_1717 = arith.constant 64 : index
      %swap3A_1718 = tpu.vector_load %arg9[%swap3A_1716, %swap3A_1717] {strides = array<i32>} : memref<25x80xi32, #tpu.memory_space<vmem>>, vector<16xi32>,
      tpu.vector_store %arg9[%swap3A_1716, %swap3A_1717], %select_n3A_1714 {strides = array<i32>} : memref<25x80xi32, #tpu.memory_space<vmem>>, vector<16xi32>,
      tpu.vector_store_idx %arg13[%select_n3A_1714], %broadcast_in_dim3A_56 {add = true} : memref<10240xf32, #tpu.memory_space<vmem>>[vector<16xi32>], vector<16xf32>,
      %dma_wait3A_1719 = arith.constant 1440 : i32
      %dma_wait3A_1720 = tpu.memref_slice %arg7[%dma_wait3A_1719] : memref<2000xi32, #tpu.memory_space<vmem>> -> memref<80xi32, #tpu.memory_space<vmem>>
      %dma_wait3A_1721 = arith.constant 0 : i32
      %dma_wait3A_1722 = arith.constant 0 : i32
      %dma_wait3A_1723 = tpu.memref_slice %arg3[%dma_wait3A_1721, %dma_wait3A_1722] : memref<10000x128xbf16, #tpu.memory_space<hbm>> -> memref<10000x128xbf16, #tpu.memory_space<hbm>>
      tpu.wait_indirect_dma semaphore(%arg15 : memref<!tpu.dma_semaphore, #tpu.memory_space<semaphore_mem>>) src(%dma_wait3A_1723 : memref<10000x128xbf16, #tpu.memory_space<hbm>>) dst(%arg10 : memref<80x128xbf16, #tpu.memory_space<vmem>>)
      %dma_start3A_1724 = arith.constant 18 : i32
      %dma_start3A_1725 = arith.constant 0 : i32
      %dma_start3A_1726 = tpu.memref_slice %arg9[%dma_start3A_1724, %dma_start3A_1725] : memref<25x80xi32, #tpu.memory_space<vmem>> -> memref<1x80xi32, #tpu.memory_space<vmem>>
      %dma_start3A_1727 = tpu.memref_squeeze %dma_start3A_1726 : memref<1x80xi32, #tpu.memory_space<vmem>> -> memref<80xi32, #tpu.memory_space<vmem>>
      %dma_start3A_1728 = arith.constant 0 : i32
      %dma_start3A_1729 = arith.constant 0 : i32
      %dma_start3A_1730 = tpu.memref_slice %arg6[%dma_start3A_1728, %dma_start3A_1729] : memref<10240x128xbf16, #tpu.memory_space<vmem_shared>> -> memref<10240x128xbf16, #tpu.memory_space<vmem_shared>>
      tpu.enqueue_indirect_dma source(%arg10 : memref<80x128xbf16, #tpu.memory_space<vmem>>) target(%dma_start3A_1730 : memref<10240x128xbf16, #tpu.memory_space<vmem_shared>>) offsets(%dma_start3A_1727 : memref<80xi32, #tpu.memory_space<vmem>>) semaphore(%arg18 : memref<!tpu.dma_semaphore, #tpu.memory_space<semaphore_mem>>) {add = true}
      %dma_wait3A_1731 = arith.constant 17 : i32
      %dma_wait3A_1732 = arith.constant 0 : i32
      %dma_wait3A_1733 = tpu.memref_slice %arg9[%dma_wait3A_1731, %dma_wait3A_1732] : memref<25x80xi32, #tpu.memory_space<vmem>> -> memref<1x80xi32, #tpu.memory_space<vmem>>
      %dma_wait3A_1734 = tpu.memref_squeeze %dma_wait3A_1733 : memref<1x80xi32, #tpu.memory_space<vmem>> -> memref<80xi32, #tpu.memory_space<vmem>>
      %dma_wait3A_1735 = arith.constant 0 : i32
      %dma_wait3A_1736 = arith.constant 0 : i32
      %dma_wait3A_1737 = tpu.memref_slice %arg6[%dma_wait3A_1735, %dma_wait3A_1736] : memref<10240x128xbf16, #tpu.memory_space<vmem_shared>> -> memref<10240x128xbf16, #tpu.memory_space<vmem_shared>>
      tpu.wait_indirect_dma semaphore(%arg18 : memref<!tpu.dma_semaphore, #tpu.memory_space<semaphore_mem>>) src(%arg12 : memref<80x128xbf16, #tpu.memory_space<vmem>>) dst(%dma_wait3A_1737 : memref<10240x128xbf16, #tpu.memory_space<vmem_shared>>)
      %dma_start3A_1738 = arith.constant 1600 : i32
      %dma_start3A_1739 = tpu.memref_slice %arg7[%dma_start3A_1738] : memref<2000xi32, #tpu.memory_space<vmem>> -> memref<80xi32, #tpu.memory_space<vmem>>
      %dma_start3A_1740 = arith.constant 0 : i32
      %dma_start3A_1741 = arith.constant 0 : i32
      %dma_start3A_1742 = tpu.memref_slice %arg3[%dma_start3A_1740, %dma_start3A_1741] : memref<10000x128xbf16, #tpu.memory_space<hbm>> -> memref<10000x128xbf16, #tpu.memory_space<hbm>>
      tpu.enqueue_indirect_dma source(%dma_start3A_1742 : memref<10000x128xbf16, #tpu.memory_space<hbm>>) target(%arg12 : memref<80x128xbf16, #tpu.memory_space<vmem>>) offsets(%dma_start3A_1739 : memref<80xi32, #tpu.memory_space<vmem>>) semaphore(%arg17 : memref<!tpu.dma_semaphore, #tpu.memory_space<semaphore_mem>>)
      %get3A_1743 = arith.constant 1600 : index
      %get3A_1744 = tpu.vector_load %arg7[%get3A_1743] {strides = array<i32>} : memref<2000xi32, #tpu.memory_space<vmem>>, vector<16xi32>,
      %get3A_1745 = arith.constant 1600 : index
      %get3A_1746 = tpu.vector_load %arg8[%get3A_1745] {strides = array<i32>} : memref<2000xi32, #tpu.memory_space<vmem>>, vector<16xi32>,
      %eq3A_1747 = arith.cmpi eq, %get3A_1744, %get3A_1746 : vector<16xi32>
      %jit3A_1748 = arith.constant 10000 : i32
      %broadcast_in_dim3A_1749 = vector.broadcast %jit3A_1748 : i32 to vector<16xi32>
      %select_n3A_1750 = arith.select %eq3A_1747, %broadcast_in_dim3A_1749, %get3A_1746 : vector<16xi1>, vector<16xi32>
      %swap3A_1751 = arith.constant 20 : i32
      %swap3A_1752 = arith.index_cast %swap3A_1751 : i32 to index
      %swap3A_1753 = arith.constant 0 : index
      %swap3A_1754 = tpu.vector_load %arg9[%swap3A_1752, %swap3A_1753] {strides = array<i32>} : memref<25x80xi32, #tpu.memory_space<vmem>>, vector<16xi32>,
      tpu.vector_store %arg9[%swap3A_1752, %swap3A_1753], %select_n3A_1750 {strides = array<i32>} : memref<25x80xi32, #tpu.memory_space<vmem>>, vector<16xi32>,
      tpu.vector_store_idx %arg13[%select_n3A_1750], %broadcast_in_dim3A_56 {add = true} : memref<10240xf32, #tpu.memory_space<vmem>>[vector<16xi32>], vector<16xf32>,
      %get3A_1755 = arith.constant 1616 : index
      %get3A_1756 = tpu.vector_load %arg7[%get3A_1755] {strides = array<i32>} : memref<2000xi32, #tpu.memory_space<vmem>>, vector<16xi32>,
      %get3A_1757 = arith.constant 1616 : index
      %get3A_1758 = tpu.vector_load %arg8[%get3A_1757] {strides = array<i32>} : memref<2000xi32, #tpu.memory_space<vmem>>, vector<16xi32>,
      %eq3A_1759 = arith.cmpi eq, %get3A_1756, %get3A_1758 : vector<16xi32>
      %jit3A_1760 = arith.constant 10000 : i32
      %broadcast_in_dim3A_1761 = vector.broadcast %jit3A_1760 : i32 to vector<16xi32>
      %select_n3A_1762 = arith.select %eq3A_1759, %broadcast_in_dim3A_1761, %get3A_1758 : vector<16xi1>, vector<16xi32>
      %swap3A_1763 = arith.constant 20 : i32
      %swap3A_1764 = arith.index_cast %swap3A_1763 : i32 to index
      %swap3A_1765 = arith.constant 16 : index
      %swap3A_1766 = tpu.vector_load %arg9[%swap3A_1764, %swap3A_1765] {strides = array<i32>} : memref<25x80xi32, #tpu.memory_space<vmem>>, vector<16xi32>,
      tpu.vector_store %arg9[%swap3A_1764, %swap3A_1765], %select_n3A_1762 {strides = array<i32>} : memref<25x80xi32, #tpu.memory_space<vmem>>, vector<16xi32>,
      tpu.vector_store_idx %arg13[%select_n3A_1762], %broadcast_in_dim3A_56 {add = true} : memref<10240xf32, #tpu.memory_space<vmem>>[vector<16xi32>], vector<16xf32>,
      %get3A_1767 = arith.constant 1632 : index
      %get3A_1768 = tpu.vector_load %arg7[%get3A_1767] {strides = array<i32>} : memref<2000xi32, #tpu.memory_space<vmem>>, vector<16xi32>,
      %get3A_1769 = arith.constant 1632 : index
      %get3A_1770 = tpu.vector_load %arg8[%get3A_1769] {strides = array<i32>} : memref<2000xi32, #tpu.memory_space<vmem>>, vector<16xi32>,
      %eq3A_1771 = arith.cmpi eq, %get3A_1768, %get3A_1770 : vector<16xi32>
      %jit3A_1772 = arith.constant 10000 : i32
      %broadcast_in_dim3A_1773 = vector.broadcast %jit3A_1772 : i32 to vector<16xi32>
      %select_n3A_1774 = arith.select %eq3A_1771, %broadcast_in_dim3A_1773, %get3A_1770 : vector<16xi1>, vector<16xi32>
      %swap3A_1775 = arith.constant 20 : i32
      %swap3A_1776 = arith.index_cast %swap3A_1775 : i32 to index
      %swap3A_1777 = arith.constant 32 : index
      %swap3A_1778 = tpu.vector_load %arg9[%swap3A_1776, %swap3A_1777] {strides = array<i32>} : memref<25x80xi32, #tpu.memory_space<vmem>>, vector<16xi32>,
      tpu.vector_store %arg9[%swap3A_1776, %swap3A_1777], %select_n3A_1774 {strides = array<i32>} : memref<25x80xi32, #tpu.memory_space<vmem>>, vector<16xi32>,
      tpu.vector_store_idx %arg13[%select_n3A_1774], %broadcast_in_dim3A_56 {add = true} : memref<10240xf32, #tpu.memory_space<vmem>>[vector<16xi32>], vector<16xf32>,
      %get3A_1779 = arith.constant 1648 : index
      %get3A_1780 = tpu.vector_load %arg7[%get3A_1779] {strides = array<i32>} : memref<2000xi32, #tpu.memory_space<vmem>>, vector<16xi32>,
      %get3A_1781 = arith.constant 1648 : index
      %get3A_1782 = tpu.vector_load %arg8[%get3A_1781] {strides = array<i32>} : memref<2000xi32, #tpu.memory_space<vmem>>, vector<16xi32>,
      %eq3A_1783 = arith.cmpi eq, %get3A_1780, %get3A_1782 : vector<16xi32>
      %jit3A_1784 = arith.constant 10000 : i32
      %broadcast_in_dim3A_1785 = vector.broadcast %jit3A_1784 : i32 to vector<16xi32>
      %select_n3A_1786 = arith.select %eq3A_1783, %broadcast_in_dim3A_1785, %get3A_1782 : vector<16xi1>, vector<16xi32>
      %swap3A_1787 = arith.constant 20 : i32
      %swap3A_1788 = arith.index_cast %swap3A_1787 : i32 to index
      %swap3A_1789 = arith.constant 48 : index
      %swap3A_1790 = tpu.vector_load %arg9[%swap3A_1788, %swap3A_1789] {strides = array<i32>} : memref<25x80xi32, #tpu.memory_space<vmem>>, vector<16xi32>,
      tpu.vector_store %arg9[%swap3A_1788, %swap3A_1789], %select_n3A_1786 {strides = array<i32>} : memref<25x80xi32, #tpu.memory_space<vmem>>, vector<16xi32>,
      tpu.vector_store_idx %arg13[%select_n3A_1786], %broadcast_in_dim3A_56 {add = true} : memref<10240xf32, #tpu.memory_space<vmem>>[vector<16xi32>], vector<16xf32>,
      %get3A_1791 = arith.constant 1664 : index
      %get3A_1792 = tpu.vector_load %arg7[%get3A_1791] {strides = array<i32>} : memref<2000xi32, #tpu.memory_space<vmem>>, vector<16xi32>,
      %get3A_1793 = arith.constant 1664 : index
      %get3A_1794 = tpu.vector_load %arg8[%get3A_1793] {strides = array<i32>} : memref<2000xi32, #tpu.memory_space<vmem>>, vector<16xi32>,
      %eq3A_1795 = arith.cmpi eq, %get3A_1792, %get3A_1794 : vector<16xi32>
      %jit3A_1796 = arith.constant 10000 : i32
      %broadcast_in_dim3A_1797 = vector.broadcast %jit3A_1796 : i32 to vector<16xi32>
      %select_n3A_1798 = arith.select %eq3A_1795, %broadcast_in_dim3A_1797, %get3A_1794 : vector<16xi1>, vector<16xi32>
      %swap3A_1799 = arith.constant 20 : i32
      %swap3A_1800 = arith.index_cast %swap3A_1799 : i32 to index
      %swap3A_1801 = arith.constant 64 : index
      %swap3A_1802 = tpu.vector_load %arg9[%swap3A_1800, %swap3A_1801] {strides = array<i32>} : memref<25x80xi32, #tpu.memory_space<vmem>>, vector<16xi32>,
      tpu.vector_store %arg9[%swap3A_1800, %swap3A_1801], %select_n3A_1798 {strides = array<i32>} : memref<25x80xi32, #tpu.memory_space<vmem>>, vector<16xi32>,
      tpu.vector_store_idx %arg13[%select_n3A_1798], %broadcast_in_dim3A_56 {add = true} : memref<10240xf32, #tpu.memory_space<vmem>>[vector<16xi32>], vector<16xf32>,
      %dma_wait3A_1803 = arith.constant 1520 : i32
      %dma_wait3A_1804 = tpu.memref_slice %arg7[%dma_wait3A_1803] : memref<2000xi32, #tpu.memory_space<vmem>> -> memref<80xi32, #tpu.memory_space<vmem>>
      %dma_wait3A_1805 = arith.constant 0 : i32
      %dma_wait3A_1806 = arith.constant 0 : i32
      %dma_wait3A_1807 = tpu.memref_slice %arg3[%dma_wait3A_1805, %dma_wait3A_1806] : memref<10000x128xbf16, #tpu.memory_space<hbm>> -> memref<10000x128xbf16, #tpu.memory_space<hbm>>
      tpu.wait_indirect_dma semaphore(%arg16 : memref<!tpu.dma_semaphore, #tpu.memory_space<semaphore_mem>>) src(%dma_wait3A_1807 : memref<10000x128xbf16, #tpu.memory_space<hbm>>) dst(%arg11 : memref<80x128xbf16, #tpu.memory_space<vmem>>)
      %dma_start3A_1808 = arith.constant 19 : i32
      %dma_start3A_1809 = arith.constant 0 : i32
      %dma_start3A_1810 = tpu.memref_slice %arg9[%dma_start3A_1808, %dma_start3A_1809] : memref<25x80xi32, #tpu.memory_space<vmem>> -> memref<1x80xi32, #tpu.memory_space<vmem>>
      %dma_start3A_1811 = tpu.memref_squeeze %dma_start3A_1810 : memref<1x80xi32, #tpu.memory_space<vmem>> -> memref<80xi32, #tpu.memory_space<vmem>>
      %dma_start3A_1812 = arith.constant 0 : i32
      %dma_start3A_1813 = arith.constant 0 : i32
      %dma_start3A_1814 = tpu.memref_slice %arg6[%dma_start3A_1812, %dma_start3A_1813] : memref<10240x128xbf16, #tpu.memory_space<vmem_shared>> -> memref<10240x128xbf16, #tpu.memory_space<vmem_shared>>
      tpu.enqueue_indirect_dma source(%arg11 : memref<80x128xbf16, #tpu.memory_space<vmem>>) target(%dma_start3A_1814 : memref<10240x128xbf16, #tpu.memory_space<vmem_shared>>) offsets(%dma_start3A_1811 : memref<80xi32, #tpu.memory_space<vmem>>) semaphore(%arg18 : memref<!tpu.dma_semaphore, #tpu.memory_space<semaphore_mem>>) {add = true}
      %dma_wait3A_1815 = arith.constant 18 : i32
      %dma_wait3A_1816 = arith.constant 0 : i32
      %dma_wait3A_1817 = tpu.memref_slice %arg9[%dma_wait3A_1815, %dma_wait3A_1816] : memref<25x80xi32, #tpu.memory_space<vmem>> -> memref<1x80xi32, #tpu.memory_space<vmem>>
      %dma_wait3A_1818 = tpu.memref_squeeze %dma_wait3A_1817 : memref<1x80xi32, #tpu.memory_space<vmem>> -> memref<80xi32, #tpu.memory_space<vmem>>
      %dma_wait3A_1819 = arith.constant 0 : i32
      %dma_wait3A_1820 = arith.constant 0 : i32
      %dma_wait3A_1821 = tpu.memref_slice %arg6[%dma_wait3A_1819, %dma_wait3A_1820] : memref<10240x128xbf16, #tpu.memory_space<vmem_shared>> -> memref<10240x128xbf16, #tpu.memory_space<vmem_shared>>
      tpu.wait_indirect_dma semaphore(%arg18 : memref<!tpu.dma_semaphore, #tpu.memory_space<semaphore_mem>>) src(%arg10 : memref<80x128xbf16, #tpu.memory_space<vmem>>) dst(%dma_wait3A_1821 : memref<10240x128xbf16, #tpu.memory_space<vmem_shared>>)
      %dma_start3A_1822 = arith.constant 1680 : i32
      %dma_start3A_1823 = tpu.memref_slice %arg7[%dma_start3A_1822] : memref<2000xi32, #tpu.memory_space<vmem>> -> memref<80xi32, #tpu.memory_space<vmem>>
      %dma_start3A_1824 = arith.constant 0 : i32
      %dma_start3A_1825 = arith.constant 0 : i32
      %dma_start3A_1826 = tpu.memref_slice %arg3[%dma_start3A_1824, %dma_start3A_1825] : memref<10000x128xbf16, #tpu.memory_space<hbm>> -> memref<10000x128xbf16, #tpu.memory_space<hbm>>
      tpu.enqueue_indirect_dma source(%dma_start3A_1826 : memref<10000x128xbf16, #tpu.memory_space<hbm>>) target(%arg10 : memref<80x128xbf16, #tpu.memory_space<vmem>>) offsets(%dma_start3A_1823 : memref<80xi32, #tpu.memory_space<vmem>>) semaphore(%arg15 : memref<!tpu.dma_semaphore, #tpu.memory_space<semaphore_mem>>)
      %get3A_1827 = arith.constant 1680 : index
      %get3A_1828 = tpu.vector_load %arg7[%get3A_1827] {strides = array<i32>} : memref<2000xi32, #tpu.memory_space<vmem>>, vector<16xi32>,
      %get3A_1829 = arith.constant 1680 : index
      %get3A_1830 = tpu.vector_load %arg8[%get3A_1829] {strides = array<i32>} : memref<2000xi32, #tpu.memory_space<vmem>>, vector<16xi32>,
      %eq3A_1831 = arith.cmpi eq, %get3A_1828, %get3A_1830 : vector<16xi32>
      %jit3A_1832 = arith.constant 10000 : i32
      %broadcast_in_dim3A_1833 = vector.broadcast %jit3A_1832 : i32 to vector<16xi32>
      %select_n3A_1834 = arith.select %eq3A_1831, %broadcast_in_dim3A_1833, %get3A_1830 : vector<16xi1>, vector<16xi32>
      %swap3A_1835 = arith.constant 21 : i32
      %swap3A_1836 = arith.index_cast %swap3A_1835 : i32 to index
      %swap3A_1837 = arith.constant 0 : index
      %swap3A_1838 = tpu.vector_load %arg9[%swap3A_1836, %swap3A_1837] {strides = array<i32>} : memref<25x80xi32, #tpu.memory_space<vmem>>, vector<16xi32>,
      tpu.vector_store %arg9[%swap3A_1836, %swap3A_1837], %select_n3A_1834 {strides = array<i32>} : memref<25x80xi32, #tpu.memory_space<vmem>>, vector<16xi32>,
      tpu.vector_store_idx %arg13[%select_n3A_1834], %broadcast_in_dim3A_56 {add = true} : memref<10240xf32, #tpu.memory_space<vmem>>[vector<16xi32>], vector<16xf32>,
      %get3A_1839 = arith.constant 1696 : index
      %get3A_1840 = tpu.vector_load %arg7[%get3A_1839] {strides = array<i32>} : memref<2000xi32, #tpu.memory_space<vmem>>, vector<16xi32>,
      %get3A_1841 = arith.constant 1696 : index
      %get3A_1842 = tpu.vector_load %arg8[%get3A_1841] {strides = array<i32>} : memref<2000xi32, #tpu.memory_space<vmem>>, vector<16xi32>,
      %eq3A_1843 = arith.cmpi eq, %get3A_1840, %get3A_1842 : vector<16xi32>
      %jit3A_1844 = arith.constant 10000 : i32
      %broadcast_in_dim3A_1845 = vector.broadcast %jit3A_1844 : i32 to vector<16xi32>
      %select_n3A_1846 = arith.select %eq3A_1843, %broadcast_in_dim3A_1845, %get3A_1842 : vector<16xi1>, vector<16xi32>
      %swap3A_1847 = arith.constant 21 : i32
      %swap3A_1848 = arith.index_cast %swap3A_1847 : i32 to index
      %swap3A_1849 = arith.constant 16 : index
      %swap3A_1850 = tpu.vector_load %arg9[%swap3A_1848, %swap3A_1849] {strides = array<i32>} : memref<25x80xi32, #tpu.memory_space<vmem>>, vector<16xi32>,
      tpu.vector_store %arg9[%swap3A_1848, %swap3A_1849], %select_n3A_1846 {strides = array<i32>} : memref<25x80xi32, #tpu.memory_space<vmem>>, vector<16xi32>,
      tpu.vector_store_idx %arg13[%select_n3A_1846], %broadcast_in_dim3A_56 {add = true} : memref<10240xf32, #tpu.memory_space<vmem>>[vector<16xi32>], vector<16xf32>,
      %get3A_1851 = arith.constant 1712 : index
      %get3A_1852 = tpu.vector_load %arg7[%get3A_1851] {strides = array<i32>} : memref<2000xi32, #tpu.memory_space<vmem>>, vector<16xi32>,
      %get3A_1853 = arith.constant 1712 : index
      %get3A_1854 = tpu.vector_load %arg8[%get3A_1853] {strides = array<i32>} : memref<2000xi32, #tpu.memory_space<vmem>>, vector<16xi32>,
      %eq3A_1855 = arith.cmpi eq, %get3A_1852, %get3A_1854 : vector<16xi32>
      %jit3A_1856 = arith.constant 10000 : i32
      %broadcast_in_dim3A_1857 = vector.broadcast %jit3A_1856 : i32 to vector<16xi32>
      %select_n3A_1858 = arith.select %eq3A_1855, %broadcast_in_dim3A_1857, %get3A_1854 : vector<16xi1>, vector<16xi32>
      %swap3A_1859 = arith.constant 21 : i32
      %swap3A_1860 = arith.index_cast %swap3A_1859 : i32 to index
      %swap3A_1861 = arith.constant 32 : index
      %swap3A_1862 = tpu.vector_load %arg9[%swap3A_1860, %swap3A_1861] {strides = array<i32>} : memref<25x80xi32, #tpu.memory_space<vmem>>, vector<16xi32>,
      tpu.vector_store %arg9[%swap3A_1860, %swap3A_1861], %select_n3A_1858 {strides = array<i32>} : memref<25x80xi32, #tpu.memory_space<vmem>>, vector<16xi32>,
      tpu.vector_store_idx %arg13[%select_n3A_1858], %broadcast_in_dim3A_56 {add = true} : memref<10240xf32, #tpu.memory_space<vmem>>[vector<16xi32>], vector<16xf32>,
      %get3A_1863 = arith.constant 1728 : index
      %get3A_1864 = tpu.vector_load %arg7[%get3A_1863] {strides = array<i32>} : memref<2000xi32, #tpu.memory_space<vmem>>, vector<16xi32>,
      %get3A_1865 = arith.constant 1728 : index
      %get3A_1866 = tpu.vector_load %arg8[%get3A_1865] {strides = array<i32>} : memref<2000xi32, #tpu.memory_space<vmem>>, vector<16xi32>,
      %eq3A_1867 = arith.cmpi eq, %get3A_1864, %get3A_1866 : vector<16xi32>
      %jit3A_1868 = arith.constant 10000 : i32
      %broadcast_in_dim3A_1869 = vector.broadcast %jit3A_1868 : i32 to vector<16xi32>
      %select_n3A_1870 = arith.select %eq3A_1867, %broadcast_in_dim3A_1869, %get3A_1866 : vector<16xi1>, vector<16xi32>
      %swap3A_1871 = arith.constant 21 : i32
      %swap3A_1872 = arith.index_cast %swap3A_1871 : i32 to index
      %swap3A_1873 = arith.constant 48 : index
      %swap3A_1874 = tpu.vector_load %arg9[%swap3A_1872, %swap3A_1873] {strides = array<i32>} : memref<25x80xi32, #tpu.memory_space<vmem>>, vector<16xi32>,
      tpu.vector_store %arg9[%swap3A_1872, %swap3A_1873], %select_n3A_1870 {strides = array<i32>} : memref<25x80xi32, #tpu.memory_space<vmem>>, vector<16xi32>,
      tpu.vector_store_idx %arg13[%select_n3A_1870], %broadcast_in_dim3A_56 {add = true} : memref<10240xf32, #tpu.memory_space<vmem>>[vector<16xi32>], vector<16xf32>,
      %get3A_1875 = arith.constant 1744 : index
      %get3A_1876 = tpu.vector_load %arg7[%get3A_1875] {strides = array<i32>} : memref<2000xi32, #tpu.memory_space<vmem>>, vector<16xi32>,
      %get3A_1877 = arith.constant 1744 : index
      %get3A_1878 = tpu.vector_load %arg8[%get3A_1877] {strides = array<i32>} : memref<2000xi32, #tpu.memory_space<vmem>>, vector<16xi32>,
      %eq3A_1879 = arith.cmpi eq, %get3A_1876, %get3A_1878 : vector<16xi32>
      %jit3A_1880 = arith.constant 10000 : i32
      %broadcast_in_dim3A_1881 = vector.broadcast %jit3A_1880 : i32 to vector<16xi32>
      %select_n3A_1882 = arith.select %eq3A_1879, %broadcast_in_dim3A_1881, %get3A_1878 : vector<16xi1>, vector<16xi32>
      %swap3A_1883 = arith.constant 21 : i32
      %swap3A_1884 = arith.index_cast %swap3A_1883 : i32 to index
      %swap3A_1885 = arith.constant 64 : index
      %swap3A_1886 = tpu.vector_load %arg9[%swap3A_1884, %swap3A_1885] {strides = array<i32>} : memref<25x80xi32, #tpu.memory_space<vmem>>, vector<16xi32>,
      tpu.vector_store %arg9[%swap3A_1884, %swap3A_1885], %select_n3A_1882 {strides = array<i32>} : memref<25x80xi32, #tpu.memory_space<vmem>>, vector<16xi32>,
      tpu.vector_store_idx %arg13[%select_n3A_1882], %broadcast_in_dim3A_56 {add = true} : memref<10240xf32, #tpu.memory_space<vmem>>[vector<16xi32>], vector<16xf32>,
      %dma_wait3A_1887 = arith.constant 1600 : i32
      %dma_wait3A_1888 = tpu.memref_slice %arg7[%dma_wait3A_1887] : memref<2000xi32, #tpu.memory_space<vmem>> -> memref<80xi32, #tpu.memory_space<vmem>>
      %dma_wait3A_1889 = arith.constant 0 : i32
      %dma_wait3A_1890 = arith.constant 0 : i32
      %dma_wait3A_1891 = tpu.memref_slice %arg3[%dma_wait3A_1889, %dma_wait3A_1890] : memref<10000x128xbf16, #tpu.memory_space<hbm>> -> memref<10000x128xbf16, #tpu.memory_space<hbm>>
      tpu.wait_indirect_dma semaphore(%arg17 : memref<!tpu.dma_semaphore, #tpu.memory_space<semaphore_mem>>) src(%dma_wait3A_1891 : memref<10000x128xbf16, #tpu.memory_space<hbm>>) dst(%arg12 : memref<80x128xbf16, #tpu.memory_space<vmem>>)
      %dma_start3A_1892 = arith.constant 20 : i32
      %dma_start3A_1893 = arith.constant 0 : i32
      %dma_start3A_1894 = tpu.memref_slice %arg9[%dma_start3A_1892, %dma_start3A_1893] : memref<25x80xi32, #tpu.memory_space<vmem>> -> memref<1x80xi32, #tpu.memory_space<vmem>>
      %dma_start3A_1895 = tpu.memref_squeeze %dma_start3A_1894 : memref<1x80xi32, #tpu.memory_space<vmem>> -> memref<80xi32, #tpu.memory_space<vmem>>
      %dma_start3A_1896 = arith.constant 0 : i32
      %dma_start3A_1897 = arith.constant 0 : i32
      %dma_start3A_1898 = tpu.memref_slice %arg6[%dma_start3A_1896, %dma_start3A_1897] : memref<10240x128xbf16, #tpu.memory_space<vmem_shared>> -> memref<10240x128xbf16, #tpu.memory_space<vmem_shared>>
      tpu.enqueue_indirect_dma source(%arg12 : memref<80x128xbf16, #tpu.memory_space<vmem>>) target(%dma_start3A_1898 : memref<10240x128xbf16, #tpu.memory_space<vmem_shared>>) offsets(%dma_start3A_1895 : memref<80xi32, #tpu.memory_space<vmem>>) semaphore(%arg18 : memref<!tpu.dma_semaphore, #tpu.memory_space<semaphore_mem>>) {add = true}
      %dma_wait3A_1899 = arith.constant 19 : i32
      %dma_wait3A_1900 = arith.constant 0 : i32
      %dma_wait3A_1901 = tpu.memref_slice %arg9[%dma_wait3A_1899, %dma_wait3A_1900] : memref<25x80xi32, #tpu.memory_space<vmem>> -> memref<1x80xi32, #tpu.memory_space<vmem>>
      %dma_wait3A_1902 = tpu.memref_squeeze %dma_wait3A_1901 : memref<1x80xi32, #tpu.memory_space<vmem>> -> memref<80xi32, #tpu.memory_space<vmem>>
      %dma_wait3A_1903 = arith.constant 0 : i32
      %dma_wait3A_1904 = arith.constant 0 : i32
      %dma_wait3A_1905 = tpu.memref_slice %arg6[%dma_wait3A_1903, %dma_wait3A_1904] : memref<10240x128xbf16, #tpu.memory_space<vmem_shared>> -> memref<10240x128xbf16, #tpu.memory_space<vmem_shared>>
      tpu.wait_indirect_dma semaphore(%arg18 : memref<!tpu.dma_semaphore, #tpu.memory_space<semaphore_mem>>) src(%arg11 : memref<80x128xbf16, #tpu.memory_space<vmem>>) dst(%dma_wait3A_1905 : memref<10240x128xbf16, #tpu.memory_space<vmem_shared>>)
      %dma_start3A_1906 = arith.constant 1760 : i32
      %dma_start3A_1907 = tpu.memref_slice %arg7[%dma_start3A_1906] : memref<2000xi32, #tpu.memory_space<vmem>> -> memref<80xi32, #tpu.memory_space<vmem>>
      %dma_start3A_1908 = arith.constant 0 : i32
      %dma_start3A_1909 = arith.constant 0 : i32
      %dma_start3A_1910 = tpu.memref_slice %arg3[%dma_start3A_1908, %dma_start3A_1909] : memref<10000x128xbf16, #tpu.memory_space<hbm>> -> memref<10000x128xbf16, #tpu.memory_space<hbm>>
      tpu.enqueue_indirect_dma source(%dma_start3A_1910 : memref<10000x128xbf16, #tpu.memory_space<hbm>>) target(%arg11 : memref<80x128xbf16, #tpu.memory_space<vmem>>) offsets(%dma_start3A_1907 : memref<80xi32, #tpu.memory_space<vmem>>) semaphore(%arg16 : memref<!tpu.dma_semaphore, #tpu.memory_space<semaphore_mem>>)
      %get3A_1911 = arith.constant 1760 : index
      %get3A_1912 = tpu.vector_load %arg7[%get3A_1911] {strides = array<i32>} : memref<2000xi32, #tpu.memory_space<vmem>>, vector<16xi32>,
      %get3A_1913 = arith.constant 1760 : index
      %get3A_1914 = tpu.vector_load %arg8[%get3A_1913] {strides = array<i32>} : memref<2000xi32, #tpu.memory_space<vmem>>, vector<16xi32>,
      %eq3A_1915 = arith.cmpi eq, %get3A_1912, %get3A_1914 : vector<16xi32>
      %jit3A_1916 = arith.constant 10000 : i32
      %broadcast_in_dim3A_1917 = vector.broadcast %jit3A_1916 : i32 to vector<16xi32>
      %select_n3A_1918 = arith.select %eq3A_1915, %broadcast_in_dim3A_1917, %get3A_1914 : vector<16xi1>, vector<16xi32>
      %swap3A_1919 = arith.constant 22 : i32
      %swap3A_1920 = arith.index_cast %swap3A_1919 : i32 to index
      %swap3A_1921 = arith.constant 0 : index
      %swap3A_1922 = tpu.vector_load %arg9[%swap3A_1920, %swap3A_1921] {strides = array<i32>} : memref<25x80xi32, #tpu.memory_space<vmem>>, vector<16xi32>,
      tpu.vector_store %arg9[%swap3A_1920, %swap3A_1921], %select_n3A_1918 {strides = array<i32>} : memref<25x80xi32, #tpu.memory_space<vmem>>, vector<16xi32>,
      tpu.vector_store_idx %arg13[%select_n3A_1918], %broadcast_in_dim3A_56 {add = true} : memref<10240xf32, #tpu.memory_space<vmem>>[vector<16xi32>], vector<16xf32>,
      %get3A_1923 = arith.constant 1776 : index
      %get3A_1924 = tpu.vector_load %arg7[%get3A_1923] {strides = array<i32>} : memref<2000xi32, #tpu.memory_space<vmem>>, vector<16xi32>,
      %get3A_1925 = arith.constant 1776 : index
      %get3A_1926 = tpu.vector_load %arg8[%get3A_1925] {strides = array<i32>} : memref<2000xi32, #tpu.memory_space<vmem>>, vector<16xi32>,
      %eq3A_1927 = arith.cmpi eq, %get3A_1924, %get3A_1926 : vector<16xi32>
      %jit3A_1928 = arith.constant 10000 : i32
      %broadcast_in_dim3A_1929 = vector.broadcast %jit3A_1928 : i32 to vector<16xi32>
      %select_n3A_1930 = arith.select %eq3A_1927, %broadcast_in_dim3A_1929, %get3A_1926 : vector<16xi1>, vector<16xi32>
      %swap3A_1931 = arith.constant 22 : i32
      %swap3A_1932 = arith.index_cast %swap3A_1931 : i32 to index
      %swap3A_1933 = arith.constant 16 : index
      %swap3A_1934 = tpu.vector_load %arg9[%swap3A_1932, %swap3A_1933] {strides = array<i32>} : memref<25x80xi32, #tpu.memory_space<vmem>>, vector<16xi32>,
      tpu.vector_store %arg9[%swap3A_1932, %swap3A_1933], %select_n3A_1930 {strides = array<i32>} : memref<25x80xi32, #tpu.memory_space<vmem>>, vector<16xi32>,
      tpu.vector_store_idx %arg13[%select_n3A_1930], %broadcast_in_dim3A_56 {add = true} : memref<10240xf32, #tpu.memory_space<vmem>>[vector<16xi32>], vector<16xf32>,
      %get3A_1935 = arith.constant 1792 : index
      %get3A_1936 = tpu.vector_load %arg7[%get3A_1935] {strides = array<i32>} : memref<2000xi32, #tpu.memory_space<vmem>>, vector<16xi32>,
      %get3A_1937 = arith.constant 1792 : index
      %get3A_1938 = tpu.vector_load %arg8[%get3A_1937] {strides = array<i32>} : memref<2000xi32, #tpu.memory_space<vmem>>, vector<16xi32>,
      %eq3A_1939 = arith.cmpi eq, %get3A_1936, %get3A_1938 : vector<16xi32>
      %jit3A_1940 = arith.constant 10000 : i32
      %broadcast_in_dim3A_1941 = vector.broadcast %jit3A_1940 : i32 to vector<16xi32>
      %select_n3A_1942 = arith.select %eq3A_1939, %broadcast_in_dim3A_1941, %get3A_1938 : vector<16xi1>, vector<16xi32>
      %swap3A_1943 = arith.constant 22 : i32
      %swap3A_1944 = arith.index_cast %swap3A_1943 : i32 to index
      %swap3A_1945 = arith.constant 32 : index
      %swap3A_1946 = tpu.vector_load %arg9[%swap3A_1944, %swap3A_1945] {strides = array<i32>} : memref<25x80xi32, #tpu.memory_space<vmem>>, vector<16xi32>,
      tpu.vector_store %arg9[%swap3A_1944, %swap3A_1945], %select_n3A_1942 {strides = array<i32>} : memref<25x80xi32, #tpu.memory_space<vmem>>, vector<16xi32>,
      tpu.vector_store_idx %arg13[%select_n3A_1942], %broadcast_in_dim3A_56 {add = true} : memref<10240xf32, #tpu.memory_space<vmem>>[vector<16xi32>], vector<16xf32>,
      %get3A_1947 = arith.constant 1808 : index
      %get3A_1948 = tpu.vector_load %arg7[%get3A_1947] {strides = array<i32>} : memref<2000xi32, #tpu.memory_space<vmem>>, vector<16xi32>,
      %get3A_1949 = arith.constant 1808 : index
      %get3A_1950 = tpu.vector_load %arg8[%get3A_1949] {strides = array<i32>} : memref<2000xi32, #tpu.memory_space<vmem>>, vector<16xi32>,
      %eq3A_1951 = arith.cmpi eq, %get3A_1948, %get3A_1950 : vector<16xi32>
      %jit3A_1952 = arith.constant 10000 : i32
      %broadcast_in_dim3A_1953 = vector.broadcast %jit3A_1952 : i32 to vector<16xi32>
      %select_n3A_1954 = arith.select %eq3A_1951, %broadcast_in_dim3A_1953, %get3A_1950 : vector<16xi1>, vector<16xi32>
      %swap3A_1955 = arith.constant 22 : i32
      %swap3A_1956 = arith.index_cast %swap3A_1955 : i32 to index
      %swap3A_1957 = arith.constant 48 : index
      %swap3A_1958 = tpu.vector_load %arg9[%swap3A_1956, %swap3A_1957] {strides = array<i32>} : memref<25x80xi32, #tpu.memory_space<vmem>>, vector<16xi32>,
      tpu.vector_store %arg9[%swap3A_1956, %swap3A_1957], %select_n3A_1954 {strides = array<i32>} : memref<25x80xi32, #tpu.memory_space<vmem>>, vector<16xi32>,
      tpu.vector_store_idx %arg13[%select_n3A_1954], %broadcast_in_dim3A_56 {add = true} : memref<10240xf32, #tpu.memory_space<vmem>>[vector<16xi32>], vector<16xf32>,
      %get3A_1959 = arith.constant 1824 : index
      %get3A_1960 = tpu.vector_load %arg7[%get3A_1959] {strides = array<i32>} : memref<2000xi32, #tpu.memory_space<vmem>>, vector<16xi32>,
      %get3A_1961 = arith.constant 1824 : index
      %get3A_1962 = tpu.vector_load %arg8[%get3A_1961] {strides = array<i32>} : memref<2000xi32, #tpu.memory_space<vmem>>, vector<16xi32>,
      %eq3A_1963 = arith.cmpi eq, %get3A_1960, %get3A_1962 : vector<16xi32>
      %jit3A_1964 = arith.constant 10000 : i32
      %broadcast_in_dim3A_1965 = vector.broadcast %jit3A_1964 : i32 to vector<16xi32>
      %select_n3A_1966 = arith.select %eq3A_1963, %broadcast_in_dim3A_1965, %get3A_1962 : vector<16xi1>, vector<16xi32>
      %swap3A_1967 = arith.constant 22 : i32
      %swap3A_1968 = arith.index_cast %swap3A_1967 : i32 to index
      %swap3A_1969 = arith.constant 64 : index
      %swap3A_1970 = tpu.vector_load %arg9[%swap3A_1968, %swap3A_1969] {strides = array<i32>} : memref<25x80xi32, #tpu.memory_space<vmem>>, vector<16xi32>,
      tpu.vector_store %arg9[%swap3A_1968, %swap3A_1969], %select_n3A_1966 {strides = array<i32>} : memref<25x80xi32, #tpu.memory_space<vmem>>, vector<16xi32>,
      tpu.vector_store_idx %arg13[%select_n3A_1966], %broadcast_in_dim3A_56 {add = true} : memref<10240xf32, #tpu.memory_space<vmem>>[vector<16xi32>], vector<16xf32>,
      %dma_wait3A_1971 = arith.constant 1680 : i32
      %dma_wait3A_1972 = tpu.memref_slice %arg7[%dma_wait3A_1971] : memref<2000xi32, #tpu.memory_space<vmem>> -> memref<80xi32, #tpu.memory_space<vmem>>
      %dma_wait3A_1973 = arith.constant 0 : i32
      %dma_wait3A_1974 = arith.constant 0 : i32
      %dma_wait3A_1975 = tpu.memref_slice %arg3[%dma_wait3A_1973, %dma_wait3A_1974] : memref<10000x128xbf16, #tpu.memory_space<hbm>> -> memref<10000x128xbf16, #tpu.memory_space<hbm>>
      tpu.wait_indirect_dma semaphore(%arg15 : memref<!tpu.dma_semaphore, #tpu.memory_space<semaphore_mem>>) src(%dma_wait3A_1975 : memref<10000x128xbf16, #tpu.memory_space<hbm>>) dst(%arg10 : memref<80x128xbf16, #tpu.memory_space<vmem>>)
      %dma_start3A_1976 = arith.constant 21 : i32
      %dma_start3A_1977 = arith.constant 0 : i32
      %dma_start3A_1978 = tpu.memref_slice %arg9[%dma_start3A_1976, %dma_start3A_1977] : memref<25x80xi32, #tpu.memory_space<vmem>> -> memref<1x80xi32, #tpu.memory_space<vmem>>
      %dma_start3A_1979 = tpu.memref_squeeze %dma_start3A_1978 : memref<1x80xi32, #tpu.memory_space<vmem>> -> memref<80xi32, #tpu.memory_space<vmem>>
      %dma_start3A_1980 = arith.constant 0 : i32
      %dma_start3A_1981 = arith.constant 0 : i32
      %dma_start3A_1982 = tpu.memref_slice %arg6[%dma_start3A_1980, %dma_start3A_1981] : memref<10240x128xbf16, #tpu.memory_space<vmem_shared>> -> memref<10240x128xbf16, #tpu.memory_space<vmem_shared>>
      tpu.enqueue_indirect_dma source(%arg10 : memref<80x128xbf16, #tpu.memory_space<vmem>>) target(%dma_start3A_1982 : memref<10240x128xbf16, #tpu.memory_space<vmem_shared>>) offsets(%dma_start3A_1979 : memref<80xi32, #tpu.memory_space<vmem>>) semaphore(%arg18 : memref<!tpu.dma_semaphore, #tpu.memory_space<semaphore_mem>>) {add = true}
      %dma_wait3A_1983 = arith.constant 20 : i32
      %dma_wait3A_1984 = arith.constant 0 : i32
      %dma_wait3A_1985 = tpu.memref_slice %arg9[%dma_wait3A_1983, %dma_wait3A_1984] : memref<25x80xi32, #tpu.memory_space<vmem>> -> memref<1x80xi32, #tpu.memory_space<vmem>>
      %dma_wait3A_1986 = tpu.memref_squeeze %dma_wait3A_1985 : memref<1x80xi32, #tpu.memory_space<vmem>> -> memref<80xi32, #tpu.memory_space<vmem>>
      %dma_wait3A_1987 = arith.constant 0 : i32
      %dma_wait3A_1988 = arith.constant 0 : i32
      %dma_wait3A_1989 = tpu.memref_slice %arg6[%dma_wait3A_1987, %dma_wait3A_1988] : memref<10240x128xbf16, #tpu.memory_space<vmem_shared>> -> memref<10240x128xbf16, #tpu.memory_space<vmem_shared>>
      tpu.wait_indirect_dma semaphore(%arg18 : memref<!tpu.dma_semaphore, #tpu.memory_space<semaphore_mem>>) src(%arg12 : memref<80x128xbf16, #tpu.memory_space<vmem>>) dst(%dma_wait3A_1989 : memref<10240x128xbf16, #tpu.memory_space<vmem_shared>>)
      %dma_start3A_1990 = arith.constant 1840 : i32
      %dma_start3A_1991 = tpu.memref_slice %arg7[%dma_start3A_1990] : memref<2000xi32, #tpu.memory_space<vmem>> -> memref<80xi32, #tpu.memory_space<vmem>>
      %dma_start3A_1992 = arith.constant 0 : i32
      %dma_start3A_1993 = arith.constant 0 : i32
      %dma_start3A_1994 = tpu.memref_slice %arg3[%dma_start3A_1992, %dma_start3A_1993] : memref<10000x128xbf16, #tpu.memory_space<hbm>> -> memref<10000x128xbf16, #tpu.memory_space<hbm>>
      tpu.enqueue_indirect_dma source(%dma_start3A_1994 : memref<10000x128xbf16, #tpu.memory_space<hbm>>) target(%arg12 : memref<80x128xbf16, #tpu.memory_space<vmem>>) offsets(%dma_start3A_1991 : memref<80xi32, #tpu.memory_space<vmem>>) semaphore(%arg17 : memref<!tpu.dma_semaphore, #tpu.memory_space<semaphore_mem>>)
      %get3A_1995 = arith.constant 1840 : index
      %get3A_1996 = tpu.vector_load %arg7[%get3A_1995] {strides = array<i32>} : memref<2000xi32, #tpu.memory_space<vmem>>, vector<16xi32>,
      %get3A_1997 = arith.constant 1840 : index
      %get3A_1998 = tpu.vector_load %arg8[%get3A_1997] {strides = array<i32>} : memref<2000xi32, #tpu.memory_space<vmem>>, vector<16xi32>,
      %eq3A_1999 = arith.cmpi eq, %get3A_1996, %get3A_1998 : vector<16xi32>
      %jit3A_2000 = arith.constant 10000 : i32
      %broadcast_in_dim3A_2001 = vector.broadcast %jit3A_2000 : i32 to vector<16xi32>
      %select_n3A_2002 = arith.select %eq3A_1999, %broadcast_in_dim3A_2001, %get3A_1998 : vector<16xi1>, vector<16xi32>
      %swap3A_2003 = arith.constant 23 : i32
      %swap3A_2004 = arith.index_cast %swap3A_2003 : i32 to index
      %swap3A_2005 = arith.constant 0 : index
      %swap3A_2006 = tpu.vector_load %arg9[%swap3A_2004, %swap3A_2005] {strides = array<i32>} : memref<25x80xi32, #tpu.memory_space<vmem>>, vector<16xi32>,
      tpu.vector_store %arg9[%swap3A_2004, %swap3A_2005], %select_n3A_2002 {strides = array<i32>} : memref<25x80xi32, #tpu.memory_space<vmem>>, vector<16xi32>,
      tpu.vector_store_idx %arg13[%select_n3A_2002], %broadcast_in_dim3A_56 {add = true} : memref<10240xf32, #tpu.memory_space<vmem>>[vector<16xi32>], vector<16xf32>,
      %get3A_2007 = arith.constant 1856 : index
      %get3A_2008 = tpu.vector_load %arg7[%get3A_2007] {strides = array<i32>} : memref<2000xi32, #tpu.memory_space<vmem>>, vector<16xi32>,
      %get3A_2009 = arith.constant 1856 : index
      %get3A_2010 = tpu.vector_load %arg8[%get3A_2009] {strides = array<i32>} : memref<2000xi32, #tpu.memory_space<vmem>>, vector<16xi32>,
      %eq3A_2011 = arith.cmpi eq, %get3A_2008, %get3A_2010 : vector<16xi32>
      %jit3A_2012 = arith.constant 10000 : i32
      %broadcast_in_dim3A_2013 = vector.broadcast %jit3A_2012 : i32 to vector<16xi32>
      %select_n3A_2014 = arith.select %eq3A_2011, %broadcast_in_dim3A_2013, %get3A_2010 : vector<16xi1>, vector<16xi32>
      %swap3A_2015 = arith.constant 23 : i32
      %swap3A_2016 = arith.index_cast %swap3A_2015 : i32 to index
      %swap3A_2017 = arith.constant 16 : index
      %swap3A_2018 = tpu.vector_load %arg9[%swap3A_2016, %swap3A_2017] {strides = array<i32>} : memref<25x80xi32, #tpu.memory_space<vmem>>, vector<16xi32>,
      tpu.vector_store %arg9[%swap3A_2016, %swap3A_2017], %select_n3A_2014 {strides = array<i32>} : memref<25x80xi32, #tpu.memory_space<vmem>>, vector<16xi32>,
      tpu.vector_store_idx %arg13[%select_n3A_2014], %broadcast_in_dim3A_56 {add = true} : memref<10240xf32, #tpu.memory_space<vmem>>[vector<16xi32>], vector<16xf32>,
      %get3A_2019 = arith.constant 1872 : index
      %get3A_2020 = tpu.vector_load %arg7[%get3A_2019] {strides = array<i32>} : memref<2000xi32, #tpu.memory_space<vmem>>, vector<16xi32>,
      %get3A_2021 = arith.constant 1872 : index
      %get3A_2022 = tpu.vector_load %arg8[%get3A_2021] {strides = array<i32>} : memref<2000xi32, #tpu.memory_space<vmem>>, vector<16xi32>,
      %eq3A_2023 = arith.cmpi eq, %get3A_2020, %get3A_2022 : vector<16xi32>
      %jit3A_2024 = arith.constant 10000 : i32
      %broadcast_in_dim3A_2025 = vector.broadcast %jit3A_2024 : i32 to vector<16xi32>
      %select_n3A_2026 = arith.select %eq3A_2023, %broadcast_in_dim3A_2025, %get3A_2022 : vector<16xi1>, vector<16xi32>
      %swap3A_2027 = arith.constant 23 : i32
      %swap3A_2028 = arith.index_cast %swap3A_2027 : i32 to index
      %swap3A_2029 = arith.constant 32 : index
      %swap3A_2030 = tpu.vector_load %arg9[%swap3A_2028, %swap3A_2029] {strides = array<i32>} : memref<25x80xi32, #tpu.memory_space<vmem>>, vector<16xi32>,
      tpu.vector_store %arg9[%swap3A_2028, %swap3A_2029], %select_n3A_2026 {strides = array<i32>} : memref<25x80xi32, #tpu.memory_space<vmem>>, vector<16xi32>,
      tpu.vector_store_idx %arg13[%select_n3A_2026], %broadcast_in_dim3A_56 {add = true} : memref<10240xf32, #tpu.memory_space<vmem>>[vector<16xi32>], vector<16xf32>,
      %get3A_2031 = arith.constant 1888 : index
      %get3A_2032 = tpu.vector_load %arg7[%get3A_2031] {strides = array<i32>} : memref<2000xi32, #tpu.memory_space<vmem>>, vector<16xi32>,
      %get3A_2033 = arith.constant 1888 : index
      %get3A_2034 = tpu.vector_load %arg8[%get3A_2033] {strides = array<i32>} : memref<2000xi32, #tpu.memory_space<vmem>>, vector<16xi32>,
      %eq3A_2035 = arith.cmpi eq, %get3A_2032, %get3A_2034 : vector<16xi32>
      %jit3A_2036 = arith.constant 10000 : i32
      %broadcast_in_dim3A_2037 = vector.broadcast %jit3A_2036 : i32 to vector<16xi32>
      %select_n3A_2038 = arith.select %eq3A_2035, %broadcast_in_dim3A_2037, %get3A_2034 : vector<16xi1>, vector<16xi32>
      %swap3A_2039 = arith.constant 23 : i32
      %swap3A_2040 = arith.index_cast %swap3A_2039 : i32 to index
      %swap3A_2041 = arith.constant 48 : index
      %swap3A_2042 = tpu.vector_load %arg9[%swap3A_2040, %swap3A_2041] {strides = array<i32>} : memref<25x80xi32, #tpu.memory_space<vmem>>, vector<16xi32>,
      tpu.vector_store %arg9[%swap3A_2040, %swap3A_2041], %select_n3A_2038 {strides = array<i32>} : memref<25x80xi32, #tpu.memory_space<vmem>>, vector<16xi32>,
      tpu.vector_store_idx %arg13[%select_n3A_2038], %broadcast_in_dim3A_56 {add = true} : memref<10240xf32, #tpu.memory_space<vmem>>[vector<16xi32>], vector<16xf32>,
      %get3A_2043 = arith.constant 1904 : index
      %get3A_2044 = tpu.vector_load %arg7[%get3A_2043] {strides = array<i32>} : memref<2000xi32, #tpu.memory_space<vmem>>, vector<16xi32>,
      %get3A_2045 = arith.constant 1904 : index
      %get3A_2046 = tpu.vector_load %arg8[%get3A_2045] {strides = array<i32>} : memref<2000xi32, #tpu.memory_space<vmem>>, vector<16xi32>,
      %eq3A_2047 = arith.cmpi eq, %get3A_2044, %get3A_2046 : vector<16xi32>
      %jit3A_2048 = arith.constant 10000 : i32
      %broadcast_in_dim3A_2049 = vector.broadcast %jit3A_2048 : i32 to vector<16xi32>
      %select_n3A_2050 = arith.select %eq3A_2047, %broadcast_in_dim3A_2049, %get3A_2046 : vector<16xi1>, vector<16xi32>
      %swap3A_2051 = arith.constant 23 : i32
      %swap3A_2052 = arith.index_cast %swap3A_2051 : i32 to index
      %swap3A_2053 = arith.constant 64 : index
      %swap3A_2054 = tpu.vector_load %arg9[%swap3A_2052, %swap3A_2053] {strides = array<i32>} : memref<25x80xi32, #tpu.memory_space<vmem>>, vector<16xi32>,
      tpu.vector_store %arg9[%swap3A_2052, %swap3A_2053], %select_n3A_2050 {strides = array<i32>} : memref<25x80xi32, #tpu.memory_space<vmem>>, vector<16xi32>,
      tpu.vector_store_idx %arg13[%select_n3A_2050], %broadcast_in_dim3A_56 {add = true} : memref<10240xf32, #tpu.memory_space<vmem>>[vector<16xi32>], vector<16xf32>,
      %dma_wait3A_2055 = arith.constant 1760 : i32
      %dma_wait3A_2056 = tpu.memref_slice %arg7[%dma_wait3A_2055] : memref<2000xi32, #tpu.memory_space<vmem>> -> memref<80xi32, #tpu.memory_space<vmem>>
      %dma_wait3A_2057 = arith.constant 0 : i32
      %dma_wait3A_2058 = arith.constant 0 : i32
      %dma_wait3A_2059 = tpu.memref_slice %arg3[%dma_wait3A_2057, %dma_wait3A_2058] : memref<10000x128xbf16, #tpu.memory_space<hbm>> -> memref<10000x128xbf16, #tpu.memory_space<hbm>>
      tpu.wait_indirect_dma semaphore(%arg16 : memref<!tpu.dma_semaphore, #tpu.memory_space<semaphore_mem>>) src(%dma_wait3A_2059 : memref<10000x128xbf16, #tpu.memory_space<hbm>>) dst(%arg11 : memref<80x128xbf16, #tpu.memory_space<vmem>>)
      %dma_start3A_2060 = arith.constant 22 : i32
      %dma_start3A_2061 = arith.constant 0 : i32
      %dma_start3A_2062 = tpu.memref_slice %arg9[%dma_start3A_2060, %dma_start3A_2061] : memref<25x80xi32, #tpu.memory_space<vmem>> -> memref<1x80xi32, #tpu.memory_space<vmem>>
      %dma_start3A_2063 = tpu.memref_squeeze %dma_start3A_2062 : memref<1x80xi32, #tpu.memory_space<vmem>> -> memref<80xi32, #tpu.memory_space<vmem>>
      %dma_start3A_2064 = arith.constant 0 : i32
      %dma_start3A_2065 = arith.constant 0 : i32
      %dma_start3A_2066 = tpu.memref_slice %arg6[%dma_start3A_2064, %dma_start3A_2065] : memref<10240x128xbf16, #tpu.memory_space<vmem_shared>> -> memref<10240x128xbf16, #tpu.memory_space<vmem_shared>>
      tpu.enqueue_indirect_dma source(%arg11 : memref<80x128xbf16, #tpu.memory_space<vmem>>) target(%dma_start3A_2066 : memref<10240x128xbf16, #tpu.memory_space<vmem_shared>>) offsets(%dma_start3A_2063 : memref<80xi32, #tpu.memory_space<vmem>>) semaphore(%arg18 : memref<!tpu.dma_semaphore, #tpu.memory_space<semaphore_mem>>) {add = true}
      %dma_wait3A_2067 = arith.constant 21 : i32
      %dma_wait3A_2068 = arith.constant 0 : i32
      %dma_wait3A_2069 = tpu.memref_slice %arg9[%dma_wait3A_2067, %dma_wait3A_2068] : memref<25x80xi32, #tpu.memory_space<vmem>> -> memref<1x80xi32, #tpu.memory_space<vmem>>
      %dma_wait3A_2070 = tpu.memref_squeeze %dma_wait3A_2069 : memref<1x80xi32, #tpu.memory_space<vmem>> -> memref<80xi32, #tpu.memory_space<vmem>>
      %dma_wait3A_2071 = arith.constant 0 : i32
      %dma_wait3A_2072 = arith.constant 0 : i32
      %dma_wait3A_2073 = tpu.memref_slice %arg6[%dma_wait3A_2071, %dma_wait3A_2072] : memref<10240x128xbf16, #tpu.memory_space<vmem_shared>> -> memref<10240x128xbf16, #tpu.memory_space<vmem_shared>>
      tpu.wait_indirect_dma semaphore(%arg18 : memref<!tpu.dma_semaphore, #tpu.memory_space<semaphore_mem>>) src(%arg10 : memref<80x128xbf16, #tpu.memory_space<vmem>>) dst(%dma_wait3A_2073 : memref<10240x128xbf16, #tpu.memory_space<vmem_shared>>)
      %dma_start3A_2074 = arith.constant 1920 : i32
      %dma_start3A_2075 = tpu.memref_slice %arg7[%dma_start3A_2074] : memref<2000xi32, #tpu.memory_space<vmem>> -> memref<80xi32, #tpu.memory_space<vmem>>
      %dma_start3A_2076 = arith.constant 0 : i32
      %dma_start3A_2077 = arith.constant 0 : i32
      %dma_start3A_2078 = tpu.memref_slice %arg3[%dma_start3A_2076, %dma_start3A_2077] : memref<10000x128xbf16, #tpu.memory_space<hbm>> -> memref<10000x128xbf16, #tpu.memory_space<hbm>>
      tpu.enqueue_indirect_dma source(%dma_start3A_2078 : memref<10000x128xbf16, #tpu.memory_space<hbm>>) target(%arg10 : memref<80x128xbf16, #tpu.memory_space<vmem>>) offsets(%dma_start3A_2075 : memref<80xi32, #tpu.memory_space<vmem>>) semaphore(%arg15 : memref<!tpu.dma_semaphore, #tpu.memory_space<semaphore_mem>>)
      %get3A_2079 = arith.constant 1920 : index
      %get3A_2080 = tpu.vector_load %arg7[%get3A_2079] {strides = array<i32>} : memref<2000xi32, #tpu.memory_space<vmem>>, vector<16xi32>,
      %get3A_2081 = arith.constant 1920 : index
      %get3A_2082 = tpu.vector_load %arg8[%get3A_2081] {strides = array<i32>} : memref<2000xi32, #tpu.memory_space<vmem>>, vector<16xi32>,
      %eq3A_2083 = arith.cmpi eq, %get3A_2080, %get3A_2082 : vector<16xi32>
      %jit3A_2084 = arith.constant 10000 : i32
      %broadcast_in_dim3A_2085 = vector.broadcast %jit3A_2084 : i32 to vector<16xi32>
      %select_n3A_2086 = arith.select %eq3A_2083, %broadcast_in_dim3A_2085, %get3A_2082 : vector<16xi1>, vector<16xi32>
      %swap3A_2087 = arith.constant 24 : i32
      %swap3A_2088 = arith.index_cast %swap3A_2087 : i32 to index
      %swap3A_2089 = arith.constant 0 : index
      %swap3A_2090 = tpu.vector_load %arg9[%swap3A_2088, %swap3A_2089] {strides = array<i32>} : memref<25x80xi32, #tpu.memory_space<vmem>>, vector<16xi32>,
      tpu.vector_store %arg9[%swap3A_2088, %swap3A_2089], %select_n3A_2086 {strides = array<i32>} : memref<25x80xi32, #tpu.memory_space<vmem>>, vector<16xi32>,
      tpu.vector_store_idx %arg13[%select_n3A_2086], %broadcast_in_dim3A_56 {add = true} : memref<10240xf32, #tpu.memory_space<vmem>>[vector<16xi32>], vector<16xf32>,
      %get3A_2091 = arith.constant 1936 : index
      %get3A_2092 = tpu.vector_load %arg7[%get3A_2091] {strides = array<i32>} : memref<2000xi32, #tpu.memory_space<vmem>>, vector<16xi32>,
      %get3A_2093 = arith.constant 1936 : index
      %get3A_2094 = tpu.vector_load %arg8[%get3A_2093] {strides = array<i32>} : memref<2000xi32, #tpu.memory_space<vmem>>, vector<16xi32>,
      %eq3A_2095 = arith.cmpi eq, %get3A_2092, %get3A_2094 : vector<16xi32>
      %jit3A_2096 = arith.constant 10000 : i32
      %broadcast_in_dim3A_2097 = vector.broadcast %jit3A_2096 : i32 to vector<16xi32>
      %select_n3A_2098 = arith.select %eq3A_2095, %broadcast_in_dim3A_2097, %get3A_2094 : vector<16xi1>, vector<16xi32>
      %swap3A_2099 = arith.constant 24 : i32
      %swap3A_2100 = arith.index_cast %swap3A_2099 : i32 to index
      %swap3A_2101 = arith.constant 16 : index
      %swap3A_2102 = tpu.vector_load %arg9[%swap3A_2100, %swap3A_2101] {strides = array<i32>} : memref<25x80xi32, #tpu.memory_space<vmem>>, vector<16xi32>,
      tpu.vector_store %arg9[%swap3A_2100, %swap3A_2101], %select_n3A_2098 {strides = array<i32>} : memref<25x80xi32, #tpu.memory_space<vmem>>, vector<16xi32>,
      tpu.vector_store_idx %arg13[%select_n3A_2098], %broadcast_in_dim3A_56 {add = true} : memref<10240xf32, #tpu.memory_space<vmem>>[vector<16xi32>], vector<16xf32>,
      %get3A_2103 = arith.constant 1952 : index
      %get3A_2104 = tpu.vector_load %arg7[%get3A_2103] {strides = array<i32>} : memref<2000xi32, #tpu.memory_space<vmem>>, vector<16xi32>,
      %get3A_2105 = arith.constant 1952 : index
      %get3A_2106 = tpu.vector_load %arg8[%get3A_2105] {strides = array<i32>} : memref<2000xi32, #tpu.memory_space<vmem>>, vector<16xi32>,
      %eq3A_2107 = arith.cmpi eq, %get3A_2104, %get3A_2106 : vector<16xi32>
      %jit3A_2108 = arith.constant 10000 : i32
      %broadcast_in_dim3A_2109 = vector.broadcast %jit3A_2108 : i32 to vector<16xi32>
      %select_n3A_2110 = arith.select %eq3A_2107, %broadcast_in_dim3A_2109, %get3A_2106 : vector<16xi1>, vector<16xi32>
      %swap3A_2111 = arith.constant 24 : i32
      %swap3A_2112 = arith.index_cast %swap3A_2111 : i32 to index
      %swap3A_2113 = arith.constant 32 : index
      %swap3A_2114 = tpu.vector_load %arg9[%swap3A_2112, %swap3A_2113] {strides = array<i32>} : memref<25x80xi32, #tpu.memory_space<vmem>>, vector<16xi32>,
      tpu.vector_store %arg9[%swap3A_2112, %swap3A_2113], %select_n3A_2110 {strides = array<i32>} : memref<25x80xi32, #tpu.memory_space<vmem>>, vector<16xi32>,
      tpu.vector_store_idx %arg13[%select_n3A_2110], %broadcast_in_dim3A_56 {add = true} : memref<10240xf32, #tpu.memory_space<vmem>>[vector<16xi32>], vector<16xf32>,
      %get3A_2115 = arith.constant 1968 : index
      %get3A_2116 = tpu.vector_load %arg7[%get3A_2115] {strides = array<i32>} : memref<2000xi32, #tpu.memory_space<vmem>>, vector<16xi32>,
      %get3A_2117 = arith.constant 1968 : index
      %get3A_2118 = tpu.vector_load %arg8[%get3A_2117] {strides = array<i32>} : memref<2000xi32, #tpu.memory_space<vmem>>, vector<16xi32>,
      %eq3A_2119 = arith.cmpi eq, %get3A_2116, %get3A_2118 : vector<16xi32>
      %jit3A_2120 = arith.constant 10000 : i32
      %broadcast_in_dim3A_2121 = vector.broadcast %jit3A_2120 : i32 to vector<16xi32>
      %select_n3A_2122 = arith.select %eq3A_2119, %broadcast_in_dim3A_2121, %get3A_2118 : vector<16xi1>, vector<16xi32>
      %swap3A_2123 = arith.constant 24 : i32
      %swap3A_2124 = arith.index_cast %swap3A_2123 : i32 to index
      %swap3A_2125 = arith.constant 48 : index
      %swap3A_2126 = tpu.vector_load %arg9[%swap3A_2124, %swap3A_2125] {strides = array<i32>} : memref<25x80xi32, #tpu.memory_space<vmem>>, vector<16xi32>,
      tpu.vector_store %arg9[%swap3A_2124, %swap3A_2125], %select_n3A_2122 {strides = array<i32>} : memref<25x80xi32, #tpu.memory_space<vmem>>, vector<16xi32>,
      tpu.vector_store_idx %arg13[%select_n3A_2122], %broadcast_in_dim3A_56 {add = true} : memref<10240xf32, #tpu.memory_space<vmem>>[vector<16xi32>], vector<16xf32>,
      %get3A_2127 = arith.constant 1984 : index
      %get3A_2128 = tpu.vector_load %arg7[%get3A_2127] {strides = array<i32>} : memref<2000xi32, #tpu.memory_space<vmem>>, vector<16xi32>,
      %get3A_2129 = arith.constant 1984 : index
      %get3A_2130 = tpu.vector_load %arg8[%get3A_2129] {strides = array<i32>} : memref<2000xi32, #tpu.memory_space<vmem>>, vector<16xi32>,
      %eq3A_2131 = arith.cmpi eq, %get3A_2128, %get3A_2130 : vector<16xi32>
      %jit3A_2132 = arith.constant 10000 : i32
      %broadcast_in_dim3A_2133 = vector.broadcast %jit3A_2132 : i32 to vector<16xi32>
      %select_n3A_2134 = arith.select %eq3A_2131, %broadcast_in_dim3A_2133, %get3A_2130 : vector<16xi1>, vector<16xi32>
      %swap3A_2135 = arith.constant 24 : i32
      %swap3A_2136 = arith.index_cast %swap3A_2135 : i32 to index
      %swap3A_2137 = arith.constant 64 : index
      %swap3A_2138 = tpu.vector_load %arg9[%swap3A_2136, %swap3A_2137] {strides = array<i32>} : memref<25x80xi32, #tpu.memory_space<vmem>>, vector<16xi32>,
      tpu.vector_store %arg9[%swap3A_2136, %swap3A_2137], %select_n3A_2134 {strides = array<i32>} : memref<25x80xi32, #tpu.memory_space<vmem>>, vector<16xi32>,
      tpu.vector_store_idx %arg13[%select_n3A_2134], %broadcast_in_dim3A_56 {add = true} : memref<10240xf32, #tpu.memory_space<vmem>>[vector<16xi32>], vector<16xf32>,
      %dma_wait3A_2139 = arith.constant 1840 : i32
      %dma_wait3A_2140 = tpu.memref_slice %arg7[%dma_wait3A_2139] : memref<2000xi32, #tpu.memory_space<vmem>> -> memref<80xi32, #tpu.memory_space<vmem>>
      %dma_wait3A_2141 = arith.constant 0 : i32
      %dma_wait3A_2142 = arith.constant 0 : i32
      %dma_wait3A_2143 = tpu.memref_slice %arg3[%dma_wait3A_2141, %dma_wait3A_2142] : memref<10000x128xbf16, #tpu.memory_space<hbm>> -> memref<10000x128xbf16, #tpu.memory_space<hbm>>
      tpu.wait_indirect_dma semaphore(%arg17 : memref<!tpu.dma_semaphore, #tpu.memory_space<semaphore_mem>>) src(%dma_wait3A_2143 : memref<10000x128xbf16, #tpu.memory_space<hbm>>) dst(%arg12 : memref<80x128xbf16, #tpu.memory_space<vmem>>)
      %dma_start3A_2144 = arith.constant 23 : i32
      %dma_start3A_2145 = arith.constant 0 : i32
      %dma_start3A_2146 = tpu.memref_slice %arg9[%dma_start3A_2144, %dma_start3A_2145] : memref<25x80xi32, #tpu.memory_space<vmem>> -> memref<1x80xi32, #tpu.memory_space<vmem>>
      %dma_start3A_2147 = tpu.memref_squeeze %dma_start3A_2146 : memref<1x80xi32, #tpu.memory_space<vmem>> -> memref<80xi32, #tpu.memory_space<vmem>>
      %dma_start3A_2148 = arith.constant 0 : i32
      %dma_start3A_2149 = arith.constant 0 : i32
      %dma_start3A_2150 = tpu.memref_slice %arg6[%dma_start3A_2148, %dma_start3A_2149] : memref<10240x128xbf16, #tpu.memory_space<vmem_shared>> -> memref<10240x128xbf16, #tpu.memory_space<vmem_shared>>
      tpu.enqueue_indirect_dma source(%arg12 : memref<80x128xbf16, #tpu.memory_space<vmem>>) target(%dma_start3A_2150 : memref<10240x128xbf16, #tpu.memory_space<vmem_shared>>) offsets(%dma_start3A_2147 : memref<80xi32, #tpu.memory_space<vmem>>) semaphore(%arg18 : memref<!tpu.dma_semaphore, #tpu.memory_space<semaphore_mem>>) {add = true}
      %dma_wait3A_2151 = arith.constant 22 : i32
      %dma_wait3A_2152 = arith.constant 0 : i32
      %dma_wait3A_2153 = tpu.memref_slice %arg9[%dma_wait3A_2151, %dma_wait3A_2152] : memref<25x80xi32, #tpu.memory_space<vmem>> -> memref<1x80xi32, #tpu.memory_space<vmem>>
      %dma_wait3A_2154 = tpu.memref_squeeze %dma_wait3A_2153 : memref<1x80xi32, #tpu.memory_space<vmem>> -> memref<80xi32, #tpu.memory_space<vmem>>
      %dma_wait3A_2155 = arith.constant 0 : i32
      %dma_wait3A_2156 = arith.constant 0 : i32
      %dma_wait3A_2157 = tpu.memref_slice %arg6[%dma_wait3A_2155, %dma_wait3A_2156] : memref<10240x128xbf16, #tpu.memory_space<vmem_shared>> -> memref<10240x128xbf16, #tpu.memory_space<vmem_shared>>
      tpu.wait_indirect_dma semaphore(%arg18 : memref<!tpu.dma_semaphore, #tpu.memory_space<semaphore_mem>>) src(%arg11 : memref<80x128xbf16, #tpu.memory_space<vmem>>) dst(%dma_wait3A_2157 : memref<10240x128xbf16, #tpu.memory_space<vmem_shared>>)
      %dma_wait3A_2158 = arith.constant 1920 : i32
      %dma_wait3A_2159 = tpu.memref_slice %arg7[%dma_wait3A_2158] : memref<2000xi32, #tpu.memory_space<vmem>> -> memref<80xi32, #tpu.memory_space<vmem>>
      %dma_wait3A_2160 = arith.constant 0 : i32
      %dma_wait3A_2161 = arith.constant 0 : i32
      %dma_wait3A_2162 = tpu.memref_slice %arg3[%dma_wait3A_2160, %dma_wait3A_2161] : memref<10000x128xbf16, #tpu.memory_space<hbm>> -> memref<10000x128xbf16, #tpu.memory_space<hbm>>
      tpu.wait_indirect_dma semaphore(%arg15 : memref<!tpu.dma_semaphore, #tpu.memory_space<semaphore_mem>>) src(%dma_wait3A_2162 : memref<10000x128xbf16, #tpu.memory_space<hbm>>) dst(%arg10 : memref<80x128xbf16, #tpu.memory_space<vmem>>)
      %dma_start3A_2163 = arith.constant 24 : i32
      %dma_start3A_2164 = arith.constant 0 : i32
      %dma_start3A_2165 = tpu.memref_slice %arg9[%dma_start3A_2163, %dma_start3A_2164] : memref<25x80xi32, #tpu.memory_space<vmem>> -> memref<1x80xi32, #tpu.memory_space<vmem>>
      %dma_start3A_2166 = tpu.memref_squeeze %dma_start3A_2165 : memref<1x80xi32, #tpu.memory_space<vmem>> -> memref<80xi32, #tpu.memory_space<vmem>>
      %dma_start3A_2167 = arith.constant 0 : i32
      %dma_start3A_2168 = arith.constant 0 : i32
      %dma_start3A_2169 = tpu.memref_slice %arg6[%dma_start3A_2167, %dma_start3A_2168] : memref<10240x128xbf16, #tpu.memory_space<vmem_shared>> -> memref<10240x128xbf16, #tpu.memory_space<vmem_shared>>
      tpu.enqueue_indirect_dma source(%arg10 : memref<80x128xbf16, #tpu.memory_space<vmem>>) target(%dma_start3A_2169 : memref<10240x128xbf16, #tpu.memory_space<vmem_shared>>) offsets(%dma_start3A_2166 : memref<80xi32, #tpu.memory_space<vmem>>) semaphore(%arg18 : memref<!tpu.dma_semaphore, #tpu.memory_space<semaphore_mem>>) {add = true}
      %dma_wait3A_2170 = arith.constant 23 : i32
      %dma_wait3A_2171 = arith.constant 0 : i32
      %dma_wait3A_2172 = tpu.memref_slice %arg9[%dma_wait3A_2170, %dma_wait3A_2171] : memref<25x80xi32, #tpu.memory_space<vmem>> -> memref<1x80xi32, #tpu.memory_space<vmem>>
      %dma_wait3A_2173 = tpu.memref_squeeze %dma_wait3A_2172 : memref<1x80xi32, #tpu.memory_space<vmem>> -> memref<80xi32, #tpu.memory_space<vmem>>
      %dma_wait3A_2174 = arith.constant 0 : i32
      %dma_wait3A_2175 = arith.constant 0 : i32
      %dma_wait3A_2176 = tpu.memref_slice %arg6[%dma_wait3A_2174, %dma_wait3A_2175] : memref<10240x128xbf16, #tpu.memory_space<vmem_shared>> -> memref<10240x128xbf16, #tpu.memory_space<vmem_shared>>
      tpu.wait_indirect_dma semaphore(%arg18 : memref<!tpu.dma_semaphore, #tpu.memory_space<semaphore_mem>>) src(%arg12 : memref<80x128xbf16, #tpu.memory_space<vmem>>) dst(%dma_wait3A_2176 : memref<10240x128xbf16, #tpu.memory_space<vmem_shared>>)
      %dma_wait3A_2177 = arith.constant 24 : i32
      %dma_wait3A_2178 = arith.constant 0 : i32
      %dma_wait3A_2179 = tpu.memref_slice %arg9[%dma_wait3A_2177, %dma_wait3A_2178] : memref<25x80xi32, #tpu.memory_space<vmem>> -> memref<1x80xi32, #tpu.memory_space<vmem>>
      %dma_wait3A_2180 = tpu.memref_squeeze %dma_wait3A_2179 : memref<1x80xi32, #tpu.memory_space<vmem>> -> memref<80xi32, #tpu.memory_space<vmem>>
      %dma_wait3A_2181 = arith.constant 0 : i32
      %dma_wait3A_2182 = arith.constant 0 : i32
      %dma_wait3A_2183 = tpu.memref_slice %arg6[%dma_wait3A_2181, %dma_wait3A_2182] : memref<10240x128xbf16, #tpu.memory_space<vmem_shared>> -> memref<10240x128xbf16, #tpu.memory_space<vmem_shared>>
      tpu.wait_indirect_dma semaphore(%arg18 : memref<!tpu.dma_semaphore, #tpu.memory_space<semaphore_mem>>) src(%arg10 : memref<80x128xbf16, #tpu.memory_space<vmem>>) dst(%dma_wait3A_2183 : memref<10240x128xbf16, #tpu.memory_space<vmem_shared>>)
    }
    %scan3A_62 = arith.constant 5 : i32
    "tpu.region"() ({
      %run_scoped3A = tpu.sem_alloc : memref<!tpu.dma_semaphore, #tpu.memory_space<semaphore_mem>>
      %dma_start3A = arith.constant 0 : i32
      %dma_start3A_67 = tpu.memref_slice %arg5[%add3A, %dma_start3A] : memref<32x10240xf32, #tpu.memory_space<hbm>> -> memref<1x10240xf32, #tpu.memory_space<hbm>>
      %dma_start3A_68 = tpu.memref_squeeze %dma_start3A_67 : memref<1x10240xf32, #tpu.memory_space<hbm>> -> memref<10240xf32, #tpu.memory_space<hbm>>
      %dma_start3A_69 = arith.constant 0 : i32
      %dma_start3A_70 = tpu.memref_slice %arg5[%add3A, %dma_start3A_69] : memref<32x10240xf32, #tpu.memory_space<hbm>> -> memref<1x10240xf32, #tpu.memory_space<hbm>>
      %dma_start3A_71 = tpu.memref_squeeze %dma_start3A_70 : memref<1x10240xf32, #tpu.memory_space<hbm>> -> memref<10240xf32, #tpu.memory_space<hbm>>
      tpu.enqueue_dma source(%arg13 : memref<10240xf32, #tpu.memory_space<vmem>>) target(%dma_start3A_71 : memref<10240xf32, #tpu.memory_space<hbm>>) target_semaphore(%run_scoped3A : memref<!tpu.dma_semaphore, #tpu.memory_space<semaphore_mem>>)
      %dma_wait3A = arith.constant 0 : i32
      %dma_wait3A_72 = tpu.memref_slice %arg5[%add3A, %dma_wait3A] : memref<32x10240xf32, #tpu.memory_space<hbm>> -> memref<1x10240xf32, #tpu.memory_space<hbm>>
      %dma_wait3A_73 = tpu.memref_squeeze %dma_wait3A_72 : memref<1x10240xf32, #tpu.memory_space<hbm>> -> memref<10240xf32, #tpu.memory_space<hbm>>
      %dma_wait3A_74 = arith.constant 0 : i32
      %dma_wait3A_75 = tpu.memref_slice %arg5[%add3A, %dma_wait3A_74] : memref<32x10240xf32, #tpu.memory_space<hbm>> -> memref<1x10240xf32, #tpu.memory_space<hbm>>
      %dma_wait3A_76 = tpu.memref_squeeze %dma_wait3A_75 : memref<1x10240xf32, #tpu.memory_space<hbm>> -> memref<10240xf32, #tpu.memory_space<hbm>>
      tpu.wait_dma2 semaphore(%run_scoped3A : memref<!tpu.dma_semaphore, #tpu.memory_space<semaphore_mem>>) src(%arg13 : memref<10240xf32, #tpu.memory_space<vmem>>) dst(%dma_wait3A_76 : memref<10240xf32, #tpu.memory_space<hbm>>)
      tpu.yield
    }) : () -> ()
    %barrier3A_63 = arith.constant 0 : index
    tpu.barrier barrier_id(%barrier3A_63)
    %mul3A_64 = arith.constant 10240 : i32
    %mul3A_65 = arith.muli %arg0, %mul3A_64 : i32
    %add3A_66 = arith.addi %mul3A_65, %mul3A_13 : i32
    "tpu.region"() ({
      %run_scoped3A = tpu.sem_alloc : memref<!tpu.dma_semaphore, #tpu.memory_space<semaphore_mem>>
      %dma_start3A = arith.constant 0 : i32
      %dma_start3A_67 = tpu.memref_slice %arg4[%add3A_66, %dma_start3A] : memref<20480x128xbf16, #tpu.memory_space<hbm>> -> memref<640x128xbf16, #tpu.memory_space<hbm>>
      %dma_start3A_68 = arith.constant 0 : i32
      %dma_start3A_69 = tpu.memref_slice %arg6[%mul3A_13, %dma_start3A_68] : memref<10240x128xbf16, #tpu.memory_space<vmem_shared>> -> memref<640x128xbf16, #tpu.memory_space<vmem_shared>>
      tpu.enqueue_dma source(%dma_start3A_69 : memref<640x128xbf16, #tpu.memory_space<vmem_shared>>) target(%dma_start3A_67 : memref<640x128xbf16, #tpu.memory_space<hbm>>) target_semaphore(%run_scoped3A : memref<!tpu.dma_semaphore, #tpu.memory_space<semaphore_mem>>)
      %dma_wait3A = arith.constant 0 : i32
      %dma_wait3A_70 = tpu.memref_slice %arg4[%add3A_66, %dma_wait3A] : memref<20480x128xbf16, #tpu.memory_space<hbm>> -> memref<640x128xbf16, #tpu.memory_space<hbm>>
      %dma_wait3A_71 = arith.constant 0 : i32
      %dma_wait3A_72 = tpu.memref_slice %arg6[%mul3A_13, %dma_wait3A_71] : memref<10240x128xbf16, #tpu.memory_space<vmem_shared>> -> memref<640x128xbf16, #tpu.memory_space<vmem_shared>>
      tpu.wait_dma2 semaphore(%run_scoped3A : memref<!tpu.dma_semaphore, #tpu.memory_space<semaphore_mem>>) src(%dma_wait3A_72 : memref<640x128xbf16, #tpu.memory_space<vmem_shared>>) dst(%dma_wait3A_70 : memref<640x128xbf16, #tpu.memory_space<hbm>>)
      tpu.yield
    }) : () -> ()
    return
  }
}

module attributes {stable_mosaic.version = 14 : i64} {
  func.func @_tc_finish_kernel(%arg0: memref<20480x128xbf16, #tpu.memory_space<vmem>>, %arg1: memref<32x10240xf32, #tpu.memory_space<vmem>>, %arg2: memref<10000x128xf32, #tpu.memory_space<vmem>>, %arg3: memref<128x128xf32, #tpu.memory_space<vmem>>, %arg4: memref<1x128xf32, #tpu.memory_space<vmem>>, %arg5: memref<1x128xf32, #tpu.memory_space<vmem>>, %arg6: memref<1x128xf32, #tpu.memory_space<vmem>>, %arg7: memref<10000x128xf32, #tpu.memory_space<vmem>>) attributes {dimension_semantics = [], scalar_prefetch = 0 : i64, scratch_operands = 0 : i64, tpu.core_type = #tpu.core_type<tc>} {
    %get3A = arith.constant 0 : index
    %get3A_0 = arith.constant 0 : index
    %get3A_1 = vector.load %arg0[%get3A, %get3A_0] : memref<20480x128xbf16, #tpu.memory_space<vmem>>, vector<20480x128xbf16>
    %get3A_2 = arith.constant 0 : index
    %get3A_3 = arith.constant 0 : index
    %get3A_4 = vector.load %arg1[%get3A_2, %get3A_3] : memref<32x10240xf32, #tpu.memory_space<vmem>>, vector<32x10240xf32>
    %get3A_5 = arith.constant 0 : index
    %get3A_6 = arith.constant 0 : index
    %get3A_7 = vector.load %arg2[%get3A_5, %get3A_6] : memref<10000x128xf32, #tpu.memory_space<vmem>>, vector<10000x128xf32>
    %convert_element_type3A = arith.extf %get3A_1 : vector<20480x128xbf16> to vector<20480x128xf32>
    %slice3A = vector.extract_strided_slice %convert_element_type3A {offsets = [0, 0], sizes = [10000, 128], strides = [1, 1]} : vector<20480x128xf32> to vector<10000x128xf32>
    %slice3A_8 = vector.extract_strided_slice %convert_element_type3A {offsets = [10240, 0], sizes = [10000, 128], strides = [1, 1]} : vector<20480x128xf32> to vector<10000x128xf32>
    %add3A = arith.addf %slice3A, %slice3A_8 : vector<10000x128xf32>
    %add3A_9 = arith.addf %add3A, %get3A_7 : vector<10000x128xf32>
    %slice3A_10 = vector.extract_strided_slice %get3A_4 {offsets = [0, 0], sizes = [32, 10000], strides = [1, 1]} : vector<32x10240xf32> to vector<32x10000xf32>
    %reduce_sum3A = arith.constant dense<0.000000e+00> : vector<10000xf32>
    %reduce_sum3A_11 = vector.multi_reduction <add>, %slice3A_10, %reduce_sum3A [0] : vector<32x10000xf32> to vector<10000xf32>
    %add3A_12 = arith.constant 1.000000e+00 : f32
    %add3A_13 = vector.broadcast %add3A_12 : f32 to vector<10000xf32>
    %add3A_14 = arith.addf %reduce_sum3A_11, %add3A_13 : vector<10000xf32>
    %reshape3A = vector.shape_cast %add3A_14 : vector<10000xf32> to vector<10000x1xf32>
    %div3A = vector.broadcast %reshape3A : vector<10000x1xf32> to vector<10000x128xf32>
    %div3A_15 = arith.divf %add3A_9, %div3A : vector<10000x128xf32>
    %get3A_16 = arith.constant 0 : index
    %get3A_17 = arith.constant 0 : index
    %get3A_18 = vector.load %arg3[%get3A_16, %get3A_17] : memref<128x128xf32, #tpu.memory_space<vmem>>, vector<128x128xf32>
    %dot_general3A = arith.constant dense<0.000000e+00> : vector<10000x128xf32>
    %dot_general3A_19 = tpu.matmul %div3A_15, %get3A_18, %dot_general3A {dimension_numbers = #tpu.dot_dimension_numbers<[1], [1], [0], [0], [0, 0, 1, 0], [], []>, precision = #tpu.contract_precision<fp32>, transpose_lhs_hint = false} : vector<10000x128xf32>, vector<128x128xf32>, vector<10000x128xf32> -> vector<10000x128xf32>
    %get3A_20 = arith.constant 0 : index
    %get3A_21 = arith.constant 0 : index
    %get3A_22 = vector.load %arg4[%get3A_20, %get3A_21] : memref<1x128xf32, #tpu.memory_space<vmem>>, vector<1x128xf32>
    %add3A_23 = vector.broadcast %get3A_22 : vector<1x128xf32> to vector<10000x128xf32>
    %add3A_24 = arith.addf %dot_general3A_19, %add3A_23 : vector<10000x128xf32>
    %reduce_sum3A_25 = arith.constant dense<0.000000e+00> : vector<128xf32>
    %reduce_sum3A_26 = vector.multi_reduction <add>, %add3A_24, %reduce_sum3A_25 [0] : vector<10000x128xf32> to vector<128xf32>
    %broadcast_in_dim3A = vector.shape_cast %reduce_sum3A_26 : vector<128xf32> to vector<1x128xf32>
    %div3A_27 = arith.constant 1.000000e+04 : f32
    %div3A_28 = vector.broadcast %div3A_27 : f32 to vector<1x128xf32>
    %div3A_29 = arith.divf %broadcast_in_dim3A, %div3A_28 : vector<1x128xf32>
    %sub3A = vector.broadcast %div3A_29 : vector<1x128xf32> to vector<10000x128xf32>
    %sub3A_30 = arith.subf %add3A_24, %sub3A : vector<10000x128xf32>
    %square3A = arith.mulf %sub3A_30, %sub3A_30 : vector<10000x128xf32>
    %reduce_sum3A_31 = arith.constant dense<0.000000e+00> : vector<128xf32>
    %reduce_sum3A_32 = vector.multi_reduction <add>, %square3A, %reduce_sum3A_31 [0] : vector<10000x128xf32> to vector<128xf32>
    %broadcast_in_dim3A_33 = vector.shape_cast %reduce_sum3A_32 : vector<128xf32> to vector<1x128xf32>
    %div3A_34 = arith.constant 1.000000e+04 : f32
    %div3A_35 = vector.broadcast %div3A_34 : f32 to vector<1x128xf32>
    %div3A_36 = arith.divf %broadcast_in_dim3A_33, %div3A_35 : vector<1x128xf32>
    %sub3A_37 = vector.broadcast %div3A_29 : vector<1x128xf32> to vector<10000x128xf32>
    %sub3A_38 = arith.subf %add3A_24, %sub3A_37 : vector<10000x128xf32>
    %add3A_39 = arith.constant 9.99999974E-6 : f32
    %add3A_40 = vector.broadcast %add3A_39 : f32 to vector<1x128xf32>
    %add3A_41 = arith.addf %div3A_36, %add3A_40 : vector<1x128xf32>
    %rsqrt3A = math.rsqrt %add3A_41 : vector<1x128xf32>
    %mul3A = vector.broadcast %rsqrt3A : vector<1x128xf32> to vector<10000x128xf32>
    %mul3A_42 = arith.mulf %sub3A_38, %mul3A : vector<10000x128xf32>
    %get3A_43 = arith.constant 0 : index
    %get3A_44 = arith.constant 0 : index
    %get3A_45 = vector.load %arg5[%get3A_43, %get3A_44] : memref<1x128xf32, #tpu.memory_space<vmem>>, vector<1x128xf32>
    %mul3A_46 = vector.broadcast %get3A_45 : vector<1x128xf32> to vector<10000x128xf32>
    %mul3A_47 = arith.mulf %mul3A_42, %mul3A_46 : vector<10000x128xf32>
    %get3A_48 = arith.constant 0 : index
    %get3A_49 = arith.constant 0 : index
    %get3A_50 = vector.load %arg6[%get3A_48, %get3A_49] : memref<1x128xf32, #tpu.memory_space<vmem>>, vector<1x128xf32>
    %add3A_51 = vector.broadcast %get3A_50 : vector<1x128xf32> to vector<10000x128xf32>
    %add3A_52 = arith.addf %mul3A_47, %add3A_51 : vector<10000x128xf32>
    %add3A_53 = arith.addf %add3A_52, %get3A_7 : vector<10000x128xf32>
    %max3A = arith.constant 0.000000e+00 : f32
    %max3A_54 = vector.broadcast %max3A : f32 to vector<10000x128xf32>
    %max3A_55 = arith.maximumf %add3A_53, %max3A_54 : vector<10000x128xf32>
    %swap3A = arith.constant 0 : index
    %swap3A_56 = arith.constant 0 : index
    %swap3A_57 = vector.load %arg7[%swap3A, %swap3A_56] : memref<10000x128xf32, #tpu.memory_space<vmem>>, vector<10000x128xf32>
    tpu.vector_store %arg7[%swap3A, %swap3A_56], %max3A_55 {strides = array<i32>} : memref<10000x128xf32, #tpu.memory_space<vmem>>, vector<10000x128xf32>,
    return
  }
}

</mosaic_0001>

<sc_bundles>
// kernel: kernel.4.cloned.1.call-start
scs
__scs_entry_jumppad:
0x0: {  	(pc) =	sbr.rel $0x88, $3  }
0x1: {  	(tag) =	ssettag $0x0;
	lr =	simm.s32 $0x1  }
0x2: {  	[smem:$0x3F9B] =	sst lr;
	_ =	strace $0xD0000000  }
0x3: {  	_ = 	snop  }
0x4: {  	_ = 	snop  }
0x5: {  	_ = 	snop  }
0x6: {  	_ = 	snop  }
0x7: {  	_ = 	snop  }
__scs_overlays_trampoline_lowered:
0x8: {  	[smem:$0x3FAA] =	sst s0  }
0x9: {  	[smem:$0x3FAB] =	sst s1  }
0xa: {  	[smem:$0x3FAC] =	sst s2  }
0xb: {  	[smem:$0x3FAD] =	sst s3  }
0xc: {  	[smem:$0x3FAE] =	sst s4  }
0xd: {  	[smem:$0x3FAF] =	sst s5  }
0xe: {  	[smem:$0x3FB0] =	sst s6  }
0xf: {  	[smem:$0x3FB1] =	sst s7  }
0x10: {  	[smem:$0x3FB2] =	sst s8  }
0x11: {  	[smem:$0x3FB3] =	sst s9;
	s0 =	simm.s32 @!p0 $0x0  }
0x12: {  	s1 =	sld [smem:$0x3F99];
	s0 =	simm.s32 @p0 $0x1  }
0x13: {  	[smem:$0x3FB4] =	sst s0;
	s0 =	simm.s32 @!p1 $0x0  }
0x14: {  	s2 =	sld [smem:$0x3F98];
	s0 =	simm.s32 @p1 $0x1  }
0x15: {  	[smem:$0x3FB5] =	sst s0;
	s0 =	simm.s32 @!p2 $0x0  }
0x16: {  	s3 =	sld [smem:$0x3FDB];
	s0 =	simm.s32 @p2 $0x1  }
0x17: {  	s4 =	simm.s32 $0x1BF5;
	[smem:$0x3FB7] =	sst s0  }
0x18: {  	s0 =	sld [smem:$0x3F9A];
	_ =	swait.ge [sflag:s4], $0x0  }
0x19: {  	s7 =	sld [smem:$0x3F9B]  }
0x1a: {  	s8 =	sadd.s32 $0xFFFFE003, lr  }
0x1b: {  	s9 =	sadd.s32 $0xFFFFFEF7, lr;
	s5 =	simm.s32 $0xFFFFFFFF;
	p2 =	slt.u32 s8, $0xFFFFF086  }
0x1c: {  	p1 =	slt.u32 s9, $0xF7A;
	s5 =	simm.s32 @!p2 $0x0  }
0x1d: {  	s5 =	simm.s32 @p1 $0x1;
	p0 =	seq.s32 s7, s2  }
0x1e: {  	s7 =	smul.u32 @!p0 $0xF7A, s2;
	p2 =	seq.s32 @!p0 s5, $0x0  }
0x1f: {  	s9 =	smul.u32 $0xF7A, s1;
	s8 =	simm.s32 @!p0 $0x1BF5;
	p2 =	por !p2, p0  }
0x20: {  	[sflag:s8] =	ssyncset.s32 @!p0 $0xFFFFF086;
	s6 =	sadd.s32 @!p0 s3, s7;
	s7 =	simm.s32 @!p0 $0x108  }
0x21: {  	s3 =	sadd.s32 s3, s9;
	s6 =	sadd.s32 @!p0 $0x88, s6;
	s7 =	simm.s32 @p2 $0x1082  }
0x22: {  	[simem:s7], [sflag:s8] =	dma.local @!p0 [hbm:s6], $0xF7A  }
0x23: {  	s9 =	sor.u32 $0xD0000000, s2;
	s6 =	simm.s32 $0x108;
	_ =	swait.ge @!p0 [sflag:s8], $0x0  }
0x24: {  	s3 =	sadd.s32 $0x88, s3;
	s6 =	simm.s32 @!p1 $0x1082;
	[sflag:s4] =	ssyncset.s32 $0xFFFFF086  }
0x25: {  	[simem:s6], [sflag:s4] =	dma.local [hbm:s3], $0xF7A  }
0x26: {  	[smem:$0x3F9B] =	sst s1;
	(tag) =	ssettag s2;
	_ =	strace s9  }
0x27: {  	s1 =	sld [smem:$0x3FAB]  }
0x28: {  	s2 =	sld [smem:$0x3FAC]  }
0x29: {  	s4 =	sld [smem:$0x3FAE]  }
0x2a: {  	p0 =	seq.s32 s5, $0x0;
	s5 =	sld [smem:$0x3FAF]  }
0x2b: {  	s6 =	sld [smem:$0x3FB0]  }
0x2c: {  	s7 =	sld [smem:$0x3FB1]  }
0x2d: {  	s3 =	simm.s32 $0x108;
	s8 =	sld [smem:$0x3FB2]  }
0x2e: {  	s3 =	simm.s32 @!p0 $0x1082;
	s9 =	sld [smem:$0x3FB3]  }
0x2f: {  	lr =	sadd.s32 s0, s3;
	s0 =	sld [smem:$0x3FAA]  }
0x30: {  	s3 =	sld [smem:$0x3FAD]  }
0x31: {  	[smem:$0x3FB6] =	sst s10  }
0x32: {  	s10 =	sld [smem:$0x3FB4];
	_ =	sdelay $0x3  }
0x33: {  	p0 =	seq.s32 s10, $0x1;
	s10 =	sld [smem:$0x3FB6];
	_ =	sdelay $0x3  }
0x34: {  	[smem:$0x3FB6] =	sst s10  }
0x35: {  	s10 =	sld [smem:$0x3FB5];
	_ =	sdelay $0x3  }
0x36: {  	p1 =	seq.s32 s10, $0x1;
	s10 =	sld [smem:$0x3FB6];
	_ =	sdelay $0x3  }
0x37: {  	[smem:$0x3FB6] =	sst s10  }
0x38: {  	s10 =	sld [smem:$0x3FB7]  }
0x39: {  	_ = 	snop;
	(pc) =	sbr.ind lr, $3  }
0x3a: {  	_ = 	snop  }
0x3b: {  	_ = 	snop  }
0x3c: {  	p2 =	seq.s32 s10, $0x1;
	s10 =	sld [smem:$0x3FB6]  }
0x3d: {  	_ =	shalt  }
0x3e: {  	_ =	shalt  }
0x3f: {  	_ =	shalt  }
0x40: {  	_ =	shalt  }
0x41: {  	_ =	shalt  }
0x42: {  	_ =	shalt  }
0x43: {  	_ =	shalt  }
0x44: {  	_ =	shalt  }
0x45: {  	_ =	shalt  }
0x46: {  	_ =	shalt  }
0x47: {  	_ =	shalt  }
0x48: {  	_ =	shalt  }
0x49: {  	_ =	shalt  }
0x4a: {  	_ =	shalt  }
0x4b: {  	_ =	shalt  }
0x4c: {  	_ =	shalt  }
0x4d: {  	_ =	shalt  }
0x4e: {  	_ =	shalt  }
0x4f: {  	_ =	shalt  }
0x50: {  	_ =	shalt  }
0x51: {  	_ =	shalt  }
0x52: {  	_ =	shalt  }
0x53: {  	_ =	shalt  }
0x54: {  	_ =	shalt  }
0x55: {  	_ =	shalt  }
0x56: {  	_ =	shalt  }
0x57: {  	_ =	shalt  }
0x58: {  	_ =	shalt  }
0x59: {  	_ =	shalt  }
0x5a: {  	_ =	shalt  }
0x5b: {  	_ =	shalt  }
0x5c: {  	_ =	shalt  }
0x5d: {  	_ =	shalt  }
0x5e: {  	_ =	shalt  }
0x5f: {  	_ =	shalt  }
0x60: {  	_ =	shalt  }
0x61: {  	_ =	shalt  }
0x62: {  	_ =	shalt  }
0x63: {  	_ =	shalt  }
0x64: {  	_ =	shalt  }
0x65: {  	_ =	shalt  }
0x66: {  	_ =	shalt  }
0x67: {  	_ =	shalt  }
0x68: {  	_ =	shalt  }
0x69: {  	_ =	shalt  }
0x6a: {  	_ =	shalt  }
0x6b: {  	_ =	shalt  }
0x6c: {  	_ =	shalt  }
0x6d: {  	_ =	shalt  }
0x6e: {  	_ =	shalt  }
0x6f: {  	_ =	shalt  }
0x70: {  	_ =	shalt  }
0x71: {  	_ =	shalt  }
0x72: {  	_ =	shalt  }
0x73: {  	_ =	shalt  }
0x74: {  	_ =	shalt  }
0x75: {  	_ =	shalt  }
0x76: {  	_ =	shalt  }
0x77: {  	_ =	shalt  }
0x78: {  	_ =	shalt  }
0x79: {  	_ =	shalt  }
0x7a: {  	_ =	shalt  }
0x7b: {  	_ =	shalt  }
0x7c: {  	_ =	shalt  }
0x7d: {  	_ =	shalt  }
0x7e: {  	_ =	shalt  }
0x7f: {  	_ =	shalt  }
0x80: {  	_ =	shalt  }
0x81: {  	_ =	shalt  }
0x82: {  	_ =	shalt  }
0x83: {  	_ =	shalt  }
0x84: {  	_ =	shalt  }
0x85: {  	_ =	shalt  }
0x86: {  	_ =	shalt  }
0x87: {  	_ =	shalt  }
.Lfunc_end0:
.L_simem_size_0:
called_computation_lowered:
.L_overlay_start_0:
0x88: {  	s2 =	sld [smem:$0x3FD9]  }
0x89: {  	s3 =	sld [smem:$0x3FFE];
	_ =	sdelay $0x1  }
0x8a: {  	s1 =	srdreg.scid  }
0x8b: {  	s0 =	sand.u32 $0x1, s1  }
0x8c: {  	s17 =	sshll.u32 s0, $0xA;
	s2 =	sadd.s32 s3, s2  }
0x8d: {  	s2 =	sadd.s32 s2, s17  }
0x8e: {  	[smem:$0x3FC2] =	sst s2  }
0x8f: {  	_ = 	snop  }
0x90: {  	s2 =	sld [smem:$0x3FD0];
	(tm) =	ssettm $0x1  }
0x91: {  	s18 =	sld [smem:$0x3FFB];
	_ =	sdelay $0x3  }
0x92: {  	_ =	strace s18  }
0x93: {  	s3 =	sld [smem:$0x3FFC];
	_ =	sdelay $0x3  }
0x94: {  	_ =	strace s3  }
0x95: {  	s3 =	sld [smem:$0x3FFD];
	_ =	sdelay $0x3  }
0x96: {  	_ =	strace s3  }
0x97: {  	_ =	strace $0x8FFFFFFF  }
0x98: {  	s19 =	sld [smem:$0x3FDB];
	_ =	sdelay $0x1  }
0x99: {  	s4 =	simm.s32 $_scs_section_size  }
0x9a: {  	s5 =	simm.s32 $_size__tile_overlayer_lowered;
	s6 =	simm.s32 $_tile_overlayer_lowered  }
0x9b: {  	s22 =	simm.s32 $0x1BFF;
	s21 =	sshll.u32 s6, $0x1;
	s3 =	sadd.s32 s4, s19  }
0x9c: {  	s7 =	simm.s32 $0x0;
	s20 =	sshll.u32 s5, $0x1;
	s5 =	sadd.s32 s21, s3  }
0x9d: {  	[timem:s7], [sflag:s22] =	dma.local [hbm:s5], s20  }
0x9e: {  	_ =	swait.ge [sflag:s22], s20  }
0x9f: {  	s4 =	ssub.s32 $0x0, s20;
	[sflag:s22] =	ssyncset.done $0x0  }
0xa0: {  	[sflag:s22] =	ssyncadd.s32 s4;
	_ =	sdelay $0x1  }
0xa1: {  	s23 =	simm.s32 $0x1B8B  }
0xa2: {  	_ =	swait.ge [sflag:s23], $0x1  }
0xa3: {  	[sflag:s23] =	ssyncset.done $0x0  }
0xa4: {  	s25 =	simm.s32 $0x1B8E;
	s24 =	sld [smem:$0x3FFE];
	[sflag:s23] =	ssyncadd.s32 $0xFFFFFFFF  }
0xa5: {  	s26 =	simm.s32 $execute0_lowered;
	[smem:$0x3FD2] =	sst s25  }
0xa6: {  	s5 =	sshll.u32 s26, $0x1;
	_ =	strace $0x80000046;
	[dreg:$0x1] =	wrdreg $0xFFFFFFFF  }
0xa7: {  	s28 =	simm.s32 $_size_execute0_lowered;
	s3 =	sadd.s32 s3, s5;
	[dreg:$0x0] =	wrdreg $0x0  }
0xa8: {  	s5 =	sshll.u32 s28, $0x1;
	[dreg:$0x2] =	wrdreg s3  }
0xa9: {  	[dreg:$0x3] =	wrdreg s5  }
0xaa: {  	[dreg:$0x4] =	wrdreg $0xC0  }
0xab: {  	_ =	task [dreg:s7], $0x5FFFF  }
0xac: {  	[dreg:$0x1] =	wrdreg $0xFFFFFFFF  }
0xad: {  	[dreg:$0x0] =	wrdreg $0x60  }
0xae: {  	[dreg:$0x2] =	wrdreg s2  }
0xaf: {  	[dreg:$0x3] =	wrdreg s24  }
0xb0: {  	[dreg:$0x4] =	wrdreg $0x0  }
0xb1: {  	[dreg:$0x5] =	wrdreg $0x9  }
0xb2: {  	_ =	task.clear_ibuf [dreg:s7], $0x6FFFF;
	_ =	strace $0x90000046  }
0xb3: {  	s29 =	simm.s32 $0x9;
	_ =	strace $0x80000048  }
0xb4: {  	_ =	swait.ge [sflag:s29], $0x1  }
0xb5: {  	[sflag:s29] =	ssyncadd.s32 $0xFFFFFFFF  }
0xb6: {  	_ =	strace $0x90000048  }
0xb7: {  	_ =	sfence  }
0xb8: {  	s30 =	sld [smem:$0x0];
	_ =	sdelay $0x2  }
0xb9: {  	s31 =	sshll.u32 s1, $0xD;
	s1 =	sshrl.u32 s1, $0x2  }
0xba: {  	s3 =	sand.u32 $0x4000, s31;
	s1 =	sadd.s32 s1, s30  }
0xbb: {  	s0 =	sor.u32 s3, s0;
	s1 =	sshll.u32 s1, $0x11  }
0xbc: {  	s0 =	sor.u32 s1, s0  }
0xbd: {  	s0 =	sadd.s32 $0x8F2B, s0  }
0xbe: {  	[sflag:s0] =	ssyncadd.remote.s32 $0x1  }
0xbf: {  	_ =	sfence.sel $0xFFFF  }
0xc0: {  	[dreg:$0x0] =	wrdreg $0xFFFFFFFF;
	(pc) =	sbr.abs _section_cstart, $3  }
0xc1: {  	[dreg:$0x1] =	wrdreg $0xFFFFFFFF  }
0xc2: {  	_ =	task.clear_ibuf [dreg:s7], $0x2FFFF;
	_ =	strace $0x9FFFFFFF  }
0xc3: {  	(tm) =	ssettm $0x7FFFFFFF  }
tec
execute0_lowered:
.L_overlay_start_1:
0x0: {  	(tag) =	ssettag $0x1  }
0x1: {  	s1 =	rddreg [dreg:$0x0]  }
0x2: {  	s6 =	rddreg [dreg:$0x1]  }
0x3: {  	s2 =	rddreg [dreg:$0x2];
	s3 =	simm.s32 $0x0  }
0x4: {  	s10 =	simm.s32 $0xA7D0;
	[smem:$0x7FF] =	sst s3  }
0x5: {  	s11 =	simm.s32 $0xA050;
	_ =	strace $0x80000047;
	[dreg:$0x6] =	wrdreg s10  }
0x6: {  	s12 =	simm.s32 $0xAFA0;
	[dreg:$0x7] =	wrdreg s11  }
0x7: {  	s13 =	simm.s32 $0xA0A0;
	[dreg:$0x8] =	wrdreg s12  }
0x8: {  	s14 =	simm.s32 $0xAFF0;
	[dreg:$0x9] =	wrdreg s13  }
0x9: {  	s15 =	simm.s32 $0xA0F0;
	[dreg:$0xa] =	wrdreg s14  }
0xa: {  	s16 =	simm.s32 $0xB040;
	[dreg:$0xb] =	wrdreg s15  }
0xb: {  	s18 =	simm.s32 $0xA140;
	[dreg:$0xc] =	wrdreg s16  }
0xc: {  	s19 =	simm.s32 $0xB090;
	[dreg:$0xd] =	wrdreg s18  }
0xd: {  	s20 =	simm.s32 $0xA190;
	[dreg:$0xe] =	wrdreg s19  }
0xe: {  	s21 =	simm.s32 $0xB0E0;
	[dreg:$0xf] =	wrdreg s20  }
0xf: {  	s23 =	simm.s32 $0xA1E0;
	[dreg:$0x10] =	wrdreg s21  }
0x10: {  	s24 =	simm.s32 $0xB130;
	[dreg:$0x11] =	wrdreg s23  }
0x11: {  	s8 =	simm.s32 $0xA230;
	[dreg:$0x12] =	wrdreg s24  }
0x12: {  	s25 =	simm.s32 $0xB180;
	[dreg:$0x13] =	wrdreg s8  }
0x13: {  	s26 =	simm.s32 $0xA280;
	[dreg:$0x14] =	wrdreg s25  }
0x14: {  	s28 =	simm.s32 $0xB1D0;
	[dreg:$0x15] =	wrdreg s26  }
0x15: {  	[dreg:$0x16] =	wrdreg s28;
	s8 =	simm.s32 $0xA2D0  }
0x16: {  	s10 =	simm.s32 $0xB220;
	[dreg:$0x17] =	wrdreg s8  }
0x17: {  	s11 =	simm.s32 $0xA320;
	[dreg:$0x18] =	wrdreg s10  }
0x18: {  	s0 =	srdreg.scid;
	s13 =	simm.s32 $0xB270;
	[dreg:$0x19] =	wrdreg s11  }
0x19: {  	s9 =	stileid.u32;
	s14 =	simm.s32 $0xA370;
	[dreg:$0x1a] =	wrdreg s13  }
0x1a: {  	s5 =	sand.u32 $0x1, s0;
	s16 =	simm.s32 $0xB2C0;
	[dreg:$0x1b] =	wrdreg s14  }
0x1b: {  	s4 =	smul.u32 $0x2710, s9;
	s18 =	simm.s32 $0xA3C0;
	[dreg:$0x1c] =	wrdreg s16  }
0x1c: {  	s17 =	smul.u32 $0x1400, s9;
	s20 =	simm.s32 $0xB310;
	[dreg:$0x1d] =	wrdreg s18  }
0x1d: {  	s0 =	smul.u32 $0x27100, s5;
	s24 =	simm.s32 $0xB360;
	[dreg:$0x1e] =	wrdreg s20  }
0x1e: {  	s7 =	smul.u32 $0x14000, s5;
	s26 =	simm.s32 $0xA460;
	[smem:$0x7E3] =	sst s24  }
0x1f: {  	s22 =	sshll.u32 s5, $0x4;
	[smem:$0x7E5] =	sst s26;
	s10 =	simm.s32 $0xA4B0  }
0x20: {  	s5 =	ssub.s32 $0x2, s5;
	s14 =	simm.s32 $0xA500;
	[smem:$0x7E9] =	sst s10  }
0x21: {  	s29 =	sshrl.u32 s5, $0x1;
	s16 =	simm.s32 $0xB450;
	[smem:$0x7ED] =	sst s14  }
0x22: {  	s18 =	simm.s32 $0xA550;
	s20 =	simm.s32 $0xB4A0;
	[smem:$0x7EF] =	sst s16  }
0x23: {  	s0 =	sadd.s32 s4, s0;
	s5 =	ssub.s32 s5, s29;
	[smem:$0x7F1] =	sst s18  }
0x24: {  	s29 =	simm.s32 $0xB3B0;
	[smem:$0x7F3] =	sst s20;
	s4 =	sshrl.u32 s0, $0x3  }
0x25: {  	s0 =	sadd.s32 $0x4E200, s0;
	[smem:$0x7E7] =	sst s29;
	s26 =	smax.u32 s5, $0x1  }
0x26: {  	s4 =	sadd.s32 s4, s1;
	s0 =	sshrl.u32 s0, $0x3;
	[smem:$0x7FA] =	sst s26  }
0x27: {  	[dreg:$0x4] =	wrdreg s4;
	s0 =	sadd.s32 s0, s1;
	s1 =	sadd.s32 s17, s7  }
0x28: {  	s7 =	sor.u32 s9, s22;
	s9 =	smul.u32 $0x28000, s9;
	s22 =	simm.s32 $0xA410  }
0x29: {  	[dreg:$0x5] =	wrdreg s0;
	s7 =	smul.u32 $0x500, s7;
	s0 =	sadd.s32 s1, s6  }
0x2a: {  	[dreg:$0x1f] =	wrdreg s22;
	s22 =	simm.s32 $0xA5A0;
	s12 =	sshrl.u32 s9, $0x2  }
0x2b: {  	[smem:$0x7F6] =	sst s22;
	s0 =	sadd.s32 $0x14E00, s0;
	s1 =	sadd.s32 s7, s6  }
0x2c: {  	s7 =	sadd.s32 s12, s2;
	s12 =	simm.s32 $0xB400;
	[smem:$0x7F9] =	sst s0  }
0x2d: {  	[smem:$0x7EB] =	sst s12  }
0x2e: {  	s15 =	sadd.s32 $0x800, s7;
	[smem:$0x7FC] =	sst s7  }
0x2f: {  	s17 =	sadd.s32 $0x1000, s7;
	[smem:$0x7DD] =	sst s15  }
0x30: {  	s30 =	simm.s32 $0x5;
	s19 =	sadd.s32 $0x1800, s7;
	[smem:$0x7DE] =	sst s17  }
0x31: {  	s31 =	simm.s32 $0xA000;
	s21 =	sadd.s32 $0x2000, s7;
	[smem:$0x7DF] =	sst s19  }
0x32: {  	s8 =	simm.s32 $0xF370;
	s23 =	sadd.s32 $0x2800, s7;
	[smem:$0x7E0] =	sst s21  }
0x33: {  	s10 =	simm.s32 $0xDF70;
	s25 =	sadd.s32 $0x3000, s7;
	[smem:$0x7E1] =	sst s23  }
0x34: {  	s16 =	simm.s32 $0xB540;
	s28 =	sadd.s32 $0x3800, s7;
	[smem:$0x7E2] =	sst s25  }
0x35: {  	s18 =	simm.s32 $0xB590;
	s9 =	sadd.s32 $0x4000, s7;
	[smem:$0x7E4] =	sst s28  }
0x36: {  	s20 =	simm.s32 $0xB5E0;
	s11 =	sadd.s32 $0x4800, s7;
	[smem:$0x7E6] =	sst s9  }
0x37: {  	s14 =	simm.s32 $0xB720;
	s13 =	sadd.s32 $0x5000, s7;
	[smem:$0x7E8] =	sst s11  }
0x38: {  	s26 =	simm.s32 $0xB6D0;
	s24 =	sadd.s32 $0x8000, s7;
	[smem:$0x7EA] =	sst s13  }
0x39: {  	s4 =	sadd.s32 $0x1400, s6;
	s1 =	sadd.s32 $0x3CE00, s1;
	[smem:$0x7F5] =	sst s24  }
0x3a: {  	s22 =	simm.s32 $0xB630;
	s29 =	sadd.s32 $0x9800, s7;
	[smem:$0x7F8] =	sst s1  }
0x3b: {  	s0 =	simm.s32 $0x2;
	s15 =	sadd.s32 $0x5800, s7;
	[smem:$0x7FD] =	sst s29  }
0x3c: {  	s6 =	simm.s32 $0x50;
	s17 =	sadd.s32 $0x6000, s7;
	[smem:$0x7EC] =	sst s15  }
0x3d: {  	s12 =	simm.s32 $0x3;
	s19 =	sadd.s32 $0x6800, s7;
	[smem:$0x7EE] =	sst s17  }
0x3e: {  	s21 =	sadd.s32 $0x7000, s7;
	s23 =	sadd.s32 $0x7800, s7;
	[smem:$0x7F0] =	sst s19  }
0x3f: {  	s25 =	sadd.s32 $0x8800, s7;
	s28 =	sadd.s32 $0x9000, s7;
	[smem:$0x7F2] =	sst s21  }
0x40: {  	s1 =	simm.s32 $0x1;
	s7 =	simm.s32 $0xB770;
	[smem:$0x7F4] =	sst s23  }
0x41: {  	s9 =	simm.s32 $0xCB70;
	s11 =	simm.s32 $0x4;
	[smem:$0x7F7] =	sst s25  }
0x42: {  	s13 =	simm.s32 $0x0;
	s24 =	simm.s32 $0xB680;
	[smem:$0x7FB] =	sst s28  }
0x43: {  	s15 =	simm.s32 $0xA5F0;
	s17 =	simm.s32 $0xA640;
	s19 =	simm.s32 $0xA690  }
0x44: {  	v0 =	vimm.f32 $0.0e+00;
	v1 =	vimm.bf16 $0.0e+00;
	v2 =	vimm.f32 $1.000000000e+00;
	s21 =	simm.s32 $0xA6E0;
	s23 =	simm.s32 $0xA730;
	s25 =	simm.s32 $0xA780  }
.LBB2_1:
0x45: {  	s5 =	simm.s32 $0x0  }
.LBB2_2:
0x46: {  	p0 =	sne.s32 s5, $0x9F00  }
.Ltmp0:
0x47: {  	s28 =	sshra.s32 s5, $0x2;
	(pc) =	sbr.rel @p0 .LBB2_2-.Ltmp0, $4  }
0x48: {  	[tilespmem:s28+$0xF370] =	vst v0  }
0x49: {  	[tilespmem:s28+$0xF380] =	vst v0  }
0x4a: {  	[tilespmem:s28+$0xF390] =	vst v0  }
0x4b: {  	s5 =	sadd.s32 $0x100, s5;
	[tilespmem:s28+$0xF3A0] =	vst v0  }
0x4c: {  	[smem:$0x7DC] =	sst s13;
	s28 =	simm.s32 $0x100;
	s5 =	simm.s32 $0x0  }
.LBB2_4:
0x4d: {  	p0 =	sne.s32 s28, $0x1F00;
	[tilespmem:s5+$0x11BA0] =	vst v1;
	s29 =	smov.u32 s28;
	s28 =	sadd.s32 $0x100, s28  }
.Ltmp1:
0x4e: {  	[tilespmem:s5+$0x11B90] =	vst v1;
	(pc) =	sbr.rel @p0 .LBB2_4-.Ltmp1, $3  }
0x4f: {  	[tilespmem:s5+$0x11B70] =	vst v1  }
0x50: {  	[tilespmem:s5+$0x11B80] =	vst v1;
	_ =	sdelay $0x1  }
0x51: {  	s5 =	sshra.s32 s29, $0x2  }
0x52: {  	[tilespmem:s5+$0x11BA0] =	vst v1  }
0x53: {  	[tilespmem:s5+$0x11B90] =	vst v1;
	s28 =	sld [smem:$0x7FC]  }
0x54: {  	[tilespmem:s5+$0x11B70] =	vst v1  }
0x55: {  	[tilespmem:s5+$0x11B80] =	vst v1;
	s13 =	simm.s32 $0x11B70  }
0x56: {  	[spmem:s28] =	stream.linear.scatter [tilespmem:s13], [sflag:$0x5], $0x800, $0x38;
	[tilespmem:$0x12370] =	vst v63  }
0x57: {  	_ =	swait.ge [sflag:s30], $0x800  }
0x58: {  	s29 =	sld [smem:$0x7DD]  }
0x59: {  	[sflag:s30] =	ssyncset.done $0x0  }
0x5a: {  	[sflag:s30] =	ssyncadd.s32 $0xFFFFF800  }
0x5b: {  	[spmem:s29] =	stream.linear.scatter [tilespmem:s13], [sflag:$0x5], $0x800, $0x38;
	[tilespmem:$0x12370] =	vst v63  }
0x5c: {  	_ =	swait.ge [sflag:s30], $0x800  }
0x5d: {  	s28 =	sld [smem:$0x7DE]  }
0x5e: {  	[sflag:s30] =	ssyncset.done $0x0  }
0x5f: {  	[sflag:s30] =	ssyncadd.s32 $0xFFFFF800  }
0x60: {  	[spmem:s28] =	stream.linear.scatter [tilespmem:s13], [sflag:$0x5], $0x800, $0x38;
	[tilespmem:$0x12370] =	vst v63  }
0x61: {  	_ =	swait.ge [sflag:s30], $0x800  }
0x62: {  	s29 =	sld [smem:$0x7DF]  }
0x63: {  	[sflag:s30] =	ssyncset.done $0x0  }
0x64: {  	[sflag:s30] =	ssyncadd.s32 $0xFFFFF800  }
0x65: {  	[spmem:s29] =	stream.linear.scatter [tilespmem:s13], [sflag:$0x5], $0x800, $0x38;
	[tilespmem:$0x12370] =	vst v63  }
0x66: {  	_ =	swait.ge [sflag:s30], $0x800  }
0x67: {  	s28 =	sld [smem:$0x7E0]  }
0x68: {  	[sflag:s30] =	ssyncset.done $0x0  }
0x69: {  	[sflag:s30] =	ssyncadd.s32 $0xFFFFF800  }
0x6a: {  	[spmem:s28] =	stream.linear.scatter [tilespmem:s13], [sflag:$0x5], $0x800, $0x38;
	[tilespmem:$0x12370] =	vst v63  }
0x6b: {  	_ =	swait.ge [sflag:s30], $0x800  }
0x6c: {  	s29 =	sld [smem:$0x7E1]  }
0x6d: {  	[sflag:s30] =	ssyncset.done $0x0  }
0x6e: {  	[sflag:s30] =	ssyncadd.s32 $0xFFFFF800  }
0x6f: {  	[spmem:s29] =	stream.linear.scatter [tilespmem:s13], [sflag:$0x5], $0x800, $0x38;
	[tilespmem:$0x12370] =	vst v63  }
0x70: {  	_ =	swait.ge [sflag:s30], $0x800  }
0x71: {  	s28 =	sld [smem:$0x7E2]  }
0x72: {  	[sflag:s30] =	ssyncset.done $0x0  }
0x73: {  	[sflag:s30] =	ssyncadd.s32 $0xFFFFF800  }
0x74: {  	[spmem:s28] =	stream.linear.scatter [tilespmem:s13], [sflag:$0x5], $0x800, $0x38;
	[tilespmem:$0x12370] =	vst v63  }
0x75: {  	_ =	swait.ge [sflag:s30], $0x800  }
0x76: {  	s29 =	sld [smem:$0x7E4]  }
0x77: {  	[sflag:s30] =	ssyncset.done $0x0  }
0x78: {  	[sflag:s30] =	ssyncadd.s32 $0xFFFFF800  }
0x79: {  	[spmem:s29] =	stream.linear.scatter [tilespmem:s13], [sflag:$0x5], $0x800, $0x38;
	[tilespmem:$0x12370] =	vst v63  }
0x7a: {  	_ =	swait.ge [sflag:s30], $0x800  }
0x7b: {  	s28 =	sld [smem:$0x7E6]  }
0x7c: {  	[sflag:s30] =	ssyncset.done $0x0  }
0x7d: {  	[sflag:s30] =	ssyncadd.s32 $0xFFFFF800  }
0x7e: {  	[spmem:s28] =	stream.linear.scatter [tilespmem:s13], [sflag:$0x5], $0x800, $0x38;
	[tilespmem:$0x12370] =	vst v63  }
0x7f: {  	_ =	swait.ge [sflag:s30], $0x800  }
0x80: {  	s29 =	sld [smem:$0x7E8]  }
0x81: {  	[sflag:s30] =	ssyncset.done $0x0  }
0x82: {  	[sflag:s30] =	ssyncadd.s32 $0xFFFFF800  }
0x83: {  	[spmem:s29] =	stream.linear.scatter [tilespmem:s13], [sflag:$0x5], $0x800, $0x38;
	[tilespmem:$0x12370] =	vst v63  }
0x84: {  	_ =	swait.ge [sflag:s30], $0x800  }
0x85: {  	s28 =	sld [smem:$0x7EA]  }
0x86: {  	[sflag:s30] =	ssyncset.done $0x0  }
0x87: {  	[sflag:s30] =	ssyncadd.s32 $0xFFFFF800  }
0x88: {  	[spmem:s28] =	stream.linear.scatter [tilespmem:s13], [sflag:$0x5], $0x800, $0x38;
	[tilespmem:$0x12370] =	vst v63  }
0x89: {  	_ =	swait.ge [sflag:s30], $0x800  }
0x8a: {  	s29 =	sld [smem:$0x7EC]  }
0x8b: {  	[sflag:s30] =	ssyncset.done $0x0  }
0x8c: {  	[sflag:s30] =	ssyncadd.s32 $0xFFFFF800  }
0x8d: {  	[spmem:s29] =	stream.linear.scatter [tilespmem:s13], [sflag:$0x5], $0x800, $0x38;
	[tilespmem:$0x12370] =	vst v63  }
0x8e: {  	_ =	swait.ge [sflag:s30], $0x800  }
0x8f: {  	s28 =	sld [smem:$0x7EE]  }
0x90: {  	[sflag:s30] =	ssyncset.done $0x0  }
0x91: {  	[sflag:s30] =	ssyncadd.s32 $0xFFFFF800  }
0x92: {  	[spmem:s28] =	stream.linear.scatter [tilespmem:s13], [sflag:$0x5], $0x800, $0x38;
	[tilespmem:$0x12370] =	vst v63  }
0x93: {  	_ =	swait.ge [sflag:s30], $0x800  }
0x94: {  	s29 =	sld [smem:$0x7F0]  }
0x95: {  	[sflag:s30] =	ssyncset.done $0x0  }
0x96: {  	[sflag:s30] =	ssyncadd.s32 $0xFFFFF800  }
0x97: {  	[spmem:s29] =	stream.linear.scatter [tilespmem:s13], [sflag:$0x5], $0x800, $0x38;
	[tilespmem:$0x12370] =	vst v63  }
0x98: {  	_ =	swait.ge [sflag:s30], $0x800  }
0x99: {  	s28 =	sld [smem:$0x7F2]  }
0x9a: {  	[sflag:s30] =	ssyncset.done $0x0  }
0x9b: {  	[sflag:s30] =	ssyncadd.s32 $0xFFFFF800  }
0x9c: {  	[spmem:s28] =	stream.linear.scatter [tilespmem:s13], [sflag:$0x5], $0x800, $0x38;
	[tilespmem:$0x12370] =	vst v63  }
0x9d: {  	_ =	swait.ge [sflag:s30], $0x800  }
0x9e: {  	s29 =	sld [smem:$0x7F4]  }
0x9f: {  	[sflag:s30] =	ssyncset.done $0x0  }
0xa0: {  	[sflag:s30] =	ssyncadd.s32 $0xFFFFF800  }
0xa1: {  	[spmem:s29] =	stream.linear.scatter [tilespmem:s13], [sflag:$0x5], $0x800, $0x38;
	[tilespmem:$0x12370] =	vst v63  }
0xa2: {  	_ =	swait.ge [sflag:s30], $0x800  }
0xa3: {  	s28 =	sld [smem:$0x7F5]  }
0xa4: {  	[sflag:s30] =	ssyncset.done $0x0  }
0xa5: {  	[sflag:s30] =	ssyncadd.s32 $0xFFFFF800  }
0xa6: {  	[spmem:s28] =	stream.linear.scatter [tilespmem:s13], [sflag:$0x5], $0x800, $0x38;
	[tilespmem:$0x12370] =	vst v63  }
0xa7: {  	_ =	swait.ge [sflag:s30], $0x800  }
0xa8: {  	s29 =	sld [smem:$0x7F7]  }
0xa9: {  	[sflag:s30] =	ssyncset.done $0x0  }
0xaa: {  	[sflag:s30] =	ssyncadd.s32 $0xFFFFF800  }
0xab: {  	[spmem:s29] =	stream.linear.scatter [tilespmem:s13], [sflag:$0x5], $0x800, $0x38;
	[tilespmem:$0x12370] =	vst v63  }
0xac: {  	_ =	swait.ge [sflag:s30], $0x800  }
0xad: {  	s28 =	sld [smem:$0x7FB]  }
0xae: {  	[sflag:s30] =	ssyncset.done $0x0  }
0xaf: {  	[sflag:s30] =	ssyncadd.s32 $0xFFFFF800  }
0xb0: {  	[spmem:s28] =	stream.linear.scatter [tilespmem:s13], [sflag:$0x5], $0x800, $0x38;
	[tilespmem:$0x12370] =	vst v63  }
0xb1: {  	_ =	swait.ge [sflag:s30], $0x800  }
0xb2: {  	s29 =	sld [smem:$0x7FD]  }
0xb3: {  	[sflag:s30] =	ssyncset.done $0x0  }
0xb4: {  	[sflag:s30] =	ssyncadd.s32 $0xFFFFF800  }
0xb5: {  	[spmem:s29] =	stream.linear.scatter [tilespmem:s13], [sflag:$0x5], $0x800, $0x38;
	[tilespmem:$0x12370] =	vst v63  }
0xb6: {  	_ =	swait.ge [sflag:s30], $0x800  }
0xb7: {  	[sflag:s30] =	ssyncset.done $0x0  }
0xb8: {  	[sflag:s30] =	ssyncadd.s32 $0xFFFFF800  }
0xb9: {  	s5 =	simm.s32 $0x0;
	[bflag:$0x0] =	sbarrier.arrive $0xFFFF  }
.LBB2_6:
0xba: {  	s28 =	rddreg [dreg:$0x4]  }
0xbb: {  	s29 =	rddreg [dreg:$0x5];
	s28 =	sadd.s32 s5, s28  }
0xbc: {  	[tilespmem:s31], [sflag:$0x1] =	stream.linear.gather [hbm4b:s28+s3], $0x7D0, $0x38;
	[tilespmem:$0x12370] =	vst v63  }
0xbd: {  	s13 =	rddreg [dreg:$0x6];
	s29 =	sadd.s32 s5, s29  }
0xbe: {  	[tilespmem:s13], [sflag:$0x2] =	stream.linear.gather [hbm4b:s29+s3], $0x7D0, $0x38;
	[tilespmem:$0x12370] =	vst v63  }
0xbf: {  	_ =	swait.ge [sflag:s1], $0x7D0  }
0xc0: {  	[sflag:s1] =	ssyncset.done $0x0  }
0xc1: {  	[sflag:s1] =	ssyncadd.s32 $0xFFFFF830  }
0xc2: {  	_ =	swait.ge [sflag:s0], $0x7D0  }
0xc3: {  	[sflag:s0] =	ssyncset.done $0x0  }
0xc4: {  	[sflag:s0] =	ssyncadd.s32 $0xFFFFF830  }
0xc5: {  	[tilespmem:s7], [sflag:$0x1] =	stream.indirect.gather [hbm4b:s4+s6], $0x40, s31, s6, $0xb8;
	[tilespmem:$0x12370] =	vst v63  }
0xc6: {  	v3 =	vld [tilespmem:$0xA000]  }
0xc7: {  	v4 =	vld [tilespmem:$0xA7D0];
	_ =	sdelay $0x4  }
0xc8: {  	vm0 =	veq.s32 v3, v4  }
0xc9: {  	v3 =	vsel vm0, $0x2710, v4;
	_ =	sdelay $0x3  }
0xca: {  	[tilespmem:$0xAFA0] =	vst v3  }
0xcb: {  	[tilespmem:v3+s8+$0x0] =	vst.idx.add.f32.msk $0xffff, v2  }
0xcc: {  	v3 =	vld [tilespmem:$0xA010]  }
0xcd: {  	v52 =	vld [tilespmem:$0xA7E0];
	_ =	sdelay $0x4  }
0xce: {  	vm12 =	veq.s32 v3, v52  }
0xcf: {  	v3 =	vsel vm12, $0x2710, v52;
	_ =	sdelay $0x3  }
0xd0: {  	[tilespmem:$0xAFB0] =	vst v3  }
0xd1: {  	[tilespmem:v3+s8+$0x0] =	vst.idx.add.f32.msk $0xffff, v2  }
0xd2: {  	v3 =	vld [tilespmem:$0xA020]  }
0xd3: {  	v53 =	vld [tilespmem:$0xA7F0];
	_ =	sdelay $0x4  }
0xd4: {  	vm13 =	veq.s32 v3, v53  }
0xd5: {  	v3 =	vsel vm13, $0x2710, v53;
	_ =	sdelay $0x3  }
0xd6: {  	[tilespmem:$0xAFC0] =	vst v3  }
0xd7: {  	[tilespmem:v3+s8+$0x0] =	vst.idx.add.f32.msk $0xffff, v2  }
0xd8: {  	v3 =	vld [tilespmem:$0xA030]  }
0xd9: {  	v54 =	vld [tilespmem:$0xA800];
	_ =	sdelay $0x4  }
0xda: {  	vm14 =	veq.s32 v3, v54  }
0xdb: {  	v3 =	vsel vm14, $0x2710, v54;
	_ =	sdelay $0x3  }
0xdc: {  	[tilespmem:$0xAFD0] =	vst v3  }
0xdd: {  	[tilespmem:v3+s8+$0x0] =	vst.idx.add.f32.msk $0xffff, v2  }
0xde: {  	v3 =	vld [tilespmem:$0xA040]  }
0xdf: {  	v55 =	vld [tilespmem:$0xA810];
	_ =	sdelay $0x4  }
0xe0: {  	vm15 =	veq.s32 v3, v55  }
0xe1: {  	v3 =	vsel vm15, $0x2710, v55;
	_ =	sdelay $0x3  }
0xe2: {  	[tilespmem:$0xAFE0] =	vst v3  }
0xe3: {  	s28 =	rddreg [dreg:$0x7];
	[tilespmem:v3+s8+$0x0] =	vst.idx.add.f32.msk $0xffff, v2  }
0xe4: {  	[tilespmem:s9], [sflag:$0x2] =	stream.indirect.gather [hbm4b:s4+s6], $0x40, s28, s6, $0xb8;
	[tilespmem:$0x12370] =	vst v63  }
0xe5: {  	v3 =	vld [tilespmem:$0xA050]  }
0xe6: {  	v56 =	vld [tilespmem:$0xA820];
	_ =	sdelay $0x4  }
0xe7: {  	vm4 =	veq.s32 v3, v56  }
0xe8: {  	v3 =	vsel vm4, $0x2710, v56;
	_ =	sdelay $0x3  }
0xe9: {  	[tilespmem:$0xAFF0] =	vst v3  }
0xea: {  	[tilespmem:v3+s8+$0x0] =	vst.idx.add.f32.msk $0xffff, v2  }
0xeb: {  	v3 =	vld [tilespmem:$0xA060]  }
0xec: {  	v57 =	vld [tilespmem:$0xA830];
	_ =	sdelay $0x4  }
0xed: {  	vm5 =	veq.s32 v3, v57  }
0xee: {  	v3 =	vsel vm5, $0x2710, v57;
	_ =	sdelay $0x3  }
0xef: {  	[tilespmem:$0xB000] =	vst v3  }
0xf0: {  	[tilespmem:v3+s8+$0x0] =	vst.idx.add.f32.msk $0xffff, v2  }
0xf1: {  	v3 =	vld [tilespmem:$0xA070]  }
0xf2: {  	v58 =	vld [tilespmem:$0xA840];
	_ =	sdelay $0x4  }
0xf3: {  	vm6 =	veq.s32 v3, v58  }
0xf4: {  	v3 =	vsel vm6, $0x2710, v58;
	_ =	sdelay $0x3  }
0xf5: {  	[tilespmem:$0xB010] =	vst v3  }
0xf6: {  	[tilespmem:v3+s8+$0x0] =	vst.idx.add.f32.msk $0xffff, v2  }
0xf7: {  	v3 =	vld [tilespmem:$0xA080]  }
0xf8: {  	v59 =	vld [tilespmem:$0xA850];
	_ =	sdelay $0x4  }
0xf9: {  	vm7 =	veq.s32 v3, v59  }
0xfa: {  	v3 =	vsel vm7, $0x2710, v59;
	_ =	sdelay $0x3  }
0xfb: {  	[tilespmem:$0xB020] =	vst v3  }
0xfc: {  	[tilespmem:v3+s8+$0x0] =	vst.idx.add.f32.msk $0xffff, v2  }
0xfd: {  	v3 =	vld [tilespmem:$0xA090]  }
0xfe: {  	v60 =	vld [tilespmem:$0xA860];
	_ =	sdelay $0x4  }
0xff: {  	vm8 =	veq.s32 v3, v60  }
0x100: {  	v3 =	vsel vm8, $0x2710, v60;
	_ =	sdelay $0x3  }
0x101: {  	[tilespmem:$0xB030] =	vst v3  }
0x102: {  	[tilespmem:v3+s8+$0x0] =	vst.idx.add.f32.msk $0xffff, v2  }
0x103: {  	_ =	swait.ge [sflag:s1], $0x1400  }
0x104: {  	[sflag:s1] =	ssyncset.done $0x0  }
0x105: {  	s13 =	rddreg [dreg:$0x8];
	[sflag:s1] =	ssyncadd.s32 $0xFFFFEC00  }
0x106: {  	[spmem:s2] =	stream.indirect.scatter.add.bf16 [tilespmem:s7], [sflag:$0x4], $0x40, s13, s6, $0xb8;
	[tilespmem:$0x12370] =	vst v63  }
0x107: {  	s29 =	rddreg [dreg:$0x9]  }
0x108: {  	[tilespmem:s10], [sflag:$0x3] =	stream.indirect.gather [hbm4b:s4+s6], $0x40, s29, s6, $0xb8;
	[tilespmem:$0x12370] =	vst v63  }
0x109: {  	v3 =	vld [tilespmem:$0xA0A0]  }
0x10a: {  	v61 =	vld [tilespmem:$0xA870];
	_ =	sdelay $0x4  }
0x10b: {  	vm9 =	veq.s32 v3, v61  }
0x10c: {  	v3 =	vsel vm9, $0x2710, v61;
	_ =	sdelay $0x3  }
0x10d: {  	[tilespmem:$0xB040] =	vst v3  }
0x10e: {  	[tilespmem:v3+s8+$0x0] =	vst.idx.add.f32.msk $0xffff, v2  }
0x10f: {  	v3 =	vld [tilespmem:$0xA0B0]  }
0x110: {  	v62 =	vld [tilespmem:$0xA880];
	_ =	sdelay $0x4  }
0x111: {  	vm10 =	veq.s32 v3, v62  }
0x112: {  	v3 =	vsel vm10, $0x2710, v62;
	_ =	sdelay $0x3  }
0x113: {  	[tilespmem:$0xB050] =	vst v3  }
0x114: {  	[tilespmem:v3+s8+$0x0] =	vst.idx.add.f32.msk $0xffff, v2  }
0x115: {  	v3 =	vld [tilespmem:$0xA0C0]  }
0x116: {  	v63 =	vld [tilespmem:$0xA890];
	_ =	sdelay $0x4  }
0x117: {  	vm11 =	veq.s32 v3, v63  }
0x118: {  	v3 =	vsel vm11, $0x2710, v63;
	_ =	sdelay $0x3  }
0x119: {  	[tilespmem:$0xB060] =	vst v3  }
0x11a: {  	[tilespmem:v3+s8+$0x0] =	vst.idx.add.f32.msk $0xffff, v2  }
0x11b: {  	v3 =	vld [tilespmem:$0xA0D0]  }
0x11c: {  	v8 =	vld [tilespmem:$0xA8A0];
	_ =	sdelay $0x4  }
0x11d: {  	vm12 =	veq.s32 v3, v8  }
0x11e: {  	v3 =	vsel vm12, $0x2710, v8;
	_ =	sdelay $0x3  }
0x11f: {  	[tilespmem:$0xB070] =	vst v3  }
0x120: {  	[tilespmem:v3+s8+$0x0] =	vst.idx.add.f32.msk $0xffff, v2  }
0x121: {  	v3 =	vld [tilespmem:$0xA0E0]  }
0x122: {  	v9 =	vld [tilespmem:$0xA8B0];
	_ =	sdelay $0x4  }
0x123: {  	vm13 =	veq.s32 v3, v9  }
0x124: {  	v3 =	vsel vm13, $0x2710, v9;
	_ =	sdelay $0x3  }
0x125: {  	[tilespmem:$0xB080] =	vst v3  }
0x126: {  	[tilespmem:v3+s8+$0x0] =	vst.idx.add.f32.msk $0xffff, v2  }
0x127: {  	_ =	swait.ge [sflag:s0], $0x1400  }
0x128: {  	[sflag:s0] =	ssyncset.done $0x0  }
0x129: {  	s29 =	rddreg [dreg:$0xa];
	[sflag:s0] =	ssyncadd.s32 $0xFFFFEC00  }
0x12a: {  	[spmem:s2] =	stream.indirect.scatter.add.bf16 [tilespmem:s9], [sflag:$0x4], $0x40, s29, s6, $0xb8;
	[tilespmem:$0x12370] =	vst v63  }
0x12b: {  	_ =	swait.ge [sflag:s11], $0x1400  }
0x12c: {  	[sflag:s11] =	ssyncset.done $0x0  }
0x12d: {  	s28 =	rddreg [dreg:$0xb];
	[sflag:s11] =	ssyncadd.s32 $0xFFFFEC00  }
0x12e: {  	[tilespmem:s7], [sflag:$0x1] =	stream.indirect.gather [hbm4b:s4+s6], $0x40, s28, s6, $0xb8;
	[tilespmem:$0x12370] =	vst v63  }
0x12f: {  	v3 =	vld [tilespmem:$0xA0F0]  }
0x130: {  	v10 =	vld [tilespmem:$0xA8C0];
	_ =	sdelay $0x4  }
0x131: {  	vm14 =	veq.s32 v3, v10  }
0x132: {  	v3 =	vsel vm14, $0x2710, v10;
	_ =	sdelay $0x3  }
0x133: {  	[tilespmem:$0xB090] =	vst v3  }
0x134: {  	[tilespmem:v3+s8+$0x0] =	vst.idx.add.f32.msk $0xffff, v2  }
0x135: {  	v3 =	vld [tilespmem:$0xA100]  }
0x136: {  	v11 =	vld [tilespmem:$0xA8D0];
	_ =	sdelay $0x4  }
0x137: {  	vm15 =	veq.s32 v3, v11  }
0x138: {  	v3 =	vsel vm15, $0x2710, v11;
	_ =	sdelay $0x3  }
0x139: {  	[tilespmem:$0xB0A0] =	vst v3  }
0x13a: {  	[tilespmem:v3+s8+$0x0] =	vst.idx.add.f32.msk $0xffff, v2  }
0x13b: {  	v3 =	vld [tilespmem:$0xA110]  }
0x13c: {  	v12 =	vld [tilespmem:$0xA8E0];
	_ =	sdelay $0x4  }
0x13d: {  	vm4 =	veq.s32 v3, v12  }
0x13e: {  	v3 =	vsel vm4, $0x2710, v12;
	_ =	sdelay $0x3  }
0x13f: {  	[tilespmem:$0xB0B0] =	vst v3  }
0x140: {  	[tilespmem:v3+s8+$0x0] =	vst.idx.add.f32.msk $0xffff, v2  }
0x141: {  	v3 =	vld [tilespmem:$0xA120]  }
0x142: {  	v13 =	vld [tilespmem:$0xA8F0];
	_ =	sdelay $0x4  }
0x143: {  	vm5 =	veq.s32 v3, v13  }
0x144: {  	v3 =	vsel vm5, $0x2710, v13;
	_ =	sdelay $0x3  }
0x145: {  	[tilespmem:$0xB0C0] =	vst v3  }
0x146: {  	[tilespmem:v3+s8+$0x0] =	vst.idx.add.f32.msk $0xffff, v2  }
0x147: {  	v3 =	vld [tilespmem:$0xA130]  }
0x148: {  	v14 =	vld [tilespmem:$0xA900];
	_ =	sdelay $0x4  }
0x149: {  	vm6 =	veq.s32 v3, v14  }
0x14a: {  	v3 =	vsel vm6, $0x2710, v14;
	_ =	sdelay $0x3  }
0x14b: {  	[tilespmem:$0xB0D0] =	vst v3  }
0x14c: {  	[tilespmem:v3+s8+$0x0] =	vst.idx.add.f32.msk $0xffff, v2  }
0x14d: {  	_ =	swait.ge [sflag:s12], $0x1400  }
0x14e: {  	[sflag:s12] =	ssyncset.done $0x0  }
0x14f: {  	s29 =	rddreg [dreg:$0xc];
	[sflag:s12] =	ssyncadd.s32 $0xFFFFEC00  }
0x150: {  	[spmem:s2] =	stream.indirect.scatter.add.bf16 [tilespmem:s10], [sflag:$0x4], $0x40, s29, s6, $0xb8;
	[tilespmem:$0x12370] =	vst v63  }
0x151: {  	_ =	swait.ge [sflag:s11], $0x1400  }
0x152: {  	[sflag:s11] =	ssyncset.done $0x0  }
0x153: {  	s28 =	rddreg [dreg:$0xd];
	[sflag:s11] =	ssyncadd.s32 $0xFFFFEC00  }
0x154: {  	[tilespmem:s9], [sflag:$0x2] =	stream.indirect.gather [hbm4b:s4+s6], $0x40, s28, s6, $0xb8;
	[tilespmem:$0x12370] =	vst v63  }
0x155: {  	v3 =	vld [tilespmem:$0xA140]  }
0x156: {  	v15 =	vld [tilespmem:$0xA910];
	_ =	sdelay $0x4  }
0x157: {  	vm7 =	veq.s32 v3, v15  }
0x158: {  	v3 =	vsel vm7, $0x2710, v15;
	_ =	sdelay $0x3  }
0x159: {  	[tilespmem:$0xB0E0] =	vst v3  }
0x15a: {  	[tilespmem:v3+s8+$0x0] =	vst.idx.add.f32.msk $0xffff, v2  }
0x15b: {  	v3 =	vld [tilespmem:$0xA150]  }
0x15c: {  	v16 =	vld [tilespmem:$0xA920];
	_ =	sdelay $0x4  }
0x15d: {  	vm8 =	veq.s32 v3, v16  }
0x15e: {  	v3 =	vsel vm8, $0x2710, v16;
	_ =	sdelay $0x3  }
0x15f: {  	[tilespmem:$0xB0F0] =	vst v3  }
0x160: {  	[tilespmem:v3+s8+$0x0] =	vst.idx.add.f32.msk $0xffff, v2  }
0x161: {  	v3 =	vld [tilespmem:$0xA160]  }
0x162: {  	v17 =	vld [tilespmem:$0xA930];
	_ =	sdelay $0x4  }
0x163: {  	vm9 =	veq.s32 v3, v17  }
0x164: {  	v3 =	vsel vm9, $0x2710, v17;
	_ =	sdelay $0x3  }
0x165: {  	[tilespmem:$0xB100] =	vst v3  }
0x166: {  	[tilespmem:v3+s8+$0x0] =	vst.idx.add.f32.msk $0xffff, v2  }
0x167: {  	v3 =	vld [tilespmem:$0xA170]  }
0x168: {  	v18 =	vld [tilespmem:$0xA940];
	_ =	sdelay $0x4  }
0x169: {  	vm10 =	veq.s32 v3, v18  }
0x16a: {  	v3 =	vsel vm10, $0x2710, v18;
	_ =	sdelay $0x3  }
0x16b: {  	[tilespmem:$0xB110] =	vst v3  }
0x16c: {  	[tilespmem:v3+s8+$0x0] =	vst.idx.add.f32.msk $0xffff, v2  }
0x16d: {  	v3 =	vld [tilespmem:$0xA180]  }
0x16e: {  	v19 =	vld [tilespmem:$0xA950];
	_ =	sdelay $0x4  }
0x16f: {  	vm11 =	veq.s32 v3, v19  }
0x170: {  	v3 =	vsel vm11, $0x2710, v19;
	_ =	sdelay $0x3  }
0x171: {  	[tilespmem:$0xB120] =	vst v3  }
0x172: {  	[tilespmem:v3+s8+$0x0] =	vst.idx.add.f32.msk $0xffff, v2  }
0x173: {  	_ =	swait.ge [sflag:s1], $0x1400  }
0x174: {  	[sflag:s1] =	ssyncset.done $0x0  }
0x175: {  	s29 =	rddreg [dreg:$0xe];
	[sflag:s1] =	ssyncadd.s32 $0xFFFFEC00  }
0x176: {  	[spmem:s2] =	stream.indirect.scatter.add.bf16 [tilespmem:s7], [sflag:$0x4], $0x40, s29, s6, $0xb8;
	[tilespmem:$0x12370] =	vst v63  }
0x177: {  	_ =	swait.ge [sflag:s11], $0x1400  }
0x178: {  	[sflag:s11] =	ssyncset.done $0x0  }
0x179: {  	s28 =	rddreg [dreg:$0xf];
	[sflag:s11] =	ssyncadd.s32 $0xFFFFEC00  }
0x17a: {  	[tilespmem:s10], [sflag:$0x3] =	stream.indirect.gather [hbm4b:s4+s6], $0x40, s28, s6, $0xb8;
	[tilespmem:$0x12370] =	vst v63  }
0x17b: {  	v3 =	vld [tilespmem:$0xA190]  }
0x17c: {  	v20 =	vld [tilespmem:$0xA960];
	_ =	sdelay $0x4  }
0x17d: {  	vm12 =	veq.s32 v3, v20  }
0x17e: {  	v3 =	vsel vm12, $0x2710, v20;
	_ =	sdelay $0x3  }
0x17f: {  	[tilespmem:$0xB130] =	vst v3  }
0x180: {  	[tilespmem:v3+s8+$0x0] =	vst.idx.add.f32.msk $0xffff, v2  }
0x181: {  	v3 =	vld [tilespmem:$0xA1A0]  }
0x182: {  	v21 =	vld [tilespmem:$0xA970];
	_ =	sdelay $0x4  }
0x183: {  	vm13 =	veq.s32 v3, v21  }
0x184: {  	v3 =	vsel vm13, $0x2710, v21;
	_ =	sdelay $0x3  }
0x185: {  	[tilespmem:$0xB140] =	vst v3  }
0x186: {  	[tilespmem:v3+s8+$0x0] =	vst.idx.add.f32.msk $0xffff, v2  }
0x187: {  	v3 =	vld [tilespmem:$0xA1B0]  }
0x188: {  	v22 =	vld [tilespmem:$0xA980];
	_ =	sdelay $0x4  }
0x189: {  	vm14 =	veq.s32 v3, v22  }
0x18a: {  	v3 =	vsel vm14, $0x2710, v22;
	_ =	sdelay $0x3  }
0x18b: {  	[tilespmem:$0xB150] =	vst v3  }
0x18c: {  	[tilespmem:v3+s8+$0x0] =	vst.idx.add.f32.msk $0xffff, v2  }
0x18d: {  	v3 =	vld [tilespmem:$0xA1C0]  }
0x18e: {  	v23 =	vld [tilespmem:$0xA990];
	_ =	sdelay $0x4  }
0x18f: {  	vm15 =	veq.s32 v3, v23  }
0x190: {  	v3 =	vsel vm15, $0x2710, v23;
	_ =	sdelay $0x3  }
0x191: {  	[tilespmem:$0xB160] =	vst v3  }
0x192: {  	[tilespmem:v3+s8+$0x0] =	vst.idx.add.f32.msk $0xffff, v2  }
0x193: {  	v3 =	vld [tilespmem:$0xA1D0]  }
0x194: {  	v24 =	vld [tilespmem:$0xA9A0];
	_ =	sdelay $0x4  }
0x195: {  	vm4 =	veq.s32 v3, v24  }
0x196: {  	v3 =	vsel vm4, $0x2710, v24;
	_ =	sdelay $0x3  }
0x197: {  	[tilespmem:$0xB170] =	vst v3  }
0x198: {  	[tilespmem:v3+s8+$0x0] =	vst.idx.add.f32.msk $0xffff, v2  }
0x199: {  	_ =	swait.ge [sflag:s0], $0x1400  }
0x19a: {  	[sflag:s0] =	ssyncset.done $0x0  }
0x19b: {  	s29 =	rddreg [dreg:$0x10];
	[sflag:s0] =	ssyncadd.s32 $0xFFFFEC00  }
0x19c: {  	[spmem:s2] =	stream.indirect.scatter.add.bf16 [tilespmem:s9], [sflag:$0x4], $0x40, s29, s6, $0xb8;
	[tilespmem:$0x12370] =	vst v63  }
0x19d: {  	_ =	swait.ge [sflag:s11], $0x1400  }
0x19e: {  	[sflag:s11] =	ssyncset.done $0x0  }
0x19f: {  	s28 =	rddreg [dreg:$0x11];
	[sflag:s11] =	ssyncadd.s32 $0xFFFFEC00  }
0x1a0: {  	[tilespmem:s7], [sflag:$0x1] =	stream.indirect.gather [hbm4b:s4+s6], $0x40, s28, s6, $0xb8;
	[tilespmem:$0x12370] =	vst v63  }
0x1a1: {  	v3 =	vld [tilespmem:$0xA1E0]  }
0x1a2: {  	v25 =	vld [tilespmem:$0xA9B0];
	_ =	sdelay $0x4  }
0x1a3: {  	vm5 =	veq.s32 v3, v25  }
0x1a4: {  	v3 =	vsel vm5, $0x2710, v25;
	_ =	sdelay $0x3  }
0x1a5: {  	[tilespmem:$0xB180] =	vst v3  }
0x1a6: {  	[tilespmem:v3+s8+$0x0] =	vst.idx.add.f32.msk $0xffff, v2  }
0x1a7: {  	v3 =	vld [tilespmem:$0xA1F0]  }
0x1a8: {  	v26 =	vld [tilespmem:$0xA9C0];
	_ =	sdelay $0x4  }
0x1a9: {  	vm6 =	veq.s32 v3, v26  }
0x1aa: {  	v3 =	vsel vm6, $0x2710, v26;
	_ =	sdelay $0x3  }
0x1ab: {  	[tilespmem:$0xB190] =	vst v3  }
0x1ac: {  	[tilespmem:v3+s8+$0x0] =	vst.idx.add.f32.msk $0xffff, v2  }
0x1ad: {  	v3 =	vld [tilespmem:$0xA200]  }
0x1ae: {  	v27 =	vld [tilespmem:$0xA9D0];
	_ =	sdelay $0x4  }
0x1af: {  	vm7 =	veq.s32 v3, v27  }
0x1b0: {  	v3 =	vsel vm7, $0x2710, v27;
	_ =	sdelay $0x3  }
0x1b1: {  	[tilespmem:$0xB1A0] =	vst v3  }
0x1b2: {  	[tilespmem:v3+s8+$0x0] =	vst.idx.add.f32.msk $0xffff, v2  }
0x1b3: {  	v3 =	vld [tilespmem:$0xA210]  }
0x1b4: {  	v28 =	vld [tilespmem:$0xA9E0];
	_ =	sdelay $0x4  }
0x1b5: {  	vm8 =	veq.s32 v3, v28  }
0x1b6: {  	v3 =	vsel vm8, $0x2710, v28;
	_ =	sdelay $0x3  }
0x1b7: {  	[tilespmem:$0xB1B0] =	vst v3  }
0x1b8: {  	[tilespmem:v3+s8+$0x0] =	vst.idx.add.f32.msk $0xffff, v2  }
0x1b9: {  	v3 =	vld [tilespmem:$0xA220]  }
0x1ba: {  	v29 =	vld [tilespmem:$0xA9F0];
	_ =	sdelay $0x4  }
0x1bb: {  	vm9 =	veq.s32 v3, v29  }
0x1bc: {  	v3 =	vsel vm9, $0x2710, v29;
	_ =	sdelay $0x3  }
0x1bd: {  	[tilespmem:$0xB1C0] =	vst v3  }
0x1be: {  	[tilespmem:v3+s8+$0x0] =	vst.idx.add.f32.msk $0xffff, v2  }
0x1bf: {  	_ =	swait.ge [sflag:s12], $0x1400  }
0x1c0: {  	[sflag:s12] =	ssyncset.done $0x0  }
0x1c1: {  	s29 =	rddreg [dreg:$0x12];
	[sflag:s12] =	ssyncadd.s32 $0xFFFFEC00  }
0x1c2: {  	[spmem:s2] =	stream.indirect.scatter.add.bf16 [tilespmem:s10], [sflag:$0x4], $0x40, s29, s6, $0xb8;
	[tilespmem:$0x12370] =	vst v63  }
0x1c3: {  	_ =	swait.ge [sflag:s11], $0x1400  }
0x1c4: {  	[sflag:s11] =	ssyncset.done $0x0  }
0x1c5: {  	s28 =	rddreg [dreg:$0x13];
	[sflag:s11] =	ssyncadd.s32 $0xFFFFEC00  }
0x1c6: {  	[tilespmem:s9], [sflag:$0x2] =	stream.indirect.gather [hbm4b:s4+s6], $0x40, s28, s6, $0xb8;
	[tilespmem:$0x12370] =	vst v63  }
0x1c7: {  	v3 =	vld [tilespmem:$0xA230]  }
0x1c8: {  	v30 =	vld [tilespmem:$0xAA00];
	_ =	sdelay $0x4  }
0x1c9: {  	vm10 =	veq.s32 v3, v30  }
0x1ca: {  	v3 =	vsel vm10, $0x2710, v30;
	_ =	sdelay $0x3  }
0x1cb: {  	[tilespmem:$0xB1D0] =	vst v3  }
0x1cc: {  	[tilespmem:v3+s8+$0x0] =	vst.idx.add.f32.msk $0xffff, v2  }
0x1cd: {  	v3 =	vld [tilespmem:$0xA240]  }
0x1ce: {  	v31 =	vld [tilespmem:$0xAA10];
	_ =	sdelay $0x4  }
0x1cf: {  	vm11 =	veq.s32 v3, v31  }
0x1d0: {  	v3 =	vsel vm11, $0x2710, v31;
	_ =	sdelay $0x3  }
0x1d1: {  	[tilespmem:$0xB1E0] =	vst v3  }
0x1d2: {  	[tilespmem:v3+s8+$0x0] =	vst.idx.add.f32.msk $0xffff, v2  }
0x1d3: {  	v3 =	vld [tilespmem:$0xA250]  }
0x1d4: {  	v32 =	vld [tilespmem:$0xAA20];
	_ =	sdelay $0x4  }
0x1d5: {  	vm12 =	veq.s32 v3, v32  }
0x1d6: {  	v3 =	vsel vm12, $0x2710, v32;
	_ =	sdelay $0x3  }
0x1d7: {  	[tilespmem:$0xB1F0] =	vst v3  }
0x1d8: {  	[tilespmem:v3+s8+$0x0] =	vst.idx.add.f32.msk $0xffff, v2  }
0x1d9: {  	v3 =	vld [tilespmem:$0xA260]  }
0x1da: {  	v33 =	vld [tilespmem:$0xAA30];
	_ =	sdelay $0x4  }
0x1db: {  	vm13 =	veq.s32 v3, v33  }
0x1dc: {  	v3 =	vsel vm13, $0x2710, v33;
	_ =	sdelay $0x3  }
0x1dd: {  	[tilespmem:$0xB200] =	vst v3  }
0x1de: {  	[tilespmem:v3+s8+$0x0] =	vst.idx.add.f32.msk $0xffff, v2  }
0x1df: {  	v3 =	vld [tilespmem:$0xA270]  }
0x1e0: {  	v34 =	vld [tilespmem:$0xAA40];
	_ =	sdelay $0x4  }
0x1e1: {  	vm14 =	veq.s32 v3, v34  }
0x1e2: {  	v3 =	vsel vm14, $0x2710, v34;
	_ =	sdelay $0x3  }
0x1e3: {  	[tilespmem:$0xB210] =	vst v3  }
0x1e4: {  	[tilespmem:v3+s8+$0x0] =	vst.idx.add.f32.msk $0xffff, v2  }
0x1e5: {  	_ =	swait.ge [sflag:s1], $0x1400  }
0x1e6: {  	[sflag:s1] =	ssyncset.done $0x0  }
0x1e7: {  	s29 =	rddreg [dreg:$0x14];
	[sflag:s1] =	ssyncadd.s32 $0xFFFFEC00  }
0x1e8: {  	[spmem:s2] =	stream.indirect.scatter.add.bf16 [tilespmem:s7], [sflag:$0x4], $0x40, s29, s6, $0xb8;
	[tilespmem:$0x12370] =	vst v63  }
0x1e9: {  	_ =	swait.ge [sflag:s11], $0x1400  }
0x1ea: {  	[sflag:s11] =	ssyncset.done $0x0  }
0x1eb: {  	s28 =	rddreg [dreg:$0x15];
	[sflag:s11] =	ssyncadd.s32 $0xFFFFEC00  }
0x1ec: {  	[tilespmem:s10], [sflag:$0x3] =	stream.indirect.gather [hbm4b:s4+s6], $0x40, s28, s6, $0xb8;
	[tilespmem:$0x12370] =	vst v63  }
0x1ed: {  	v3 =	vld [tilespmem:$0xA280]  }
0x1ee: {  	v35 =	vld [tilespmem:$0xAA50];
	_ =	sdelay $0x4  }
0x1ef: {  	vm15 =	veq.s32 v3, v35  }
0x1f0: {  	v3 =	vsel vm15, $0x2710, v35;
	_ =	sdelay $0x3  }
0x1f1: {  	[tilespmem:$0xB220] =	vst v3  }
0x1f2: {  	[tilespmem:v3+s8+$0x0] =	vst.idx.add.f32.msk $0xffff, v2  }
0x1f3: {  	v3 =	vld [tilespmem:$0xA290]  }
0x1f4: {  	v36 =	vld [tilespmem:$0xAA60];
	_ =	sdelay $0x4  }
0x1f5: {  	vm4 =	veq.s32 v3, v36  }
0x1f6: {  	v3 =	vsel vm4, $0x2710, v36;
	_ =	sdelay $0x3  }
0x1f7: {  	[tilespmem:$0xB230] =	vst v3  }
0x1f8: {  	[tilespmem:v3+s8+$0x0] =	vst.idx.add.f32.msk $0xffff, v2  }
0x1f9: {  	v3 =	vld [tilespmem:$0xA2A0]  }
0x1fa: {  	v37 =	vld [tilespmem:$0xAA70];
	_ =	sdelay $0x4  }
0x1fb: {  	vm5 =	veq.s32 v3, v37  }
0x1fc: {  	v3 =	vsel vm5, $0x2710, v37;
	_ =	sdelay $0x3  }
0x1fd: {  	[tilespmem:$0xB240] =	vst v3  }
0x1fe: {  	[tilespmem:v3+s8+$0x0] =	vst.idx.add.f32.msk $0xffff, v2  }
0x1ff: {  	v3 =	vld [tilespmem:$0xA2B0]  }
0x200: {  	v38 =	vld [tilespmem:$0xAA80];
	_ =	sdelay $0x4  }
0x201: {  	vm6 =	veq.s32 v3, v38  }
0x202: {  	v3 =	vsel vm6, $0x2710, v38;
	_ =	sdelay $0x3  }
0x203: {  	[tilespmem:$0xB250] =	vst v3  }
0x204: {  	[tilespmem:v3+s8+$0x0] =	vst.idx.add.f32.msk $0xffff, v2  }
0x205: {  	v3 =	vld [tilespmem:$0xA2C0]  }
0x206: {  	v39 =	vld [tilespmem:$0xAA90];
	_ =	sdelay $0x4  }
0x207: {  	vm7 =	veq.s32 v3, v39  }
0x208: {  	v3 =	vsel vm7, $0x2710, v39;
	_ =	sdelay $0x3  }
0x209: {  	[tilespmem:$0xB260] =	vst v3  }
0x20a: {  	[tilespmem:v3+s8+$0x0] =	vst.idx.add.f32.msk $0xffff, v2  }
0x20b: {  	_ =	swait.ge [sflag:s0], $0x1400  }
0x20c: {  	[sflag:s0] =	ssyncset.done $0x0  }
0x20d: {  	s29 =	rddreg [dreg:$0x16];
	[sflag:s0] =	ssyncadd.s32 $0xFFFFEC00  }
0x20e: {  	[spmem:s2] =	stream.indirect.scatter.add.bf16 [tilespmem:s9], [sflag:$0x4], $0x40, s29, s6, $0xb8;
	[tilespmem:$0x12370] =	vst v63  }
0x20f: {  	_ =	swait.ge [sflag:s11], $0x1400  }
0x210: {  	[sflag:s11] =	ssyncset.done $0x0  }
0x211: {  	s28 =	rddreg [dreg:$0x17];
	[sflag:s11] =	ssyncadd.s32 $0xFFFFEC00  }
0x212: {  	[tilespmem:s7], [sflag:$0x1] =	stream.indirect.gather [hbm4b:s4+s6], $0x40, s28, s6, $0xb8;
	[tilespmem:$0x12370] =	vst v63  }
0x213: {  	v3 =	vld [tilespmem:$0xA2D0]  }
0x214: {  	v40 =	vld [tilespmem:$0xAAA0];
	_ =	sdelay $0x4  }
0x215: {  	vm8 =	veq.s32 v3, v40  }
0x216: {  	v3 =	vsel vm8, $0x2710, v40;
	_ =	sdelay $0x3  }
0x217: {  	[tilespmem:$0xB270] =	vst v3  }
0x218: {  	[tilespmem:v3+s8+$0x0] =	vst.idx.add.f32.msk $0xffff, v2  }
0x219: {  	v3 =	vld [tilespmem:$0xA2E0]  }
0x21a: {  	v41 =	vld [tilespmem:$0xAAB0];
	_ =	sdelay $0x4  }
0x21b: {  	vm9 =	veq.s32 v3, v41  }
0x21c: {  	v3 =	vsel vm9, $0x2710, v41;
	_ =	sdelay $0x3  }
0x21d: {  	[tilespmem:$0xB280] =	vst v3  }
0x21e: {  	[tilespmem:v3+s8+$0x0] =	vst.idx.add.f32.msk $0xffff, v2  }
0x21f: {  	v3 =	vld [tilespmem:$0xA2F0]  }
0x220: {  	v42 =	vld [tilespmem:$0xAAC0];
	_ =	sdelay $0x4  }
0x221: {  	vm10 =	veq.s32 v3, v42  }
0x222: {  	v3 =	vsel vm10, $0x2710, v42;
	_ =	sdelay $0x3  }
0x223: {  	[tilespmem:$0xB290] =	vst v3  }
0x224: {  	[tilespmem:v3+s8+$0x0] =	vst.idx.add.f32.msk $0xffff, v2  }
0x225: {  	v3 =	vld [tilespmem:$0xA300]  }
0x226: {  	v43 =	vld [tilespmem:$0xAAD0];
	_ =	sdelay $0x4  }
0x227: {  	vm11 =	veq.s32 v3, v43  }
0x228: {  	v3 =	vsel vm11, $0x2710, v43;
	_ =	sdelay $0x3  }
0x229: {  	[tilespmem:$0xB2A0] =	vst v3  }
0x22a: {  	[tilespmem:v3+s8+$0x0] =	vst.idx.add.f32.msk $0xffff, v2  }
0x22b: {  	v3 =	vld [tilespmem:$0xA310]  }
0x22c: {  	v44 =	vld [tilespmem:$0xAAE0];
	_ =	sdelay $0x4  }
0x22d: {  	vm12 =	veq.s32 v3, v44  }
0x22e: {  	v3 =	vsel vm12, $0x2710, v44;
	_ =	sdelay $0x3  }
0x22f: {  	[tilespmem:$0xB2B0] =	vst v3  }
0x230: {  	[tilespmem:v3+s8+$0x0] =	vst.idx.add.f32.msk $0xffff, v2  }
0x231: {  	_ =	swait.ge [sflag:s12], $0x1400  }
0x232: {  	[sflag:s12] =	ssyncset.done $0x0  }
0x233: {  	s29 =	rddreg [dreg:$0x18];
	[sflag:s12] =	ssyncadd.s32 $0xFFFFEC00  }
0x234: {  	[spmem:s2] =	stream.indirect.scatter.add.bf16 [tilespmem:s10], [sflag:$0x4], $0x40, s29, s6, $0xb8;
	[tilespmem:$0x12370] =	vst v63  }
0x235: {  	_ =	swait.ge [sflag:s11], $0x1400  }
0x236: {  	[sflag:s11] =	ssyncset.done $0x0  }
0x237: {  	s28 =	rddreg [dreg:$0x19];
	[sflag:s11] =	ssyncadd.s32 $0xFFFFEC00  }
0x238: {  	[tilespmem:s9], [sflag:$0x2] =	stream.indirect.gather [hbm4b:s4+s6], $0x40, s28, s6, $0xb8;
	[tilespmem:$0x12370] =	vst v63  }
0x239: {  	v3 =	vld [tilespmem:$0xA320]  }
0x23a: {  	v45 =	vld [tilespmem:$0xAAF0];
	_ =	sdelay $0x4  }
0x23b: {  	vm13 =	veq.s32 v3, v45  }
0x23c: {  	v3 =	vsel vm13, $0x2710, v45;
	_ =	sdelay $0x3  }
0x23d: {  	[tilespmem:$0xB2C0] =	vst v3  }
0x23e: {  	[tilespmem:v3+s8+$0x0] =	vst.idx.add.f32.msk $0xffff, v2  }
0x23f: {  	v3 =	vld [tilespmem:$0xA330]  }
0x240: {  	v46 =	vld [tilespmem:$0xAB00];
	_ =	sdelay $0x4  }
0x241: {  	vm14 =	veq.s32 v3, v46  }
0x242: {  	v3 =	vsel vm14, $0x2710, v46;
	_ =	sdelay $0x3  }
0x243: {  	[tilespmem:$0xB2D0] =	vst v3  }
0x244: {  	[tilespmem:v3+s8+$0x0] =	vst.idx.add.f32.msk $0xffff, v2  }
0x245: {  	v3 =	vld [tilespmem:$0xA340]  }
0x246: {  	v47 =	vld [tilespmem:$0xAB10];
	_ =	sdelay $0x4  }
0x247: {  	vm15 =	veq.s32 v3, v47  }
0x248: {  	v3 =	vsel vm15, $0x2710, v47;
	_ =	sdelay $0x3  }
0x249: {  	[tilespmem:$0xB2E0] =	vst v3  }
0x24a: {  	[tilespmem:v3+s8+$0x0] =	vst.idx.add.f32.msk $0xffff, v2  }
0x24b: {  	v3 =	vld [tilespmem:$0xA350]  }
0x24c: {  	v48 =	vld [tilespmem:$0xAB20];
	_ =	sdelay $0x4  }
0x24d: {  	vm4 =	veq.s32 v3, v48  }
0x24e: {  	v3 =	vsel vm4, $0x2710, v48;
	_ =	sdelay $0x3  }
0x24f: {  	[tilespmem:$0xB2F0] =	vst v3  }
0x250: {  	[tilespmem:v3+s8+$0x0] =	vst.idx.add.f32.msk $0xffff, v2  }
0x251: {  	v3 =	vld [tilespmem:$0xA360]  }
0x252: {  	v49 =	vld [tilespmem:$0xAB30];
	_ =	sdelay $0x4  }
0x253: {  	vm5 =	veq.s32 v3, v49  }
0x254: {  	v3 =	vsel vm5, $0x2710, v49;
	_ =	sdelay $0x3  }
0x255: {  	[tilespmem:$0xB300] =	vst v3  }
0x256: {  	[tilespmem:v3+s8+$0x0] =	vst.idx.add.f32.msk $0xffff, v2  }
0x257: {  	_ =	swait.ge [sflag:s1], $0x1400  }
0x258: {  	[sflag:s1] =	ssyncset.done $0x0  }
0x259: {  	s29 =	rddreg [dreg:$0x1a];
	[sflag:s1] =	ssyncadd.s32 $0xFFFFEC00  }
0x25a: {  	[spmem:s2] =	stream.indirect.scatter.add.bf16 [tilespmem:s7], [sflag:$0x4], $0x40, s29, s6, $0xb8;
	[tilespmem:$0x12370] =	vst v63  }
0x25b: {  	_ =	swait.ge [sflag:s11], $0x1400  }
0x25c: {  	[sflag:s11] =	ssyncset.done $0x0  }
0x25d: {  	s28 =	rddreg [dreg:$0x1b];
	[sflag:s11] =	ssyncadd.s32 $0xFFFFEC00  }
0x25e: {  	[tilespmem:s10], [sflag:$0x3] =	stream.indirect.gather [hbm4b:s4+s6], $0x40, s28, s6, $0xb8;
	[tilespmem:$0x12370] =	vst v63  }
0x25f: {  	v3 =	vld [tilespmem:$0xA370]  }
0x260: {  	v50 =	vld [tilespmem:$0xAB40];
	_ =	sdelay $0x4  }
0x261: {  	vm6 =	veq.s32 v3, v50  }
0x262: {  	v3 =	vsel vm6, $0x2710, v50;
	_ =	sdelay $0x3  }
0x263: {  	[tilespmem:$0xB310] =	vst v3  }
0x264: {  	[tilespmem:v3+s8+$0x0] =	vst.idx.add.f32.msk $0xffff, v2  }
0x265: {  	v3 =	vld [tilespmem:$0xA380]  }
0x266: {  	v51 =	vld [tilespmem:$0xAB50];
	_ =	sdelay $0x4  }
0x267: {  	vm7 =	veq.s32 v3, v51  }
0x268: {  	v3 =	vsel vm7, $0x2710, v51;
	_ =	sdelay $0x3  }
0x269: {  	[tilespmem:$0xB320] =	vst v3  }
0x26a: {  	[tilespmem:v3+s8+$0x0] =	vst.idx.add.f32.msk $0xffff, v2  }
0x26b: {  	v3 =	vld [tilespmem:$0xA390]  }
0x26c: {  	v52 =	vld [tilespmem:$0xAB60];
	_ =	sdelay $0x4  }
0x26d: {  	vm8 =	veq.s32 v3, v52  }
0x26e: {  	v3 =	vsel vm8, $0x2710, v52;
	_ =	sdelay $0x3  }
0x26f: {  	[tilespmem:$0xB330] =	vst v3  }
0x270: {  	[tilespmem:v3+s8+$0x0] =	vst.idx.add.f32.msk $0xffff, v2  }
0x271: {  	v3 =	vld [tilespmem:$0xA3A0]  }
0x272: {  	v53 =	vld [tilespmem:$0xAB70];
	_ =	sdelay $0x4  }
0x273: {  	vm9 =	veq.s32 v3, v53  }
0x274: {  	v3 =	vsel vm9, $0x2710, v53;
	_ =	sdelay $0x3  }
0x275: {  	[tilespmem:$0xB340] =	vst v3  }
0x276: {  	[tilespmem:v3+s8+$0x0] =	vst.idx.add.f32.msk $0xffff, v2  }
0x277: {  	v3 =	vld [tilespmem:$0xA3B0]  }
0x278: {  	v54 =	vld [tilespmem:$0xAB80];
	_ =	sdelay $0x4  }
0x279: {  	vm10 =	veq.s32 v3, v54  }
0x27a: {  	v3 =	vsel vm10, $0x2710, v54;
	_ =	sdelay $0x3  }
0x27b: {  	[tilespmem:$0xB350] =	vst v3  }
0x27c: {  	[tilespmem:v3+s8+$0x0] =	vst.idx.add.f32.msk $0xffff, v2  }
0x27d: {  	_ =	swait.ge [sflag:s0], $0x1400  }
0x27e: {  	[sflag:s0] =	ssyncset.done $0x0  }
0x27f: {  	s29 =	rddreg [dreg:$0x1c];
	[sflag:s0] =	ssyncadd.s32 $0xFFFFEC00  }
0x280: {  	[spmem:s2] =	stream.indirect.scatter.add.bf16 [tilespmem:s9], [sflag:$0x4], $0x40, s29, s6, $0xb8;
	[tilespmem:$0x12370] =	vst v63  }
0x281: {  	_ =	swait.ge [sflag:s11], $0x1400  }
0x282: {  	[sflag:s11] =	ssyncset.done $0x0  }
0x283: {  	s28 =	rddreg [dreg:$0x1d];
	[sflag:s11] =	ssyncadd.s32 $0xFFFFEC00  }
0x284: {  	[tilespmem:s7], [sflag:$0x1] =	stream.indirect.gather [hbm4b:s4+s6], $0x40, s28, s6, $0xb8;
	[tilespmem:$0x12370] =	vst v63  }
0x285: {  	v3 =	vld [tilespmem:$0xA3C0]  }
0x286: {  	v55 =	vld [tilespmem:$0xAB90];
	_ =	sdelay $0x4  }
0x287: {  	vm11 =	veq.s32 v3, v55  }
0x288: {  	v3 =	vsel vm11, $0x2710, v55;
	_ =	sdelay $0x3  }
0x289: {  	[tilespmem:$0xB360] =	vst v3  }
0x28a: {  	[tilespmem:v3+s8+$0x0] =	vst.idx.add.f32.msk $0xffff, v2  }
0x28b: {  	v3 =	vld [tilespmem:$0xA3D0]  }
0x28c: {  	v56 =	vld [tilespmem:$0xABA0];
	_ =	sdelay $0x4  }
0x28d: {  	vm12 =	veq.s32 v3, v56  }
0x28e: {  	v3 =	vsel vm12, $0x2710, v56;
	_ =	sdelay $0x3  }
0x28f: {  	[tilespmem:$0xB370] =	vst v3  }
0x290: {  	[tilespmem:v3+s8+$0x0] =	vst.idx.add.f32.msk $0xffff, v2  }
0x291: {  	v3 =	vld [tilespmem:$0xA3E0]  }
0x292: {  	v57 =	vld [tilespmem:$0xABB0];
	_ =	sdelay $0x4  }
0x293: {  	vm13 =	veq.s32 v3, v57  }
0x294: {  	v3 =	vsel vm13, $0x2710, v57;
	_ =	sdelay $0x3  }
0x295: {  	[tilespmem:$0xB380] =	vst v3  }
0x296: {  	[tilespmem:v3+s8+$0x0] =	vst.idx.add.f32.msk $0xffff, v2  }
0x297: {  	v3 =	vld [tilespmem:$0xA3F0]  }
0x298: {  	v58 =	vld [tilespmem:$0xABC0];
	_ =	sdelay $0x4  }
0x299: {  	vm14 =	veq.s32 v3, v58  }
0x29a: {  	v3 =	vsel vm14, $0x2710, v58;
	_ =	sdelay $0x3  }
0x29b: {  	[tilespmem:$0xB390] =	vst v3  }
0x29c: {  	[tilespmem:v3+s8+$0x0] =	vst.idx.add.f32.msk $0xffff, v2  }
0x29d: {  	v3 =	vld [tilespmem:$0xA400]  }
0x29e: {  	v59 =	vld [tilespmem:$0xABD0];
	_ =	sdelay $0x4  }
0x29f: {  	vm15 =	veq.s32 v3, v59  }
0x2a0: {  	v3 =	vsel vm15, $0x2710, v59;
	_ =	sdelay $0x3  }
0x2a1: {  	[tilespmem:$0xB3A0] =	vst v3  }
0x2a2: {  	[tilespmem:v3+s8+$0x0] =	vst.idx.add.f32.msk $0xffff, v2  }
0x2a3: {  	_ =	swait.ge [sflag:s12], $0x1400  }
0x2a4: {  	[sflag:s12] =	ssyncset.done $0x0  }
0x2a5: {  	s29 =	rddreg [dreg:$0x1e];
	[sflag:s12] =	ssyncadd.s32 $0xFFFFEC00  }
0x2a6: {  	[spmem:s2] =	stream.indirect.scatter.add.bf16 [tilespmem:s10], [sflag:$0x4], $0x40, s29, s6, $0xb8;
	[tilespmem:$0x12370] =	vst v63  }
0x2a7: {  	_ =	swait.ge [sflag:s11], $0x1400  }
0x2a8: {  	[sflag:s11] =	ssyncset.done $0x0  }
0x2a9: {  	s28 =	rddreg [dreg:$0x1f];
	[sflag:s11] =	ssyncadd.s32 $0xFFFFEC00  }
0x2aa: {  	[tilespmem:s9], [sflag:$0x2] =	stream.indirect.gather [hbm4b:s4+s6], $0x40, s28, s6, $0xb8;
	[tilespmem:$0x12370] =	vst v63  }
0x2ab: {  	v3 =	vld [tilespmem:$0xA410]  }
0x2ac: {  	v60 =	vld [tilespmem:$0xABE0];
	_ =	sdelay $0x4  }
0x2ad: {  	vm4 =	veq.s32 v3, v60  }
0x2ae: {  	v3 =	vsel vm4, $0x2710, v60;
	_ =	sdelay $0x3  }
0x2af: {  	[tilespmem:$0xB3B0] =	vst v3  }
0x2b0: {  	[tilespmem:v3+s8+$0x0] =	vst.idx.add.f32.msk $0xffff, v2  }
0x2b1: {  	v3 =	vld [tilespmem:$0xA420]  }
0x2b2: {  	v61 =	vld [tilespmem:$0xABF0];
	_ =	sdelay $0x4  }
0x2b3: {  	vm5 =	veq.s32 v3, v61  }
0x2b4: {  	v3 =	vsel vm5, $0x2710, v61;
	_ =	sdelay $0x3  }
0x2b5: {  	[tilespmem:$0xB3C0] =	vst v3  }
0x2b6: {  	[tilespmem:v3+s8+$0x0] =	vst.idx.add.f32.msk $0xffff, v2  }
0x2b7: {  	v3 =	vld [tilespmem:$0xA430]  }
0x2b8: {  	v62 =	vld [tilespmem:$0xAC00];
	_ =	sdelay $0x4  }
0x2b9: {  	vm6 =	veq.s32 v3, v62  }
0x2ba: {  	v3 =	vsel vm6, $0x2710, v62;
	_ =	sdelay $0x3  }
0x2bb: {  	[tilespmem:$0xB3D0] =	vst v3  }
0x2bc: {  	[tilespmem:v3+s8+$0x0] =	vst.idx.add.f32.msk $0xffff, v2  }
0x2bd: {  	v3 =	vld [tilespmem:$0xA440]  }
0x2be: {  	v63 =	vld [tilespmem:$0xAC10];
	_ =	sdelay $0x4  }
0x2bf: {  	vm7 =	veq.s32 v3, v63  }
0x2c0: {  	v3 =	vsel vm7, $0x2710, v63;
	_ =	sdelay $0x3  }
0x2c1: {  	[tilespmem:$0xB3E0] =	vst v3  }
0x2c2: {  	[tilespmem:v3+s8+$0x0] =	vst.idx.add.f32.msk $0xffff, v2  }
0x2c3: {  	v3 =	vld [tilespmem:$0xA450]  }
0x2c4: {  	v8 =	vld [tilespmem:$0xAC20];
	_ =	sdelay $0x4  }
0x2c5: {  	vm8 =	veq.s32 v3, v8  }
0x2c6: {  	v3 =	vsel vm8, $0x2710, v8;
	_ =	sdelay $0x3  }
0x2c7: {  	[tilespmem:$0xB3F0] =	vst v3  }
0x2c8: {  	[tilespmem:v3+s8+$0x0] =	vst.idx.add.f32.msk $0xffff, v2  }
0x2c9: {  	_ =	swait.ge [sflag:s1], $0x1400  }
0x2ca: {  	s29 =	sld [smem:$0x7E3]  }
0x2cb: {  	[sflag:s1] =	ssyncset.done $0x0  }
0x2cc: {  	[sflag:s1] =	ssyncadd.s32 $0xFFFFEC00  }
0x2cd: {  	[spmem:s2] =	stream.indirect.scatter.add.bf16 [tilespmem:s7], [sflag:$0x4], $0x40, s29, s6, $0xb8;
	[tilespmem:$0x12370] =	vst v63  }
0x2ce: {  	_ =	swait.ge [sflag:s11], $0x1400  }
0x2cf: {  	s28 =	sld [smem:$0x7E5]  }
0x2d0: {  	[sflag:s11] =	ssyncset.done $0x0  }
0x2d1: {  	[sflag:s11] =	ssyncadd.s32 $0xFFFFEC00  }
0x2d2: {  	[tilespmem:s10], [sflag:$0x3] =	stream.indirect.gather [hbm4b:s4+s6], $0x40, s28, s6, $0xb8;
	[tilespmem:$0x12370] =	vst v63  }
0x2d3: {  	v3 =	vld [tilespmem:$0xA460]  }
0x2d4: {  	v9 =	vld [tilespmem:$0xAC30];
	_ =	sdelay $0x4  }
0x2d5: {  	vm9 =	veq.s32 v3, v9  }
0x2d6: {  	v3 =	vsel vm9, $0x2710, v9;
	_ =	sdelay $0x3  }
0x2d7: {  	[tilespmem:$0xB400] =	vst v3  }
0x2d8: {  	[tilespmem:v3+s8+$0x0] =	vst.idx.add.f32.msk $0xffff, v2  }
0x2d9: {  	v3 =	vld [tilespmem:$0xA470]  }
0x2da: {  	v10 =	vld [tilespmem:$0xAC40];
	_ =	sdelay $0x4  }
0x2db: {  	vm10 =	veq.s32 v3, v10  }
0x2dc: {  	v3 =	vsel vm10, $0x2710, v10;
	_ =	sdelay $0x3  }
0x2dd: {  	[tilespmem:$0xB410] =	vst v3  }
0x2de: {  	[tilespmem:v3+s8+$0x0] =	vst.idx.add.f32.msk $0xffff, v2  }
0x2df: {  	v3 =	vld [tilespmem:$0xA480]  }
0x2e0: {  	v11 =	vld [tilespmem:$0xAC50];
	_ =	sdelay $0x4  }
0x2e1: {  	vm11 =	veq.s32 v3, v11  }
0x2e2: {  	v3 =	vsel vm11, $0x2710, v11;
	_ =	sdelay $0x3  }
0x2e3: {  	[tilespmem:$0xB420] =	vst v3  }
0x2e4: {  	[tilespmem:v3+s8+$0x0] =	vst.idx.add.f32.msk $0xffff, v2  }
0x2e5: {  	v3 =	vld [tilespmem:$0xA490]  }
0x2e6: {  	v12 =	vld [tilespmem:$0xAC60];
	_ =	sdelay $0x4  }
0x2e7: {  	vm12 =	veq.s32 v3, v12  }
0x2e8: {  	v3 =	vsel vm12, $0x2710, v12;
	_ =	sdelay $0x3  }
0x2e9: {  	[tilespmem:$0xB430] =	vst v3  }
0x2ea: {  	[tilespmem:v3+s8+$0x0] =	vst.idx.add.f32.msk $0xffff, v2  }
0x2eb: {  	v3 =	vld [tilespmem:$0xA4A0]  }
0x2ec: {  	v13 =	vld [tilespmem:$0xAC70];
	_ =	sdelay $0x4  }
0x2ed: {  	vm13 =	veq.s32 v3, v13  }
0x2ee: {  	v3 =	vsel vm13, $0x2710, v13;
	_ =	sdelay $0x3  }
0x2ef: {  	[tilespmem:$0xB440] =	vst v3  }
0x2f0: {  	[tilespmem:v3+s8+$0x0] =	vst.idx.add.f32.msk $0xffff, v2  }
0x2f1: {  	_ =	swait.ge [sflag:s0], $0x1400  }
0x2f2: {  	s29 =	sld [smem:$0x7E7]  }
0x2f3: {  	[sflag:s0] =	ssyncset.done $0x0  }
0x2f4: {  	[sflag:s0] =	ssyncadd.s32 $0xFFFFEC00  }
0x2f5: {  	[spmem:s2] =	stream.indirect.scatter.add.bf16 [tilespmem:s9], [sflag:$0x4], $0x40, s29, s6, $0xb8;
	[tilespmem:$0x12370] =	vst v63  }
0x2f6: {  	_ =	swait.ge [sflag:s11], $0x1400  }
0x2f7: {  	s28 =	sld [smem:$0x7E9]  }
0x2f8: {  	[sflag:s11] =	ssyncset.done $0x0  }
0x2f9: {  	[sflag:s11] =	ssyncadd.s32 $0xFFFFEC00  }
0x2fa: {  	[tilespmem:s7], [sflag:$0x1] =	stream.indirect.gather [hbm4b:s4+s6], $0x40, s28, s6, $0xb8;
	[tilespmem:$0x12370] =	vst v63  }
0x2fb: {  	v3 =	vld [tilespmem:$0xA4B0]  }
0x2fc: {  	v14 =	vld [tilespmem:$0xAC80];
	_ =	sdelay $0x4  }
0x2fd: {  	vm14 =	veq.s32 v3, v14  }
0x2fe: {  	v3 =	vsel vm14, $0x2710, v14;
	_ =	sdelay $0x3  }
0x2ff: {  	[tilespmem:$0xB450] =	vst v3  }
0x300: {  	[tilespmem:v3+s8+$0x0] =	vst.idx.add.f32.msk $0xffff, v2  }
0x301: {  	v3 =	vld [tilespmem:$0xA4C0]  }
0x302: {  	v15 =	vld [tilespmem:$0xAC90];
	_ =	sdelay $0x4  }
0x303: {  	vm15 =	veq.s32 v3, v15  }
0x304: {  	v3 =	vsel vm15, $0x2710, v15;
	_ =	sdelay $0x3  }
0x305: {  	[tilespmem:$0xB460] =	vst v3  }
0x306: {  	[tilespmem:v3+s8+$0x0] =	vst.idx.add.f32.msk $0xffff, v2  }
0x307: {  	v3 =	vld [tilespmem:$0xA4D0]  }
0x308: {  	v16 =	vld [tilespmem:$0xACA0];
	_ =	sdelay $0x4  }
0x309: {  	vm4 =	veq.s32 v3, v16  }
0x30a: {  	v3 =	vsel vm4, $0x2710, v16;
	_ =	sdelay $0x3  }
0x30b: {  	[tilespmem:$0xB470] =	vst v3  }
0x30c: {  	[tilespmem:v3+s8+$0x0] =	vst.idx.add.f32.msk $0xffff, v2  }
0x30d: {  	v3 =	vld [tilespmem:$0xA4E0]  }
0x30e: {  	v17 =	vld [tilespmem:$0xACB0];
	_ =	sdelay $0x4  }
0x30f: {  	vm5 =	veq.s32 v3, v17  }
0x310: {  	v3 =	vsel vm5, $0x2710, v17;
	_ =	sdelay $0x3  }
0x311: {  	[tilespmem:$0xB480] =	vst v3  }
0x312: {  	[tilespmem:v3+s8+$0x0] =	vst.idx.add.f32.msk $0xffff, v2  }
0x313: {  	v3 =	vld [tilespmem:$0xA4F0]  }
0x314: {  	v18 =	vld [tilespmem:$0xACC0];
	_ =	sdelay $0x4  }
0x315: {  	vm6 =	veq.s32 v3, v18  }
0x316: {  	v3 =	vsel vm6, $0x2710, v18;
	_ =	sdelay $0x3  }
0x317: {  	[tilespmem:$0xB490] =	vst v3  }
0x318: {  	[tilespmem:v3+s8+$0x0] =	vst.idx.add.f32.msk $0xffff, v2  }
0x319: {  	_ =	swait.ge [sflag:s12], $0x1400  }
0x31a: {  	s29 =	sld [smem:$0x7EB]  }
0x31b: {  	[sflag:s12] =	ssyncset.done $0x0  }
0x31c: {  	[sflag:s12] =	ssyncadd.s32 $0xFFFFEC00  }
0x31d: {  	[spmem:s2] =	stream.indirect.scatter.add.bf16 [tilespmem:s10], [sflag:$0x4], $0x40, s29, s6, $0xb8;
	[tilespmem:$0x12370] =	vst v63  }
0x31e: {  	_ =	swait.ge [sflag:s11], $0x1400  }
0x31f: {  	s28 =	sld [smem:$0x7ED]  }
0x320: {  	[sflag:s11] =	ssyncset.done $0x0  }
0x321: {  	[sflag:s11] =	ssyncadd.s32 $0xFFFFEC00  }
0x322: {  	[tilespmem:s9], [sflag:$0x2] =	stream.indirect.gather [hbm4b:s4+s6], $0x40, s28, s6, $0xb8;
	[tilespmem:$0x12370] =	vst v63  }
0x323: {  	v3 =	vld [tilespmem:$0xA500]  }
0x324: {  	v19 =	vld [tilespmem:$0xACD0];
	_ =	sdelay $0x4  }
0x325: {  	vm7 =	veq.s32 v3, v19  }
0x326: {  	v3 =	vsel vm7, $0x2710, v19;
	_ =	sdelay $0x3  }
0x327: {  	[tilespmem:$0xB4A0] =	vst v3  }
0x328: {  	[tilespmem:v3+s8+$0x0] =	vst.idx.add.f32.msk $0xffff, v2  }
0x329: {  	v3 =	vld [tilespmem:$0xA510]  }
0x32a: {  	v20 =	vld [tilespmem:$0xACE0];
	_ =	sdelay $0x4  }
0x32b: {  	vm8 =	veq.s32 v3, v20  }
0x32c: {  	v3 =	vsel vm8, $0x2710, v20;
	_ =	sdelay $0x3  }
0x32d: {  	[tilespmem:$0xB4B0] =	vst v3  }
0x32e: {  	[tilespmem:v3+s8+$0x0] =	vst.idx.add.f32.msk $0xffff, v2  }
0x32f: {  	v3 =	vld [tilespmem:$0xA520]  }
0x330: {  	v21 =	vld [tilespmem:$0xACF0];
	_ =	sdelay $0x4  }
0x331: {  	vm9 =	veq.s32 v3, v21  }
0x332: {  	v3 =	vsel vm9, $0x2710, v21;
	_ =	sdelay $0x3  }
0x333: {  	[tilespmem:$0xB4C0] =	vst v3  }
0x334: {  	[tilespmem:v3+s8+$0x0] =	vst.idx.add.f32.msk $0xffff, v2  }
0x335: {  	v3 =	vld [tilespmem:$0xA530]  }
0x336: {  	v22 =	vld [tilespmem:$0xAD00];
	_ =	sdelay $0x4  }
0x337: {  	vm10 =	veq.s32 v3, v22  }
0x338: {  	v3 =	vsel vm10, $0x2710, v22;
	_ =	sdelay $0x3  }
0x339: {  	[tilespmem:$0xB4D0] =	vst v3  }
0x33a: {  	[tilespmem:v3+s8+$0x0] =	vst.idx.add.f32.msk $0xffff, v2  }
0x33b: {  	v3 =	vld [tilespmem:$0xA540]  }
0x33c: {  	v23 =	vld [tilespmem:$0xAD10];
	_ =	sdelay $0x4  }
0x33d: {  	vm11 =	veq.s32 v3, v23  }
0x33e: {  	v3 =	vsel vm11, $0x2710, v23;
	_ =	sdelay $0x3  }
0x33f: {  	[tilespmem:$0xB4E0] =	vst v3  }
0x340: {  	[tilespmem:v3+s8+$0x0] =	vst.idx.add.f32.msk $0xffff, v2  }
0x341: {  	_ =	swait.ge [sflag:s1], $0x1400  }
0x342: {  	s29 =	sld [smem:$0x7EF]  }
0x343: {  	[sflag:s1] =	ssyncset.done $0x0  }
0x344: {  	[sflag:s1] =	ssyncadd.s32 $0xFFFFEC00  }
0x345: {  	[spmem:s2] =	stream.indirect.scatter.add.bf16 [tilespmem:s7], [sflag:$0x4], $0x40, s29, s6, $0xb8;
	[tilespmem:$0x12370] =	vst v63  }
0x346: {  	_ =	swait.ge [sflag:s11], $0x1400  }
0x347: {  	s28 =	sld [smem:$0x7F1]  }
0x348: {  	[sflag:s11] =	ssyncset.done $0x0  }
0x349: {  	[sflag:s11] =	ssyncadd.s32 $0xFFFFEC00  }
0x34a: {  	[tilespmem:s10], [sflag:$0x3] =	stream.indirect.gather [hbm4b:s4+s6], $0x40, s28, s6, $0xb8;
	[tilespmem:$0x12370] =	vst v63  }
0x34b: {  	v3 =	vld [tilespmem:$0xA550]  }
0x34c: {  	v24 =	vld [tilespmem:$0xAD20];
	_ =	sdelay $0x4  }
0x34d: {  	vm12 =	veq.s32 v3, v24  }
0x34e: {  	v3 =	vsel vm12, $0x2710, v24;
	_ =	sdelay $0x3  }
0x34f: {  	[tilespmem:$0xB4F0] =	vst v3  }
0x350: {  	[tilespmem:v3+s8+$0x0] =	vst.idx.add.f32.msk $0xffff, v2  }
0x351: {  	v3 =	vld [tilespmem:$0xA560]  }
0x352: {  	v25 =	vld [tilespmem:$0xAD30];
	_ =	sdelay $0x4  }
0x353: {  	vm13 =	veq.s32 v3, v25  }
0x354: {  	v3 =	vsel vm13, $0x2710, v25;
	_ =	sdelay $0x3  }
0x355: {  	[tilespmem:$0xB500] =	vst v3  }
0x356: {  	[tilespmem:v3+s8+$0x0] =	vst.idx.add.f32.msk $0xffff, v2  }
0x357: {  	v3 =	vld [tilespmem:$0xA570]  }
0x358: {  	v26 =	vld [tilespmem:$0xAD40];
	_ =	sdelay $0x4  }
0x359: {  	vm14 =	veq.s32 v3, v26  }
0x35a: {  	v3 =	vsel vm14, $0x2710, v26;
	_ =	sdelay $0x3  }
0x35b: {  	[tilespmem:$0xB510] =	vst v3  }
0x35c: {  	[tilespmem:v3+s8+$0x0] =	vst.idx.add.f32.msk $0xffff, v2  }
0x35d: {  	v3 =	vld [tilespmem:$0xA580]  }
0x35e: {  	v27 =	vld [tilespmem:$0xAD50];
	_ =	sdelay $0x4  }
0x35f: {  	vm15 =	veq.s32 v3, v27  }
0x360: {  	v3 =	vsel vm15, $0x2710, v27;
	_ =	sdelay $0x3  }
0x361: {  	[tilespmem:$0xB520] =	vst v3  }
0x362: {  	[tilespmem:v3+s8+$0x0] =	vst.idx.add.f32.msk $0xffff, v2  }
0x363: {  	v3 =	vld [tilespmem:$0xA590]  }
0x364: {  	v28 =	vld [tilespmem:$0xAD60];
	_ =	sdelay $0x4  }
0x365: {  	vm4 =	veq.s32 v3, v28  }
0x366: {  	v3 =	vsel vm4, $0x2710, v28;
	_ =	sdelay $0x3  }
0x367: {  	[tilespmem:$0xB530] =	vst v3  }
0x368: {  	[tilespmem:v3+s8+$0x0] =	vst.idx.add.f32.msk $0xffff, v2  }
0x369: {  	_ =	swait.ge [sflag:s0], $0x1400  }
0x36a: {  	s29 =	sld [smem:$0x7F3]  }
0x36b: {  	[sflag:s0] =	ssyncset.done $0x0  }
0x36c: {  	[sflag:s0] =	ssyncadd.s32 $0xFFFFEC00  }
0x36d: {  	[spmem:s2] =	stream.indirect.scatter.add.bf16 [tilespmem:s9], [sflag:$0x4], $0x40, s29, s6, $0xb8;
	[tilespmem:$0x12370] =	vst v63  }
0x36e: {  	_ =	swait.ge [sflag:s11], $0x1400  }
0x36f: {  	s28 =	sld [smem:$0x7F6]  }
0x370: {  	[sflag:s11] =	ssyncset.done $0x0  }
0x371: {  	[sflag:s11] =	ssyncadd.s32 $0xFFFFEC00  }
0x372: {  	[tilespmem:s7], [sflag:$0x1] =	stream.indirect.gather [hbm4b:s4+s6], $0x40, s28, s6, $0xb8;
	[tilespmem:$0x12370] =	vst v63  }
0x373: {  	v3 =	vld [tilespmem:$0xA5A0]  }
0x374: {  	v29 =	vld [tilespmem:$0xAD70];
	_ =	sdelay $0x4  }
0x375: {  	vm5 =	veq.s32 v3, v29  }
0x376: {  	v3 =	vsel vm5, $0x2710, v29;
	_ =	sdelay $0x3  }
0x377: {  	[tilespmem:$0xB540] =	vst v3  }
0x378: {  	[tilespmem:v3+s8+$0x0] =	vst.idx.add.f32.msk $0xffff, v2  }
0x379: {  	v3 =	vld [tilespmem:$0xA5B0]  }
0x37a: {  	v30 =	vld [tilespmem:$0xAD80];
	_ =	sdelay $0x4  }
0x37b: {  	vm6 =	veq.s32 v3, v30  }
0x37c: {  	v3 =	vsel vm6, $0x2710, v30;
	_ =	sdelay $0x3  }
0x37d: {  	[tilespmem:$0xB550] =	vst v3  }
0x37e: {  	[tilespmem:v3+s8+$0x0] =	vst.idx.add.f32.msk $0xffff, v2  }
0x37f: {  	v3 =	vld [tilespmem:$0xA5C0]  }
0x380: {  	v31 =	vld [tilespmem:$0xAD90];
	_ =	sdelay $0x4  }
0x381: {  	vm7 =	veq.s32 v3, v31  }
0x382: {  	v3 =	vsel vm7, $0x2710, v31;
	_ =	sdelay $0x3  }
0x383: {  	[tilespmem:$0xB560] =	vst v3  }
0x384: {  	[tilespmem:v3+s8+$0x0] =	vst.idx.add.f32.msk $0xffff, v2  }
0x385: {  	v3 =	vld [tilespmem:$0xA5D0]  }
0x386: {  	v32 =	vld [tilespmem:$0xADA0];
	_ =	sdelay $0x4  }
0x387: {  	vm8 =	veq.s32 v3, v32  }
0x388: {  	v3 =	vsel vm8, $0x2710, v32;
	_ =	sdelay $0x3  }
0x389: {  	[tilespmem:$0xB570] =	vst v3  }
0x38a: {  	[tilespmem:v3+s8+$0x0] =	vst.idx.add.f32.msk $0xffff, v2  }
0x38b: {  	v3 =	vld [tilespmem:$0xA5E0]  }
0x38c: {  	v33 =	vld [tilespmem:$0xADB0];
	_ =	sdelay $0x4  }
0x38d: {  	vm9 =	veq.s32 v3, v33  }
0x38e: {  	v3 =	vsel vm9, $0x2710, v33;
	_ =	sdelay $0x3  }
0x38f: {  	[tilespmem:$0xB580] =	vst v3  }
0x390: {  	[tilespmem:v3+s8+$0x0] =	vst.idx.add.f32.msk $0xffff, v2  }
0x391: {  	_ =	swait.ge [sflag:s12], $0x1400  }
0x392: {  	[sflag:s12] =	ssyncset.done $0x0  }
0x393: {  	s29 =	simm.s32 $0xB4F0;
	[sflag:s12] =	ssyncadd.s32 $0xFFFFEC00  }
0x394: {  	[spmem:s2] =	stream.indirect.scatter.add.bf16 [tilespmem:s10], [sflag:$0x4], $0x40, s29, s6, $0xb8;
	[tilespmem:$0x12370] =	vst v63  }
0x395: {  	_ =	swait.ge [sflag:s11], $0x1400  }
0x396: {  	[sflag:s11] =	ssyncset.done $0x0  }
0x397: {  	[sflag:s11] =	ssyncadd.s32 $0xFFFFEC00  }
0x398: {  	[tilespmem:s9], [sflag:$0x2] =	stream.indirect.gather [hbm4b:s4+s6], $0x40, s15, s6, $0xb8;
	[tilespmem:$0x12370] =	vst v63  }
0x399: {  	v3 =	vld [tilespmem:$0xA5F0]  }
0x39a: {  	v34 =	vld [tilespmem:$0xADC0];
	_ =	sdelay $0x4  }
0x39b: {  	vm10 =	veq.s32 v3, v34  }
0x39c: {  	v3 =	vsel vm10, $0x2710, v34;
	_ =	sdelay $0x3  }
0x39d: {  	[tilespmem:$0xB590] =	vst v3  }
0x39e: {  	[tilespmem:v3+s8+$0x0] =	vst.idx.add.f32.msk $0xffff, v2  }
0x39f: {  	v3 =	vld [tilespmem:$0xA600]  }
0x3a0: {  	v35 =	vld [tilespmem:$0xADD0];
	_ =	sdelay $0x4  }
0x3a1: {  	vm11 =	veq.s32 v3, v35  }
0x3a2: {  	v3 =	vsel vm11, $0x2710, v35;
	_ =	sdelay $0x3  }
0x3a3: {  	[tilespmem:$0xB5A0] =	vst v3  }
0x3a4: {  	[tilespmem:v3+s8+$0x0] =	vst.idx.add.f32.msk $0xffff, v2  }
0x3a5: {  	v3 =	vld [tilespmem:$0xA610]  }
0x3a6: {  	v36 =	vld [tilespmem:$0xADE0];
	_ =	sdelay $0x4  }
0x3a7: {  	vm12 =	veq.s32 v3, v36  }
0x3a8: {  	v3 =	vsel vm12, $0x2710, v36;
	_ =	sdelay $0x3  }
0x3a9: {  	[tilespmem:$0xB5B0] =	vst v3  }
0x3aa: {  	[tilespmem:v3+s8+$0x0] =	vst.idx.add.f32.msk $0xffff, v2  }
0x3ab: {  	v3 =	vld [tilespmem:$0xA620]  }
0x3ac: {  	v37 =	vld [tilespmem:$0xADF0];
	_ =	sdelay $0x4  }
0x3ad: {  	vm13 =	veq.s32 v3, v37  }
0x3ae: {  	v3 =	vsel vm13, $0x2710, v37;
	_ =	sdelay $0x3  }
0x3af: {  	[tilespmem:$0xB5C0] =	vst v3  }
0x3b0: {  	[tilespmem:v3+s8+$0x0] =	vst.idx.add.f32.msk $0xffff, v2  }
0x3b1: {  	v3 =	vld [tilespmem:$0xA630]  }
0x3b2: {  	v38 =	vld [tilespmem:$0xAE00];
	_ =	sdelay $0x4  }
0x3b3: {  	vm14 =	veq.s32 v3, v38  }
0x3b4: {  	v3 =	vsel vm14, $0x2710, v38;
	_ =	sdelay $0x3  }
0x3b5: {  	[tilespmem:$0xB5D0] =	vst v3  }
0x3b6: {  	[tilespmem:v3+s8+$0x0] =	vst.idx.add.f32.msk $0xffff, v2  }
0x3b7: {  	_ =	swait.ge [sflag:s1], $0x1400  }
0x3b8: {  	[sflag:s1] =	ssyncset.done $0x0  }
0x3b9: {  	[sflag:s1] =	ssyncadd.s32 $0xFFFFEC00  }
0x3ba: {  	[spmem:s2] =	stream.indirect.scatter.add.bf16 [tilespmem:s7], [sflag:$0x4], $0x40, s16, s6, $0xb8;
	[tilespmem:$0x12370] =	vst v63  }
0x3bb: {  	_ =	swait.ge [sflag:s11], $0x1400  }
0x3bc: {  	[sflag:s11] =	ssyncset.done $0x0  }
0x3bd: {  	[sflag:s11] =	ssyncadd.s32 $0xFFFFEC00  }
0x3be: {  	[tilespmem:s10], [sflag:$0x3] =	stream.indirect.gather [hbm4b:s4+s6], $0x40, s17, s6, $0xb8;
	[tilespmem:$0x12370] =	vst v63  }
0x3bf: {  	v3 =	vld [tilespmem:$0xA640]  }
0x3c0: {  	v39 =	vld [tilespmem:$0xAE10];
	_ =	sdelay $0x4  }
0x3c1: {  	vm15 =	veq.s32 v3, v39  }
0x3c2: {  	v3 =	vsel vm15, $0x2710, v39;
	_ =	sdelay $0x3  }
0x3c3: {  	[tilespmem:$0xB5E0] =	vst v3  }
0x3c4: {  	[tilespmem:v3+s8+$0x0] =	vst.idx.add.f32.msk $0xffff, v2  }
0x3c5: {  	v3 =	vld [tilespmem:$0xA650]  }
0x3c6: {  	v40 =	vld [tilespmem:$0xAE20];
	_ =	sdelay $0x4  }
0x3c7: {  	vm4 =	veq.s32 v3, v40  }
0x3c8: {  	v3 =	vsel vm4, $0x2710, v40;
	_ =	sdelay $0x3  }
0x3c9: {  	[tilespmem:$0xB5F0] =	vst v3  }
0x3ca: {  	[tilespmem:v3+s8+$0x0] =	vst.idx.add.f32.msk $0xffff, v2  }
0x3cb: {  	v3 =	vld [tilespmem:$0xA660]  }
0x3cc: {  	v41 =	vld [tilespmem:$0xAE30];
	_ =	sdelay $0x4  }
0x3cd: {  	vm5 =	veq.s32 v3, v41  }
0x3ce: {  	v3 =	vsel vm5, $0x2710, v41;
	_ =	sdelay $0x3  }
0x3cf: {  	[tilespmem:$0xB600] =	vst v3  }
0x3d0: {  	[tilespmem:v3+s8+$0x0] =	vst.idx.add.f32.msk $0xffff, v2  }
0x3d1: {  	v3 =	vld [tilespmem:$0xA670]  }
0x3d2: {  	v42 =	vld [tilespmem:$0xAE40];
	_ =	sdelay $0x4  }
0x3d3: {  	vm6 =	veq.s32 v3, v42  }
0x3d4: {  	v3 =	vsel vm6, $0x2710, v42;
	_ =	sdelay $0x3  }
0x3d5: {  	[tilespmem:$0xB610] =	vst v3  }
0x3d6: {  	[tilespmem:v3+s8+$0x0] =	vst.idx.add.f32.msk $0xffff, v2  }
0x3d7: {  	v3 =	vld [tilespmem:$0xA680]  }
0x3d8: {  	v43 =	vld [tilespmem:$0xAE50];
	_ =	sdelay $0x4  }
0x3d9: {  	vm7 =	veq.s32 v3, v43  }
0x3da: {  	v3 =	vsel vm7, $0x2710, v43;
	_ =	sdelay $0x3  }
0x3db: {  	[tilespmem:$0xB620] =	vst v3  }
0x3dc: {  	[tilespmem:v3+s8+$0x0] =	vst.idx.add.f32.msk $0xffff, v2  }
0x3dd: {  	_ =	swait.ge [sflag:s0], $0x1400  }
0x3de: {  	[sflag:s0] =	ssyncset.done $0x0  }
0x3df: {  	[sflag:s0] =	ssyncadd.s32 $0xFFFFEC00  }
0x3e0: {  	[spmem:s2] =	stream.indirect.scatter.add.bf16 [tilespmem:s9], [sflag:$0x4], $0x40, s18, s6, $0xb8;
	[tilespmem:$0x12370] =	vst v63  }
0x3e1: {  	_ =	swait.ge [sflag:s11], $0x1400  }
0x3e2: {  	[sflag:s11] =	ssyncset.done $0x0  }
0x3e3: {  	[sflag:s11] =	ssyncadd.s32 $0xFFFFEC00  }
0x3e4: {  	[tilespmem:s7], [sflag:$0x1] =	stream.indirect.gather [hbm4b:s4+s6], $0x40, s19, s6, $0xb8;
	[tilespmem:$0x12370] =	vst v63  }
0x3e5: {  	v3 =	vld [tilespmem:$0xA690]  }
0x3e6: {  	v44 =	vld [tilespmem:$0xAE60];
	_ =	sdelay $0x4  }
0x3e7: {  	vm8 =	veq.s32 v3, v44  }
0x3e8: {  	v3 =	vsel vm8, $0x2710, v44;
	_ =	sdelay $0x3  }
0x3e9: {  	[tilespmem:$0xB630] =	vst v3  }
0x3ea: {  	[tilespmem:v3+s8+$0x0] =	vst.idx.add.f32.msk $0xffff, v2  }
0x3eb: {  	v3 =	vld [tilespmem:$0xA6A0]  }
0x3ec: {  	v45 =	vld [tilespmem:$0xAE70];
	_ =	sdelay $0x4  }
0x3ed: {  	vm9 =	veq.s32 v3, v45  }
0x3ee: {  	v3 =	vsel vm9, $0x2710, v45;
	_ =	sdelay $0x3  }
0x3ef: {  	[tilespmem:$0xB640] =	vst v3  }
0x3f0: {  	[tilespmem:v3+s8+$0x0] =	vst.idx.add.f32.msk $0xffff, v2  }
0x3f1: {  	v3 =	vld [tilespmem:$0xA6B0]  }
0x3f2: {  	v46 =	vld [tilespmem:$0xAE80];
	_ =	sdelay $0x4  }
0x3f3: {  	vm10 =	veq.s32 v3, v46  }
0x3f4: {  	v3 =	vsel vm10, $0x2710, v46;
	_ =	sdelay $0x3  }
0x3f5: {  	[tilespmem:$0xB650] =	vst v3  }
0x3f6: {  	[tilespmem:v3+s8+$0x0] =	vst.idx.add.f32.msk $0xffff, v2  }
0x3f7: {  	v3 =	vld [tilespmem:$0xA6C0]  }
0x3f8: {  	v47 =	vld [tilespmem:$0xAE90];
	_ =	sdelay $0x4  }
0x3f9: {  	vm11 =	veq.s32 v3, v47  }
0x3fa: {  	v3 =	vsel vm11, $0x2710, v47;
	_ =	sdelay $0x3  }
0x3fb: {  	[tilespmem:$0xB660] =	vst v3  }
0x3fc: {  	[tilespmem:v3+s8+$0x0] =	vst.idx.add.f32.msk $0xffff, v2  }
0x3fd: {  	v3 =	vld [tilespmem:$0xA6D0]  }
0x3fe: {  	v48 =	vld [tilespmem:$0xAEA0];
	_ =	sdelay $0x4  }
0x3ff: {  	vm12 =	veq.s32 v3, v48  }
0x400: {  	v3 =	vsel vm12, $0x2710, v48;
	_ =	sdelay $0x3  }
0x401: {  	[tilespmem:$0xB670] =	vst v3  }
0x402: {  	[tilespmem:v3+s8+$0x0] =	vst.idx.add.f32.msk $0xffff, v2  }
0x403: {  	_ =	swait.ge [sflag:s12], $0x1400  }
0x404: {  	[sflag:s12] =	ssyncset.done $0x0  }
0x405: {  	[sflag:s12] =	ssyncadd.s32 $0xFFFFEC00  }
0x406: {  	[spmem:s2] =	stream.indirect.scatter.add.bf16 [tilespmem:s10], [sflag:$0x4], $0x40, s20, s6, $0xb8;
	[tilespmem:$0x12370] =	vst v63  }
0x407: {  	_ =	swait.ge [sflag:s11], $0x1400  }
0x408: {  	[sflag:s11] =	ssyncset.done $0x0  }
0x409: {  	[sflag:s11] =	ssyncadd.s32 $0xFFFFEC00  }
0x40a: {  	[tilespmem:s9], [sflag:$0x2] =	stream.indirect.gather [hbm4b:s4+s6], $0x40, s21, s6, $0xb8;
	[tilespmem:$0x12370] =	vst v63  }
0x40b: {  	v3 =	vld [tilespmem:$0xA6E0]  }
0x40c: {  	v49 =	vld [tilespmem:$0xAEB0];
	_ =	sdelay $0x4  }
0x40d: {  	vm13 =	veq.s32 v3, v49  }
0x40e: {  	v3 =	vsel vm13, $0x2710, v49;
	_ =	sdelay $0x3  }
0x40f: {  	[tilespmem:$0xB680] =	vst v3  }
0x410: {  	[tilespmem:v3+s8+$0x0] =	vst.idx.add.f32.msk $0xffff, v2  }
0x411: {  	v3 =	vld [tilespmem:$0xA6F0]  }
0x412: {  	v50 =	vld [tilespmem:$0xAEC0];
	_ =	sdelay $0x4  }
0x413: {  	vm14 =	veq.s32 v3, v50  }
0x414: {  	v3 =	vsel vm14, $0x2710, v50;
	_ =	sdelay $0x3  }
0x415: {  	[tilespmem:$0xB690] =	vst v3  }
0x416: {  	[tilespmem:v3+s8+$0x0] =	vst.idx.add.f32.msk $0xffff, v2  }
0x417: {  	v3 =	vld [tilespmem:$0xA700]  }
0x418: {  	v51 =	vld [tilespmem:$0xAED0];
	_ =	sdelay $0x4  }
0x419: {  	vm15 =	veq.s32 v3, v51  }
0x41a: {  	v3 =	vsel vm15, $0x2710, v51;
	_ =	sdelay $0x3  }
0x41b: {  	[tilespmem:$0xB6A0] =	vst v3  }
0x41c: {  	[tilespmem:v3+s8+$0x0] =	vst.idx.add.f32.msk $0xffff, v2  }
0x41d: {  	v3 =	vld [tilespmem:$0xA710]  }
0x41e: {  	v52 =	vld [tilespmem:$0xAEE0];
	_ =	sdelay $0x4  }
0x41f: {  	vm4 =	veq.s32 v3, v52  }
0x420: {  	v3 =	vsel vm4, $0x2710, v52;
	_ =	sdelay $0x3  }
0x421: {  	[tilespmem:$0xB6B0] =	vst v3  }
0x422: {  	[tilespmem:v3+s8+$0x0] =	vst.idx.add.f32.msk $0xffff, v2  }
0x423: {  	v3 =	vld [tilespmem:$0xA720]  }
0x424: {  	v53 =	vld [tilespmem:$0xAEF0];
	_ =	sdelay $0x4  }
0x425: {  	vm5 =	veq.s32 v3, v53  }
0x426: {  	v3 =	vsel vm5, $0x2710, v53;
	_ =	sdelay $0x3  }
0x427: {  	[tilespmem:$0xB6C0] =	vst v3  }
0x428: {  	[tilespmem:v3+s8+$0x0] =	vst.idx.add.f32.msk $0xffff, v2  }
0x429: {  	_ =	swait.ge [sflag:s1], $0x1400  }
0x42a: {  	[sflag:s1] =	ssyncset.done $0x0  }
0x42b: {  	[sflag:s1] =	ssyncadd.s32 $0xFFFFEC00  }
0x42c: {  	[spmem:s2] =	stream.indirect.scatter.add.bf16 [tilespmem:s7], [sflag:$0x4], $0x40, s22, s6, $0xb8;
	[tilespmem:$0x12370] =	vst v63  }
0x42d: {  	_ =	swait.ge [sflag:s11], $0x1400  }
0x42e: {  	[sflag:s11] =	ssyncset.done $0x0  }
0x42f: {  	[sflag:s11] =	ssyncadd.s32 $0xFFFFEC00  }
0x430: {  	[tilespmem:s10], [sflag:$0x3] =	stream.indirect.gather [hbm4b:s4+s6], $0x40, s23, s6, $0xb8;
	[tilespmem:$0x12370] =	vst v63  }
0x431: {  	v3 =	vld [tilespmem:$0xA730]  }
0x432: {  	v54 =	vld [tilespmem:$0xAF00];
	_ =	sdelay $0x4  }
0x433: {  	vm6 =	veq.s32 v3, v54  }
0x434: {  	v3 =	vsel vm6, $0x2710, v54;
	_ =	sdelay $0x3  }
0x435: {  	[tilespmem:$0xB6D0] =	vst v3  }
0x436: {  	[tilespmem:v3+s8+$0x0] =	vst.idx.add.f32.msk $0xffff, v2  }
0x437: {  	v3 =	vld [tilespmem:$0xA740]  }
0x438: {  	v55 =	vld [tilespmem:$0xAF10];
	_ =	sdelay $0x4  }
0x439: {  	vm7 =	veq.s32 v3, v55  }
0x43a: {  	v3 =	vsel vm7, $0x2710, v55;
	_ =	sdelay $0x3  }
0x43b: {  	[tilespmem:$0xB6E0] =	vst v3  }
0x43c: {  	[tilespmem:v3+s8+$0x0] =	vst.idx.add.f32.msk $0xffff, v2  }
0x43d: {  	v3 =	vld [tilespmem:$0xA750]  }
0x43e: {  	v56 =	vld [tilespmem:$0xAF20];
	_ =	sdelay $0x4  }
0x43f: {  	vm8 =	veq.s32 v3, v56  }
0x440: {  	v3 =	vsel vm8, $0x2710, v56;
	_ =	sdelay $0x3  }
0x441: {  	[tilespmem:$0xB6F0] =	vst v3  }
0x442: {  	[tilespmem:v3+s8+$0x0] =	vst.idx.add.f32.msk $0xffff, v2  }
0x443: {  	v3 =	vld [tilespmem:$0xA760]  }
0x444: {  	v57 =	vld [tilespmem:$0xAF30];
	_ =	sdelay $0x4  }
0x445: {  	vm9 =	veq.s32 v3, v57  }
0x446: {  	v3 =	vsel vm9, $0x2710, v57;
	_ =	sdelay $0x3  }
0x447: {  	[tilespmem:$0xB700] =	vst v3  }
0x448: {  	[tilespmem:v3+s8+$0x0] =	vst.idx.add.f32.msk $0xffff, v2  }
0x449: {  	v3 =	vld [tilespmem:$0xA770]  }
0x44a: {  	v58 =	vld [tilespmem:$0xAF40];
	_ =	sdelay $0x4  }
0x44b: {  	vm10 =	veq.s32 v3, v58  }
0x44c: {  	v3 =	vsel vm10, $0x2710, v58;
	_ =	sdelay $0x3  }
0x44d: {  	[tilespmem:$0xB710] =	vst v3  }
0x44e: {  	[tilespmem:v3+s8+$0x0] =	vst.idx.add.f32.msk $0xffff, v2  }
0x44f: {  	_ =	swait.ge [sflag:s0], $0x1400  }
0x450: {  	[sflag:s0] =	ssyncset.done $0x0  }
0x451: {  	[sflag:s0] =	ssyncadd.s32 $0xFFFFEC00  }
0x452: {  	[spmem:s2] =	stream.indirect.scatter.add.bf16 [tilespmem:s9], [sflag:$0x4], $0x40, s24, s6, $0xb8;
	[tilespmem:$0x12370] =	vst v63  }
0x453: {  	_ =	swait.ge [sflag:s11], $0x1400  }
0x454: {  	[sflag:s11] =	ssyncset.done $0x0  }
0x455: {  	[sflag:s11] =	ssyncadd.s32 $0xFFFFEC00  }
0x456: {  	[tilespmem:s7], [sflag:$0x1] =	stream.indirect.gather [hbm4b:s4+s6], $0x40, s25, s6, $0xb8;
	[tilespmem:$0x12370] =	vst v63  }
0x457: {  	v3 =	vld [tilespmem:$0xA780]  }
0x458: {  	v59 =	vld [tilespmem:$0xAF50];
	_ =	sdelay $0x4  }
0x459: {  	vm11 =	veq.s32 v3, v59  }
0x45a: {  	v3 =	vsel vm11, $0x2710, v59;
	_ =	sdelay $0x3  }
0x45b: {  	[tilespmem:$0xB720] =	vst v3  }
0x45c: {  	[tilespmem:v3+s8+$0x0] =	vst.idx.add.f32.msk $0xffff, v2  }
0x45d: {  	v3 =	vld [tilespmem:$0xA790]  }
0x45e: {  	v60 =	vld [tilespmem:$0xAF60];
	_ =	sdelay $0x4  }
0x45f: {  	vm12 =	veq.s32 v3, v60  }
0x460: {  	v3 =	vsel vm12, $0x2710, v60;
	_ =	sdelay $0x3  }
0x461: {  	[tilespmem:$0xB730] =	vst v3  }
0x462: {  	[tilespmem:v3+s8+$0x0] =	vst.idx.add.f32.msk $0xffff, v2  }
0x463: {  	v3 =	vld [tilespmem:$0xA7A0]  }
0x464: {  	v61 =	vld [tilespmem:$0xAF70];
	_ =	sdelay $0x4  }
0x465: {  	vm13 =	veq.s32 v3, v61  }
0x466: {  	v3 =	vsel vm13, $0x2710, v61;
	_ =	sdelay $0x3  }
0x467: {  	[tilespmem:$0xB740] =	vst v3  }
0x468: {  	[tilespmem:v3+s8+$0x0] =	vst.idx.add.f32.msk $0xffff, v2  }
0x469: {  	v3 =	vld [tilespmem:$0xA7B0]  }
0x46a: {  	v62 =	vld [tilespmem:$0xAF80];
	_ =	sdelay $0x4  }
0x46b: {  	vm14 =	veq.s32 v3, v62  }
0x46c: {  	v3 =	vsel vm14, $0x2710, v62;
	_ =	sdelay $0x3  }
0x46d: {  	[tilespmem:$0xB750] =	vst v3  }
0x46e: {  	[tilespmem:v3+s8+$0x0] =	vst.idx.add.f32.msk $0xffff, v2  }
0x46f: {  	v3 =	vld [tilespmem:$0xA7C0]  }
0x470: {  	v63 =	vld [tilespmem:$0xAF90];
	_ =	sdelay $0x4  }
0x471: {  	vm15 =	veq.s32 v3, v63  }
0x472: {  	v3 =	vsel vm15, $0x2710, v63;
	_ =	sdelay $0x3  }
0x473: {  	[tilespmem:$0xB760] =	vst v3  }
0x474: {  	[tilespmem:v3+s8+$0x0] =	vst.idx.add.f32.msk $0xffff, v2  }
0x475: {  	_ =	swait.ge [sflag:s12], $0x1400  }
0x476: {  	[sflag:s12] =	ssyncset.done $0x0  }
0x477: {  	[sflag:s12] =	ssyncadd.s32 $0xFFFFEC00  }
0x478: {  	[spmem:s2] =	stream.indirect.scatter.add.bf16 [tilespmem:s10], [sflag:$0x4], $0x40, s26, s6, $0xb8;
	[tilespmem:$0x12370] =	vst v63  }
0x479: {  	_ =	swait.ge [sflag:s11], $0x1400  }
0x47a: {  	[sflag:s11] =	ssyncset.done $0x0  }
0x47b: {  	[sflag:s11] =	ssyncadd.s32 $0xFFFFEC00  }
0x47c: {  	_ =	swait.ge [sflag:s1], $0x1400  }
0x47d: {  	[sflag:s1] =	ssyncset.done $0x0  }
0x47e: {  	[sflag:s1] =	ssyncadd.s32 $0xFFFFEC00  }
0x47f: {  	[spmem:s2] =	stream.indirect.scatter.add.bf16 [tilespmem:s7], [sflag:$0x4], $0x40, s14, s6, $0xb8;
	[tilespmem:$0x12370] =	vst v63  }
0x480: {  	p0 =	sne.s32 s5, $0x3E8;
	_ =	swait.ge [sflag:s11], $0x1400  }
.Ltmp2:
0x481: {  	[sflag:s11] =	ssyncset.done $0x0;
	(pc) =	sbr.rel @p0 .LBB2_6-.Ltmp2, $4  }
0x482: {  	[sflag:s11] =	ssyncadd.s32 $0xFFFFEC00  }
0x483: {  	_ =	swait.ge [sflag:s11], $0x1400  }
0x484: {  	[sflag:s11] =	ssyncset.done $0x0  }
0x485: {  	s5 =	sadd.s32 $0xFA, s5;
	[sflag:s11] =	ssyncadd.s32 $0xFFFFEC00  }
0x486: {  	s5 =	sld [smem:$0x7F8];
	_ =	sdelay $0x2  }
0x487: {  	[hbm4b:s5+s3] =	stream.linear.scatter [tilespmem:s8], [sflag:$0x5], $0x2800, $0x38;
	[tilespmem:$0x12370] =	vst v63  }
0x488: {  	_ =	swait.ge [sflag:s30], $0x2800  }
0x489: {  	[sflag:s30] =	ssyncset.done $0x0  }
0x48a: {  	[sflag:s30] =	ssyncadd.s32 $0xFFFFD800  }
0x48b: {  	s13 =	stileid.u32;
	[bflag:$0x0] =	sbarrier.arrive $0xFFFF  }
0x48c: {  	s5 =	sshll.u32 s13, $0x6;
	s13 =	sld [smem:$0x7FC]  }
0x48d: {  	s28 =	sld [smem:$0x7F9];
	_ =	sdelay $0x1  }
0x48e: {  	s5 =	sor.u32 $0x1C05, s5;
	s13 =	sshrl.u32 s13, $0x3  }
0x48f: {  	[hbm:s28], [sflag:s5] =	dma.local [spmem:s13], $0x1400  }
0x490: {  	_ =	swait.ge [sflag:s30], $0x1400  }
0x491: {  	s28 =	sld [smem:$0x7DC]  }
0x492: {  	s29 =	sld [smem:$0x7FA];
	_ =	sdelay $0x1  }
0x493: {  	s13 =	sadd.s32 $0x1, s28  }
0x494: {  	p0 =	sne.s32 s13, s29  }
.Ltmp3:
0x495: {  	_ = 	snop;
	(pc) =	sbr.rel @p0 .LBB2_1-.Ltmp3, $3  }
0x496: {  	_ =	sdelay $0x1  }
0x497: {  	[sflag:s30] =	ssyncset.done $0x0  }
0x498: {  	[sflag:s30] =	ssyncadd.s32 $0xFFFFEC00  }
0x499: {  	_ =	sfence.sel $0x180000  }
0x49a: {  	[bflag:$0x0] =	sbarrier.arrive $0xFFFF  }
0x49b: {  	_ =	strace $0x90000047  }
0x49c: {  	s0 =	stileid.u32;
	[bflag:$0x2] =	sbarrier.arrive $0xFFFF  }
0x49d: {  	p0 =	sne.s32 s0, $0x0;
	s0 =	rddreg [dreg:$0x3]  }
0x49e: {  	s0 =	sadd.s32 @!p0 $0x100000, s0  }
0x49f: {  	[sflag:s0] =	ssyncadd.tile.s32 @!p0 $0x1;
	_ =	shalt  }
.Lfunc_end2:
_tile_overlayer_lowered:
.L_overlay_start_2:
0x4a0: {  	(tag) =	ssettag $0x2  }
0x4a1: {  	s0 =	rddreg [dreg:$0x0];
	s2 =	stileid.u32  }
0x4a2: {  	s1 =	rddreg [dreg:$0x1];
	p0 =	sne.s32 s2, $0x0  }
0x4a3: {  	s3 =	rddreg [dreg:$0x2];
	[bflag:$0x3] =	sbarrier.arrive $0xFFFF;
	s2 =	simm.s32 @!p0 $0x1C05  }
0x4a4: {  	[timem:s3], [sflag:s2] =	dma.local @!p0 [hbm:s0], s1  }
0x4a5: {  	s0 =	simm.s32 @!p0 $0x5  }
0x4a6: {  	_ =	swait.ge @!p0 [sflag:s0], s1  }
0x4a7: {  	s1 =	ssub.s32 @!p0 $0x0, s1;
	[sflag:s0] =	ssyncset.done @!p0 $0x0  }
0x4a8: {  	[sflag:s0] =	ssyncadd.s32 @!p0 s1  }
0x4a9: {  	[bflag:$0x3] =	sbarrier.arrive $0xFFFF  }
0x4aa: {  	_ =	shalt  }

</sc_bundles>
